<compile_context>
chip_gen: v7x
topology: tpu7x:2x2x1
jax: 0.10.2.dev20260603
libtpu: 0.0.44.dev20260713+nightly
codegen_flags: <defaults>
</compile_context>

<pallas_src>
import functools

import jax
import jax.numpy as jnp
from jax import lax
from jax.experimental import pallas as pl
from jax.experimental.pallas import tpu as pltpu
from jax.experimental.pallas import tpu_sc as plsc

VOCAB = 100000
EMBED = 128
MAX_LEN = 200
B = 4096
L = 200

NC = 2
NS = 16
NW = NC * NS

GCH = 100
GPR = L // GCH
N_CHUNKS = (B * L) // GCH
RPW = B // NW
CPW = N_CHUNKS // NW
LANES = 16
VPR = EMBED // LANES

NT = RPW // 3


def _tec_body(ids_hbm, tok_hbm, pos_hbm, out_hbm,
              pos_v, buf_a, buf_b, buf_c, idx_a, idx_b, idx_c,
              gsem_a, gsem_b, gsem_c, ssem_a, ssem_b, ssem_c,
              isem_a, isem_b, isem_c):
    c = lax.axis_index("c")
    s = lax.axis_index("s")
    w = s * NC + c

    pltpu.sync_copy(pos_hbm, pos_v)

    def fire_idx(r, idxb, sem):
        pltpu.async_copy(
            ids_hbm.at[pl.ds(w * CPW + r * GPR, GPR)], idxb, sem)

    def wait_idx(idxb, sem):
        pltpu.make_async_copy(ids_hbm.at[pl.ds(0, GPR)], idxb, sem).wait()

    def fire_gather(idxb, buf, sem):
        for g in range(GPR):
            pltpu.async_copy(
                tok_hbm.at[idxb.at[g]],
                buf.at[pl.ds(g * GCH, GCH)],
                sem,
            )

    def wait_gather(buf, sem):
        pltpu.make_async_copy(tok_hbm.at[pl.ds(0, L)], buf, sem).wait()

    def add_pos(buf):
        def row_body(i, carry):
            r0 = i * 8
            for rr in range(8):
                for cc in range(VPR):
                    sl = pl.ds(cc * LANES, LANES)
                    plsc.addupdate(buf.at[r0 + rr, sl], pos_v[r0 + rr, sl])
            return carry
        lax.fori_loop(0, L // 8, row_body, 0)

    def fire_store(r, buf, sem):
        pltpu.async_copy(buf, out_hbm.at[pl.ds((w * RPW + r) * L, L)], sem)

    def wait_store(buf, sem):
        pltpu.make_async_copy(buf, out_hbm.at[pl.ds(0, L)], sem).wait()

    pltpu.sync_copy(ids_hbm.at[pl.ds(w * CPW, GPR)], idx_a)
    pltpu.sync_copy(ids_hbm.at[pl.ds(w * CPW + GPR, GPR)], idx_b)
    fire_gather(idx_a, buf_a, gsem_a)
    fire_gather(idx_b, buf_b, gsem_b)
    fire_idx(2, idx_c, isem_c)

    def body(k, carry):
        r0 = 3 * k

        wait_gather(buf_a, gsem_a)
        fire_idx(r0 + 3, idx_a, isem_a)
        add_pos(buf_a)
        fire_store(r0, buf_a, ssem_a)

        @pl.when(k > 0)
        def _():
            wait_store(buf_c, ssem_c)
        wait_idx(idx_c, isem_c)
        fire_gather(idx_c, buf_c, gsem_c)

        wait_gather(buf_b, gsem_b)
        fire_idx(r0 + 4, idx_b, isem_b)
        add_pos(buf_b)
        fire_store(r0 + 1, buf_b, ssem_b)

        wait_store(buf_a, ssem_a)
        wait_idx(idx_a, isem_a)
        fire_gather(idx_a, buf_a, gsem_a)

        wait_gather(buf_c, gsem_c)

        @pl.when(k < NT - 1)
        def _():
            fire_idx(r0 + 5, idx_c, isem_c)
        add_pos(buf_c)
        fire_store(r0 + 2, buf_c, ssem_c)

        wait_store(buf_b, ssem_b)
        wait_idx(idx_b, isem_b)
        fire_gather(idx_b, buf_b, gsem_b)
        return carry

    lax.fori_loop(0, NT, body, 0)

    wait_gather(buf_a, gsem_a)
    add_pos(buf_a)
    fire_store(RPW - 2, buf_a, ssem_a)

    wait_gather(buf_b, gsem_b)
    add_pos(buf_b)
    fire_store(RPW - 1, buf_b, ssem_b)

    wait_store(buf_c, ssem_c)
    wait_store(buf_a, ssem_a)
    wait_store(buf_b, ssem_b)


@jax.jit
def _run(ids2d, token_table, pos_table):
    mesh = plsc.VectorSubcoreMesh(core_axis_name="c", subcore_axis_name="s")
    kern = functools.partial(
        pl.kernel,
        mesh=mesh,
        out_type=jax.ShapeDtypeStruct((B * L, EMBED), jnp.float32),
        scratch_types=[
            pltpu.VMEM((MAX_LEN, EMBED), jnp.float32),
            pltpu.VMEM((L, EMBED), jnp.float32),
            pltpu.VMEM((L, EMBED), jnp.float32),
            pltpu.VMEM((L, EMBED), jnp.float32),
            pltpu.VMEM((GPR, GCH), jnp.int32),
            pltpu.VMEM((GPR, GCH), jnp.int32),
            pltpu.VMEM((GPR, GCH), jnp.int32),
            pltpu.SemaphoreType.DMA,
            pltpu.SemaphoreType.DMA,
            pltpu.SemaphoreType.DMA,
            pltpu.SemaphoreType.DMA,
            pltpu.SemaphoreType.DMA,
            pltpu.SemaphoreType.DMA,
            pltpu.SemaphoreType.DMA,
            pltpu.SemaphoreType.DMA,
            pltpu.SemaphoreType.DMA,
        ],
    )(_tec_body)
    return kern(ids2d, token_table, pos_table)


def kernel(input_ids, token_table, pos_table):
    ids2d = input_ids.astype(jnp.int32).reshape(N_CHUNKS, GCH)
    out = _run(ids2d, token_table, pos_table)
    return out.reshape(B, L, EMBED)

# --- scband reference (transcript-rebuilt; emitter-appended) ---
"""Pipeline reference for scband-text-embeddings-46428596470339 (READ-ONLY COPY).

The authoritative reference and input builder live on the scoring server;
editing this copy changes nothing except your own understanding.
"""

import jax, jax.numpy as jnp
import numpy as np

VOCAB = 100000
EMBED = 128
MAX_LEN = 200
B = 4096
L = 200

def setup_inputs(seed: int = 0) -> dict:
    key = jax.random.key(seed)
    k_ids, k_tok, k_pos = jax.random.split(key, 3)
    input_ids = jax.random.randint(k_ids, (B, L), 0, VOCAB, dtype=jnp.int64 if jax.config.jax_enable_x64 else jnp.int32)
    token_table = jax.random.normal(k_tok, (VOCAB, EMBED), dtype=jnp.float32)
    pos_table = jax.random.normal(k_pos, (MAX_LEN, EMBED), dtype=jnp.float32)
    return {"input_ids": input_ids, "token_table": token_table, "pos_table": pos_table}

def reference(input_ids, token_table, pos_table):
    Bq, Lq = input_ids.shape
    positions = jnp.arange(Lq)[None, :]  # [1, L]
    token_embeddings = jnp.take(token_table, input_ids, axis=0)  # [B, L, D]
    pos_embeddings = jnp.take(pos_table, positions, axis=0)      # [1, L, D]
    return token_embeddings + pos_embeddings

if __name__ == "__main__":
    import jax
    _d = setup_inputs()
    print(jax.jit(kernel)(*tuple(_d.values())))

</pallas_src>

<mosaic_0001>
#map = affine_map<(d0, d1) -> (0, 0)>
module attributes {stable_mosaic.version = 14 : i64} {
  func.func @_tec_body(%arg0: i32, %arg1: i32, %arg2: memref<8192x100xi32, #tpu.memory_space<hbm>>, %arg3: memref<100000x128xf32, #tpu.memory_space<hbm>>, %arg4: memref<200x128xf32, #tpu.memory_space<hbm>>, %arg5: memref<819200x128xf32, #tpu.memory_space<hbm>>, %arg6: memref<200x128xf32, #tpu.memory_space<vmem>>, %arg7: memref<200x128xf32, #tpu.memory_space<vmem>>, %arg8: memref<200x128xf32, #tpu.memory_space<vmem>>, %arg9: memref<200x128xf32, #tpu.memory_space<vmem>>, %arg10: memref<2x100xi32, #tpu.memory_space<vmem>>, %arg11: memref<2x100xi32, #tpu.memory_space<vmem>>, %arg12: memref<2x100xi32, #tpu.memory_space<vmem>>, %arg13: memref<!tpu.dma_semaphore, #tpu.memory_space<semaphore_mem>>, %arg14: memref<!tpu.dma_semaphore, #tpu.memory_space<semaphore_mem>>, %arg15: memref<!tpu.dma_semaphore, #tpu.memory_space<semaphore_mem>>, %arg16: memref<!tpu.dma_semaphore, #tpu.memory_space<semaphore_mem>>, %arg17: memref<!tpu.dma_semaphore, #tpu.memory_space<semaphore_mem>>, %arg18: memref<!tpu.dma_semaphore, #tpu.memory_space<semaphore_mem>>, %arg19: memref<!tpu.dma_semaphore, #tpu.memory_space<semaphore_mem>>, %arg20: memref<!tpu.dma_semaphore, #tpu.memory_space<semaphore_mem>>, %arg21: memref<!tpu.dma_semaphore, #tpu.memory_space<semaphore_mem>>) attributes {dimension_semantics = [#tpu.dimension_semantics<core_parallel>, #tpu.dimension_semantics<subcore_parallel>], iteration_bounds = array<i64: 2, 16>, scalar_prefetch = 0 : i64, scratch_operands = 16 : i64, tpu.core_type = #tpu.core_type<sc_vector_subcore>, window_params = [{transform_indices = #map}, {transform_indices = #map}, {transform_indices = #map}, {transform_indices = #map}]} {
    %mul3A = arith.constant 2 : i32
    %mul3A_0 = arith.muli %arg1, %mul3A : i32
    %add3A = arith.addi %mul3A_0, %arg0 : i32
    "tpu.region"() ({
      %run_scoped3A = tpu.sem_alloc : memref<!tpu.dma_semaphore, #tpu.memory_space<semaphore_mem>>
      tpu.enqueue_dma source(%arg4 : memref<200x128xf32, #tpu.memory_space<hbm>>) target(%arg6 : memref<200x128xf32, #tpu.memory_space<vmem>>) target_semaphore(%run_scoped3A : memref<!tpu.dma_semaphore, #tpu.memory_space<semaphore_mem>>)
      tpu.wait_dma2 semaphore(%run_scoped3A : memref<!tpu.dma_semaphore, #tpu.memory_space<semaphore_mem>>) src(%arg4 : memref<200x128xf32, #tpu.memory_space<hbm>>) dst(%arg6 : memref<200x128xf32, #tpu.memory_space<vmem>>)
      tpu.yield
    }) : () -> ()
    %mul3A_1 = arith.constant 256 : i32
    %mul3A_2 = arith.muli %add3A, %mul3A_1 : i32
    "tpu.region"() ({
      %run_scoped3A = tpu.sem_alloc : memref<!tpu.dma_semaphore, #tpu.memory_space<semaphore_mem>>
      %dma_start3A_120 = arith.constant 0 : i32
      %dma_start3A_121 = tpu.memref_slice %arg2[%mul3A_2, %dma_start3A_120] : memref<8192x100xi32, #tpu.memory_space<hbm>> -> memref<2x100xi32, #tpu.memory_space<hbm>>
      %dma_start3A_122 = arith.constant 0 : i32
      %dma_start3A_123 = tpu.memref_slice %arg2[%mul3A_2, %dma_start3A_122] : memref<8192x100xi32, #tpu.memory_space<hbm>> -> memref<2x100xi32, #tpu.memory_space<hbm>>
      tpu.enqueue_dma source(%dma_start3A_123 : memref<2x100xi32, #tpu.memory_space<hbm>>) target(%arg10 : memref<2x100xi32, #tpu.memory_space<vmem>>) target_semaphore(%run_scoped3A : memref<!tpu.dma_semaphore, #tpu.memory_space<semaphore_mem>>)
      %dma_wait3A_124 = arith.constant 0 : i32
      %dma_wait3A_125 = tpu.memref_slice %arg2[%mul3A_2, %dma_wait3A_124] : memref<8192x100xi32, #tpu.memory_space<hbm>> -> memref<2x100xi32, #tpu.memory_space<hbm>>
      %dma_wait3A_126 = arith.constant 0 : i32
      %dma_wait3A_127 = tpu.memref_slice %arg2[%mul3A_2, %dma_wait3A_126] : memref<8192x100xi32, #tpu.memory_space<hbm>> -> memref<2x100xi32, #tpu.memory_space<hbm>>
      tpu.wait_dma2 semaphore(%run_scoped3A : memref<!tpu.dma_semaphore, #tpu.memory_space<semaphore_mem>>) src(%dma_wait3A_127 : memref<2x100xi32, #tpu.memory_space<hbm>>) dst(%arg10 : memref<2x100xi32, #tpu.memory_space<vmem>>)
      tpu.yield
    }) : () -> ()
    %mul3A_3 = arith.constant 256 : i32
    %mul3A_4 = arith.muli %add3A, %mul3A_3 : i32
    %add3A_5 = arith.constant 2 : i32
    %add3A_6 = arith.addi %mul3A_4, %add3A_5 : i32
    "tpu.region"() ({
      %run_scoped3A = tpu.sem_alloc : memref<!tpu.dma_semaphore, #tpu.memory_space<semaphore_mem>>
      %dma_start3A_120 = arith.constant 0 : i32
      %dma_start3A_121 = tpu.memref_slice %arg2[%add3A_6, %dma_start3A_120] : memref<8192x100xi32, #tpu.memory_space<hbm>> -> memref<2x100xi32, #tpu.memory_space<hbm>>
      %dma_start3A_122 = arith.constant 0 : i32
      %dma_start3A_123 = tpu.memref_slice %arg2[%add3A_6, %dma_start3A_122] : memref<8192x100xi32, #tpu.memory_space<hbm>> -> memref<2x100xi32, #tpu.memory_space<hbm>>
      tpu.enqueue_dma source(%dma_start3A_123 : memref<2x100xi32, #tpu.memory_space<hbm>>) target(%arg11 : memref<2x100xi32, #tpu.memory_space<vmem>>) target_semaphore(%run_scoped3A : memref<!tpu.dma_semaphore, #tpu.memory_space<semaphore_mem>>)
      %dma_wait3A_124 = arith.constant 0 : i32
      %dma_wait3A_125 = tpu.memref_slice %arg2[%add3A_6, %dma_wait3A_124] : memref<8192x100xi32, #tpu.memory_space<hbm>> -> memref<2x100xi32, #tpu.memory_space<hbm>>
      %dma_wait3A_126 = arith.constant 0 : i32
      %dma_wait3A_127 = tpu.memref_slice %arg2[%add3A_6, %dma_wait3A_126] : memref<8192x100xi32, #tpu.memory_space<hbm>> -> memref<2x100xi32, #tpu.memory_space<hbm>>
      tpu.wait_dma2 semaphore(%run_scoped3A : memref<!tpu.dma_semaphore, #tpu.memory_space<semaphore_mem>>) src(%dma_wait3A_127 : memref<2x100xi32, #tpu.memory_space<hbm>>) dst(%arg11 : memref<2x100xi32, #tpu.memory_space<vmem>>)
      tpu.yield
    }) : () -> ()
    %dma_start3A = arith.constant 0 : i32
    %dma_start3A_7 = arith.constant 0 : i32
    %dma_start3A_8 = arith.constant 0 : i32
    %dma_start3A_9 = tpu.memref_slice %arg7[%dma_start3A_7, %dma_start3A_8] : memref<200x128xf32, #tpu.memory_space<vmem>> -> memref<100x128xf32, #tpu.memory_space<vmem>>
    %dma_start3A_10 = arith.constant 0 : i32
    %dma_start3A_11 = tpu.memref_slice %arg10[%dma_start3A, %dma_start3A_10] : memref<2x100xi32, #tpu.memory_space<vmem>> -> memref<1x100xi32, #tpu.memory_space<vmem>>
    %dma_start3A_12 = tpu.memref_squeeze %dma_start3A_11 : memref<1x100xi32, #tpu.memory_space<vmem>> -> memref<100xi32, #tpu.memory_space<vmem>>
    %dma_start3A_13 = arith.constant 0 : i32
    %dma_start3A_14 = arith.constant 0 : i32
    %dma_start3A_15 = tpu.memref_slice %arg3[%dma_start3A_13, %dma_start3A_14] : memref<100000x128xf32, #tpu.memory_space<hbm>> -> memref<100000x128xf32, #tpu.memory_space<hbm>>
    tpu.enqueue_indirect_dma source(%dma_start3A_15 : memref<100000x128xf32, #tpu.memory_space<hbm>>) target(%dma_start3A_9 : memref<100x128xf32, #tpu.memory_space<vmem>>) offsets(%dma_start3A_12 : memref<100xi32, #tpu.memory_space<vmem>>) semaphore(%arg13 : memref<!tpu.dma_semaphore, #tpu.memory_space<semaphore_mem>>)
    %dma_start3A_16 = arith.constant 1 : i32
    %dma_start3A_17 = arith.constant 100 : i32
    %dma_start3A_18 = arith.constant 0 : i32
    %dma_start3A_19 = tpu.memref_slice %arg7[%dma_start3A_17, %dma_start3A_18] : memref<200x128xf32, #tpu.memory_space<vmem>> -> memref<100x128xf32, #tpu.memory_space<vmem>>
    %dma_start3A_20 = arith.constant 0 : i32
    %dma_start3A_21 = tpu.memref_slice %arg10[%dma_start3A_16, %dma_start3A_20] : memref<2x100xi32, #tpu.memory_space<vmem>> -> memref<1x100xi32, #tpu.memory_space<vmem>>
    %dma_start3A_22 = tpu.memref_squeeze %dma_start3A_21 : memref<1x100xi32, #tpu.memory_space<vmem>> -> memref<100xi32, #tpu.memory_space<vmem>>
    %dma_start3A_23 = arith.constant 0 : i32
    %dma_start3A_24 = arith.constant 0 : i32
    %dma_start3A_25 = tpu.memref_slice %arg3[%dma_start3A_23, %dma_start3A_24] : memref<100000x128xf32, #tpu.memory_space<hbm>> -> memref<100000x128xf32, #tpu.memory_space<hbm>>
    tpu.enqueue_indirect_dma source(%dma_start3A_25 : memref<100000x128xf32, #tpu.memory_space<hbm>>) target(%dma_start3A_19 : memref<100x128xf32, #tpu.memory_space<vmem>>) offsets(%dma_start3A_22 : memref<100xi32, #tpu.memory_space<vmem>>) semaphore(%arg13 : memref<!tpu.dma_semaphore, #tpu.memory_space<semaphore_mem>>)
    %dma_start3A_26 = arith.constant 0 : i32
    %dma_start3A_27 = arith.constant 0 : i32
    %dma_start3A_28 = arith.constant 0 : i32
    %dma_start3A_29 = tpu.memref_slice %arg8[%dma_start3A_27, %dma_start3A_28] : memref<200x128xf32, #tpu.memory_space<vmem>> -> memref<100x128xf32, #tpu.memory_space<vmem>>
    %dma_start3A_30 = arith.constant 0 : i32
    %dma_start3A_31 = tpu.memref_slice %arg11[%dma_start3A_26, %dma_start3A_30] : memref<2x100xi32, #tpu.memory_space<vmem>> -> memref<1x100xi32, #tpu.memory_space<vmem>>
    %dma_start3A_32 = tpu.memref_squeeze %dma_start3A_31 : memref<1x100xi32, #tpu.memory_space<vmem>> -> memref<100xi32, #tpu.memory_space<vmem>>
    %dma_start3A_33 = arith.constant 0 : i32
    %dma_start3A_34 = arith.constant 0 : i32
    %dma_start3A_35 = tpu.memref_slice %arg3[%dma_start3A_33, %dma_start3A_34] : memref<100000x128xf32, #tpu.memory_space<hbm>> -> memref<100000x128xf32, #tpu.memory_space<hbm>>
    tpu.enqueue_indirect_dma source(%dma_start3A_35 : memref<100000x128xf32, #tpu.memory_space<hbm>>) target(%dma_start3A_29 : memref<100x128xf32, #tpu.memory_space<vmem>>) offsets(%dma_start3A_32 : memref<100xi32, #tpu.memory_space<vmem>>) semaphore(%arg14 : memref<!tpu.dma_semaphore, #tpu.memory_space<semaphore_mem>>)
    %dma_start3A_36 = arith.constant 1 : i32
    %dma_start3A_37 = arith.constant 100 : i32
    %dma_start3A_38 = arith.constant 0 : i32
    %dma_start3A_39 = tpu.memref_slice %arg8[%dma_start3A_37, %dma_start3A_38] : memref<200x128xf32, #tpu.memory_space<vmem>> -> memref<100x128xf32, #tpu.memory_space<vmem>>
    %dma_start3A_40 = arith.constant 0 : i32
    %dma_start3A_41 = tpu.memref_slice %arg11[%dma_start3A_36, %dma_start3A_40] : memref<2x100xi32, #tpu.memory_space<vmem>> -> memref<1x100xi32, #tpu.memory_space<vmem>>
    %dma_start3A_42 = tpu.memref_squeeze %dma_start3A_41 : memref<1x100xi32, #tpu.memory_space<vmem>> -> memref<100xi32, #tpu.memory_space<vmem>>
    %dma_start3A_43 = arith.constant 0 : i32
    %dma_start3A_44 = arith.constant 0 : i32
    %dma_start3A_45 = tpu.memref_slice %arg3[%dma_start3A_43, %dma_start3A_44] : memref<100000x128xf32, #tpu.memory_space<hbm>> -> memref<100000x128xf32, #tpu.memory_space<hbm>>
    tpu.enqueue_indirect_dma source(%dma_start3A_45 : memref<100000x128xf32, #tpu.memory_space<hbm>>) target(%dma_start3A_39 : memref<100x128xf32, #tpu.memory_space<vmem>>) offsets(%dma_start3A_42 : memref<100xi32, #tpu.memory_space<vmem>>) semaphore(%arg14 : memref<!tpu.dma_semaphore, #tpu.memory_space<semaphore_mem>>)
    %mul3A_46 = arith.constant 256 : i32
    %mul3A_47 = arith.muli %add3A, %mul3A_46 : i32
    %add3A_48 = arith.constant 4 : i32
    %add3A_49 = arith.addi %mul3A_47, %add3A_48 : i32
    %dma_start3A_50 = arith.constant 0 : i32
    %dma_start3A_51 = tpu.memref_slice %arg2[%add3A_49, %dma_start3A_50] : memref<8192x100xi32, #tpu.memory_space<hbm>> -> memref<2x100xi32, #tpu.memory_space<hbm>>
    %dma_start3A_52 = arith.constant 0 : i32
    %dma_start3A_53 = tpu.memref_slice %arg2[%add3A_49, %dma_start3A_52] : memref<8192x100xi32, #tpu.memory_space<hbm>> -> memref<2x100xi32, #tpu.memory_space<hbm>>
    tpu.enqueue_dma source(%dma_start3A_53 : memref<2x100xi32, #tpu.memory_space<hbm>>) target(%arg12 : memref<2x100xi32, #tpu.memory_space<vmem>>) target_semaphore(%arg21 : memref<!tpu.dma_semaphore, #tpu.memory_space<semaphore_mem>>)
    %scan3A = arith.constant 0 : i32
    %scan3A_54 = arith.constant 0 : i32
    %scan3A_55 = arith.constant 42 : i32
    %scan3A_56 = arith.addi %scan3A_54, %scan3A_55 : i32
    %scan3A_57 = arith.constant 1 : i32
    scf.for %scan3A_120 = %scan3A_54 to %scan3A_56 step %scan3A_57  : i32 {
      %mul3A_121 = arith.constant 3 : i32
      %mul3A_122 = arith.muli %mul3A_121, %scan3A_120 : i32
      %dma_wait3A_123 = arith.constant 0 : i32
      %dma_wait3A_124 = arith.constant 0 : i32
      %dma_wait3A_125 = tpu.memref_slice %arg3[%dma_wait3A_123, %dma_wait3A_124] : memref<100000x128xf32, #tpu.memory_space<hbm>> -> memref<200x128xf32, #tpu.memory_space<hbm>>
      %dma_wait3A_126 = arith.constant 0 : i32
      %dma_wait3A_127 = arith.constant 0 : i32
      %dma_wait3A_128 = tpu.memref_slice %arg3[%dma_wait3A_126, %dma_wait3A_127] : memref<100000x128xf32, #tpu.memory_space<hbm>> -> memref<200x128xf32, #tpu.memory_space<hbm>>
      tpu.wait_dma2 semaphore(%arg13 : memref<!tpu.dma_semaphore, #tpu.memory_space<semaphore_mem>>) src(%dma_wait3A_128 : memref<200x128xf32, #tpu.memory_space<hbm>>) dst(%arg7 : memref<200x128xf32, #tpu.memory_space<vmem>>)
      %add3A_129 = arith.constant 3 : i32
      %add3A_130 = arith.addi %mul3A_122, %add3A_129 : i32
      %mul3A_131 = arith.constant 256 : i32
      %mul3A_132 = arith.muli %add3A, %mul3A_131 : i32
      %mul3A_133 = arith.constant 2 : i32
      %mul3A_134 = arith.muli %add3A_130, %mul3A_133 : i32
      %add3A_135 = arith.addi %mul3A_132, %mul3A_134 : i32
      %dma_start3A_136 = arith.constant 0 : i32
      %dma_start3A_137 = tpu.memref_slice %arg2[%add3A_135, %dma_start3A_136] : memref<8192x100xi32, #tpu.memory_space<hbm>> -> memref<2x100xi32, #tpu.memory_space<hbm>>
      %dma_start3A_138 = arith.constant 0 : i32
      %dma_start3A_139 = tpu.memref_slice %arg2[%add3A_135, %dma_start3A_138] : memref<8192x100xi32, #tpu.memory_space<hbm>> -> memref<2x100xi32, #tpu.memory_space<hbm>>
      tpu.enqueue_dma source(%dma_start3A_139 : memref<2x100xi32, #tpu.memory_space<hbm>>) target(%arg10 : memref<2x100xi32, #tpu.memory_space<vmem>>) target_semaphore(%arg19 : memref<!tpu.dma_semaphore, #tpu.memory_space<semaphore_mem>>)
      %scan3A_140 = arith.constant 0 : i32
      %scan3A_141 = arith.constant 0 : i32
      %scan3A_142 = arith.constant 25 : i32
      %scan3A_143 = arith.addi %scan3A_141, %scan3A_142 : i32
      %scan3A_144 = arith.constant 1 : i32
      scf.for %scan3A_308 = %scan3A_141 to %scan3A_143 step %scan3A_144  : i32 {
        %mul3A_309 = arith.constant 8 : i32
        %mul3A_310 = arith.muli %scan3A_308, %mul3A_309 : i32
        %add3A_311 = arith.constant 0 : i32
        %add3A_312 = arith.addi %mul3A_310, %add3A_311 : i32
        %add3A_313 = arith.constant 0 : i32
        %add3A_314 = arith.addi %mul3A_310, %add3A_313 : i32
        %get3A = arith.index_cast %add3A_314 : i32 to index
        %get3A_315 = arith.constant 0 : index
        %get3A_316 = tpu.vector_load %arg6[%get3A, %get3A_315] {strides = array<i32>} : memref<200x128xf32, #tpu.memory_space<vmem>>, vector<1x16xf32>,
        %get3A_317 = vector.shape_cast %get3A_316 : vector<1x16xf32> to vector<16xf32>
        %swap3A = arith.index_cast %add3A_312 : i32 to index
        %swap3A_318 = arith.constant 0 : index
        %swap3A_319 = tpu.vector_load %arg7[%swap3A, %swap3A_318] {strides = array<i32>} : memref<200x128xf32, #tpu.memory_space<vmem>>, vector<1x16xf32>,
        %swap3A_320 = vector.shape_cast %swap3A_319 : vector<1x16xf32> to vector<16xf32>
        %swap3A_321 = vector.shape_cast %get3A_317 : vector<16xf32> to vector<1x16xf32>
        tpu.vector_store %arg7[%swap3A, %swap3A_318], %swap3A_321 {add = true, strides = array<i32>} : memref<200x128xf32, #tpu.memory_space<vmem>>, vector<1x16xf32>,
        %add3A_322 = arith.constant 0 : i32
        %add3A_323 = arith.addi %mul3A_310, %add3A_322 : i32
        %add3A_324 = arith.constant 0 : i32
        %add3A_325 = arith.addi %mul3A_310, %add3A_324 : i32
        %get3A_326 = arith.index_cast %add3A_325 : i32 to index
        %get3A_327 = arith.constant 16 : index
        %get3A_328 = tpu.vector_load %arg6[%get3A_326, %get3A_327] {strides = array<i32>} : memref<200x128xf32, #tpu.memory_space<vmem>>, vector<1x16xf32>,
        %get3A_329 = vector.shape_cast %get3A_328 : vector<1x16xf32> to vector<16xf32>
        %swap3A_330 = arith.index_cast %add3A_323 : i32 to index
        %swap3A_331 = arith.constant 16 : index
        %swap3A_332 = tpu.vector_load %arg7[%swap3A_330, %swap3A_331] {strides = array<i32>} : memref<200x128xf32, #tpu.memory_space<vmem>>, vector<1x16xf32>,
        %swap3A_333 = vector.shape_cast %swap3A_332 : vector<1x16xf32> to vector<16xf32>
        %swap3A_334 = vector.shape_cast %get3A_329 : vector<16xf32> to vector<1x16xf32>
        tpu.vector_store %arg7[%swap3A_330, %swap3A_331], %swap3A_334 {add = true, strides = array<i32>} : memref<200x128xf32, #tpu.memory_space<vmem>>, vector<1x16xf32>,
        %add3A_335 = arith.constant 0 : i32
        %add3A_336 = arith.addi %mul3A_310, %add3A_335 : i32
        %add3A_337 = arith.constant 0 : i32
        %add3A_338 = arith.addi %mul3A_310, %add3A_337 : i32
        %get3A_339 = arith.index_cast %add3A_338 : i32 to index
        %get3A_340 = arith.constant 32 : index
        %get3A_341 = tpu.vector_load %arg6[%get3A_339, %get3A_340] {strides = array<i32>} : memref<200x128xf32, #tpu.memory_space<vmem>>, vector<1x16xf32>,
        %get3A_342 = vector.shape_cast %get3A_341 : vector<1x16xf32> to vector<16xf32>
        %swap3A_343 = arith.index_cast %add3A_336 : i32 to index
        %swap3A_344 = arith.constant 32 : index
        %swap3A_345 = tpu.vector_load %arg7[%swap3A_343, %swap3A_344] {strides = array<i32>} : memref<200x128xf32, #tpu.memory_space<vmem>>, vector<1x16xf32>,
        %swap3A_346 = vector.shape_cast %swap3A_345 : vector<1x16xf32> to vector<16xf32>
        %swap3A_347 = vector.shape_cast %get3A_342 : vector<16xf32> to vector<1x16xf32>
        tpu.vector_store %arg7[%swap3A_343, %swap3A_344], %swap3A_347 {add = true, strides = array<i32>} : memref<200x128xf32, #tpu.memory_space<vmem>>, vector<1x16xf32>,
        %add3A_348 = arith.constant 0 : i32
        %add3A_349 = arith.addi %mul3A_310, %add3A_348 : i32
        %add3A_350 = arith.constant 0 : i32
        %add3A_351 = arith.addi %mul3A_310, %add3A_350 : i32
        %get3A_352 = arith.index_cast %add3A_351 : i32 to index
        %get3A_353 = arith.constant 48 : index
        %get3A_354 = tpu.vector_load %arg6[%get3A_352, %get3A_353] {strides = array<i32>} : memref<200x128xf32, #tpu.memory_space<vmem>>, vector<1x16xf32>,
        %get3A_355 = vector.shape_cast %get3A_354 : vector<1x16xf32> to vector<16xf32>
        %swap3A_356 = arith.index_cast %add3A_349 : i32 to index
        %swap3A_357 = arith.constant 48 : index
        %swap3A_358 = tpu.vector_load %arg7[%swap3A_356, %swap3A_357] {strides = array<i32>} : memref<200x128xf32, #tpu.memory_space<vmem>>, vector<1x16xf32>,
        %swap3A_359 = vector.shape_cast %swap3A_358 : vector<1x16xf32> to vector<16xf32>
        %swap3A_360 = vector.shape_cast %get3A_355 : vector<16xf32> to vector<1x16xf32>
        tpu.vector_store %arg7[%swap3A_356, %swap3A_357], %swap3A_360 {add = true, strides = array<i32>} : memref<200x128xf32, #tpu.memory_space<vmem>>, vector<1x16xf32>,
        %add3A_361 = arith.constant 0 : i32
        %add3A_362 = arith.addi %mul3A_310, %add3A_361 : i32
        %add3A_363 = arith.constant 0 : i32
        %add3A_364 = arith.addi %mul3A_310, %add3A_363 : i32
        %get3A_365 = arith.index_cast %add3A_364 : i32 to index
        %get3A_366 = arith.constant 64 : index
        %get3A_367 = tpu.vector_load %arg6[%get3A_365, %get3A_366] {strides = array<i32>} : memref<200x128xf32, #tpu.memory_space<vmem>>, vector<1x16xf32>,
        %get3A_368 = vector.shape_cast %get3A_367 : vector<1x16xf32> to vector<16xf32>
        %swap3A_369 = arith.index_cast %add3A_362 : i32 to index
        %swap3A_370 = arith.constant 64 : index
        %swap3A_371 = tpu.vector_load %arg7[%swap3A_369, %swap3A_370] {strides = array<i32>} : memref<200x128xf32, #tpu.memory_space<vmem>>, vector<1x16xf32>,
        %swap3A_372 = vector.shape_cast %swap3A_371 : vector<1x16xf32> to vector<16xf32>
        %swap3A_373 = vector.shape_cast %get3A_368 : vector<16xf32> to vector<1x16xf32>
        tpu.vector_store %arg7[%swap3A_369, %swap3A_370], %swap3A_373 {add = true, strides = array<i32>} : memref<200x128xf32, #tpu.memory_space<vmem>>, vector<1x16xf32>,
        %add3A_374 = arith.constant 0 : i32
        %add3A_375 = arith.addi %mul3A_310, %add3A_374 : i32
        %add3A_376 = arith.constant 0 : i32
        %add3A_377 = arith.addi %mul3A_310, %add3A_376 : i32
        %get3A_378 = arith.index_cast %add3A_377 : i32 to index
        %get3A_379 = arith.constant 80 : index
        %get3A_380 = tpu.vector_load %arg6[%get3A_378, %get3A_379] {strides = array<i32>} : memref<200x128xf32, #tpu.memory_space<vmem>>, vector<1x16xf32>,
        %get3A_381 = vector.shape_cast %get3A_380 : vector<1x16xf32> to vector<16xf32>
        %swap3A_382 = arith.index_cast %add3A_375 : i32 to index
        %swap3A_383 = arith.constant 80 : index
        %swap3A_384 = tpu.vector_load %arg7[%swap3A_382, %swap3A_383] {strides = array<i32>} : memref<200x128xf32, #tpu.memory_space<vmem>>, vector<1x16xf32>,
        %swap3A_385 = vector.shape_cast %swap3A_384 : vector<1x16xf32> to vector<16xf32>
        %swap3A_386 = vector.shape_cast %get3A_381 : vector<16xf32> to vector<1x16xf32>
        tpu.vector_store %arg7[%swap3A_382, %swap3A_383], %swap3A_386 {add = true, strides = array<i32>} : memref<200x128xf32, #tpu.memory_space<vmem>>, vector<1x16xf32>,
        %add3A_387 = arith.constant 0 : i32
        %add3A_388 = arith.addi %mul3A_310, %add3A_387 : i32
        %add3A_389 = arith.constant 0 : i32
        %add3A_390 = arith.addi %mul3A_310, %add3A_389 : i32
        %get3A_391 = arith.index_cast %add3A_390 : i32 to index
        %get3A_392 = arith.constant 96 : index
        %get3A_393 = tpu.vector_load %arg6[%get3A_391, %get3A_392] {strides = array<i32>} : memref<200x128xf32, #tpu.memory_space<vmem>>, vector<1x16xf32>,
        %get3A_394 = vector.shape_cast %get3A_393 : vector<1x16xf32> to vector<16xf32>
        %swap3A_395 = arith.index_cast %add3A_388 : i32 to index
        %swap3A_396 = arith.constant 96 : index
        %swap3A_397 = tpu.vector_load %arg7[%swap3A_395, %swap3A_396] {strides = array<i32>} : memref<200x128xf32, #tpu.memory_space<vmem>>, vector<1x16xf32>,
        %swap3A_398 = vector.shape_cast %swap3A_397 : vector<1x16xf32> to vector<16xf32>
        %swap3A_399 = vector.shape_cast %get3A_394 : vector<16xf32> to vector<1x16xf32>
        tpu.vector_store %arg7[%swap3A_395, %swap3A_396], %swap3A_399 {add = true, strides = array<i32>} : memref<200x128xf32, #tpu.memory_space<vmem>>, vector<1x16xf32>,
        %add3A_400 = arith.constant 0 : i32
        %add3A_401 = arith.addi %mul3A_310, %add3A_400 : i32
        %add3A_402 = arith.constant 0 : i32
        %add3A_403 = arith.addi %mul3A_310, %add3A_402 : i32
        %get3A_404 = arith.index_cast %add3A_403 : i32 to index
        %get3A_405 = arith.constant 112 : index
        %get3A_406 = tpu.vector_load %arg6[%get3A_404, %get3A_405] {strides = array<i32>} : memref<200x128xf32, #tpu.memory_space<vmem>>, vector<1x16xf32>,
        %get3A_407 = vector.shape_cast %get3A_406 : vector<1x16xf32> to vector<16xf32>
        %swap3A_408 = arith.index_cast %add3A_401 : i32 to index
        %swap3A_409 = arith.constant 112 : index
        %swap3A_410 = tpu.vector_load %arg7[%swap3A_408, %swap3A_409] {strides = array<i32>} : memref<200x128xf32, #tpu.memory_space<vmem>>, vector<1x16xf32>,
        %swap3A_411 = vector.shape_cast %swap3A_410 : vector<1x16xf32> to vector<16xf32>
        %swap3A_412 = vector.shape_cast %get3A_407 : vector<16xf32> to vector<1x16xf32>
        tpu.vector_store %arg7[%swap3A_408, %swap3A_409], %swap3A_412 {add = true, strides = array<i32>} : memref<200x128xf32, #tpu.memory_space<vmem>>, vector<1x16xf32>,
        %add3A_413 = arith.constant 1 : i32
        %add3A_414 = arith.addi %mul3A_310, %add3A_413 : i32
        %add3A_415 = arith.constant 1 : i32
        %add3A_416 = arith.addi %mul3A_310, %add3A_415 : i32
        %get3A_417 = arith.index_cast %add3A_416 : i32 to index
        %get3A_418 = arith.constant 0 : index
        %get3A_419 = tpu.vector_load %arg6[%get3A_417, %get3A_418] {strides = array<i32>} : memref<200x128xf32, #tpu.memory_space<vmem>>, vector<1x16xf32>,
        %get3A_420 = vector.shape_cast %get3A_419 : vector<1x16xf32> to vector<16xf32>
        %swap3A_421 = arith.index_cast %add3A_414 : i32 to index
        %swap3A_422 = arith.constant 0 : index
        %swap3A_423 = tpu.vector_load %arg7[%swap3A_421, %swap3A_422] {strides = array<i32>} : memref<200x128xf32, #tpu.memory_space<vmem>>, vector<1x16xf32>,
        %swap3A_424 = vector.shape_cast %swap3A_423 : vector<1x16xf32> to vector<16xf32>
        %swap3A_425 = vector.shape_cast %get3A_420 : vector<16xf32> to vector<1x16xf32>
        tpu.vector_store %arg7[%swap3A_421, %swap3A_422], %swap3A_425 {add = true, strides = array<i32>} : memref<200x128xf32, #tpu.memory_space<vmem>>, vector<1x16xf32>,
        %add3A_426 = arith.constant 1 : i32
        %add3A_427 = arith.addi %mul3A_310, %add3A_426 : i32
        %add3A_428 = arith.constant 1 : i32
        %add3A_429 = arith.addi %mul3A_310, %add3A_428 : i32
        %get3A_430 = arith.index_cast %add3A_429 : i32 to index
        %get3A_431 = arith.constant 16 : index
        %get3A_432 = tpu.vector_load %arg6[%get3A_430, %get3A_431] {strides = array<i32>} : memref<200x128xf32, #tpu.memory_space<vmem>>, vector<1x16xf32>,
        %get3A_433 = vector.shape_cast %get3A_432 : vector<1x16xf32> to vector<16xf32>
        %swap3A_434 = arith.index_cast %add3A_427 : i32 to index
        %swap3A_435 = arith.constant 16 : index
        %swap3A_436 = tpu.vector_load %arg7[%swap3A_434, %swap3A_435] {strides = array<i32>} : memref<200x128xf32, #tpu.memory_space<vmem>>, vector<1x16xf32>,
        %swap3A_437 = vector.shape_cast %swap3A_436 : vector<1x16xf32> to vector<16xf32>
        %swap3A_438 = vector.shape_cast %get3A_433 : vector<16xf32> to vector<1x16xf32>
        tpu.vector_store %arg7[%swap3A_434, %swap3A_435], %swap3A_438 {add = true, strides = array<i32>} : memref<200x128xf32, #tpu.memory_space<vmem>>, vector<1x16xf32>,
        %add3A_439 = arith.constant 1 : i32
        %add3A_440 = arith.addi %mul3A_310, %add3A_439 : i32
        %add3A_441 = arith.constant 1 : i32
        %add3A_442 = arith.addi %mul3A_310, %add3A_441 : i32
        %get3A_443 = arith.index_cast %add3A_442 : i32 to index
        %get3A_444 = arith.constant 32 : index
        %get3A_445 = tpu.vector_load %arg6[%get3A_443, %get3A_444] {strides = array<i32>} : memref<200x128xf32, #tpu.memory_space<vmem>>, vector<1x16xf32>,
        %get3A_446 = vector.shape_cast %get3A_445 : vector<1x16xf32> to vector<16xf32>
        %swap3A_447 = arith.index_cast %add3A_440 : i32 to index
        %swap3A_448 = arith.constant 32 : index
        %swap3A_449 = tpu.vector_load %arg7[%swap3A_447, %swap3A_448] {strides = array<i32>} : memref<200x128xf32, #tpu.memory_space<vmem>>, vector<1x16xf32>,
        %swap3A_450 = vector.shape_cast %swap3A_449 : vector<1x16xf32> to vector<16xf32>
        %swap3A_451 = vector.shape_cast %get3A_446 : vector<16xf32> to vector<1x16xf32>
        tpu.vector_store %arg7[%swap3A_447, %swap3A_448], %swap3A_451 {add = true, strides = array<i32>} : memref<200x128xf32, #tpu.memory_space<vmem>>, vector<1x16xf32>,
        %add3A_452 = arith.constant 1 : i32
        %add3A_453 = arith.addi %mul3A_310, %add3A_452 : i32
        %add3A_454 = arith.constant 1 : i32
        %add3A_455 = arith.addi %mul3A_310, %add3A_454 : i32
        %get3A_456 = arith.index_cast %add3A_455 : i32 to index
        %get3A_457 = arith.constant 48 : index
        %get3A_458 = tpu.vector_load %arg6[%get3A_456, %get3A_457] {strides = array<i32>} : memref<200x128xf32, #tpu.memory_space<vmem>>, vector<1x16xf32>,
        %get3A_459 = vector.shape_cast %get3A_458 : vector<1x16xf32> to vector<16xf32>
        %swap3A_460 = arith.index_cast %add3A_453 : i32 to index
        %swap3A_461 = arith.constant 48 : index
        %swap3A_462 = tpu.vector_load %arg7[%swap3A_460, %swap3A_461] {strides = array<i32>} : memref<200x128xf32, #tpu.memory_space<vmem>>, vector<1x16xf32>,
        %swap3A_463 = vector.shape_cast %swap3A_462 : vector<1x16xf32> to vector<16xf32>
        %swap3A_464 = vector.shape_cast %get3A_459 : vector<16xf32> to vector<1x16xf32>
        tpu.vector_store %arg7[%swap3A_460, %swap3A_461], %swap3A_464 {add = true, strides = array<i32>} : memref<200x128xf32, #tpu.memory_space<vmem>>, vector<1x16xf32>,
        %add3A_465 = arith.constant 1 : i32
        %add3A_466 = arith.addi %mul3A_310, %add3A_465 : i32
        %add3A_467 = arith.constant 1 : i32
        %add3A_468 = arith.addi %mul3A_310, %add3A_467 : i32
        %get3A_469 = arith.index_cast %add3A_468 : i32 to index
        %get3A_470 = arith.constant 64 : index
        %get3A_471 = tpu.vector_load %arg6[%get3A_469, %get3A_470] {strides = array<i32>} : memref<200x128xf32, #tpu.memory_space<vmem>>, vector<1x16xf32>,
        %get3A_472 = vector.shape_cast %get3A_471 : vector<1x16xf32> to vector<16xf32>
        %swap3A_473 = arith.index_cast %add3A_466 : i32 to index
        %swap3A_474 = arith.constant 64 : index
        %swap3A_475 = tpu.vector_load %arg7[%swap3A_473, %swap3A_474] {strides = array<i32>} : memref<200x128xf32, #tpu.memory_space<vmem>>, vector<1x16xf32>,
        %swap3A_476 = vector.shape_cast %swap3A_475 : vector<1x16xf32> to vector<16xf32>
        %swap3A_477 = vector.shape_cast %get3A_472 : vector<16xf32> to vector<1x16xf32>
        tpu.vector_store %arg7[%swap3A_473, %swap3A_474], %swap3A_477 {add = true, strides = array<i32>} : memref<200x128xf32, #tpu.memory_space<vmem>>, vector<1x16xf32>,
        %add3A_478 = arith.constant 1 : i32
        %add3A_479 = arith.addi %mul3A_310, %add3A_478 : i32
        %add3A_480 = arith.constant 1 : i32
        %add3A_481 = arith.addi %mul3A_310, %add3A_480 : i32
        %get3A_482 = arith.index_cast %add3A_481 : i32 to index
        %get3A_483 = arith.constant 80 : index
        %get3A_484 = tpu.vector_load %arg6[%get3A_482, %get3A_483] {strides = array<i32>} : memref<200x128xf32, #tpu.memory_space<vmem>>, vector<1x16xf32>,
        %get3A_485 = vector.shape_cast %get3A_484 : vector<1x16xf32> to vector<16xf32>
        %swap3A_486 = arith.index_cast %add3A_479 : i32 to index
        %swap3A_487 = arith.constant 80 : index
        %swap3A_488 = tpu.vector_load %arg7[%swap3A_486, %swap3A_487] {strides = array<i32>} : memref<200x128xf32, #tpu.memory_space<vmem>>, vector<1x16xf32>,
        %swap3A_489 = vector.shape_cast %swap3A_488 : vector<1x16xf32> to vector<16xf32>
        %swap3A_490 = vector.shape_cast %get3A_485 : vector<16xf32> to vector<1x16xf32>
        tpu.vector_store %arg7[%swap3A_486, %swap3A_487], %swap3A_490 {add = true, strides = array<i32>} : memref<200x128xf32, #tpu.memory_space<vmem>>, vector<1x16xf32>,
        %add3A_491 = arith.constant 1 : i32
        %add3A_492 = arith.addi %mul3A_310, %add3A_491 : i32
        %add3A_493 = arith.constant 1 : i32
        %add3A_494 = arith.addi %mul3A_310, %add3A_493 : i32
        %get3A_495 = arith.index_cast %add3A_494 : i32 to index
        %get3A_496 = arith.constant 96 : index
        %get3A_497 = tpu.vector_load %arg6[%get3A_495, %get3A_496] {strides = array<i32>} : memref<200x128xf32, #tpu.memory_space<vmem>>, vector<1x16xf32>,
        %get3A_498 = vector.shape_cast %get3A_497 : vector<1x16xf32> to vector<16xf32>
        %swap3A_499 = arith.index_cast %add3A_492 : i32 to index
        %swap3A_500 = arith.constant 96 : index
        %swap3A_501 = tpu.vector_load %arg7[%swap3A_499, %swap3A_500] {strides = array<i32>} : memref<200x128xf32, #tpu.memory_space<vmem>>, vector<1x16xf32>,
        %swap3A_502 = vector.shape_cast %swap3A_501 : vector<1x16xf32> to vector<16xf32>
        %swap3A_503 = vector.shape_cast %get3A_498 : vector<16xf32> to vector<1x16xf32>
        tpu.vector_store %arg7[%swap3A_499, %swap3A_500], %swap3A_503 {add = true, strides = array<i32>} : memref<200x128xf32, #tpu.memory_space<vmem>>, vector<1x16xf32>,
        %add3A_504 = arith.constant 1 : i32
        %add3A_505 = arith.addi %mul3A_310, %add3A_504 : i32
        %add3A_506 = arith.constant 1 : i32
        %add3A_507 = arith.addi %mul3A_310, %add3A_506 : i32
        %get3A_508 = arith.index_cast %add3A_507 : i32 to index
        %get3A_509 = arith.constant 112 : index
        %get3A_510 = tpu.vector_load %arg6[%get3A_508, %get3A_509] {strides = array<i32>} : memref<200x128xf32, #tpu.memory_space<vmem>>, vector<1x16xf32>,
        %get3A_511 = vector.shape_cast %get3A_510 : vector<1x16xf32> to vector<16xf32>
        %swap3A_512 = arith.index_cast %add3A_505 : i32 to index
        %swap3A_513 = arith.constant 112 : index
        %swap3A_514 = tpu.vector_load %arg7[%swap3A_512, %swap3A_513] {strides = array<i32>} : memref<200x128xf32, #tpu.memory_space<vmem>>, vector<1x16xf32>,
        %swap3A_515 = vector.shape_cast %swap3A_514 : vector<1x16xf32> to vector<16xf32>
        %swap3A_516 = vector.shape_cast %get3A_511 : vector<16xf32> to vector<1x16xf32>
        tpu.vector_store %arg7[%swap3A_512, %swap3A_513], %swap3A_516 {add = true, strides = array<i32>} : memref<200x128xf32, #tpu.memory_space<vmem>>, vector<1x16xf32>,
        %add3A_517 = arith.constant 2 : i32
        %add3A_518 = arith.addi %mul3A_310, %add3A_517 : i32
        %add3A_519 = arith.constant 2 : i32
        %add3A_520 = arith.addi %mul3A_310, %add3A_519 : i32
        %get3A_521 = arith.index_cast %add3A_520 : i32 to index
        %get3A_522 = arith.constant 0 : index
        %get3A_523 = tpu.vector_load %arg6[%get3A_521, %get3A_522] {strides = array<i32>} : memref<200x128xf32, #tpu.memory_space<vmem>>, vector<1x16xf32>,
        %get3A_524 = vector.shape_cast %get3A_523 : vector<1x16xf32> to vector<16xf32>
        %swap3A_525 = arith.index_cast %add3A_518 : i32 to index
        %swap3A_526 = arith.constant 0 : index
        %swap3A_527 = tpu.vector_load %arg7[%swap3A_525, %swap3A_526] {strides = array<i32>} : memref<200x128xf32, #tpu.memory_space<vmem>>, vector<1x16xf32>,
        %swap3A_528 = vector.shape_cast %swap3A_527 : vector<1x16xf32> to vector<16xf32>
        %swap3A_529 = vector.shape_cast %get3A_524 : vector<16xf32> to vector<1x16xf32>
        tpu.vector_store %arg7[%swap3A_525, %swap3A_526], %swap3A_529 {add = true, strides = array<i32>} : memref<200x128xf32, #tpu.memory_space<vmem>>, vector<1x16xf32>,
        %add3A_530 = arith.constant 2 : i32
        %add3A_531 = arith.addi %mul3A_310, %add3A_530 : i32
        %add3A_532 = arith.constant 2 : i32
        %add3A_533 = arith.addi %mul3A_310, %add3A_532 : i32
        %get3A_534 = arith.index_cast %add3A_533 : i32 to index
        %get3A_535 = arith.constant 16 : index
        %get3A_536 = tpu.vector_load %arg6[%get3A_534, %get3A_535] {strides = array<i32>} : memref<200x128xf32, #tpu.memory_space<vmem>>, vector<1x16xf32>,
        %get3A_537 = vector.shape_cast %get3A_536 : vector<1x16xf32> to vector<16xf32>
        %swap3A_538 = arith.index_cast %add3A_531 : i32 to index
        %swap3A_539 = arith.constant 16 : index
        %swap3A_540 = tpu.vector_load %arg7[%swap3A_538, %swap3A_539] {strides = array<i32>} : memref<200x128xf32, #tpu.memory_space<vmem>>, vector<1x16xf32>,
        %swap3A_541 = vector.shape_cast %swap3A_540 : vector<1x16xf32> to vector<16xf32>
        %swap3A_542 = vector.shape_cast %get3A_537 : vector<16xf32> to vector<1x16xf32>
        tpu.vector_store %arg7[%swap3A_538, %swap3A_539], %swap3A_542 {add = true, strides = array<i32>} : memref<200x128xf32, #tpu.memory_space<vmem>>, vector<1x16xf32>,
        %add3A_543 = arith.constant 2 : i32
        %add3A_544 = arith.addi %mul3A_310, %add3A_543 : i32
        %add3A_545 = arith.constant 2 : i32
        %add3A_546 = arith.addi %mul3A_310, %add3A_545 : i32
        %get3A_547 = arith.index_cast %add3A_546 : i32 to index
        %get3A_548 = arith.constant 32 : index
        %get3A_549 = tpu.vector_load %arg6[%get3A_547, %get3A_548] {strides = array<i32>} : memref<200x128xf32, #tpu.memory_space<vmem>>, vector<1x16xf32>,
        %get3A_550 = vector.shape_cast %get3A_549 : vector<1x16xf32> to vector<16xf32>
        %swap3A_551 = arith.index_cast %add3A_544 : i32 to index
        %swap3A_552 = arith.constant 32 : index
        %swap3A_553 = tpu.vector_load %arg7[%swap3A_551, %swap3A_552] {strides = array<i32>} : memref<200x128xf32, #tpu.memory_space<vmem>>, vector<1x16xf32>,
        %swap3A_554 = vector.shape_cast %swap3A_553 : vector<1x16xf32> to vector<16xf32>
        %swap3A_555 = vector.shape_cast %get3A_550 : vector<16xf32> to vector<1x16xf32>
        tpu.vector_store %arg7[%swap3A_551, %swap3A_552], %swap3A_555 {add = true, strides = array<i32>} : memref<200x128xf32, #tpu.memory_space<vmem>>, vector<1x16xf32>,
        %add3A_556 = arith.constant 2 : i32
        %add3A_557 = arith.addi %mul3A_310, %add3A_556 : i32
        %add3A_558 = arith.constant 2 : i32
        %add3A_559 = arith.addi %mul3A_310, %add3A_558 : i32
        %get3A_560 = arith.index_cast %add3A_559 : i32 to index
        %get3A_561 = arith.constant 48 : index
        %get3A_562 = tpu.vector_load %arg6[%get3A_560, %get3A_561] {strides = array<i32>} : memref<200x128xf32, #tpu.memory_space<vmem>>, vector<1x16xf32>,
        %get3A_563 = vector.shape_cast %get3A_562 : vector<1x16xf32> to vector<16xf32>
        %swap3A_564 = arith.index_cast %add3A_557 : i32 to index
        %swap3A_565 = arith.constant 48 : index
        %swap3A_566 = tpu.vector_load %arg7[%swap3A_564, %swap3A_565] {strides = array<i32>} : memref<200x128xf32, #tpu.memory_space<vmem>>, vector<1x16xf32>,
        %swap3A_567 = vector.shape_cast %swap3A_566 : vector<1x16xf32> to vector<16xf32>
        %swap3A_568 = vector.shape_cast %get3A_563 : vector<16xf32> to vector<1x16xf32>
        tpu.vector_store %arg7[%swap3A_564, %swap3A_565], %swap3A_568 {add = true, strides = array<i32>} : memref<200x128xf32, #tpu.memory_space<vmem>>, vector<1x16xf32>,
        %add3A_569 = arith.constant 2 : i32
        %add3A_570 = arith.addi %mul3A_310, %add3A_569 : i32
        %add3A_571 = arith.constant 2 : i32
        %add3A_572 = arith.addi %mul3A_310, %add3A_571 : i32
        %get3A_573 = arith.index_cast %add3A_572 : i32 to index
        %get3A_574 = arith.constant 64 : index
        %get3A_575 = tpu.vector_load %arg6[%get3A_573, %get3A_574] {strides = array<i32>} : memref<200x128xf32, #tpu.memory_space<vmem>>, vector<1x16xf32>,
        %get3A_576 = vector.shape_cast %get3A_575 : vector<1x16xf32> to vector<16xf32>
        %swap3A_577 = arith.index_cast %add3A_570 : i32 to index
        %swap3A_578 = arith.constant 64 : index
        %swap3A_579 = tpu.vector_load %arg7[%swap3A_577, %swap3A_578] {strides = array<i32>} : memref<200x128xf32, #tpu.memory_space<vmem>>, vector<1x16xf32>,
        %swap3A_580 = vector.shape_cast %swap3A_579 : vector<1x16xf32> to vector<16xf32>
        %swap3A_581 = vector.shape_cast %get3A_576 : vector<16xf32> to vector<1x16xf32>
        tpu.vector_store %arg7[%swap3A_577, %swap3A_578], %swap3A_581 {add = true, strides = array<i32>} : memref<200x128xf32, #tpu.memory_space<vmem>>, vector<1x16xf32>,
        %add3A_582 = arith.constant 2 : i32
        %add3A_583 = arith.addi %mul3A_310, %add3A_582 : i32
        %add3A_584 = arith.constant 2 : i32
        %add3A_585 = arith.addi %mul3A_310, %add3A_584 : i32
        %get3A_586 = arith.index_cast %add3A_585 : i32 to index
        %get3A_587 = arith.constant 80 : index
        %get3A_588 = tpu.vector_load %arg6[%get3A_586, %get3A_587] {strides = array<i32>} : memref<200x128xf32, #tpu.memory_space<vmem>>, vector<1x16xf32>,
        %get3A_589 = vector.shape_cast %get3A_588 : vector<1x16xf32> to vector<16xf32>
        %swap3A_590 = arith.index_cast %add3A_583 : i32 to index
        %swap3A_591 = arith.constant 80 : index
        %swap3A_592 = tpu.vector_load %arg7[%swap3A_590, %swap3A_591] {strides = array<i32>} : memref<200x128xf32, #tpu.memory_space<vmem>>, vector<1x16xf32>,
        %swap3A_593 = vector.shape_cast %swap3A_592 : vector<1x16xf32> to vector<16xf32>
        %swap3A_594 = vector.shape_cast %get3A_589 : vector<16xf32> to vector<1x16xf32>
        tpu.vector_store %arg7[%swap3A_590, %swap3A_591], %swap3A_594 {add = true, strides = array<i32>} : memref<200x128xf32, #tpu.memory_space<vmem>>, vector<1x16xf32>,
        %add3A_595 = arith.constant 2 : i32
        %add3A_596 = arith.addi %mul3A_310, %add3A_595 : i32
        %add3A_597 = arith.constant 2 : i32
        %add3A_598 = arith.addi %mul3A_310, %add3A_597 : i32
        %get3A_599 = arith.index_cast %add3A_598 : i32 to index
        %get3A_600 = arith.constant 96 : index
        %get3A_601 = tpu.vector_load %arg6[%get3A_599, %get3A_600] {strides = array<i32>} : memref<200x128xf32, #tpu.memory_space<vmem>>, vector<1x16xf32>,
        %get3A_602 = vector.shape_cast %get3A_601 : vector<1x16xf32> to vector<16xf32>
        %swap3A_603 = arith.index_cast %add3A_596 : i32 to index
        %swap3A_604 = arith.constant 96 : index
        %swap3A_605 = tpu.vector_load %arg7[%swap3A_603, %swap3A_604] {strides = array<i32>} : memref<200x128xf32, #tpu.memory_space<vmem>>, vector<1x16xf32>,
        %swap3A_606 = vector.shape_cast %swap3A_605 : vector<1x16xf32> to vector<16xf32>
        %swap3A_607 = vector.shape_cast %get3A_602 : vector<16xf32> to vector<1x16xf32>
        tpu.vector_store %arg7[%swap3A_603, %swap3A_604], %swap3A_607 {add = true, strides = array<i32>} : memref<200x128xf32, #tpu.memory_space<vmem>>, vector<1x16xf32>,
        %add3A_608 = arith.constant 2 : i32
        %add3A_609 = arith.addi %mul3A_310, %add3A_608 : i32
        %add3A_610 = arith.constant 2 : i32
        %add3A_611 = arith.addi %mul3A_310, %add3A_610 : i32
        %get3A_612 = arith.index_cast %add3A_611 : i32 to index
        %get3A_613 = arith.constant 112 : index
        %get3A_614 = tpu.vector_load %arg6[%get3A_612, %get3A_613] {strides = array<i32>} : memref<200x128xf32, #tpu.memory_space<vmem>>, vector<1x16xf32>,
        %get3A_615 = vector.shape_cast %get3A_614 : vector<1x16xf32> to vector<16xf32>
        %swap3A_616 = arith.index_cast %add3A_609 : i32 to index
        %swap3A_617 = arith.constant 112 : index
        %swap3A_618 = tpu.vector_load %arg7[%swap3A_616, %swap3A_617] {strides = array<i32>} : memref<200x128xf32, #tpu.memory_space<vmem>>, vector<1x16xf32>,
        %swap3A_619 = vector.shape_cast %swap3A_618 : vector<1x16xf32> to vector<16xf32>
        %swap3A_620 = vector.shape_cast %get3A_615 : vector<16xf32> to vector<1x16xf32>
        tpu.vector_store %arg7[%swap3A_616, %swap3A_617], %swap3A_620 {add = true, strides = array<i32>} : memref<200x128xf32, #tpu.memory_space<vmem>>, vector<1x16xf32>,
        %add3A_621 = arith.constant 3 : i32
        %add3A_622 = arith.addi %mul3A_310, %add3A_621 : i32
        %add3A_623 = arith.constant 3 : i32
        %add3A_624 = arith.addi %mul3A_310, %add3A_623 : i32
        %get3A_625 = arith.index_cast %add3A_624 : i32 to index
        %get3A_626 = arith.constant 0 : index
        %get3A_627 = tpu.vector_load %arg6[%get3A_625, %get3A_626] {strides = array<i32>} : memref<200x128xf32, #tpu.memory_space<vmem>>, vector<1x16xf32>,
        %get3A_628 = vector.shape_cast %get3A_627 : vector<1x16xf32> to vector<16xf32>
        %swap3A_629 = arith.index_cast %add3A_622 : i32 to index
        %swap3A_630 = arith.constant 0 : index
        %swap3A_631 = tpu.vector_load %arg7[%swap3A_629, %swap3A_630] {strides = array<i32>} : memref<200x128xf32, #tpu.memory_space<vmem>>, vector<1x16xf32>,
        %swap3A_632 = vector.shape_cast %swap3A_631 : vector<1x16xf32> to vector<16xf32>
        %swap3A_633 = vector.shape_cast %get3A_628 : vector<16xf32> to vector<1x16xf32>
        tpu.vector_store %arg7[%swap3A_629, %swap3A_630], %swap3A_633 {add = true, strides = array<i32>} : memref<200x128xf32, #tpu.memory_space<vmem>>, vector<1x16xf32>,
        %add3A_634 = arith.constant 3 : i32
        %add3A_635 = arith.addi %mul3A_310, %add3A_634 : i32
        %add3A_636 = arith.constant 3 : i32
        %add3A_637 = arith.addi %mul3A_310, %add3A_636 : i32
        %get3A_638 = arith.index_cast %add3A_637 : i32 to index
        %get3A_639 = arith.constant 16 : index
        %get3A_640 = tpu.vector_load %arg6[%get3A_638, %get3A_639] {strides = array<i32>} : memref<200x128xf32, #tpu.memory_space<vmem>>, vector<1x16xf32>,
        %get3A_641 = vector.shape_cast %get3A_640 : vector<1x16xf32> to vector<16xf32>
        %swap3A_642 = arith.index_cast %add3A_635 : i32 to index
        %swap3A_643 = arith.constant 16 : index
        %swap3A_644 = tpu.vector_load %arg7[%swap3A_642, %swap3A_643] {strides = array<i32>} : memref<200x128xf32, #tpu.memory_space<vmem>>, vector<1x16xf32>,
        %swap3A_645 = vector.shape_cast %swap3A_644 : vector<1x16xf32> to vector<16xf32>
        %swap3A_646 = vector.shape_cast %get3A_641 : vector<16xf32> to vector<1x16xf32>
        tpu.vector_store %arg7[%swap3A_642, %swap3A_643], %swap3A_646 {add = true, strides = array<i32>} : memref<200x128xf32, #tpu.memory_space<vmem>>, vector<1x16xf32>,
        %add3A_647 = arith.constant 3 : i32
        %add3A_648 = arith.addi %mul3A_310, %add3A_647 : i32
        %add3A_649 = arith.constant 3 : i32
        %add3A_650 = arith.addi %mul3A_310, %add3A_649 : i32
        %get3A_651 = arith.index_cast %add3A_650 : i32 to index
        %get3A_652 = arith.constant 32 : index
        %get3A_653 = tpu.vector_load %arg6[%get3A_651, %get3A_652] {strides = array<i32>} : memref<200x128xf32, #tpu.memory_space<vmem>>, vector<1x16xf32>,
        %get3A_654 = vector.shape_cast %get3A_653 : vector<1x16xf32> to vector<16xf32>
        %swap3A_655 = arith.index_cast %add3A_648 : i32 to index
        %swap3A_656 = arith.constant 32 : index
        %swap3A_657 = tpu.vector_load %arg7[%swap3A_655, %swap3A_656] {strides = array<i32>} : memref<200x128xf32, #tpu.memory_space<vmem>>, vector<1x16xf32>,
        %swap3A_658 = vector.shape_cast %swap3A_657 : vector<1x16xf32> to vector<16xf32>
        %swap3A_659 = vector.shape_cast %get3A_654 : vector<16xf32> to vector<1x16xf32>
        tpu.vector_store %arg7[%swap3A_655, %swap3A_656], %swap3A_659 {add = true, strides = array<i32>} : memref<200x128xf32, #tpu.memory_space<vmem>>, vector<1x16xf32>,
        %add3A_660 = arith.constant 3 : i32
        %add3A_661 = arith.addi %mul3A_310, %add3A_660 : i32
        %add3A_662 = arith.constant 3 : i32
        %add3A_663 = arith.addi %mul3A_310, %add3A_662 : i32
        %get3A_664 = arith.index_cast %add3A_663 : i32 to index
        %get3A_665 = arith.constant 48 : index
        %get3A_666 = tpu.vector_load %arg6[%get3A_664, %get3A_665] {strides = array<i32>} : memref<200x128xf32, #tpu.memory_space<vmem>>, vector<1x16xf32>,
        %get3A_667 = vector.shape_cast %get3A_666 : vector<1x16xf32> to vector<16xf32>
        %swap3A_668 = arith.index_cast %add3A_661 : i32 to index
        %swap3A_669 = arith.constant 48 : index
        %swap3A_670 = tpu.vector_load %arg7[%swap3A_668, %swap3A_669] {strides = array<i32>} : memref<200x128xf32, #tpu.memory_space<vmem>>, vector<1x16xf32>,
        %swap3A_671 = vector.shape_cast %swap3A_670 : vector<1x16xf32> to vector<16xf32>
        %swap3A_672 = vector.shape_cast %get3A_667 : vector<16xf32> to vector<1x16xf32>
        tpu.vector_store %arg7[%swap3A_668, %swap3A_669], %swap3A_672 {add = true, strides = array<i32>} : memref<200x128xf32, #tpu.memory_space<vmem>>, vector<1x16xf32>,
        %add3A_673 = arith.constant 3 : i32
        %add3A_674 = arith.addi %mul3A_310, %add3A_673 : i32
        %add3A_675 = arith.constant 3 : i32
        %add3A_676 = arith.addi %mul3A_310, %add3A_675 : i32
        %get3A_677 = arith.index_cast %add3A_676 : i32 to index
        %get3A_678 = arith.constant 64 : index
        %get3A_679 = tpu.vector_load %arg6[%get3A_677, %get3A_678] {strides = array<i32>} : memref<200x128xf32, #tpu.memory_space<vmem>>, vector<1x16xf32>,
        %get3A_680 = vector.shape_cast %get3A_679 : vector<1x16xf32> to vector<16xf32>
        %swap3A_681 = arith.index_cast %add3A_674 : i32 to index
        %swap3A_682 = arith.constant 64 : index
        %swap3A_683 = tpu.vector_load %arg7[%swap3A_681, %swap3A_682] {strides = array<i32>} : memref<200x128xf32, #tpu.memory_space<vmem>>, vector<1x16xf32>,
        %swap3A_684 = vector.shape_cast %swap3A_683 : vector<1x16xf32> to vector<16xf32>
        %swap3A_685 = vector.shape_cast %get3A_680 : vector<16xf32> to vector<1x16xf32>
        tpu.vector_store %arg7[%swap3A_681, %swap3A_682], %swap3A_685 {add = true, strides = array<i32>} : memref<200x128xf32, #tpu.memory_space<vmem>>, vector<1x16xf32>,
        %add3A_686 = arith.constant 3 : i32
        %add3A_687 = arith.addi %mul3A_310, %add3A_686 : i32
        %add3A_688 = arith.constant 3 : i32
        %add3A_689 = arith.addi %mul3A_310, %add3A_688 : i32
        %get3A_690 = arith.index_cast %add3A_689 : i32 to index
        %get3A_691 = arith.constant 80 : index
        %get3A_692 = tpu.vector_load %arg6[%get3A_690, %get3A_691] {strides = array<i32>} : memref<200x128xf32, #tpu.memory_space<vmem>>, vector<1x16xf32>,
        %get3A_693 = vector.shape_cast %get3A_692 : vector<1x16xf32> to vector<16xf32>
        %swap3A_694 = arith.index_cast %add3A_687 : i32 to index
        %swap3A_695 = arith.constant 80 : index
        %swap3A_696 = tpu.vector_load %arg7[%swap3A_694, %swap3A_695] {strides = array<i32>} : memref<200x128xf32, #tpu.memory_space<vmem>>, vector<1x16xf32>,
        %swap3A_697 = vector.shape_cast %swap3A_696 : vector<1x16xf32> to vector<16xf32>
        %swap3A_698 = vector.shape_cast %get3A_693 : vector<16xf32> to vector<1x16xf32>
        tpu.vector_store %arg7[%swap3A_694, %swap3A_695], %swap3A_698 {add = true, strides = array<i32>} : memref<200x128xf32, #tpu.memory_space<vmem>>, vector<1x16xf32>,
        %add3A_699 = arith.constant 3 : i32
        %add3A_700 = arith.addi %mul3A_310, %add3A_699 : i32
        %add3A_701 = arith.constant 3 : i32
        %add3A_702 = arith.addi %mul3A_310, %add3A_701 : i32
        %get3A_703 = arith.index_cast %add3A_702 : i32 to index
        %get3A_704 = arith.constant 96 : index
        %get3A_705 = tpu.vector_load %arg6[%get3A_703, %get3A_704] {strides = array<i32>} : memref<200x128xf32, #tpu.memory_space<vmem>>, vector<1x16xf32>,
        %get3A_706 = vector.shape_cast %get3A_705 : vector<1x16xf32> to vector<16xf32>
        %swap3A_707 = arith.index_cast %add3A_700 : i32 to index
        %swap3A_708 = arith.constant 96 : index
        %swap3A_709 = tpu.vector_load %arg7[%swap3A_707, %swap3A_708] {strides = array<i32>} : memref<200x128xf32, #tpu.memory_space<vmem>>, vector<1x16xf32>,
        %swap3A_710 = vector.shape_cast %swap3A_709 : vector<1x16xf32> to vector<16xf32>
        %swap3A_711 = vector.shape_cast %get3A_706 : vector<16xf32> to vector<1x16xf32>
        tpu.vector_store %arg7[%swap3A_707, %swap3A_708], %swap3A_711 {add = true, strides = array<i32>} : memref<200x128xf32, #tpu.memory_space<vmem>>, vector<1x16xf32>,
        %add3A_712 = arith.constant 3 : i32
        %add3A_713 = arith.addi %mul3A_310, %add3A_712 : i32
        %add3A_714 = arith.constant 3 : i32
        %add3A_715 = arith.addi %mul3A_310, %add3A_714 : i32
        %get3A_716 = arith.index_cast %add3A_715 : i32 to index
        %get3A_717 = arith.constant 112 : index
        %get3A_718 = tpu.vector_load %arg6[%get3A_716, %get3A_717] {strides = array<i32>} : memref<200x128xf32, #tpu.memory_space<vmem>>, vector<1x16xf32>,
        %get3A_719 = vector.shape_cast %get3A_718 : vector<1x16xf32> to vector<16xf32>
        %swap3A_720 = arith.index_cast %add3A_713 : i32 to index
        %swap3A_721 = arith.constant 112 : index
        %swap3A_722 = tpu.vector_load %arg7[%swap3A_720, %swap3A_721] {strides = array<i32>} : memref<200x128xf32, #tpu.memory_space<vmem>>, vector<1x16xf32>,
        %swap3A_723 = vector.shape_cast %swap3A_722 : vector<1x16xf32> to vector<16xf32>
        %swap3A_724 = vector.shape_cast %get3A_719 : vector<16xf32> to vector<1x16xf32>
        tpu.vector_store %arg7[%swap3A_720, %swap3A_721], %swap3A_724 {add = true, strides = array<i32>} : memref<200x128xf32, #tpu.memory_space<vmem>>, vector<1x16xf32>,
        %add3A_725 = arith.constant 4 : i32
        %add3A_726 = arith.addi %mul3A_310, %add3A_725 : i32
        %add3A_727 = arith.constant 4 : i32
        %add3A_728 = arith.addi %mul3A_310, %add3A_727 : i32
        %get3A_729 = arith.index_cast %add3A_728 : i32 to index
        %get3A_730 = arith.constant 0 : index
        %get3A_731 = tpu.vector_load %arg6[%get3A_729, %get3A_730] {strides = array<i32>} : memref<200x128xf32, #tpu.memory_space<vmem>>, vector<1x16xf32>,
        %get3A_732 = vector.shape_cast %get3A_731 : vector<1x16xf32> to vector<16xf32>
        %swap3A_733 = arith.index_cast %add3A_726 : i32 to index
        %swap3A_734 = arith.constant 0 : index
        %swap3A_735 = tpu.vector_load %arg7[%swap3A_733, %swap3A_734] {strides = array<i32>} : memref<200x128xf32, #tpu.memory_space<vmem>>, vector<1x16xf32>,
        %swap3A_736 = vector.shape_cast %swap3A_735 : vector<1x16xf32> to vector<16xf32>
        %swap3A_737 = vector.shape_cast %get3A_732 : vector<16xf32> to vector<1x16xf32>
        tpu.vector_store %arg7[%swap3A_733, %swap3A_734], %swap3A_737 {add = true, strides = array<i32>} : memref<200x128xf32, #tpu.memory_space<vmem>>, vector<1x16xf32>,
        %add3A_738 = arith.constant 4 : i32
        %add3A_739 = arith.addi %mul3A_310, %add3A_738 : i32
        %add3A_740 = arith.constant 4 : i32
        %add3A_741 = arith.addi %mul3A_310, %add3A_740 : i32
        %get3A_742 = arith.index_cast %add3A_741 : i32 to index
        %get3A_743 = arith.constant 16 : index
        %get3A_744 = tpu.vector_load %arg6[%get3A_742, %get3A_743] {strides = array<i32>} : memref<200x128xf32, #tpu.memory_space<vmem>>, vector<1x16xf32>,
        %get3A_745 = vector.shape_cast %get3A_744 : vector<1x16xf32> to vector<16xf32>
        %swap3A_746 = arith.index_cast %add3A_739 : i32 to index
        %swap3A_747 = arith.constant 16 : index
        %swap3A_748 = tpu.vector_load %arg7[%swap3A_746, %swap3A_747] {strides = array<i32>} : memref<200x128xf32, #tpu.memory_space<vmem>>, vector<1x16xf32>,
        %swap3A_749 = vector.shape_cast %swap3A_748 : vector<1x16xf32> to vector<16xf32>
        %swap3A_750 = vector.shape_cast %get3A_745 : vector<16xf32> to vector<1x16xf32>
        tpu.vector_store %arg7[%swap3A_746, %swap3A_747], %swap3A_750 {add = true, strides = array<i32>} : memref<200x128xf32, #tpu.memory_space<vmem>>, vector<1x16xf32>,
        %add3A_751 = arith.constant 4 : i32
        %add3A_752 = arith.addi %mul3A_310, %add3A_751 : i32
        %add3A_753 = arith.constant 4 : i32
        %add3A_754 = arith.addi %mul3A_310, %add3A_753 : i32
        %get3A_755 = arith.index_cast %add3A_754 : i32 to index
        %get3A_756 = arith.constant 32 : index
        %get3A_757 = tpu.vector_load %arg6[%get3A_755, %get3A_756] {strides = array<i32>} : memref<200x128xf32, #tpu.memory_space<vmem>>, vector<1x16xf32>,
        %get3A_758 = vector.shape_cast %get3A_757 : vector<1x16xf32> to vector<16xf32>
        %swap3A_759 = arith.index_cast %add3A_752 : i32 to index
        %swap3A_760 = arith.constant 32 : index
        %swap3A_761 = tpu.vector_load %arg7[%swap3A_759, %swap3A_760] {strides = array<i32>} : memref<200x128xf32, #tpu.memory_space<vmem>>, vector<1x16xf32>,
        %swap3A_762 = vector.shape_cast %swap3A_761 : vector<1x16xf32> to vector<16xf32>
        %swap3A_763 = vector.shape_cast %get3A_758 : vector<16xf32> to vector<1x16xf32>
        tpu.vector_store %arg7[%swap3A_759, %swap3A_760], %swap3A_763 {add = true, strides = array<i32>} : memref<200x128xf32, #tpu.memory_space<vmem>>, vector<1x16xf32>,
        %add3A_764 = arith.constant 4 : i32
        %add3A_765 = arith.addi %mul3A_310, %add3A_764 : i32
        %add3A_766 = arith.constant 4 : i32
        %add3A_767 = arith.addi %mul3A_310, %add3A_766 : i32
        %get3A_768 = arith.index_cast %add3A_767 : i32 to index
        %get3A_769 = arith.constant 48 : index
        %get3A_770 = tpu.vector_load %arg6[%get3A_768, %get3A_769] {strides = array<i32>} : memref<200x128xf32, #tpu.memory_space<vmem>>, vector<1x16xf32>,
        %get3A_771 = vector.shape_cast %get3A_770 : vector<1x16xf32> to vector<16xf32>
        %swap3A_772 = arith.index_cast %add3A_765 : i32 to index
        %swap3A_773 = arith.constant 48 : index
        %swap3A_774 = tpu.vector_load %arg7[%swap3A_772, %swap3A_773] {strides = array<i32>} : memref<200x128xf32, #tpu.memory_space<vmem>>, vector<1x16xf32>,
        %swap3A_775 = vector.shape_cast %swap3A_774 : vector<1x16xf32> to vector<16xf32>
        %swap3A_776 = vector.shape_cast %get3A_771 : vector<16xf32> to vector<1x16xf32>
        tpu.vector_store %arg7[%swap3A_772, %swap3A_773], %swap3A_776 {add = true, strides = array<i32>} : memref<200x128xf32, #tpu.memory_space<vmem>>, vector<1x16xf32>,
        %add3A_777 = arith.constant 4 : i32
        %add3A_778 = arith.addi %mul3A_310, %add3A_777 : i32
        %add3A_779 = arith.constant 4 : i32
        %add3A_780 = arith.addi %mul3A_310, %add3A_779 : i32
        %get3A_781 = arith.index_cast %add3A_780 : i32 to index
        %get3A_782 = arith.constant 64 : index
        %get3A_783 = tpu.vector_load %arg6[%get3A_781, %get3A_782] {strides = array<i32>} : memref<200x128xf32, #tpu.memory_space<vmem>>, vector<1x16xf32>,
        %get3A_784 = vector.shape_cast %get3A_783 : vector<1x16xf32> to vector<16xf32>
        %swap3A_785 = arith.index_cast %add3A_778 : i32 to index
        %swap3A_786 = arith.constant 64 : index
        %swap3A_787 = tpu.vector_load %arg7[%swap3A_785, %swap3A_786] {strides = array<i32>} : memref<200x128xf32, #tpu.memory_space<vmem>>, vector<1x16xf32>,
        %swap3A_788 = vector.shape_cast %swap3A_787 : vector<1x16xf32> to vector<16xf32>
        %swap3A_789 = vector.shape_cast %get3A_784 : vector<16xf32> to vector<1x16xf32>
        tpu.vector_store %arg7[%swap3A_785, %swap3A_786], %swap3A_789 {add = true, strides = array<i32>} : memref<200x128xf32, #tpu.memory_space<vmem>>, vector<1x16xf32>,
        %add3A_790 = arith.constant 4 : i32
        %add3A_791 = arith.addi %mul3A_310, %add3A_790 : i32
        %add3A_792 = arith.constant 4 : i32
        %add3A_793 = arith.addi %mul3A_310, %add3A_792 : i32
        %get3A_794 = arith.index_cast %add3A_793 : i32 to index
        %get3A_795 = arith.constant 80 : index
        %get3A_796 = tpu.vector_load %arg6[%get3A_794, %get3A_795] {strides = array<i32>} : memref<200x128xf32, #tpu.memory_space<vmem>>, vector<1x16xf32>,
        %get3A_797 = vector.shape_cast %get3A_796 : vector<1x16xf32> to vector<16xf32>
        %swap3A_798 = arith.index_cast %add3A_791 : i32 to index
        %swap3A_799 = arith.constant 80 : index
        %swap3A_800 = tpu.vector_load %arg7[%swap3A_798, %swap3A_799] {strides = array<i32>} : memref<200x128xf32, #tpu.memory_space<vmem>>, vector<1x16xf32>,
        %swap3A_801 = vector.shape_cast %swap3A_800 : vector<1x16xf32> to vector<16xf32>
        %swap3A_802 = vector.shape_cast %get3A_797 : vector<16xf32> to vector<1x16xf32>
        tpu.vector_store %arg7[%swap3A_798, %swap3A_799], %swap3A_802 {add = true, strides = array<i32>} : memref<200x128xf32, #tpu.memory_space<vmem>>, vector<1x16xf32>,
        %add3A_803 = arith.constant 4 : i32
        %add3A_804 = arith.addi %mul3A_310, %add3A_803 : i32
        %add3A_805 = arith.constant 4 : i32
        %add3A_806 = arith.addi %mul3A_310, %add3A_805 : i32
        %get3A_807 = arith.index_cast %add3A_806 : i32 to index
        %get3A_808 = arith.constant 96 : index
        %get3A_809 = tpu.vector_load %arg6[%get3A_807, %get3A_808] {strides = array<i32>} : memref<200x128xf32, #tpu.memory_space<vmem>>, vector<1x16xf32>,
        %get3A_810 = vector.shape_cast %get3A_809 : vector<1x16xf32> to vector<16xf32>
        %swap3A_811 = arith.index_cast %add3A_804 : i32 to index
        %swap3A_812 = arith.constant 96 : index
        %swap3A_813 = tpu.vector_load %arg7[%swap3A_811, %swap3A_812] {strides = array<i32>} : memref<200x128xf32, #tpu.memory_space<vmem>>, vector<1x16xf32>,
        %swap3A_814 = vector.shape_cast %swap3A_813 : vector<1x16xf32> to vector<16xf32>
        %swap3A_815 = vector.shape_cast %get3A_810 : vector<16xf32> to vector<1x16xf32>
        tpu.vector_store %arg7[%swap3A_811, %swap3A_812], %swap3A_815 {add = true, strides = array<i32>} : memref<200x128xf32, #tpu.memory_space<vmem>>, vector<1x16xf32>,
        %add3A_816 = arith.constant 4 : i32
        %add3A_817 = arith.addi %mul3A_310, %add3A_816 : i32
        %add3A_818 = arith.constant 4 : i32
        %add3A_819 = arith.addi %mul3A_310, %add3A_818 : i32
        %get3A_820 = arith.index_cast %add3A_819 : i32 to index
        %get3A_821 = arith.constant 112 : index
        %get3A_822 = tpu.vector_load %arg6[%get3A_820, %get3A_821] {strides = array<i32>} : memref<200x128xf32, #tpu.memory_space<vmem>>, vector<1x16xf32>,
        %get3A_823 = vector.shape_cast %get3A_822 : vector<1x16xf32> to vector<16xf32>
        %swap3A_824 = arith.index_cast %add3A_817 : i32 to index
        %swap3A_825 = arith.constant 112 : index
        %swap3A_826 = tpu.vector_load %arg7[%swap3A_824, %swap3A_825] {strides = array<i32>} : memref<200x128xf32, #tpu.memory_space<vmem>>, vector<1x16xf32>,
        %swap3A_827 = vector.shape_cast %swap3A_826 : vector<1x16xf32> to vector<16xf32>
        %swap3A_828 = vector.shape_cast %get3A_823 : vector<16xf32> to vector<1x16xf32>
        tpu.vector_store %arg7[%swap3A_824, %swap3A_825], %swap3A_828 {add = true, strides = array<i32>} : memref<200x128xf32, #tpu.memory_space<vmem>>, vector<1x16xf32>,
        %add3A_829 = arith.constant 5 : i32
        %add3A_830 = arith.addi %mul3A_310, %add3A_829 : i32
        %add3A_831 = arith.constant 5 : i32
        %add3A_832 = arith.addi %mul3A_310, %add3A_831 : i32
        %get3A_833 = arith.index_cast %add3A_832 : i32 to index
        %get3A_834 = arith.constant 0 : index
        %get3A_835 = tpu.vector_load %arg6[%get3A_833, %get3A_834] {strides = array<i32>} : memref<200x128xf32, #tpu.memory_space<vmem>>, vector<1x16xf32>,
        %get3A_836 = vector.shape_cast %get3A_835 : vector<1x16xf32> to vector<16xf32>
        %swap3A_837 = arith.index_cast %add3A_830 : i32 to index
        %swap3A_838 = arith.constant 0 : index
        %swap3A_839 = tpu.vector_load %arg7[%swap3A_837, %swap3A_838] {strides = array<i32>} : memref<200x128xf32, #tpu.memory_space<vmem>>, vector<1x16xf32>,
        %swap3A_840 = vector.shape_cast %swap3A_839 : vector<1x16xf32> to vector<16xf32>
        %swap3A_841 = vector.shape_cast %get3A_836 : vector<16xf32> to vector<1x16xf32>
        tpu.vector_store %arg7[%swap3A_837, %swap3A_838], %swap3A_841 {add = true, strides = array<i32>} : memref<200x128xf32, #tpu.memory_space<vmem>>, vector<1x16xf32>,
        %add3A_842 = arith.constant 5 : i32
        %add3A_843 = arith.addi %mul3A_310, %add3A_842 : i32
        %add3A_844 = arith.constant 5 : i32
        %add3A_845 = arith.addi %mul3A_310, %add3A_844 : i32
        %get3A_846 = arith.index_cast %add3A_845 : i32 to index
        %get3A_847 = arith.constant 16 : index
        %get3A_848 = tpu.vector_load %arg6[%get3A_846, %get3A_847] {strides = array<i32>} : memref<200x128xf32, #tpu.memory_space<vmem>>, vector<1x16xf32>,
        %get3A_849 = vector.shape_cast %get3A_848 : vector<1x16xf32> to vector<16xf32>
        %swap3A_850 = arith.index_cast %add3A_843 : i32 to index
        %swap3A_851 = arith.constant 16 : index
        %swap3A_852 = tpu.vector_load %arg7[%swap3A_850, %swap3A_851] {strides = array<i32>} : memref<200x128xf32, #tpu.memory_space<vmem>>, vector<1x16xf32>,
        %swap3A_853 = vector.shape_cast %swap3A_852 : vector<1x16xf32> to vector<16xf32>
        %swap3A_854 = vector.shape_cast %get3A_849 : vector<16xf32> to vector<1x16xf32>
        tpu.vector_store %arg7[%swap3A_850, %swap3A_851], %swap3A_854 {add = true, strides = array<i32>} : memref<200x128xf32, #tpu.memory_space<vmem>>, vector<1x16xf32>,
        %add3A_855 = arith.constant 5 : i32
        %add3A_856 = arith.addi %mul3A_310, %add3A_855 : i32
        %add3A_857 = arith.constant 5 : i32
        %add3A_858 = arith.addi %mul3A_310, %add3A_857 : i32
        %get3A_859 = arith.index_cast %add3A_858 : i32 to index
        %get3A_860 = arith.constant 32 : index
        %get3A_861 = tpu.vector_load %arg6[%get3A_859, %get3A_860] {strides = array<i32>} : memref<200x128xf32, #tpu.memory_space<vmem>>, vector<1x16xf32>,
        %get3A_862 = vector.shape_cast %get3A_861 : vector<1x16xf32> to vector<16xf32>
        %swap3A_863 = arith.index_cast %add3A_856 : i32 to index
        %swap3A_864 = arith.constant 32 : index
        %swap3A_865 = tpu.vector_load %arg7[%swap3A_863, %swap3A_864] {strides = array<i32>} : memref<200x128xf32, #tpu.memory_space<vmem>>, vector<1x16xf32>,
        %swap3A_866 = vector.shape_cast %swap3A_865 : vector<1x16xf32> to vector<16xf32>
        %swap3A_867 = vector.shape_cast %get3A_862 : vector<16xf32> to vector<1x16xf32>
        tpu.vector_store %arg7[%swap3A_863, %swap3A_864], %swap3A_867 {add = true, strides = array<i32>} : memref<200x128xf32, #tpu.memory_space<vmem>>, vector<1x16xf32>,
        %add3A_868 = arith.constant 5 : i32
        %add3A_869 = arith.addi %mul3A_310, %add3A_868 : i32
        %add3A_870 = arith.constant 5 : i32
        %add3A_871 = arith.addi %mul3A_310, %add3A_870 : i32
        %get3A_872 = arith.index_cast %add3A_871 : i32 to index
        %get3A_873 = arith.constant 48 : index
        %get3A_874 = tpu.vector_load %arg6[%get3A_872, %get3A_873] {strides = array<i32>} : memref<200x128xf32, #tpu.memory_space<vmem>>, vector<1x16xf32>,
        %get3A_875 = vector.shape_cast %get3A_874 : vector<1x16xf32> to vector<16xf32>
        %swap3A_876 = arith.index_cast %add3A_869 : i32 to index
        %swap3A_877 = arith.constant 48 : index
        %swap3A_878 = tpu.vector_load %arg7[%swap3A_876, %swap3A_877] {strides = array<i32>} : memref<200x128xf32, #tpu.memory_space<vmem>>, vector<1x16xf32>,
        %swap3A_879 = vector.shape_cast %swap3A_878 : vector<1x16xf32> to vector<16xf32>
        %swap3A_880 = vector.shape_cast %get3A_875 : vector<16xf32> to vector<1x16xf32>
        tpu.vector_store %arg7[%swap3A_876, %swap3A_877], %swap3A_880 {add = true, strides = array<i32>} : memref<200x128xf32, #tpu.memory_space<vmem>>, vector<1x16xf32>,
        %add3A_881 = arith.constant 5 : i32
        %add3A_882 = arith.addi %mul3A_310, %add3A_881 : i32
        %add3A_883 = arith.constant 5 : i32
        %add3A_884 = arith.addi %mul3A_310, %add3A_883 : i32
        %get3A_885 = arith.index_cast %add3A_884 : i32 to index
        %get3A_886 = arith.constant 64 : index
        %get3A_887 = tpu.vector_load %arg6[%get3A_885, %get3A_886] {strides = array<i32>} : memref<200x128xf32, #tpu.memory_space<vmem>>, vector<1x16xf32>,
        %get3A_888 = vector.shape_cast %get3A_887 : vector<1x16xf32> to vector<16xf32>
        %swap3A_889 = arith.index_cast %add3A_882 : i32 to index
        %swap3A_890 = arith.constant 64 : index
        %swap3A_891 = tpu.vector_load %arg7[%swap3A_889, %swap3A_890] {strides = array<i32>} : memref<200x128xf32, #tpu.memory_space<vmem>>, vector<1x16xf32>,
        %swap3A_892 = vector.shape_cast %swap3A_891 : vector<1x16xf32> to vector<16xf32>
        %swap3A_893 = vector.shape_cast %get3A_888 : vector<16xf32> to vector<1x16xf32>
        tpu.vector_store %arg7[%swap3A_889, %swap3A_890], %swap3A_893 {add = true, strides = array<i32>} : memref<200x128xf32, #tpu.memory_space<vmem>>, vector<1x16xf32>,
        %add3A_894 = arith.constant 5 : i32
        %add3A_895 = arith.addi %mul3A_310, %add3A_894 : i32
        %add3A_896 = arith.constant 5 : i32
        %add3A_897 = arith.addi %mul3A_310, %add3A_896 : i32
        %get3A_898 = arith.index_cast %add3A_897 : i32 to index
        %get3A_899 = arith.constant 80 : index
        %get3A_900 = tpu.vector_load %arg6[%get3A_898, %get3A_899] {strides = array<i32>} : memref<200x128xf32, #tpu.memory_space<vmem>>, vector<1x16xf32>,
        %get3A_901 = vector.shape_cast %get3A_900 : vector<1x16xf32> to vector<16xf32>
        %swap3A_902 = arith.index_cast %add3A_895 : i32 to index
        %swap3A_903 = arith.constant 80 : index
        %swap3A_904 = tpu.vector_load %arg7[%swap3A_902, %swap3A_903] {strides = array<i32>} : memref<200x128xf32, #tpu.memory_space<vmem>>, vector<1x16xf32>,
        %swap3A_905 = vector.shape_cast %swap3A_904 : vector<1x16xf32> to vector<16xf32>
        %swap3A_906 = vector.shape_cast %get3A_901 : vector<16xf32> to vector<1x16xf32>
        tpu.vector_store %arg7[%swap3A_902, %swap3A_903], %swap3A_906 {add = true, strides = array<i32>} : memref<200x128xf32, #tpu.memory_space<vmem>>, vector<1x16xf32>,
        %add3A_907 = arith.constant 5 : i32
        %add3A_908 = arith.addi %mul3A_310, %add3A_907 : i32
        %add3A_909 = arith.constant 5 : i32
        %add3A_910 = arith.addi %mul3A_310, %add3A_909 : i32
        %get3A_911 = arith.index_cast %add3A_910 : i32 to index
        %get3A_912 = arith.constant 96 : index
        %get3A_913 = tpu.vector_load %arg6[%get3A_911, %get3A_912] {strides = array<i32>} : memref<200x128xf32, #tpu.memory_space<vmem>>, vector<1x16xf32>,
        %get3A_914 = vector.shape_cast %get3A_913 : vector<1x16xf32> to vector<16xf32>
        %swap3A_915 = arith.index_cast %add3A_908 : i32 to index
        %swap3A_916 = arith.constant 96 : index
        %swap3A_917 = tpu.vector_load %arg7[%swap3A_915, %swap3A_916] {strides = array<i32>} : memref<200x128xf32, #tpu.memory_space<vmem>>, vector<1x16xf32>,
        %swap3A_918 = vector.shape_cast %swap3A_917 : vector<1x16xf32> to vector<16xf32>
        %swap3A_919 = vector.shape_cast %get3A_914 : vector<16xf32> to vector<1x16xf32>
        tpu.vector_store %arg7[%swap3A_915, %swap3A_916], %swap3A_919 {add = true, strides = array<i32>} : memref<200x128xf32, #tpu.memory_space<vmem>>, vector<1x16xf32>,
        %add3A_920 = arith.constant 5 : i32
        %add3A_921 = arith.addi %mul3A_310, %add3A_920 : i32
        %add3A_922 = arith.constant 5 : i32
        %add3A_923 = arith.addi %mul3A_310, %add3A_922 : i32
        %get3A_924 = arith.index_cast %add3A_923 : i32 to index
        %get3A_925 = arith.constant 112 : index
        %get3A_926 = tpu.vector_load %arg6[%get3A_924, %get3A_925] {strides = array<i32>} : memref<200x128xf32, #tpu.memory_space<vmem>>, vector<1x16xf32>,
        %get3A_927 = vector.shape_cast %get3A_926 : vector<1x16xf32> to vector<16xf32>
        %swap3A_928 = arith.index_cast %add3A_921 : i32 to index
        %swap3A_929 = arith.constant 112 : index
        %swap3A_930 = tpu.vector_load %arg7[%swap3A_928, %swap3A_929] {strides = array<i32>} : memref<200x128xf32, #tpu.memory_space<vmem>>, vector<1x16xf32>,
        %swap3A_931 = vector.shape_cast %swap3A_930 : vector<1x16xf32> to vector<16xf32>
        %swap3A_932 = vector.shape_cast %get3A_927 : vector<16xf32> to vector<1x16xf32>
        tpu.vector_store %arg7[%swap3A_928, %swap3A_929], %swap3A_932 {add = true, strides = array<i32>} : memref<200x128xf32, #tpu.memory_space<vmem>>, vector<1x16xf32>,
        %add3A_933 = arith.constant 6 : i32
        %add3A_934 = arith.addi %mul3A_310, %add3A_933 : i32
        %add3A_935 = arith.constant 6 : i32
        %add3A_936 = arith.addi %mul3A_310, %add3A_935 : i32
        %get3A_937 = arith.index_cast %add3A_936 : i32 to index
        %get3A_938 = arith.constant 0 : index
        %get3A_939 = tpu.vector_load %arg6[%get3A_937, %get3A_938] {strides = array<i32>} : memref<200x128xf32, #tpu.memory_space<vmem>>, vector<1x16xf32>,
        %get3A_940 = vector.shape_cast %get3A_939 : vector<1x16xf32> to vector<16xf32>
        %swap3A_941 = arith.index_cast %add3A_934 : i32 to index
        %swap3A_942 = arith.constant 0 : index
        %swap3A_943 = tpu.vector_load %arg7[%swap3A_941, %swap3A_942] {strides = array<i32>} : memref<200x128xf32, #tpu.memory_space<vmem>>, vector<1x16xf32>,
        %swap3A_944 = vector.shape_cast %swap3A_943 : vector<1x16xf32> to vector<16xf32>
        %swap3A_945 = vector.shape_cast %get3A_940 : vector<16xf32> to vector<1x16xf32>
        tpu.vector_store %arg7[%swap3A_941, %swap3A_942], %swap3A_945 {add = true, strides = array<i32>} : memref<200x128xf32, #tpu.memory_space<vmem>>, vector<1x16xf32>,
        %add3A_946 = arith.constant 6 : i32
        %add3A_947 = arith.addi %mul3A_310, %add3A_946 : i32
        %add3A_948 = arith.constant 6 : i32
        %add3A_949 = arith.addi %mul3A_310, %add3A_948 : i32
        %get3A_950 = arith.index_cast %add3A_949 : i32 to index
        %get3A_951 = arith.constant 16 : index
        %get3A_952 = tpu.vector_load %arg6[%get3A_950, %get3A_951] {strides = array<i32>} : memref<200x128xf32, #tpu.memory_space<vmem>>, vector<1x16xf32>,
        %get3A_953 = vector.shape_cast %get3A_952 : vector<1x16xf32> to vector<16xf32>
        %swap3A_954 = arith.index_cast %add3A_947 : i32 to index
        %swap3A_955 = arith.constant 16 : index
        %swap3A_956 = tpu.vector_load %arg7[%swap3A_954, %swap3A_955] {strides = array<i32>} : memref<200x128xf32, #tpu.memory_space<vmem>>, vector<1x16xf32>,
        %swap3A_957 = vector.shape_cast %swap3A_956 : vector<1x16xf32> to vector<16xf32>
        %swap3A_958 = vector.shape_cast %get3A_953 : vector<16xf32> to vector<1x16xf32>
        tpu.vector_store %arg7[%swap3A_954, %swap3A_955], %swap3A_958 {add = true, strides = array<i32>} : memref<200x128xf32, #tpu.memory_space<vmem>>, vector<1x16xf32>,
        %add3A_959 = arith.constant 6 : i32
        %add3A_960 = arith.addi %mul3A_310, %add3A_959 : i32
        %add3A_961 = arith.constant 6 : i32
        %add3A_962 = arith.addi %mul3A_310, %add3A_961 : i32
        %get3A_963 = arith.index_cast %add3A_962 : i32 to index
        %get3A_964 = arith.constant 32 : index
        %get3A_965 = tpu.vector_load %arg6[%get3A_963, %get3A_964] {strides = array<i32>} : memref<200x128xf32, #tpu.memory_space<vmem>>, vector<1x16xf32>,
        %get3A_966 = vector.shape_cast %get3A_965 : vector<1x16xf32> to vector<16xf32>
        %swap3A_967 = arith.index_cast %add3A_960 : i32 to index
        %swap3A_968 = arith.constant 32 : index
        %swap3A_969 = tpu.vector_load %arg7[%swap3A_967, %swap3A_968] {strides = array<i32>} : memref<200x128xf32, #tpu.memory_space<vmem>>, vector<1x16xf32>,
        %swap3A_970 = vector.shape_cast %swap3A_969 : vector<1x16xf32> to vector<16xf32>
        %swap3A_971 = vector.shape_cast %get3A_966 : vector<16xf32> to vector<1x16xf32>
        tpu.vector_store %arg7[%swap3A_967, %swap3A_968], %swap3A_971 {add = true, strides = array<i32>} : memref<200x128xf32, #tpu.memory_space<vmem>>, vector<1x16xf32>,
        %add3A_972 = arith.constant 6 : i32
        %add3A_973 = arith.addi %mul3A_310, %add3A_972 : i32
        %add3A_974 = arith.constant 6 : i32
        %add3A_975 = arith.addi %mul3A_310, %add3A_974 : i32
        %get3A_976 = arith.index_cast %add3A_975 : i32 to index
        %get3A_977 = arith.constant 48 : index
        %get3A_978 = tpu.vector_load %arg6[%get3A_976, %get3A_977] {strides = array<i32>} : memref<200x128xf32, #tpu.memory_space<vmem>>, vector<1x16xf32>,
        %get3A_979 = vector.shape_cast %get3A_978 : vector<1x16xf32> to vector<16xf32>
        %swap3A_980 = arith.index_cast %add3A_973 : i32 to index
        %swap3A_981 = arith.constant 48 : index
        %swap3A_982 = tpu.vector_load %arg7[%swap3A_980, %swap3A_981] {strides = array<i32>} : memref<200x128xf32, #tpu.memory_space<vmem>>, vector<1x16xf32>,
        %swap3A_983 = vector.shape_cast %swap3A_982 : vector<1x16xf32> to vector<16xf32>
        %swap3A_984 = vector.shape_cast %get3A_979 : vector<16xf32> to vector<1x16xf32>
        tpu.vector_store %arg7[%swap3A_980, %swap3A_981], %swap3A_984 {add = true, strides = array<i32>} : memref<200x128xf32, #tpu.memory_space<vmem>>, vector<1x16xf32>,
        %add3A_985 = arith.constant 6 : i32
        %add3A_986 = arith.addi %mul3A_310, %add3A_985 : i32
        %add3A_987 = arith.constant 6 : i32
        %add3A_988 = arith.addi %mul3A_310, %add3A_987 : i32
        %get3A_989 = arith.index_cast %add3A_988 : i32 to index
        %get3A_990 = arith.constant 64 : index
        %get3A_991 = tpu.vector_load %arg6[%get3A_989, %get3A_990] {strides = array<i32>} : memref<200x128xf32, #tpu.memory_space<vmem>>, vector<1x16xf32>,
        %get3A_992 = vector.shape_cast %get3A_991 : vector<1x16xf32> to vector<16xf32>
        %swap3A_993 = arith.index_cast %add3A_986 : i32 to index
        %swap3A_994 = arith.constant 64 : index
        %swap3A_995 = tpu.vector_load %arg7[%swap3A_993, %swap3A_994] {strides = array<i32>} : memref<200x128xf32, #tpu.memory_space<vmem>>, vector<1x16xf32>,
        %swap3A_996 = vector.shape_cast %swap3A_995 : vector<1x16xf32> to vector<16xf32>
        %swap3A_997 = vector.shape_cast %get3A_992 : vector<16xf32> to vector<1x16xf32>
        tpu.vector_store %arg7[%swap3A_993, %swap3A_994], %swap3A_997 {add = true, strides = array<i32>} : memref<200x128xf32, #tpu.memory_space<vmem>>, vector<1x16xf32>,
        %add3A_998 = arith.constant 6 : i32
        %add3A_999 = arith.addi %mul3A_310, %add3A_998 : i32
        %add3A_1000 = arith.constant 6 : i32
        %add3A_1001 = arith.addi %mul3A_310, %add3A_1000 : i32
        %get3A_1002 = arith.index_cast %add3A_1001 : i32 to index
        %get3A_1003 = arith.constant 80 : index
        %get3A_1004 = tpu.vector_load %arg6[%get3A_1002, %get3A_1003] {strides = array<i32>} : memref<200x128xf32, #tpu.memory_space<vmem>>, vector<1x16xf32>,
        %get3A_1005 = vector.shape_cast %get3A_1004 : vector<1x16xf32> to vector<16xf32>
        %swap3A_1006 = arith.index_cast %add3A_999 : i32 to index
        %swap3A_1007 = arith.constant 80 : index
        %swap3A_1008 = tpu.vector_load %arg7[%swap3A_1006, %swap3A_1007] {strides = array<i32>} : memref<200x128xf32, #tpu.memory_space<vmem>>, vector<1x16xf32>,
        %swap3A_1009 = vector.shape_cast %swap3A_1008 : vector<1x16xf32> to vector<16xf32>
        %swap3A_1010 = vector.shape_cast %get3A_1005 : vector<16xf32> to vector<1x16xf32>
        tpu.vector_store %arg7[%swap3A_1006, %swap3A_1007], %swap3A_1010 {add = true, strides = array<i32>} : memref<200x128xf32, #tpu.memory_space<vmem>>, vector<1x16xf32>,
        %add3A_1011 = arith.constant 6 : i32
        %add3A_1012 = arith.addi %mul3A_310, %add3A_1011 : i32
        %add3A_1013 = arith.constant 6 : i32
        %add3A_1014 = arith.addi %mul3A_310, %add3A_1013 : i32
        %get3A_1015 = arith.index_cast %add3A_1014 : i32 to index
        %get3A_1016 = arith.constant 96 : index
        %get3A_1017 = tpu.vector_load %arg6[%get3A_1015, %get3A_1016] {strides = array<i32>} : memref<200x128xf32, #tpu.memory_space<vmem>>, vector<1x16xf32>,
        %get3A_1018 = vector.shape_cast %get3A_1017 : vector<1x16xf32> to vector<16xf32>
        %swap3A_1019 = arith.index_cast %add3A_1012 : i32 to index
        %swap3A_1020 = arith.constant 96 : index
        %swap3A_1021 = tpu.vector_load %arg7[%swap3A_1019, %swap3A_1020] {strides = array<i32>} : memref<200x128xf32, #tpu.memory_space<vmem>>, vector<1x16xf32>,
        %swap3A_1022 = vector.shape_cast %swap3A_1021 : vector<1x16xf32> to vector<16xf32>
        %swap3A_1023 = vector.shape_cast %get3A_1018 : vector<16xf32> to vector<1x16xf32>
        tpu.vector_store %arg7[%swap3A_1019, %swap3A_1020], %swap3A_1023 {add = true, strides = array<i32>} : memref<200x128xf32, #tpu.memory_space<vmem>>, vector<1x16xf32>,
        %add3A_1024 = arith.constant 6 : i32
        %add3A_1025 = arith.addi %mul3A_310, %add3A_1024 : i32
        %add3A_1026 = arith.constant 6 : i32
        %add3A_1027 = arith.addi %mul3A_310, %add3A_1026 : i32
        %get3A_1028 = arith.index_cast %add3A_1027 : i32 to index
        %get3A_1029 = arith.constant 112 : index
        %get3A_1030 = tpu.vector_load %arg6[%get3A_1028, %get3A_1029] {strides = array<i32>} : memref<200x128xf32, #tpu.memory_space<vmem>>, vector<1x16xf32>,
        %get3A_1031 = vector.shape_cast %get3A_1030 : vector<1x16xf32> to vector<16xf32>
        %swap3A_1032 = arith.index_cast %add3A_1025 : i32 to index
        %swap3A_1033 = arith.constant 112 : index
        %swap3A_1034 = tpu.vector_load %arg7[%swap3A_1032, %swap3A_1033] {strides = array<i32>} : memref<200x128xf32, #tpu.memory_space<vmem>>, vector<1x16xf32>,
        %swap3A_1035 = vector.shape_cast %swap3A_1034 : vector<1x16xf32> to vector<16xf32>
        %swap3A_1036 = vector.shape_cast %get3A_1031 : vector<16xf32> to vector<1x16xf32>
        tpu.vector_store %arg7[%swap3A_1032, %swap3A_1033], %swap3A_1036 {add = true, strides = array<i32>} : memref<200x128xf32, #tpu.memory_space<vmem>>, vector<1x16xf32>,
        %add3A_1037 = arith.constant 7 : i32
        %add3A_1038 = arith.addi %mul3A_310, %add3A_1037 : i32
        %add3A_1039 = arith.constant 7 : i32
        %add3A_1040 = arith.addi %mul3A_310, %add3A_1039 : i32
        %get3A_1041 = arith.index_cast %add3A_1040 : i32 to index
        %get3A_1042 = arith.constant 0 : index
        %get3A_1043 = tpu.vector_load %arg6[%get3A_1041, %get3A_1042] {strides = array<i32>} : memref<200x128xf32, #tpu.memory_space<vmem>>, vector<1x16xf32>,
        %get3A_1044 = vector.shape_cast %get3A_1043 : vector<1x16xf32> to vector<16xf32>
        %swap3A_1045 = arith.index_cast %add3A_1038 : i32 to index
        %swap3A_1046 = arith.constant 0 : index
        %swap3A_1047 = tpu.vector_load %arg7[%swap3A_1045, %swap3A_1046] {strides = array<i32>} : memref<200x128xf32, #tpu.memory_space<vmem>>, vector<1x16xf32>,
        %swap3A_1048 = vector.shape_cast %swap3A_1047 : vector<1x16xf32> to vector<16xf32>
        %swap3A_1049 = vector.shape_cast %get3A_1044 : vector<16xf32> to vector<1x16xf32>
        tpu.vector_store %arg7[%swap3A_1045, %swap3A_1046], %swap3A_1049 {add = true, strides = array<i32>} : memref<200x128xf32, #tpu.memory_space<vmem>>, vector<1x16xf32>,
        %add3A_1050 = arith.constant 7 : i32
        %add3A_1051 = arith.addi %mul3A_310, %add3A_1050 : i32
        %add3A_1052 = arith.constant 7 : i32
        %add3A_1053 = arith.addi %mul3A_310, %add3A_1052 : i32
        %get3A_1054 = arith.index_cast %add3A_1053 : i32 to index
        %get3A_1055 = arith.constant 16 : index
        %get3A_1056 = tpu.vector_load %arg6[%get3A_1054, %get3A_1055] {strides = array<i32>} : memref<200x128xf32, #tpu.memory_space<vmem>>, vector<1x16xf32>,
        %get3A_1057 = vector.shape_cast %get3A_1056 : vector<1x16xf32> to vector<16xf32>
        %swap3A_1058 = arith.index_cast %add3A_1051 : i32 to index
        %swap3A_1059 = arith.constant 16 : index
        %swap3A_1060 = tpu.vector_load %arg7[%swap3A_1058, %swap3A_1059] {strides = array<i32>} : memref<200x128xf32, #tpu.memory_space<vmem>>, vector<1x16xf32>,
        %swap3A_1061 = vector.shape_cast %swap3A_1060 : vector<1x16xf32> to vector<16xf32>
        %swap3A_1062 = vector.shape_cast %get3A_1057 : vector<16xf32> to vector<1x16xf32>
        tpu.vector_store %arg7[%swap3A_1058, %swap3A_1059], %swap3A_1062 {add = true, strides = array<i32>} : memref<200x128xf32, #tpu.memory_space<vmem>>, vector<1x16xf32>,
        %add3A_1063 = arith.constant 7 : i32
        %add3A_1064 = arith.addi %mul3A_310, %add3A_1063 : i32
        %add3A_1065 = arith.constant 7 : i32
        %add3A_1066 = arith.addi %mul3A_310, %add3A_1065 : i32
        %get3A_1067 = arith.index_cast %add3A_1066 : i32 to index
        %get3A_1068 = arith.constant 32 : index
        %get3A_1069 = tpu.vector_load %arg6[%get3A_1067, %get3A_1068] {strides = array<i32>} : memref<200x128xf32, #tpu.memory_space<vmem>>, vector<1x16xf32>,
        %get3A_1070 = vector.shape_cast %get3A_1069 : vector<1x16xf32> to vector<16xf32>
        %swap3A_1071 = arith.index_cast %add3A_1064 : i32 to index
        %swap3A_1072 = arith.constant 32 : index
        %swap3A_1073 = tpu.vector_load %arg7[%swap3A_1071, %swap3A_1072] {strides = array<i32>} : memref<200x128xf32, #tpu.memory_space<vmem>>, vector<1x16xf32>,
        %swap3A_1074 = vector.shape_cast %swap3A_1073 : vector<1x16xf32> to vector<16xf32>
        %swap3A_1075 = vector.shape_cast %get3A_1070 : vector<16xf32> to vector<1x16xf32>
        tpu.vector_store %arg7[%swap3A_1071, %swap3A_1072], %swap3A_1075 {add = true, strides = array<i32>} : memref<200x128xf32, #tpu.memory_space<vmem>>, vector<1x16xf32>,
        %add3A_1076 = arith.constant 7 : i32
        %add3A_1077 = arith.addi %mul3A_310, %add3A_1076 : i32
        %add3A_1078 = arith.constant 7 : i32
        %add3A_1079 = arith.addi %mul3A_310, %add3A_1078 : i32
        %get3A_1080 = arith.index_cast %add3A_1079 : i32 to index
        %get3A_1081 = arith.constant 48 : index
        %get3A_1082 = tpu.vector_load %arg6[%get3A_1080, %get3A_1081] {strides = array<i32>} : memref<200x128xf32, #tpu.memory_space<vmem>>, vector<1x16xf32>,
        %get3A_1083 = vector.shape_cast %get3A_1082 : vector<1x16xf32> to vector<16xf32>
        %swap3A_1084 = arith.index_cast %add3A_1077 : i32 to index
        %swap3A_1085 = arith.constant 48 : index
        %swap3A_1086 = tpu.vector_load %arg7[%swap3A_1084, %swap3A_1085] {strides = array<i32>} : memref<200x128xf32, #tpu.memory_space<vmem>>, vector<1x16xf32>,
        %swap3A_1087 = vector.shape_cast %swap3A_1086 : vector<1x16xf32> to vector<16xf32>
        %swap3A_1088 = vector.shape_cast %get3A_1083 : vector<16xf32> to vector<1x16xf32>
        tpu.vector_store %arg7[%swap3A_1084, %swap3A_1085], %swap3A_1088 {add = true, strides = array<i32>} : memref<200x128xf32, #tpu.memory_space<vmem>>, vector<1x16xf32>,
        %add3A_1089 = arith.constant 7 : i32
        %add3A_1090 = arith.addi %mul3A_310, %add3A_1089 : i32
        %add3A_1091 = arith.constant 7 : i32
        %add3A_1092 = arith.addi %mul3A_310, %add3A_1091 : i32
        %get3A_1093 = arith.index_cast %add3A_1092 : i32 to index
        %get3A_1094 = arith.constant 64 : index
        %get3A_1095 = tpu.vector_load %arg6[%get3A_1093, %get3A_1094] {strides = array<i32>} : memref<200x128xf32, #tpu.memory_space<vmem>>, vector<1x16xf32>,
        %get3A_1096 = vector.shape_cast %get3A_1095 : vector<1x16xf32> to vector<16xf32>
        %swap3A_1097 = arith.index_cast %add3A_1090 : i32 to index
        %swap3A_1098 = arith.constant 64 : index
        %swap3A_1099 = tpu.vector_load %arg7[%swap3A_1097, %swap3A_1098] {strides = array<i32>} : memref<200x128xf32, #tpu.memory_space<vmem>>, vector<1x16xf32>,
        %swap3A_1100 = vector.shape_cast %swap3A_1099 : vector<1x16xf32> to vector<16xf32>
        %swap3A_1101 = vector.shape_cast %get3A_1096 : vector<16xf32> to vector<1x16xf32>
        tpu.vector_store %arg7[%swap3A_1097, %swap3A_1098], %swap3A_1101 {add = true, strides = array<i32>} : memref<200x128xf32, #tpu.memory_space<vmem>>, vector<1x16xf32>,
        %add3A_1102 = arith.constant 7 : i32
        %add3A_1103 = arith.addi %mul3A_310, %add3A_1102 : i32
        %add3A_1104 = arith.constant 7 : i32
        %add3A_1105 = arith.addi %mul3A_310, %add3A_1104 : i32
        %get3A_1106 = arith.index_cast %add3A_1105 : i32 to index
        %get3A_1107 = arith.constant 80 : index
        %get3A_1108 = tpu.vector_load %arg6[%get3A_1106, %get3A_1107] {strides = array<i32>} : memref<200x128xf32, #tpu.memory_space<vmem>>, vector<1x16xf32>,
        %get3A_1109 = vector.shape_cast %get3A_1108 : vector<1x16xf32> to vector<16xf32>
        %swap3A_1110 = arith.index_cast %add3A_1103 : i32 to index
        %swap3A_1111 = arith.constant 80 : index
        %swap3A_1112 = tpu.vector_load %arg7[%swap3A_1110, %swap3A_1111] {strides = array<i32>} : memref<200x128xf32, #tpu.memory_space<vmem>>, vector<1x16xf32>,
        %swap3A_1113 = vector.shape_cast %swap3A_1112 : vector<1x16xf32> to vector<16xf32>
        %swap3A_1114 = vector.shape_cast %get3A_1109 : vector<16xf32> to vector<1x16xf32>
        tpu.vector_store %arg7[%swap3A_1110, %swap3A_1111], %swap3A_1114 {add = true, strides = array<i32>} : memref<200x128xf32, #tpu.memory_space<vmem>>, vector<1x16xf32>,
        %add3A_1115 = arith.constant 7 : i32
        %add3A_1116 = arith.addi %mul3A_310, %add3A_1115 : i32
        %add3A_1117 = arith.constant 7 : i32
        %add3A_1118 = arith.addi %mul3A_310, %add3A_1117 : i32
        %get3A_1119 = arith.index_cast %add3A_1118 : i32 to index
        %get3A_1120 = arith.constant 96 : index
        %get3A_1121 = tpu.vector_load %arg6[%get3A_1119, %get3A_1120] {strides = array<i32>} : memref<200x128xf32, #tpu.memory_space<vmem>>, vector<1x16xf32>,
        %get3A_1122 = vector.shape_cast %get3A_1121 : vector<1x16xf32> to vector<16xf32>
        %swap3A_1123 = arith.index_cast %add3A_1116 : i32 to index
        %swap3A_1124 = arith.constant 96 : index
        %swap3A_1125 = tpu.vector_load %arg7[%swap3A_1123, %swap3A_1124] {strides = array<i32>} : memref<200x128xf32, #tpu.memory_space<vmem>>, vector<1x16xf32>,
        %swap3A_1126 = vector.shape_cast %swap3A_1125 : vector<1x16xf32> to vector<16xf32>
        %swap3A_1127 = vector.shape_cast %get3A_1122 : vector<16xf32> to vector<1x16xf32>
        tpu.vector_store %arg7[%swap3A_1123, %swap3A_1124], %swap3A_1127 {add = true, strides = array<i32>} : memref<200x128xf32, #tpu.memory_space<vmem>>, vector<1x16xf32>,
        %add3A_1128 = arith.constant 7 : i32
        %add3A_1129 = arith.addi %mul3A_310, %add3A_1128 : i32
        %add3A_1130 = arith.constant 7 : i32
        %add3A_1131 = arith.addi %mul3A_310, %add3A_1130 : i32
        %get3A_1132 = arith.index_cast %add3A_1131 : i32 to index
        %get3A_1133 = arith.constant 112 : index
        %get3A_1134 = tpu.vector_load %arg6[%get3A_1132, %get3A_1133] {strides = array<i32>} : memref<200x128xf32, #tpu.memory_space<vmem>>, vector<1x16xf32>,
        %get3A_1135 = vector.shape_cast %get3A_1134 : vector<1x16xf32> to vector<16xf32>
        %swap3A_1136 = arith.index_cast %add3A_1129 : i32 to index
        %swap3A_1137 = arith.constant 112 : index
        %swap3A_1138 = tpu.vector_load %arg7[%swap3A_1136, %swap3A_1137] {strides = array<i32>} : memref<200x128xf32, #tpu.memory_space<vmem>>, vector<1x16xf32>,
        %swap3A_1139 = vector.shape_cast %swap3A_1138 : vector<1x16xf32> to vector<16xf32>
        %swap3A_1140 = vector.shape_cast %get3A_1135 : vector<16xf32> to vector<1x16xf32>
        tpu.vector_store %arg7[%swap3A_1136, %swap3A_1137], %swap3A_1140 {add = true, strides = array<i32>} : memref<200x128xf32, #tpu.memory_space<vmem>>, vector<1x16xf32>,
      }
      %scan3A_145 = arith.constant 25 : i32
      %mul3A_146 = arith.constant 128 : i32
      %mul3A_147 = arith.muli %add3A, %mul3A_146 : i32
      %add3A_148 = arith.addi %mul3A_147, %mul3A_122 : i32
      %mul3A_149 = arith.constant 200 : i32
      %mul3A_150 = arith.muli %add3A_148, %mul3A_149 : i32
      %dma_start3A_151 = arith.constant 0 : i32
      %dma_start3A_152 = tpu.memref_slice %arg5[%mul3A_150, %dma_start3A_151] : memref<819200x128xf32, #tpu.memory_space<hbm>> -> memref<200x128xf32, #tpu.memory_space<hbm>>
      %dma_start3A_153 = arith.constant 0 : i32
      %dma_start3A_154 = tpu.memref_slice %arg5[%mul3A_150, %dma_start3A_153] : memref<819200x128xf32, #tpu.memory_space<hbm>> -> memref<200x128xf32, #tpu.memory_space<hbm>>
      tpu.enqueue_dma source(%arg7 : memref<200x128xf32, #tpu.memory_space<vmem>>) target(%dma_start3A_154 : memref<200x128xf32, #tpu.memory_space<hbm>>) target_semaphore(%arg16 : memref<!tpu.dma_semaphore, #tpu.memory_space<semaphore_mem>>)
      %gt3A = arith.constant 0 : i32
      %gt3A_155 = arith.cmpi sgt, %scan3A_120, %gt3A : i32
      %convert_element_type3A = arith.extui %gt3A_155 : i1 to i32
      %cond3A = arith.constant 0 : i32
      %cond3A_156 = arith.cmpi ne, %convert_element_type3A, %cond3A : i32
      scf.if %cond3A_156 {
        %dma_wait3A_308 = arith.constant 0 : i32
        %dma_wait3A_309 = arith.constant 0 : i32
        %dma_wait3A_310 = tpu.memref_slice %arg5[%dma_wait3A_308, %dma_wait3A_309] : memref<819200x128xf32, #tpu.memory_space<hbm>> -> memref<200x128xf32, #tpu.memory_space<hbm>>
        %dma_wait3A_311 = arith.constant 0 : i32
        %dma_wait3A_312 = arith.constant 0 : i32
        %dma_wait3A_313 = tpu.memref_slice %arg5[%dma_wait3A_311, %dma_wait3A_312] : memref<819200x128xf32, #tpu.memory_space<hbm>> -> memref<200x128xf32, #tpu.memory_space<hbm>>
        tpu.wait_dma2 semaphore(%arg18 : memref<!tpu.dma_semaphore, #tpu.memory_space<semaphore_mem>>) src(%arg9 : memref<200x128xf32, #tpu.memory_space<vmem>>) dst(%dma_wait3A_313 : memref<200x128xf32, #tpu.memory_space<hbm>>)
      } else {
      }
      %dma_wait3A_157 = arith.constant 0 : i32
      %dma_wait3A_158 = arith.constant 0 : i32
      %dma_wait3A_159 = tpu.memref_slice %arg2[%dma_wait3A_157, %dma_wait3A_158] : memref<8192x100xi32, #tpu.memory_space<hbm>> -> memref<2x100xi32, #tpu.memory_space<hbm>>
      %dma_wait3A_160 = arith.constant 0 : i32
      %dma_wait3A_161 = arith.constant 0 : i32
      %dma_wait3A_162 = tpu.memref_slice %arg2[%dma_wait3A_160, %dma_wait3A_161] : memref<8192x100xi32, #tpu.memory_space<hbm>> -> memref<2x100xi32, #tpu.memory_space<hbm>>
      tpu.wait_dma2 semaphore(%arg21 : memref<!tpu.dma_semaphore, #tpu.memory_space<semaphore_mem>>) src(%dma_wait3A_162 : memref<2x100xi32, #tpu.memory_space<hbm>>) dst(%arg12 : memref<2x100xi32, #tpu.memory_space<vmem>>)
      %dma_start3A_163 = arith.constant 0 : i32
      %dma_start3A_164 = arith.constant 0 : i32
      %dma_start3A_165 = arith.constant 0 : i32
      %dma_start3A_166 = tpu.memref_slice %arg9[%dma_start3A_164, %dma_start3A_165] : memref<200x128xf32, #tpu.memory_space<vmem>> -> memref<100x128xf32, #tpu.memory_space<vmem>>
      %dma_start3A_167 = arith.constant 0 : i32
      %dma_start3A_168 = tpu.memref_slice %arg12[%dma_start3A_163, %dma_start3A_167] : memref<2x100xi32, #tpu.memory_space<vmem>> -> memref<1x100xi32, #tpu.memory_space<vmem>>
      %dma_start3A_169 = tpu.memref_squeeze %dma_start3A_168 : memref<1x100xi32, #tpu.memory_space<vmem>> -> memref<100xi32, #tpu.memory_space<vmem>>
      %dma_start3A_170 = arith.constant 0 : i32
      %dma_start3A_171 = arith.constant 0 : i32
      %dma_start3A_172 = tpu.memref_slice %arg3[%dma_start3A_170, %dma_start3A_171] : memref<100000x128xf32, #tpu.memory_space<hbm>> -> memref<100000x128xf32, #tpu.memory_space<hbm>>
      tpu.enqueue_indirect_dma source(%dma_start3A_172 : memref<100000x128xf32, #tpu.memory_space<hbm>>) target(%dma_start3A_166 : memref<100x128xf32, #tpu.memory_space<vmem>>) offsets(%dma_start3A_169 : memref<100xi32, #tpu.memory_space<vmem>>) semaphore(%arg15 : memref<!tpu.dma_semaphore, #tpu.memory_space<semaphore_mem>>)
      %dma_start3A_173 = arith.constant 1 : i32
      %dma_start3A_174 = arith.constant 100 : i32
      %dma_start3A_175 = arith.constant 0 : i32
      %dma_start3A_176 = tpu.memref_slice %arg9[%dma_start3A_174, %dma_start3A_175] : memref<200x128xf32, #tpu.memory_space<vmem>> -> memref<100x128xf32, #tpu.memory_space<vmem>>
      %dma_start3A_177 = arith.constant 0 : i32
      %dma_start3A_178 = tpu.memref_slice %arg12[%dma_start3A_173, %dma_start3A_177] : memref<2x100xi32, #tpu.memory_space<vmem>> -> memref<1x100xi32, #tpu.memory_space<vmem>>
      %dma_start3A_179 = tpu.memref_squeeze %dma_start3A_178 : memref<1x100xi32, #tpu.memory_space<vmem>> -> memref<100xi32, #tpu.memory_space<vmem>>
      %dma_start3A_180 = arith.constant 0 : i32
      %dma_start3A_181 = arith.constant 0 : i32
      %dma_start3A_182 = tpu.memref_slice %arg3[%dma_start3A_180, %dma_start3A_181] : memref<100000x128xf32, #tpu.memory_space<hbm>> -> memref<100000x128xf32, #tpu.memory_space<hbm>>
      tpu.enqueue_indirect_dma source(%dma_start3A_182 : memref<100000x128xf32, #tpu.memory_space<hbm>>) target(%dma_start3A_176 : memref<100x128xf32, #tpu.memory_space<vmem>>) offsets(%dma_start3A_179 : memref<100xi32, #tpu.memory_space<vmem>>) semaphore(%arg15 : memref<!tpu.dma_semaphore, #tpu.memory_space<semaphore_mem>>)
      %dma_wait3A_183 = arith.constant 0 : i32
      %dma_wait3A_184 = arith.constant 0 : i32
      %dma_wait3A_185 = tpu.memref_slice %arg3[%dma_wait3A_183, %dma_wait3A_184] : memref<100000x128xf32, #tpu.memory_space<hbm>> -> memref<200x128xf32, #tpu.memory_space<hbm>>
      %dma_wait3A_186 = arith.constant 0 : i32
      %dma_wait3A_187 = arith.constant 0 : i32
      %dma_wait3A_188 = tpu.memref_slice %arg3[%dma_wait3A_186, %dma_wait3A_187] : memref<100000x128xf32, #tpu.memory_space<hbm>> -> memref<200x128xf32, #tpu.memory_space<hbm>>
      tpu.wait_dma2 semaphore(%arg14 : memref<!tpu.dma_semaphore, #tpu.memory_space<semaphore_mem>>) src(%dma_wait3A_188 : memref<200x128xf32, #tpu.memory_space<hbm>>) dst(%arg8 : memref<200x128xf32, #tpu.memory_space<vmem>>)
      %add3A_189 = arith.constant 4 : i32
      %add3A_190 = arith.addi %mul3A_122, %add3A_189 : i32
      %mul3A_191 = arith.constant 256 : i32
      %mul3A_192 = arith.muli %add3A, %mul3A_191 : i32
      %mul3A_193 = arith.constant 2 : i32
      %mul3A_194 = arith.muli %add3A_190, %mul3A_193 : i32
      %add3A_195 = arith.addi %mul3A_192, %mul3A_194 : i32
      %dma_start3A_196 = arith.constant 0 : i32
      %dma_start3A_197 = tpu.memref_slice %arg2[%add3A_195, %dma_start3A_196] : memref<8192x100xi32, #tpu.memory_space<hbm>> -> memref<2x100xi32, #tpu.memory_space<hbm>>
      %dma_start3A_198 = arith.constant 0 : i32
      %dma_start3A_199 = tpu.memref_slice %arg2[%add3A_195, %dma_start3A_198] : memref<8192x100xi32, #tpu.memory_space<hbm>> -> memref<2x100xi32, #tpu.memory_space<hbm>>
      tpu.enqueue_dma source(%dma_start3A_199 : memref<2x100xi32, #tpu.memory_space<hbm>>) target(%arg11 : memref<2x100xi32, #tpu.memory_space<vmem>>) target_semaphore(%arg20 : memref<!tpu.dma_semaphore, #tpu.memory_space<semaphore_mem>>)
      %scan3A_200 = arith.constant 0 : i32
      %scan3A_201 = arith.constant 0 : i32
      %scan3A_202 = arith.constant 25 : i32
      %scan3A_203 = arith.addi %scan3A_201, %scan3A_202 : i32
      %scan3A_204 = arith.constant 1 : i32
      scf.for %scan3A_308 = %scan3A_201 to %scan3A_203 step %scan3A_204  : i32 {
        %mul3A_309 = arith.constant 8 : i32
        %mul3A_310 = arith.muli %scan3A_308, %mul3A_309 : i32
        %add3A_311 = arith.constant 0 : i32
        %add3A_312 = arith.addi %mul3A_310, %add3A_311 : i32
        %add3A_313 = arith.constant 0 : i32
        %add3A_314 = arith.addi %mul3A_310, %add3A_313 : i32
        %get3A = arith.index_cast %add3A_314 : i32 to index
        %get3A_315 = arith.constant 0 : index
        %get3A_316 = tpu.vector_load %arg6[%get3A, %get3A_315] {strides = array<i32>} : memref<200x128xf32, #tpu.memory_space<vmem>>, vector<1x16xf32>,
        %get3A_317 = vector.shape_cast %get3A_316 : vector<1x16xf32> to vector<16xf32>
        %swap3A = arith.index_cast %add3A_312 : i32 to index
        %swap3A_318 = arith.constant 0 : index
        %swap3A_319 = tpu.vector_load %arg8[%swap3A, %swap3A_318] {strides = array<i32>} : memref<200x128xf32, #tpu.memory_space<vmem>>, vector<1x16xf32>,
        %swap3A_320 = vector.shape_cast %swap3A_319 : vector<1x16xf32> to vector<16xf32>
        %swap3A_321 = vector.shape_cast %get3A_317 : vector<16xf32> to vector<1x16xf32>
        tpu.vector_store %arg8[%swap3A, %swap3A_318], %swap3A_321 {add = true, strides = array<i32>} : memref<200x128xf32, #tpu.memory_space<vmem>>, vector<1x16xf32>,
        %add3A_322 = arith.constant 0 : i32
        %add3A_323 = arith.addi %mul3A_310, %add3A_322 : i32
        %add3A_324 = arith.constant 0 : i32
        %add3A_325 = arith.addi %mul3A_310, %add3A_324 : i32
        %get3A_326 = arith.index_cast %add3A_325 : i32 to index
        %get3A_327 = arith.constant 16 : index
        %get3A_328 = tpu.vector_load %arg6[%get3A_326, %get3A_327] {strides = array<i32>} : memref<200x128xf32, #tpu.memory_space<vmem>>, vector<1x16xf32>,
        %get3A_329 = vector.shape_cast %get3A_328 : vector<1x16xf32> to vector<16xf32>
        %swap3A_330 = arith.index_cast %add3A_323 : i32 to index
        %swap3A_331 = arith.constant 16 : index
        %swap3A_332 = tpu.vector_load %arg8[%swap3A_330, %swap3A_331] {strides = array<i32>} : memref<200x128xf32, #tpu.memory_space<vmem>>, vector<1x16xf32>,
        %swap3A_333 = vector.shape_cast %swap3A_332 : vector<1x16xf32> to vector<16xf32>
        %swap3A_334 = vector.shape_cast %get3A_329 : vector<16xf32> to vector<1x16xf32>
        tpu.vector_store %arg8[%swap3A_330, %swap3A_331], %swap3A_334 {add = true, strides = array<i32>} : memref<200x128xf32, #tpu.memory_space<vmem>>, vector<1x16xf32>,
        %add3A_335 = arith.constant 0 : i32
        %add3A_336 = arith.addi %mul3A_310, %add3A_335 : i32
        %add3A_337 = arith.constant 0 : i32
        %add3A_338 = arith.addi %mul3A_310, %add3A_337 : i32
        %get3A_339 = arith.index_cast %add3A_338 : i32 to index
        %get3A_340 = arith.constant 32 : index
        %get3A_341 = tpu.vector_load %arg6[%get3A_339, %get3A_340] {strides = array<i32>} : memref<200x128xf32, #tpu.memory_space<vmem>>, vector<1x16xf32>,
        %get3A_342 = vector.shape_cast %get3A_341 : vector<1x16xf32> to vector<16xf32>
        %swap3A_343 = arith.index_cast %add3A_336 : i32 to index
        %swap3A_344 = arith.constant 32 : index
        %swap3A_345 = tpu.vector_load %arg8[%swap3A_343, %swap3A_344] {strides = array<i32>} : memref<200x128xf32, #tpu.memory_space<vmem>>, vector<1x16xf32>,
        %swap3A_346 = vector.shape_cast %swap3A_345 : vector<1x16xf32> to vector<16xf32>
        %swap3A_347 = vector.shape_cast %get3A_342 : vector<16xf32> to vector<1x16xf32>
        tpu.vector_store %arg8[%swap3A_343, %swap3A_344], %swap3A_347 {add = true, strides = array<i32>} : memref<200x128xf32, #tpu.memory_space<vmem>>, vector<1x16xf32>,
        %add3A_348 = arith.constant 0 : i32
        %add3A_349 = arith.addi %mul3A_310, %add3A_348 : i32
        %add3A_350 = arith.constant 0 : i32
        %add3A_351 = arith.addi %mul3A_310, %add3A_350 : i32
        %get3A_352 = arith.index_cast %add3A_351 : i32 to index
        %get3A_353 = arith.constant 48 : index
        %get3A_354 = tpu.vector_load %arg6[%get3A_352, %get3A_353] {strides = array<i32>} : memref<200x128xf32, #tpu.memory_space<vmem>>, vector<1x16xf32>,
        %get3A_355 = vector.shape_cast %get3A_354 : vector<1x16xf32> to vector<16xf32>
        %swap3A_356 = arith.index_cast %add3A_349 : i32 to index
        %swap3A_357 = arith.constant 48 : index
        %swap3A_358 = tpu.vector_load %arg8[%swap3A_356, %swap3A_357] {strides = array<i32>} : memref<200x128xf32, #tpu.memory_space<vmem>>, vector<1x16xf32>,
        %swap3A_359 = vector.shape_cast %swap3A_358 : vector<1x16xf32> to vector<16xf32>
        %swap3A_360 = vector.shape_cast %get3A_355 : vector<16xf32> to vector<1x16xf32>
        tpu.vector_store %arg8[%swap3A_356, %swap3A_357], %swap3A_360 {add = true, strides = array<i32>} : memref<200x128xf32, #tpu.memory_space<vmem>>, vector<1x16xf32>,
        %add3A_361 = arith.constant 0 : i32
        %add3A_362 = arith.addi %mul3A_310, %add3A_361 : i32
        %add3A_363 = arith.constant 0 : i32
        %add3A_364 = arith.addi %mul3A_310, %add3A_363 : i32
        %get3A_365 = arith.index_cast %add3A_364 : i32 to index
        %get3A_366 = arith.constant 64 : index
        %get3A_367 = tpu.vector_load %arg6[%get3A_365, %get3A_366] {strides = array<i32>} : memref<200x128xf32, #tpu.memory_space<vmem>>, vector<1x16xf32>,
        %get3A_368 = vector.shape_cast %get3A_367 : vector<1x16xf32> to vector<16xf32>
        %swap3A_369 = arith.index_cast %add3A_362 : i32 to index
        %swap3A_370 = arith.constant 64 : index
        %swap3A_371 = tpu.vector_load %arg8[%swap3A_369, %swap3A_370] {strides = array<i32>} : memref<200x128xf32, #tpu.memory_space<vmem>>, vector<1x16xf32>,
        %swap3A_372 = vector.shape_cast %swap3A_371 : vector<1x16xf32> to vector<16xf32>
        %swap3A_373 = vector.shape_cast %get3A_368 : vector<16xf32> to vector<1x16xf32>
        tpu.vector_store %arg8[%swap3A_369, %swap3A_370], %swap3A_373 {add = true, strides = array<i32>} : memref<200x128xf32, #tpu.memory_space<vmem>>, vector<1x16xf32>,
        %add3A_374 = arith.constant 0 : i32
        %add3A_375 = arith.addi %mul3A_310, %add3A_374 : i32
        %add3A_376 = arith.constant 0 : i32
        %add3A_377 = arith.addi %mul3A_310, %add3A_376 : i32
        %get3A_378 = arith.index_cast %add3A_377 : i32 to index
        %get3A_379 = arith.constant 80 : index
        %get3A_380 = tpu.vector_load %arg6[%get3A_378, %get3A_379] {strides = array<i32>} : memref<200x128xf32, #tpu.memory_space<vmem>>, vector<1x16xf32>,
        %get3A_381 = vector.shape_cast %get3A_380 : vector<1x16xf32> to vector<16xf32>
        %swap3A_382 = arith.index_cast %add3A_375 : i32 to index
        %swap3A_383 = arith.constant 80 : index
        %swap3A_384 = tpu.vector_load %arg8[%swap3A_382, %swap3A_383] {strides = array<i32>} : memref<200x128xf32, #tpu.memory_space<vmem>>, vector<1x16xf32>,
        %swap3A_385 = vector.shape_cast %swap3A_384 : vector<1x16xf32> to vector<16xf32>
        %swap3A_386 = vector.shape_cast %get3A_381 : vector<16xf32> to vector<1x16xf32>
        tpu.vector_store %arg8[%swap3A_382, %swap3A_383], %swap3A_386 {add = true, strides = array<i32>} : memref<200x128xf32, #tpu.memory_space<vmem>>, vector<1x16xf32>,
        %add3A_387 = arith.constant 0 : i32
        %add3A_388 = arith.addi %mul3A_310, %add3A_387 : i32
        %add3A_389 = arith.constant 0 : i32
        %add3A_390 = arith.addi %mul3A_310, %add3A_389 : i32
        %get3A_391 = arith.index_cast %add3A_390 : i32 to index
        %get3A_392 = arith.constant 96 : index
        %get3A_393 = tpu.vector_load %arg6[%get3A_391, %get3A_392] {strides = array<i32>} : memref<200x128xf32, #tpu.memory_space<vmem>>, vector<1x16xf32>,
        %get3A_394 = vector.shape_cast %get3A_393 : vector<1x16xf32> to vector<16xf32>
        %swap3A_395 = arith.index_cast %add3A_388 : i32 to index
        %swap3A_396 = arith.constant 96 : index
        %swap3A_397 = tpu.vector_load %arg8[%swap3A_395, %swap3A_396] {strides = array<i32>} : memref<200x128xf32, #tpu.memory_space<vmem>>, vector<1x16xf32>,
        %swap3A_398 = vector.shape_cast %swap3A_397 : vector<1x16xf32> to vector<16xf32>
        %swap3A_399 = vector.shape_cast %get3A_394 : vector<16xf32> to vector<1x16xf32>
        tpu.vector_store %arg8[%swap3A_395, %swap3A_396], %swap3A_399 {add = true, strides = array<i32>} : memref<200x128xf32, #tpu.memory_space<vmem>>, vector<1x16xf32>,
        %add3A_400 = arith.constant 0 : i32
        %add3A_401 = arith.addi %mul3A_310, %add3A_400 : i32
        %add3A_402 = arith.constant 0 : i32
        %add3A_403 = arith.addi %mul3A_310, %add3A_402 : i32
        %get3A_404 = arith.index_cast %add3A_403 : i32 to index
        %get3A_405 = arith.constant 112 : index
        %get3A_406 = tpu.vector_load %arg6[%get3A_404, %get3A_405] {strides = array<i32>} : memref<200x128xf32, #tpu.memory_space<vmem>>, vector<1x16xf32>,
        %get3A_407 = vector.shape_cast %get3A_406 : vector<1x16xf32> to vector<16xf32>
        %swap3A_408 = arith.index_cast %add3A_401 : i32 to index
        %swap3A_409 = arith.constant 112 : index
        %swap3A_410 = tpu.vector_load %arg8[%swap3A_408, %swap3A_409] {strides = array<i32>} : memref<200x128xf32, #tpu.memory_space<vmem>>, vector<1x16xf32>,
        %swap3A_411 = vector.shape_cast %swap3A_410 : vector<1x16xf32> to vector<16xf32>
        %swap3A_412 = vector.shape_cast %get3A_407 : vector<16xf32> to vector<1x16xf32>
        tpu.vector_store %arg8[%swap3A_408, %swap3A_409], %swap3A_412 {add = true, strides = array<i32>} : memref<200x128xf32, #tpu.memory_space<vmem>>, vector<1x16xf32>,
        %add3A_413 = arith.constant 1 : i32
        %add3A_414 = arith.addi %mul3A_310, %add3A_413 : i32
        %add3A_415 = arith.constant 1 : i32
        %add3A_416 = arith.addi %mul3A_310, %add3A_415 : i32
        %get3A_417 = arith.index_cast %add3A_416 : i32 to index
        %get3A_418 = arith.constant 0 : index
        %get3A_419 = tpu.vector_load %arg6[%get3A_417, %get3A_418] {strides = array<i32>} : memref<200x128xf32, #tpu.memory_space<vmem>>, vector<1x16xf32>,
        %get3A_420 = vector.shape_cast %get3A_419 : vector<1x16xf32> to vector<16xf32>
        %swap3A_421 = arith.index_cast %add3A_414 : i32 to index
        %swap3A_422 = arith.constant 0 : index
        %swap3A_423 = tpu.vector_load %arg8[%swap3A_421, %swap3A_422] {strides = array<i32>} : memref<200x128xf32, #tpu.memory_space<vmem>>, vector<1x16xf32>,
        %swap3A_424 = vector.shape_cast %swap3A_423 : vector<1x16xf32> to vector<16xf32>
        %swap3A_425 = vector.shape_cast %get3A_420 : vector<16xf32> to vector<1x16xf32>
        tpu.vector_store %arg8[%swap3A_421, %swap3A_422], %swap3A_425 {add = true, strides = array<i32>} : memref<200x128xf32, #tpu.memory_space<vmem>>, vector<1x16xf32>,
        %add3A_426 = arith.constant 1 : i32
        %add3A_427 = arith.addi %mul3A_310, %add3A_426 : i32
        %add3A_428 = arith.constant 1 : i32
        %add3A_429 = arith.addi %mul3A_310, %add3A_428 : i32
        %get3A_430 = arith.index_cast %add3A_429 : i32 to index
        %get3A_431 = arith.constant 16 : index
        %get3A_432 = tpu.vector_load %arg6[%get3A_430, %get3A_431] {strides = array<i32>} : memref<200x128xf32, #tpu.memory_space<vmem>>, vector<1x16xf32>,
        %get3A_433 = vector.shape_cast %get3A_432 : vector<1x16xf32> to vector<16xf32>
        %swap3A_434 = arith.index_cast %add3A_427 : i32 to index
        %swap3A_435 = arith.constant 16 : index
        %swap3A_436 = tpu.vector_load %arg8[%swap3A_434, %swap3A_435] {strides = array<i32>} : memref<200x128xf32, #tpu.memory_space<vmem>>, vector<1x16xf32>,
        %swap3A_437 = vector.shape_cast %swap3A_436 : vector<1x16xf32> to vector<16xf32>
        %swap3A_438 = vector.shape_cast %get3A_433 : vector<16xf32> to vector<1x16xf32>
        tpu.vector_store %arg8[%swap3A_434, %swap3A_435], %swap3A_438 {add = true, strides = array<i32>} : memref<200x128xf32, #tpu.memory_space<vmem>>, vector<1x16xf32>,
        %add3A_439 = arith.constant 1 : i32
        %add3A_440 = arith.addi %mul3A_310, %add3A_439 : i32
        %add3A_441 = arith.constant 1 : i32
        %add3A_442 = arith.addi %mul3A_310, %add3A_441 : i32
        %get3A_443 = arith.index_cast %add3A_442 : i32 to index
        %get3A_444 = arith.constant 32 : index
        %get3A_445 = tpu.vector_load %arg6[%get3A_443, %get3A_444] {strides = array<i32>} : memref<200x128xf32, #tpu.memory_space<vmem>>, vector<1x16xf32>,
        %get3A_446 = vector.shape_cast %get3A_445 : vector<1x16xf32> to vector<16xf32>
        %swap3A_447 = arith.index_cast %add3A_440 : i32 to index
        %swap3A_448 = arith.constant 32 : index
        %swap3A_449 = tpu.vector_load %arg8[%swap3A_447, %swap3A_448] {strides = array<i32>} : memref<200x128xf32, #tpu.memory_space<vmem>>, vector<1x16xf32>,
        %swap3A_450 = vector.shape_cast %swap3A_449 : vector<1x16xf32> to vector<16xf32>
        %swap3A_451 = vector.shape_cast %get3A_446 : vector<16xf32> to vector<1x16xf32>
        tpu.vector_store %arg8[%swap3A_447, %swap3A_448], %swap3A_451 {add = true, strides = array<i32>} : memref<200x128xf32, #tpu.memory_space<vmem>>, vector<1x16xf32>,
        %add3A_452 = arith.constant 1 : i32
        %add3A_453 = arith.addi %mul3A_310, %add3A_452 : i32
        %add3A_454 = arith.constant 1 : i32
        %add3A_455 = arith.addi %mul3A_310, %add3A_454 : i32
        %get3A_456 = arith.index_cast %add3A_455 : i32 to index
        %get3A_457 = arith.constant 48 : index
        %get3A_458 = tpu.vector_load %arg6[%get3A_456, %get3A_457] {strides = array<i32>} : memref<200x128xf32, #tpu.memory_space<vmem>>, vector<1x16xf32>,
        %get3A_459 = vector.shape_cast %get3A_458 : vector<1x16xf32> to vector<16xf32>
        %swap3A_460 = arith.index_cast %add3A_453 : i32 to index
        %swap3A_461 = arith.constant 48 : index
        %swap3A_462 = tpu.vector_load %arg8[%swap3A_460, %swap3A_461] {strides = array<i32>} : memref<200x128xf32, #tpu.memory_space<vmem>>, vector<1x16xf32>,
        %swap3A_463 = vector.shape_cast %swap3A_462 : vector<1x16xf32> to vector<16xf32>
        %swap3A_464 = vector.shape_cast %get3A_459 : vector<16xf32> to vector<1x16xf32>
        tpu.vector_store %arg8[%swap3A_460, %swap3A_461], %swap3A_464 {add = true, strides = array<i32>} : memref<200x128xf32, #tpu.memory_space<vmem>>, vector<1x16xf32>,
        %add3A_465 = arith.constant 1 : i32
        %add3A_466 = arith.addi %mul3A_310, %add3A_465 : i32
        %add3A_467 = arith.constant 1 : i32
        %add3A_468 = arith.addi %mul3A_310, %add3A_467 : i32
        %get3A_469 = arith.index_cast %add3A_468 : i32 to index
        %get3A_470 = arith.constant 64 : index
        %get3A_471 = tpu.vector_load %arg6[%get3A_469, %get3A_470] {strides = array<i32>} : memref<200x128xf32, #tpu.memory_space<vmem>>, vector<1x16xf32>,
        %get3A_472 = vector.shape_cast %get3A_471 : vector<1x16xf32> to vector<16xf32>
        %swap3A_473 = arith.index_cast %add3A_466 : i32 to index
        %swap3A_474 = arith.constant 64 : index
        %swap3A_475 = tpu.vector_load %arg8[%swap3A_473, %swap3A_474] {strides = array<i32>} : memref<200x128xf32, #tpu.memory_space<vmem>>, vector<1x16xf32>,
        %swap3A_476 = vector.shape_cast %swap3A_475 : vector<1x16xf32> to vector<16xf32>
        %swap3A_477 = vector.shape_cast %get3A_472 : vector<16xf32> to vector<1x16xf32>
        tpu.vector_store %arg8[%swap3A_473, %swap3A_474], %swap3A_477 {add = true, strides = array<i32>} : memref<200x128xf32, #tpu.memory_space<vmem>>, vector<1x16xf32>,
        %add3A_478 = arith.constant 1 : i32
        %add3A_479 = arith.addi %mul3A_310, %add3A_478 : i32
        %add3A_480 = arith.constant 1 : i32
        %add3A_481 = arith.addi %mul3A_310, %add3A_480 : i32
        %get3A_482 = arith.index_cast %add3A_481 : i32 to index
        %get3A_483 = arith.constant 80 : index
        %get3A_484 = tpu.vector_load %arg6[%get3A_482, %get3A_483] {strides = array<i32>} : memref<200x128xf32, #tpu.memory_space<vmem>>, vector<1x16xf32>,
        %get3A_485 = vector.shape_cast %get3A_484 : vector<1x16xf32> to vector<16xf32>
        %swap3A_486 = arith.index_cast %add3A_479 : i32 to index
        %swap3A_487 = arith.constant 80 : index
        %swap3A_488 = tpu.vector_load %arg8[%swap3A_486, %swap3A_487] {strides = array<i32>} : memref<200x128xf32, #tpu.memory_space<vmem>>, vector<1x16xf32>,
        %swap3A_489 = vector.shape_cast %swap3A_488 : vector<1x16xf32> to vector<16xf32>
        %swap3A_490 = vector.shape_cast %get3A_485 : vector<16xf32> to vector<1x16xf32>
        tpu.vector_store %arg8[%swap3A_486, %swap3A_487], %swap3A_490 {add = true, strides = array<i32>} : memref<200x128xf32, #tpu.memory_space<vmem>>, vector<1x16xf32>,
        %add3A_491 = arith.constant 1 : i32
        %add3A_492 = arith.addi %mul3A_310, %add3A_491 : i32
        %add3A_493 = arith.constant 1 : i32
        %add3A_494 = arith.addi %mul3A_310, %add3A_493 : i32
        %get3A_495 = arith.index_cast %add3A_494 : i32 to index
        %get3A_496 = arith.constant 96 : index
        %get3A_497 = tpu.vector_load %arg6[%get3A_495, %get3A_496] {strides = array<i32>} : memref<200x128xf32, #tpu.memory_space<vmem>>, vector<1x16xf32>,
        %get3A_498 = vector.shape_cast %get3A_497 : vector<1x16xf32> to vector<16xf32>
        %swap3A_499 = arith.index_cast %add3A_492 : i32 to index
        %swap3A_500 = arith.constant 96 : index
        %swap3A_501 = tpu.vector_load %arg8[%swap3A_499, %swap3A_500] {strides = array<i32>} : memref<200x128xf32, #tpu.memory_space<vmem>>, vector<1x16xf32>,
        %swap3A_502 = vector.shape_cast %swap3A_501 : vector<1x16xf32> to vector<16xf32>
        %swap3A_503 = vector.shape_cast %get3A_498 : vector<16xf32> to vector<1x16xf32>
        tpu.vector_store %arg8[%swap3A_499, %swap3A_500], %swap3A_503 {add = true, strides = array<i32>} : memref<200x128xf32, #tpu.memory_space<vmem>>, vector<1x16xf32>,
        %add3A_504 = arith.constant 1 : i32
        %add3A_505 = arith.addi %mul3A_310, %add3A_504 : i32
        %add3A_506 = arith.constant 1 : i32
        %add3A_507 = arith.addi %mul3A_310, %add3A_506 : i32
        %get3A_508 = arith.index_cast %add3A_507 : i32 to index
        %get3A_509 = arith.constant 112 : index
        %get3A_510 = tpu.vector_load %arg6[%get3A_508, %get3A_509] {strides = array<i32>} : memref<200x128xf32, #tpu.memory_space<vmem>>, vector<1x16xf32>,
        %get3A_511 = vector.shape_cast %get3A_510 : vector<1x16xf32> to vector<16xf32>
        %swap3A_512 = arith.index_cast %add3A_505 : i32 to index
        %swap3A_513 = arith.constant 112 : index
        %swap3A_514 = tpu.vector_load %arg8[%swap3A_512, %swap3A_513] {strides = array<i32>} : memref<200x128xf32, #tpu.memory_space<vmem>>, vector<1x16xf32>,
        %swap3A_515 = vector.shape_cast %swap3A_514 : vector<1x16xf32> to vector<16xf32>
        %swap3A_516 = vector.shape_cast %get3A_511 : vector<16xf32> to vector<1x16xf32>
        tpu.vector_store %arg8[%swap3A_512, %swap3A_513], %swap3A_516 {add = true, strides = array<i32>} : memref<200x128xf32, #tpu.memory_space<vmem>>, vector<1x16xf32>,
        %add3A_517 = arith.constant 2 : i32
        %add3A_518 = arith.addi %mul3A_310, %add3A_517 : i32
        %add3A_519 = arith.constant 2 : i32
        %add3A_520 = arith.addi %mul3A_310, %add3A_519 : i32
        %get3A_521 = arith.index_cast %add3A_520 : i32 to index
        %get3A_522 = arith.constant 0 : index
        %get3A_523 = tpu.vector_load %arg6[%get3A_521, %get3A_522] {strides = array<i32>} : memref<200x128xf32, #tpu.memory_space<vmem>>, vector<1x16xf32>,
        %get3A_524 = vector.shape_cast %get3A_523 : vector<1x16xf32> to vector<16xf32>
        %swap3A_525 = arith.index_cast %add3A_518 : i32 to index
        %swap3A_526 = arith.constant 0 : index
        %swap3A_527 = tpu.vector_load %arg8[%swap3A_525, %swap3A_526] {strides = array<i32>} : memref<200x128xf32, #tpu.memory_space<vmem>>, vector<1x16xf32>,
        %swap3A_528 = vector.shape_cast %swap3A_527 : vector<1x16xf32> to vector<16xf32>
        %swap3A_529 = vector.shape_cast %get3A_524 : vector<16xf32> to vector<1x16xf32>
        tpu.vector_store %arg8[%swap3A_525, %swap3A_526], %swap3A_529 {add = true, strides = array<i32>} : memref<200x128xf32, #tpu.memory_space<vmem>>, vector<1x16xf32>,
        %add3A_530 = arith.constant 2 : i32
        %add3A_531 = arith.addi %mul3A_310, %add3A_530 : i32
        %add3A_532 = arith.constant 2 : i32
        %add3A_533 = arith.addi %mul3A_310, %add3A_532 : i32
        %get3A_534 = arith.index_cast %add3A_533 : i32 to index
        %get3A_535 = arith.constant 16 : index
        %get3A_536 = tpu.vector_load %arg6[%get3A_534, %get3A_535] {strides = array<i32>} : memref<200x128xf32, #tpu.memory_space<vmem>>, vector<1x16xf32>,
        %get3A_537 = vector.shape_cast %get3A_536 : vector<1x16xf32> to vector<16xf32>
        %swap3A_538 = arith.index_cast %add3A_531 : i32 to index
        %swap3A_539 = arith.constant 16 : index
        %swap3A_540 = tpu.vector_load %arg8[%swap3A_538, %swap3A_539] {strides = array<i32>} : memref<200x128xf32, #tpu.memory_space<vmem>>, vector<1x16xf32>,
        %swap3A_541 = vector.shape_cast %swap3A_540 : vector<1x16xf32> to vector<16xf32>
        %swap3A_542 = vector.shape_cast %get3A_537 : vector<16xf32> to vector<1x16xf32>
        tpu.vector_store %arg8[%swap3A_538, %swap3A_539], %swap3A_542 {add = true, strides = array<i32>} : memref<200x128xf32, #tpu.memory_space<vmem>>, vector<1x16xf32>,
        %add3A_543 = arith.constant 2 : i32
        %add3A_544 = arith.addi %mul3A_310, %add3A_543 : i32
        %add3A_545 = arith.constant 2 : i32
        %add3A_546 = arith.addi %mul3A_310, %add3A_545 : i32
        %get3A_547 = arith.index_cast %add3A_546 : i32 to index
        %get3A_548 = arith.constant 32 : index
        %get3A_549 = tpu.vector_load %arg6[%get3A_547, %get3A_548] {strides = array<i32>} : memref<200x128xf32, #tpu.memory_space<vmem>>, vector<1x16xf32>,
        %get3A_550 = vector.shape_cast %get3A_549 : vector<1x16xf32> to vector<16xf32>
        %swap3A_551 = arith.index_cast %add3A_544 : i32 to index
        %swap3A_552 = arith.constant 32 : index
        %swap3A_553 = tpu.vector_load %arg8[%swap3A_551, %swap3A_552] {strides = array<i32>} : memref<200x128xf32, #tpu.memory_space<vmem>>, vector<1x16xf32>,
        %swap3A_554 = vector.shape_cast %swap3A_553 : vector<1x16xf32> to vector<16xf32>
        %swap3A_555 = vector.shape_cast %get3A_550 : vector<16xf32> to vector<1x16xf32>
        tpu.vector_store %arg8[%swap3A_551, %swap3A_552], %swap3A_555 {add = true, strides = array<i32>} : memref<200x128xf32, #tpu.memory_space<vmem>>, vector<1x16xf32>,
        %add3A_556 = arith.constant 2 : i32
        %add3A_557 = arith.addi %mul3A_310, %add3A_556 : i32
        %add3A_558 = arith.constant 2 : i32
        %add3A_559 = arith.addi %mul3A_310, %add3A_558 : i32
        %get3A_560 = arith.index_cast %add3A_559 : i32 to index
        %get3A_561 = arith.constant 48 : index
        %get3A_562 = tpu.vector_load %arg6[%get3A_560, %get3A_561] {strides = array<i32>} : memref<200x128xf32, #tpu.memory_space<vmem>>, vector<1x16xf32>,
        %get3A_563 = vector.shape_cast %get3A_562 : vector<1x16xf32> to vector<16xf32>
        %swap3A_564 = arith.index_cast %add3A_557 : i32 to index
        %swap3A_565 = arith.constant 48 : index
        %swap3A_566 = tpu.vector_load %arg8[%swap3A_564, %swap3A_565] {strides = array<i32>} : memref<200x128xf32, #tpu.memory_space<vmem>>, vector<1x16xf32>,
        %swap3A_567 = vector.shape_cast %swap3A_566 : vector<1x16xf32> to vector<16xf32>
        %swap3A_568 = vector.shape_cast %get3A_563 : vector<16xf32> to vector<1x16xf32>
        tpu.vector_store %arg8[%swap3A_564, %swap3A_565], %swap3A_568 {add = true, strides = array<i32>} : memref<200x128xf32, #tpu.memory_space<vmem>>, vector<1x16xf32>,
        %add3A_569 = arith.constant 2 : i32
        %add3A_570 = arith.addi %mul3A_310, %add3A_569 : i32
        %add3A_571 = arith.constant 2 : i32
        %add3A_572 = arith.addi %mul3A_310, %add3A_571 : i32
        %get3A_573 = arith.index_cast %add3A_572 : i32 to index
        %get3A_574 = arith.constant 64 : index
        %get3A_575 = tpu.vector_load %arg6[%get3A_573, %get3A_574] {strides = array<i32>} : memref<200x128xf32, #tpu.memory_space<vmem>>, vector<1x16xf32>,
        %get3A_576 = vector.shape_cast %get3A_575 : vector<1x16xf32> to vector<16xf32>
        %swap3A_577 = arith.index_cast %add3A_570 : i32 to index
        %swap3A_578 = arith.constant 64 : index
        %swap3A_579 = tpu.vector_load %arg8[%swap3A_577, %swap3A_578] {strides = array<i32>} : memref<200x128xf32, #tpu.memory_space<vmem>>, vector<1x16xf32>,
        %swap3A_580 = vector.shape_cast %swap3A_579 : vector<1x16xf32> to vector<16xf32>
        %swap3A_581 = vector.shape_cast %get3A_576 : vector<16xf32> to vector<1x16xf32>
        tpu.vector_store %arg8[%swap3A_577, %swap3A_578], %swap3A_581 {add = true, strides = array<i32>} : memref<200x128xf32, #tpu.memory_space<vmem>>, vector<1x16xf32>,
        %add3A_582 = arith.constant 2 : i32
        %add3A_583 = arith.addi %mul3A_310, %add3A_582 : i32
        %add3A_584 = arith.constant 2 : i32
        %add3A_585 = arith.addi %mul3A_310, %add3A_584 : i32
        %get3A_586 = arith.index_cast %add3A_585 : i32 to index
        %get3A_587 = arith.constant 80 : index
        %get3A_588 = tpu.vector_load %arg6[%get3A_586, %get3A_587] {strides = array<i32>} : memref<200x128xf32, #tpu.memory_space<vmem>>, vector<1x16xf32>,
        %get3A_589 = vector.shape_cast %get3A_588 : vector<1x16xf32> to vector<16xf32>
        %swap3A_590 = arith.index_cast %add3A_583 : i32 to index
        %swap3A_591 = arith.constant 80 : index
        %swap3A_592 = tpu.vector_load %arg8[%swap3A_590, %swap3A_591] {strides = array<i32>} : memref<200x128xf32, #tpu.memory_space<vmem>>, vector<1x16xf32>,
        %swap3A_593 = vector.shape_cast %swap3A_592 : vector<1x16xf32> to vector<16xf32>
        %swap3A_594 = vector.shape_cast %get3A_589 : vector<16xf32> to vector<1x16xf32>
        tpu.vector_store %arg8[%swap3A_590, %swap3A_591], %swap3A_594 {add = true, strides = array<i32>} : memref<200x128xf32, #tpu.memory_space<vmem>>, vector<1x16xf32>,
        %add3A_595 = arith.constant 2 : i32
        %add3A_596 = arith.addi %mul3A_310, %add3A_595 : i32
        %add3A_597 = arith.constant 2 : i32
        %add3A_598 = arith.addi %mul3A_310, %add3A_597 : i32
        %get3A_599 = arith.index_cast %add3A_598 : i32 to index
        %get3A_600 = arith.constant 96 : index
        %get3A_601 = tpu.vector_load %arg6[%get3A_599, %get3A_600] {strides = array<i32>} : memref<200x128xf32, #tpu.memory_space<vmem>>, vector<1x16xf32>,
        %get3A_602 = vector.shape_cast %get3A_601 : vector<1x16xf32> to vector<16xf32>
        %swap3A_603 = arith.index_cast %add3A_596 : i32 to index
        %swap3A_604 = arith.constant 96 : index
        %swap3A_605 = tpu.vector_load %arg8[%swap3A_603, %swap3A_604] {strides = array<i32>} : memref<200x128xf32, #tpu.memory_space<vmem>>, vector<1x16xf32>,
        %swap3A_606 = vector.shape_cast %swap3A_605 : vector<1x16xf32> to vector<16xf32>
        %swap3A_607 = vector.shape_cast %get3A_602 : vector<16xf32> to vector<1x16xf32>
        tpu.vector_store %arg8[%swap3A_603, %swap3A_604], %swap3A_607 {add = true, strides = array<i32>} : memref<200x128xf32, #tpu.memory_space<vmem>>, vector<1x16xf32>,
        %add3A_608 = arith.constant 2 : i32
        %add3A_609 = arith.addi %mul3A_310, %add3A_608 : i32
        %add3A_610 = arith.constant 2 : i32
        %add3A_611 = arith.addi %mul3A_310, %add3A_610 : i32
        %get3A_612 = arith.index_cast %add3A_611 : i32 to index
        %get3A_613 = arith.constant 112 : index
        %get3A_614 = tpu.vector_load %arg6[%get3A_612, %get3A_613] {strides = array<i32>} : memref<200x128xf32, #tpu.memory_space<vmem>>, vector<1x16xf32>,
        %get3A_615 = vector.shape_cast %get3A_614 : vector<1x16xf32> to vector<16xf32>
        %swap3A_616 = arith.index_cast %add3A_609 : i32 to index
        %swap3A_617 = arith.constant 112 : index
        %swap3A_618 = tpu.vector_load %arg8[%swap3A_616, %swap3A_617] {strides = array<i32>} : memref<200x128xf32, #tpu.memory_space<vmem>>, vector<1x16xf32>,
        %swap3A_619 = vector.shape_cast %swap3A_618 : vector<1x16xf32> to vector<16xf32>
        %swap3A_620 = vector.shape_cast %get3A_615 : vector<16xf32> to vector<1x16xf32>
        tpu.vector_store %arg8[%swap3A_616, %swap3A_617], %swap3A_620 {add = true, strides = array<i32>} : memref<200x128xf32, #tpu.memory_space<vmem>>, vector<1x16xf32>,
        %add3A_621 = arith.constant 3 : i32
        %add3A_622 = arith.addi %mul3A_310, %add3A_621 : i32
        %add3A_623 = arith.constant 3 : i32
        %add3A_624 = arith.addi %mul3A_310, %add3A_623 : i32
        %get3A_625 = arith.index_cast %add3A_624 : i32 to index
        %get3A_626 = arith.constant 0 : index
        %get3A_627 = tpu.vector_load %arg6[%get3A_625, %get3A_626] {strides = array<i32>} : memref<200x128xf32, #tpu.memory_space<vmem>>, vector<1x16xf32>,
        %get3A_628 = vector.shape_cast %get3A_627 : vector<1x16xf32> to vector<16xf32>
        %swap3A_629 = arith.index_cast %add3A_622 : i32 to index
        %swap3A_630 = arith.constant 0 : index
        %swap3A_631 = tpu.vector_load %arg8[%swap3A_629, %swap3A_630] {strides = array<i32>} : memref<200x128xf32, #tpu.memory_space<vmem>>, vector<1x16xf32>,
        %swap3A_632 = vector.shape_cast %swap3A_631 : vector<1x16xf32> to vector<16xf32>
        %swap3A_633 = vector.shape_cast %get3A_628 : vector<16xf32> to vector<1x16xf32>
        tpu.vector_store %arg8[%swap3A_629, %swap3A_630], %swap3A_633 {add = true, strides = array<i32>} : memref<200x128xf32, #tpu.memory_space<vmem>>, vector<1x16xf32>,
        %add3A_634 = arith.constant 3 : i32
        %add3A_635 = arith.addi %mul3A_310, %add3A_634 : i32
        %add3A_636 = arith.constant 3 : i32
        %add3A_637 = arith.addi %mul3A_310, %add3A_636 : i32
        %get3A_638 = arith.index_cast %add3A_637 : i32 to index
        %get3A_639 = arith.constant 16 : index
        %get3A_640 = tpu.vector_load %arg6[%get3A_638, %get3A_639] {strides = array<i32>} : memref<200x128xf32, #tpu.memory_space<vmem>>, vector<1x16xf32>,
        %get3A_641 = vector.shape_cast %get3A_640 : vector<1x16xf32> to vector<16xf32>
        %swap3A_642 = arith.index_cast %add3A_635 : i32 to index
        %swap3A_643 = arith.constant 16 : index
        %swap3A_644 = tpu.vector_load %arg8[%swap3A_642, %swap3A_643] {strides = array<i32>} : memref<200x128xf32, #tpu.memory_space<vmem>>, vector<1x16xf32>,
        %swap3A_645 = vector.shape_cast %swap3A_644 : vector<1x16xf32> to vector<16xf32>
        %swap3A_646 = vector.shape_cast %get3A_641 : vector<16xf32> to vector<1x16xf32>
        tpu.vector_store %arg8[%swap3A_642, %swap3A_643], %swap3A_646 {add = true, strides = array<i32>} : memref<200x128xf32, #tpu.memory_space<vmem>>, vector<1x16xf32>,
        %add3A_647 = arith.constant 3 : i32
        %add3A_648 = arith.addi %mul3A_310, %add3A_647 : i32
        %add3A_649 = arith.constant 3 : i32
        %add3A_650 = arith.addi %mul3A_310, %add3A_649 : i32
        %get3A_651 = arith.index_cast %add3A_650 : i32 to index
        %get3A_652 = arith.constant 32 : index
        %get3A_653 = tpu.vector_load %arg6[%get3A_651, %get3A_652] {strides = array<i32>} : memref<200x128xf32, #tpu.memory_space<vmem>>, vector<1x16xf32>,
        %get3A_654 = vector.shape_cast %get3A_653 : vector<1x16xf32> to vector<16xf32>
        %swap3A_655 = arith.index_cast %add3A_648 : i32 to index
        %swap3A_656 = arith.constant 32 : index
        %swap3A_657 = tpu.vector_load %arg8[%swap3A_655, %swap3A_656] {strides = array<i32>} : memref<200x128xf32, #tpu.memory_space<vmem>>, vector<1x16xf32>,
        %swap3A_658 = vector.shape_cast %swap3A_657 : vector<1x16xf32> to vector<16xf32>
        %swap3A_659 = vector.shape_cast %get3A_654 : vector<16xf32> to vector<1x16xf32>
        tpu.vector_store %arg8[%swap3A_655, %swap3A_656], %swap3A_659 {add = true, strides = array<i32>} : memref<200x128xf32, #tpu.memory_space<vmem>>, vector<1x16xf32>,
        %add3A_660 = arith.constant 3 : i32
        %add3A_661 = arith.addi %mul3A_310, %add3A_660 : i32
        %add3A_662 = arith.constant 3 : i32
        %add3A_663 = arith.addi %mul3A_310, %add3A_662 : i32
        %get3A_664 = arith.index_cast %add3A_663 : i32 to index
        %get3A_665 = arith.constant 48 : index
        %get3A_666 = tpu.vector_load %arg6[%get3A_664, %get3A_665] {strides = array<i32>} : memref<200x128xf32, #tpu.memory_space<vmem>>, vector<1x16xf32>,
        %get3A_667 = vector.shape_cast %get3A_666 : vector<1x16xf32> to vector<16xf32>
        %swap3A_668 = arith.index_cast %add3A_661 : i32 to index
        %swap3A_669 = arith.constant 48 : index
        %swap3A_670 = tpu.vector_load %arg8[%swap3A_668, %swap3A_669] {strides = array<i32>} : memref<200x128xf32, #tpu.memory_space<vmem>>, vector<1x16xf32>,
        %swap3A_671 = vector.shape_cast %swap3A_670 : vector<1x16xf32> to vector<16xf32>
        %swap3A_672 = vector.shape_cast %get3A_667 : vector<16xf32> to vector<1x16xf32>
        tpu.vector_store %arg8[%swap3A_668, %swap3A_669], %swap3A_672 {add = true, strides = array<i32>} : memref<200x128xf32, #tpu.memory_space<vmem>>, vector<1x16xf32>,
        %add3A_673 = arith.constant 3 : i32
        %add3A_674 = arith.addi %mul3A_310, %add3A_673 : i32
        %add3A_675 = arith.constant 3 : i32
        %add3A_676 = arith.addi %mul3A_310, %add3A_675 : i32
        %get3A_677 = arith.index_cast %add3A_676 : i32 to index
        %get3A_678 = arith.constant 64 : index
        %get3A_679 = tpu.vector_load %arg6[%get3A_677, %get3A_678] {strides = array<i32>} : memref<200x128xf32, #tpu.memory_space<vmem>>, vector<1x16xf32>,
        %get3A_680 = vector.shape_cast %get3A_679 : vector<1x16xf32> to vector<16xf32>
        %swap3A_681 = arith.index_cast %add3A_674 : i32 to index
        %swap3A_682 = arith.constant 64 : index
        %swap3A_683 = tpu.vector_load %arg8[%swap3A_681, %swap3A_682] {strides = array<i32>} : memref<200x128xf32, #tpu.memory_space<vmem>>, vector<1x16xf32>,
        %swap3A_684 = vector.shape_cast %swap3A_683 : vector<1x16xf32> to vector<16xf32>
        %swap3A_685 = vector.shape_cast %get3A_680 : vector<16xf32> to vector<1x16xf32>
        tpu.vector_store %arg8[%swap3A_681, %swap3A_682], %swap3A_685 {add = true, strides = array<i32>} : memref<200x128xf32, #tpu.memory_space<vmem>>, vector<1x16xf32>,
        %add3A_686 = arith.constant 3 : i32
        %add3A_687 = arith.addi %mul3A_310, %add3A_686 : i32
        %add3A_688 = arith.constant 3 : i32
        %add3A_689 = arith.addi %mul3A_310, %add3A_688 : i32
        %get3A_690 = arith.index_cast %add3A_689 : i32 to index
        %get3A_691 = arith.constant 80 : index
        %get3A_692 = tpu.vector_load %arg6[%get3A_690, %get3A_691] {strides = array<i32>} : memref<200x128xf32, #tpu.memory_space<vmem>>, vector<1x16xf32>,
        %get3A_693 = vector.shape_cast %get3A_692 : vector<1x16xf32> to vector<16xf32>
        %swap3A_694 = arith.index_cast %add3A_687 : i32 to index
        %swap3A_695 = arith.constant 80 : index
        %swap3A_696 = tpu.vector_load %arg8[%swap3A_694, %swap3A_695] {strides = array<i32>} : memref<200x128xf32, #tpu.memory_space<vmem>>, vector<1x16xf32>,
        %swap3A_697 = vector.shape_cast %swap3A_696 : vector<1x16xf32> to vector<16xf32>
        %swap3A_698 = vector.shape_cast %get3A_693 : vector<16xf32> to vector<1x16xf32>
        tpu.vector_store %arg8[%swap3A_694, %swap3A_695], %swap3A_698 {add = true, strides = array<i32>} : memref<200x128xf32, #tpu.memory_space<vmem>>, vector<1x16xf32>,
        %add3A_699 = arith.constant 3 : i32
        %add3A_700 = arith.addi %mul3A_310, %add3A_699 : i32
        %add3A_701 = arith.constant 3 : i32
        %add3A_702 = arith.addi %mul3A_310, %add3A_701 : i32
        %get3A_703 = arith.index_cast %add3A_702 : i32 to index
        %get3A_704 = arith.constant 96 : index
        %get3A_705 = tpu.vector_load %arg6[%get3A_703, %get3A_704] {strides = array<i32>} : memref<200x128xf32, #tpu.memory_space<vmem>>, vector<1x16xf32>,
        %get3A_706 = vector.shape_cast %get3A_705 : vector<1x16xf32> to vector<16xf32>
        %swap3A_707 = arith.index_cast %add3A_700 : i32 to index
        %swap3A_708 = arith.constant 96 : index
        %swap3A_709 = tpu.vector_load %arg8[%swap3A_707, %swap3A_708] {strides = array<i32>} : memref<200x128xf32, #tpu.memory_space<vmem>>, vector<1x16xf32>,
        %swap3A_710 = vector.shape_cast %swap3A_709 : vector<1x16xf32> to vector<16xf32>
        %swap3A_711 = vector.shape_cast %get3A_706 : vector<16xf32> to vector<1x16xf32>
        tpu.vector_store %arg8[%swap3A_707, %swap3A_708], %swap3A_711 {add = true, strides = array<i32>} : memref<200x128xf32, #tpu.memory_space<vmem>>, vector<1x16xf32>,
        %add3A_712 = arith.constant 3 : i32
        %add3A_713 = arith.addi %mul3A_310, %add3A_712 : i32
        %add3A_714 = arith.constant 3 : i32
        %add3A_715 = arith.addi %mul3A_310, %add3A_714 : i32
        %get3A_716 = arith.index_cast %add3A_715 : i32 to index
        %get3A_717 = arith.constant 112 : index
        %get3A_718 = tpu.vector_load %arg6[%get3A_716, %get3A_717] {strides = array<i32>} : memref<200x128xf32, #tpu.memory_space<vmem>>, vector<1x16xf32>,
        %get3A_719 = vector.shape_cast %get3A_718 : vector<1x16xf32> to vector<16xf32>
        %swap3A_720 = arith.index_cast %add3A_713 : i32 to index
        %swap3A_721 = arith.constant 112 : index
        %swap3A_722 = tpu.vector_load %arg8[%swap3A_720, %swap3A_721] {strides = array<i32>} : memref<200x128xf32, #tpu.memory_space<vmem>>, vector<1x16xf32>,
        %swap3A_723 = vector.shape_cast %swap3A_722 : vector<1x16xf32> to vector<16xf32>
        %swap3A_724 = vector.shape_cast %get3A_719 : vector<16xf32> to vector<1x16xf32>
        tpu.vector_store %arg8[%swap3A_720, %swap3A_721], %swap3A_724 {add = true, strides = array<i32>} : memref<200x128xf32, #tpu.memory_space<vmem>>, vector<1x16xf32>,
        %add3A_725 = arith.constant 4 : i32
        %add3A_726 = arith.addi %mul3A_310, %add3A_725 : i32
        %add3A_727 = arith.constant 4 : i32
        %add3A_728 = arith.addi %mul3A_310, %add3A_727 : i32
        %get3A_729 = arith.index_cast %add3A_728 : i32 to index
        %get3A_730 = arith.constant 0 : index
        %get3A_731 = tpu.vector_load %arg6[%get3A_729, %get3A_730] {strides = array<i32>} : memref<200x128xf32, #tpu.memory_space<vmem>>, vector<1x16xf32>,
        %get3A_732 = vector.shape_cast %get3A_731 : vector<1x16xf32> to vector<16xf32>
        %swap3A_733 = arith.index_cast %add3A_726 : i32 to index
        %swap3A_734 = arith.constant 0 : index
        %swap3A_735 = tpu.vector_load %arg8[%swap3A_733, %swap3A_734] {strides = array<i32>} : memref<200x128xf32, #tpu.memory_space<vmem>>, vector<1x16xf32>,
        %swap3A_736 = vector.shape_cast %swap3A_735 : vector<1x16xf32> to vector<16xf32>
        %swap3A_737 = vector.shape_cast %get3A_732 : vector<16xf32> to vector<1x16xf32>
        tpu.vector_store %arg8[%swap3A_733, %swap3A_734], %swap3A_737 {add = true, strides = array<i32>} : memref<200x128xf32, #tpu.memory_space<vmem>>, vector<1x16xf32>,
        %add3A_738 = arith.constant 4 : i32
        %add3A_739 = arith.addi %mul3A_310, %add3A_738 : i32
        %add3A_740 = arith.constant 4 : i32
        %add3A_741 = arith.addi %mul3A_310, %add3A_740 : i32
        %get3A_742 = arith.index_cast %add3A_741 : i32 to index
        %get3A_743 = arith.constant 16 : index
        %get3A_744 = tpu.vector_load %arg6[%get3A_742, %get3A_743] {strides = array<i32>} : memref<200x128xf32, #tpu.memory_space<vmem>>, vector<1x16xf32>,
        %get3A_745 = vector.shape_cast %get3A_744 : vector<1x16xf32> to vector<16xf32>
        %swap3A_746 = arith.index_cast %add3A_739 : i32 to index
        %swap3A_747 = arith.constant 16 : index
        %swap3A_748 = tpu.vector_load %arg8[%swap3A_746, %swap3A_747] {strides = array<i32>} : memref<200x128xf32, #tpu.memory_space<vmem>>, vector<1x16xf32>,
        %swap3A_749 = vector.shape_cast %swap3A_748 : vector<1x16xf32> to vector<16xf32>
        %swap3A_750 = vector.shape_cast %get3A_745 : vector<16xf32> to vector<1x16xf32>
        tpu.vector_store %arg8[%swap3A_746, %swap3A_747], %swap3A_750 {add = true, strides = array<i32>} : memref<200x128xf32, #tpu.memory_space<vmem>>, vector<1x16xf32>,
        %add3A_751 = arith.constant 4 : i32
        %add3A_752 = arith.addi %mul3A_310, %add3A_751 : i32
        %add3A_753 = arith.constant 4 : i32
        %add3A_754 = arith.addi %mul3A_310, %add3A_753 : i32
        %get3A_755 = arith.index_cast %add3A_754 : i32 to index
        %get3A_756 = arith.constant 32 : index
        %get3A_757 = tpu.vector_load %arg6[%get3A_755, %get3A_756] {strides = array<i32>} : memref<200x128xf32, #tpu.memory_space<vmem>>, vector<1x16xf32>,
        %get3A_758 = vector.shape_cast %get3A_757 : vector<1x16xf32> to vector<16xf32>
        %swap3A_759 = arith.index_cast %add3A_752 : i32 to index
        %swap3A_760 = arith.constant 32 : index
        %swap3A_761 = tpu.vector_load %arg8[%swap3A_759, %swap3A_760] {strides = array<i32>} : memref<200x128xf32, #tpu.memory_space<vmem>>, vector<1x16xf32>,
        %swap3A_762 = vector.shape_cast %swap3A_761 : vector<1x16xf32> to vector<16xf32>
        %swap3A_763 = vector.shape_cast %get3A_758 : vector<16xf32> to vector<1x16xf32>
        tpu.vector_store %arg8[%swap3A_759, %swap3A_760], %swap3A_763 {add = true, strides = array<i32>} : memref<200x128xf32, #tpu.memory_space<vmem>>, vector<1x16xf32>,
        %add3A_764 = arith.constant 4 : i32
        %add3A_765 = arith.addi %mul3A_310, %add3A_764 : i32
        %add3A_766 = arith.constant 4 : i32
        %add3A_767 = arith.addi %mul3A_310, %add3A_766 : i32
        %get3A_768 = arith.index_cast %add3A_767 : i32 to index
        %get3A_769 = arith.constant 48 : index
        %get3A_770 = tpu.vector_load %arg6[%get3A_768, %get3A_769] {strides = array<i32>} : memref<200x128xf32, #tpu.memory_space<vmem>>, vector<1x16xf32>,
        %get3A_771 = vector.shape_cast %get3A_770 : vector<1x16xf32> to vector<16xf32>
        %swap3A_772 = arith.index_cast %add3A_765 : i32 to index
        %swap3A_773 = arith.constant 48 : index
        %swap3A_774 = tpu.vector_load %arg8[%swap3A_772, %swap3A_773] {strides = array<i32>} : memref<200x128xf32, #tpu.memory_space<vmem>>, vector<1x16xf32>,
        %swap3A_775 = vector.shape_cast %swap3A_774 : vector<1x16xf32> to vector<16xf32>
        %swap3A_776 = vector.shape_cast %get3A_771 : vector<16xf32> to vector<1x16xf32>
        tpu.vector_store %arg8[%swap3A_772, %swap3A_773], %swap3A_776 {add = true, strides = array<i32>} : memref<200x128xf32, #tpu.memory_space<vmem>>, vector<1x16xf32>,
        %add3A_777 = arith.constant 4 : i32
        %add3A_778 = arith.addi %mul3A_310, %add3A_777 : i32
        %add3A_779 = arith.constant 4 : i32
        %add3A_780 = arith.addi %mul3A_310, %add3A_779 : i32
        %get3A_781 = arith.index_cast %add3A_780 : i32 to index
        %get3A_782 = arith.constant 64 : index
        %get3A_783 = tpu.vector_load %arg6[%get3A_781, %get3A_782] {strides = array<i32>} : memref<200x128xf32, #tpu.memory_space<vmem>>, vector<1x16xf32>,
        %get3A_784 = vector.shape_cast %get3A_783 : vector<1x16xf32> to vector<16xf32>
        %swap3A_785 = arith.index_cast %add3A_778 : i32 to index
        %swap3A_786 = arith.constant 64 : index
        %swap3A_787 = tpu.vector_load %arg8[%swap3A_785, %swap3A_786] {strides = array<i32>} : memref<200x128xf32, #tpu.memory_space<vmem>>, vector<1x16xf32>,
        %swap3A_788 = vector.shape_cast %swap3A_787 : vector<1x16xf32> to vector<16xf32>
        %swap3A_789 = vector.shape_cast %get3A_784 : vector<16xf32> to vector<1x16xf32>
        tpu.vector_store %arg8[%swap3A_785, %swap3A_786], %swap3A_789 {add = true, strides = array<i32>} : memref<200x128xf32, #tpu.memory_space<vmem>>, vector<1x16xf32>,
        %add3A_790 = arith.constant 4 : i32
        %add3A_791 = arith.addi %mul3A_310, %add3A_790 : i32
        %add3A_792 = arith.constant 4 : i32
        %add3A_793 = arith.addi %mul3A_310, %add3A_792 : i32
        %get3A_794 = arith.index_cast %add3A_793 : i32 to index
        %get3A_795 = arith.constant 80 : index
        %get3A_796 = tpu.vector_load %arg6[%get3A_794, %get3A_795] {strides = array<i32>} : memref<200x128xf32, #tpu.memory_space<vmem>>, vector<1x16xf32>,
        %get3A_797 = vector.shape_cast %get3A_796 : vector<1x16xf32> to vector<16xf32>
        %swap3A_798 = arith.index_cast %add3A_791 : i32 to index
        %swap3A_799 = arith.constant 80 : index
        %swap3A_800 = tpu.vector_load %arg8[%swap3A_798, %swap3A_799] {strides = array<i32>} : memref<200x128xf32, #tpu.memory_space<vmem>>, vector<1x16xf32>,
        %swap3A_801 = vector.shape_cast %swap3A_800 : vector<1x16xf32> to vector<16xf32>
        %swap3A_802 = vector.shape_cast %get3A_797 : vector<16xf32> to vector<1x16xf32>
        tpu.vector_store %arg8[%swap3A_798, %swap3A_799], %swap3A_802 {add = true, strides = array<i32>} : memref<200x128xf32, #tpu.memory_space<vmem>>, vector<1x16xf32>,
        %add3A_803 = arith.constant 4 : i32
        %add3A_804 = arith.addi %mul3A_310, %add3A_803 : i32
        %add3A_805 = arith.constant 4 : i32
        %add3A_806 = arith.addi %mul3A_310, %add3A_805 : i32
        %get3A_807 = arith.index_cast %add3A_806 : i32 to index
        %get3A_808 = arith.constant 96 : index
        %get3A_809 = tpu.vector_load %arg6[%get3A_807, %get3A_808] {strides = array<i32>} : memref<200x128xf32, #tpu.memory_space<vmem>>, vector<1x16xf32>,
        %get3A_810 = vector.shape_cast %get3A_809 : vector<1x16xf32> to vector<16xf32>
        %swap3A_811 = arith.index_cast %add3A_804 : i32 to index
        %swap3A_812 = arith.constant 96 : index
        %swap3A_813 = tpu.vector_load %arg8[%swap3A_811, %swap3A_812] {strides = array<i32>} : memref<200x128xf32, #tpu.memory_space<vmem>>, vector<1x16xf32>,
        %swap3A_814 = vector.shape_cast %swap3A_813 : vector<1x16xf32> to vector<16xf32>
        %swap3A_815 = vector.shape_cast %get3A_810 : vector<16xf32> to vector<1x16xf32>
        tpu.vector_store %arg8[%swap3A_811, %swap3A_812], %swap3A_815 {add = true, strides = array<i32>} : memref<200x128xf32, #tpu.memory_space<vmem>>, vector<1x16xf32>,
        %add3A_816 = arith.constant 4 : i32
        %add3A_817 = arith.addi %mul3A_310, %add3A_816 : i32
        %add3A_818 = arith.constant 4 : i32
        %add3A_819 = arith.addi %mul3A_310, %add3A_818 : i32
        %get3A_820 = arith.index_cast %add3A_819 : i32 to index
        %get3A_821 = arith.constant 112 : index
        %get3A_822 = tpu.vector_load %arg6[%get3A_820, %get3A_821] {strides = array<i32>} : memref<200x128xf32, #tpu.memory_space<vmem>>, vector<1x16xf32>,
        %get3A_823 = vector.shape_cast %get3A_822 : vector<1x16xf32> to vector<16xf32>
        %swap3A_824 = arith.index_cast %add3A_817 : i32 to index
        %swap3A_825 = arith.constant 112 : index
        %swap3A_826 = tpu.vector_load %arg8[%swap3A_824, %swap3A_825] {strides = array<i32>} : memref<200x128xf32, #tpu.memory_space<vmem>>, vector<1x16xf32>,
        %swap3A_827 = vector.shape_cast %swap3A_826 : vector<1x16xf32> to vector<16xf32>
        %swap3A_828 = vector.shape_cast %get3A_823 : vector<16xf32> to vector<1x16xf32>
        tpu.vector_store %arg8[%swap3A_824, %swap3A_825], %swap3A_828 {add = true, strides = array<i32>} : memref<200x128xf32, #tpu.memory_space<vmem>>, vector<1x16xf32>,
        %add3A_829 = arith.constant 5 : i32
        %add3A_830 = arith.addi %mul3A_310, %add3A_829 : i32
        %add3A_831 = arith.constant 5 : i32
        %add3A_832 = arith.addi %mul3A_310, %add3A_831 : i32
        %get3A_833 = arith.index_cast %add3A_832 : i32 to index
        %get3A_834 = arith.constant 0 : index
        %get3A_835 = tpu.vector_load %arg6[%get3A_833, %get3A_834] {strides = array<i32>} : memref<200x128xf32, #tpu.memory_space<vmem>>, vector<1x16xf32>,
        %get3A_836 = vector.shape_cast %get3A_835 : vector<1x16xf32> to vector<16xf32>
        %swap3A_837 = arith.index_cast %add3A_830 : i32 to index
        %swap3A_838 = arith.constant 0 : index
        %swap3A_839 = tpu.vector_load %arg8[%swap3A_837, %swap3A_838] {strides = array<i32>} : memref<200x128xf32, #tpu.memory_space<vmem>>, vector<1x16xf32>,
        %swap3A_840 = vector.shape_cast %swap3A_839 : vector<1x16xf32> to vector<16xf32>
        %swap3A_841 = vector.shape_cast %get3A_836 : vector<16xf32> to vector<1x16xf32>
        tpu.vector_store %arg8[%swap3A_837, %swap3A_838], %swap3A_841 {add = true, strides = array<i32>} : memref<200x128xf32, #tpu.memory_space<vmem>>, vector<1x16xf32>,
        %add3A_842 = arith.constant 5 : i32
        %add3A_843 = arith.addi %mul3A_310, %add3A_842 : i32
        %add3A_844 = arith.constant 5 : i32
        %add3A_845 = arith.addi %mul3A_310, %add3A_844 : i32
        %get3A_846 = arith.index_cast %add3A_845 : i32 to index
        %get3A_847 = arith.constant 16 : index
        %get3A_848 = tpu.vector_load %arg6[%get3A_846, %get3A_847] {strides = array<i32>} : memref<200x128xf32, #tpu.memory_space<vmem>>, vector<1x16xf32>,
        %get3A_849 = vector.shape_cast %get3A_848 : vector<1x16xf32> to vector<16xf32>
        %swap3A_850 = arith.index_cast %add3A_843 : i32 to index
        %swap3A_851 = arith.constant 16 : index
        %swap3A_852 = tpu.vector_load %arg8[%swap3A_850, %swap3A_851] {strides = array<i32>} : memref<200x128xf32, #tpu.memory_space<vmem>>, vector<1x16xf32>,
        %swap3A_853 = vector.shape_cast %swap3A_852 : vector<1x16xf32> to vector<16xf32>
        %swap3A_854 = vector.shape_cast %get3A_849 : vector<16xf32> to vector<1x16xf32>
        tpu.vector_store %arg8[%swap3A_850, %swap3A_851], %swap3A_854 {add = true, strides = array<i32>} : memref<200x128xf32, #tpu.memory_space<vmem>>, vector<1x16xf32>,
        %add3A_855 = arith.constant 5 : i32
        %add3A_856 = arith.addi %mul3A_310, %add3A_855 : i32
        %add3A_857 = arith.constant 5 : i32
        %add3A_858 = arith.addi %mul3A_310, %add3A_857 : i32
        %get3A_859 = arith.index_cast %add3A_858 : i32 to index
        %get3A_860 = arith.constant 32 : index
        %get3A_861 = tpu.vector_load %arg6[%get3A_859, %get3A_860] {strides = array<i32>} : memref<200x128xf32, #tpu.memory_space<vmem>>, vector<1x16xf32>,
        %get3A_862 = vector.shape_cast %get3A_861 : vector<1x16xf32> to vector<16xf32>
        %swap3A_863 = arith.index_cast %add3A_856 : i32 to index
        %swap3A_864 = arith.constant 32 : index
        %swap3A_865 = tpu.vector_load %arg8[%swap3A_863, %swap3A_864] {strides = array<i32>} : memref<200x128xf32, #tpu.memory_space<vmem>>, vector<1x16xf32>,
        %swap3A_866 = vector.shape_cast %swap3A_865 : vector<1x16xf32> to vector<16xf32>
        %swap3A_867 = vector.shape_cast %get3A_862 : vector<16xf32> to vector<1x16xf32>
        tpu.vector_store %arg8[%swap3A_863, %swap3A_864], %swap3A_867 {add = true, strides = array<i32>} : memref<200x128xf32, #tpu.memory_space<vmem>>, vector<1x16xf32>,
        %add3A_868 = arith.constant 5 : i32
        %add3A_869 = arith.addi %mul3A_310, %add3A_868 : i32
        %add3A_870 = arith.constant 5 : i32
        %add3A_871 = arith.addi %mul3A_310, %add3A_870 : i32
        %get3A_872 = arith.index_cast %add3A_871 : i32 to index
        %get3A_873 = arith.constant 48 : index
        %get3A_874 = tpu.vector_load %arg6[%get3A_872, %get3A_873] {strides = array<i32>} : memref<200x128xf32, #tpu.memory_space<vmem>>, vector<1x16xf32>,
        %get3A_875 = vector.shape_cast %get3A_874 : vector<1x16xf32> to vector<16xf32>
        %swap3A_876 = arith.index_cast %add3A_869 : i32 to index
        %swap3A_877 = arith.constant 48 : index
        %swap3A_878 = tpu.vector_load %arg8[%swap3A_876, %swap3A_877] {strides = array<i32>} : memref<200x128xf32, #tpu.memory_space<vmem>>, vector<1x16xf32>,
        %swap3A_879 = vector.shape_cast %swap3A_878 : vector<1x16xf32> to vector<16xf32>
        %swap3A_880 = vector.shape_cast %get3A_875 : vector<16xf32> to vector<1x16xf32>
        tpu.vector_store %arg8[%swap3A_876, %swap3A_877], %swap3A_880 {add = true, strides = array<i32>} : memref<200x128xf32, #tpu.memory_space<vmem>>, vector<1x16xf32>,
        %add3A_881 = arith.constant 5 : i32
        %add3A_882 = arith.addi %mul3A_310, %add3A_881 : i32
        %add3A_883 = arith.constant 5 : i32
        %add3A_884 = arith.addi %mul3A_310, %add3A_883 : i32
        %get3A_885 = arith.index_cast %add3A_884 : i32 to index
        %get3A_886 = arith.constant 64 : index
        %get3A_887 = tpu.vector_load %arg6[%get3A_885, %get3A_886] {strides = array<i32>} : memref<200x128xf32, #tpu.memory_space<vmem>>, vector<1x16xf32>,
        %get3A_888 = vector.shape_cast %get3A_887 : vector<1x16xf32> to vector<16xf32>
        %swap3A_889 = arith.index_cast %add3A_882 : i32 to index
        %swap3A_890 = arith.constant 64 : index
        %swap3A_891 = tpu.vector_load %arg8[%swap3A_889, %swap3A_890] {strides = array<i32>} : memref<200x128xf32, #tpu.memory_space<vmem>>, vector<1x16xf32>,
        %swap3A_892 = vector.shape_cast %swap3A_891 : vector<1x16xf32> to vector<16xf32>
        %swap3A_893 = vector.shape_cast %get3A_888 : vector<16xf32> to vector<1x16xf32>
        tpu.vector_store %arg8[%swap3A_889, %swap3A_890], %swap3A_893 {add = true, strides = array<i32>} : memref<200x128xf32, #tpu.memory_space<vmem>>, vector<1x16xf32>,
        %add3A_894 = arith.constant 5 : i32
        %add3A_895 = arith.addi %mul3A_310, %add3A_894 : i32
        %add3A_896 = arith.constant 5 : i32
        %add3A_897 = arith.addi %mul3A_310, %add3A_896 : i32
        %get3A_898 = arith.index_cast %add3A_897 : i32 to index
        %get3A_899 = arith.constant 80 : index
        %get3A_900 = tpu.vector_load %arg6[%get3A_898, %get3A_899] {strides = array<i32>} : memref<200x128xf32, #tpu.memory_space<vmem>>, vector<1x16xf32>,
        %get3A_901 = vector.shape_cast %get3A_900 : vector<1x16xf32> to vector<16xf32>
        %swap3A_902 = arith.index_cast %add3A_895 : i32 to index
        %swap3A_903 = arith.constant 80 : index
        %swap3A_904 = tpu.vector_load %arg8[%swap3A_902, %swap3A_903] {strides = array<i32>} : memref<200x128xf32, #tpu.memory_space<vmem>>, vector<1x16xf32>,
        %swap3A_905 = vector.shape_cast %swap3A_904 : vector<1x16xf32> to vector<16xf32>
        %swap3A_906 = vector.shape_cast %get3A_901 : vector<16xf32> to vector<1x16xf32>
        tpu.vector_store %arg8[%swap3A_902, %swap3A_903], %swap3A_906 {add = true, strides = array<i32>} : memref<200x128xf32, #tpu.memory_space<vmem>>, vector<1x16xf32>,
        %add3A_907 = arith.constant 5 : i32
        %add3A_908 = arith.addi %mul3A_310, %add3A_907 : i32
        %add3A_909 = arith.constant 5 : i32
        %add3A_910 = arith.addi %mul3A_310, %add3A_909 : i32
        %get3A_911 = arith.index_cast %add3A_910 : i32 to index
        %get3A_912 = arith.constant 96 : index
        %get3A_913 = tpu.vector_load %arg6[%get3A_911, %get3A_912] {strides = array<i32>} : memref<200x128xf32, #tpu.memory_space<vmem>>, vector<1x16xf32>,
        %get3A_914 = vector.shape_cast %get3A_913 : vector<1x16xf32> to vector<16xf32>
        %swap3A_915 = arith.index_cast %add3A_908 : i32 to index
        %swap3A_916 = arith.constant 96 : index
        %swap3A_917 = tpu.vector_load %arg8[%swap3A_915, %swap3A_916] {strides = array<i32>} : memref<200x128xf32, #tpu.memory_space<vmem>>, vector<1x16xf32>,
        %swap3A_918 = vector.shape_cast %swap3A_917 : vector<1x16xf32> to vector<16xf32>
        %swap3A_919 = vector.shape_cast %get3A_914 : vector<16xf32> to vector<1x16xf32>
        tpu.vector_store %arg8[%swap3A_915, %swap3A_916], %swap3A_919 {add = true, strides = array<i32>} : memref<200x128xf32, #tpu.memory_space<vmem>>, vector<1x16xf32>,
        %add3A_920 = arith.constant 5 : i32
        %add3A_921 = arith.addi %mul3A_310, %add3A_920 : i32
        %add3A_922 = arith.constant 5 : i32
        %add3A_923 = arith.addi %mul3A_310, %add3A_922 : i32
        %get3A_924 = arith.index_cast %add3A_923 : i32 to index
        %get3A_925 = arith.constant 112 : index
        %get3A_926 = tpu.vector_load %arg6[%get3A_924, %get3A_925] {strides = array<i32>} : memref<200x128xf32, #tpu.memory_space<vmem>>, vector<1x16xf32>,
        %get3A_927 = vector.shape_cast %get3A_926 : vector<1x16xf32> to vector<16xf32>
        %swap3A_928 = arith.index_cast %add3A_921 : i32 to index
        %swap3A_929 = arith.constant 112 : index
        %swap3A_930 = tpu.vector_load %arg8[%swap3A_928, %swap3A_929] {strides = array<i32>} : memref<200x128xf32, #tpu.memory_space<vmem>>, vector<1x16xf32>,
        %swap3A_931 = vector.shape_cast %swap3A_930 : vector<1x16xf32> to vector<16xf32>
        %swap3A_932 = vector.shape_cast %get3A_927 : vector<16xf32> to vector<1x16xf32>
        tpu.vector_store %arg8[%swap3A_928, %swap3A_929], %swap3A_932 {add = true, strides = array<i32>} : memref<200x128xf32, #tpu.memory_space<vmem>>, vector<1x16xf32>,
        %add3A_933 = arith.constant 6 : i32
        %add3A_934 = arith.addi %mul3A_310, %add3A_933 : i32
        %add3A_935 = arith.constant 6 : i32
        %add3A_936 = arith.addi %mul3A_310, %add3A_935 : i32
        %get3A_937 = arith.index_cast %add3A_936 : i32 to index
        %get3A_938 = arith.constant 0 : index
        %get3A_939 = tpu.vector_load %arg6[%get3A_937, %get3A_938] {strides = array<i32>} : memref<200x128xf32, #tpu.memory_space<vmem>>, vector<1x16xf32>,
        %get3A_940 = vector.shape_cast %get3A_939 : vector<1x16xf32> to vector<16xf32>
        %swap3A_941 = arith.index_cast %add3A_934 : i32 to index
        %swap3A_942 = arith.constant 0 : index
        %swap3A_943 = tpu.vector_load %arg8[%swap3A_941, %swap3A_942] {strides = array<i32>} : memref<200x128xf32, #tpu.memory_space<vmem>>, vector<1x16xf32>,
        %swap3A_944 = vector.shape_cast %swap3A_943 : vector<1x16xf32> to vector<16xf32>
        %swap3A_945 = vector.shape_cast %get3A_940 : vector<16xf32> to vector<1x16xf32>
        tpu.vector_store %arg8[%swap3A_941, %swap3A_942], %swap3A_945 {add = true, strides = array<i32>} : memref<200x128xf32, #tpu.memory_space<vmem>>, vector<1x16xf32>,
        %add3A_946 = arith.constant 6 : i32
        %add3A_947 = arith.addi %mul3A_310, %add3A_946 : i32
        %add3A_948 = arith.constant 6 : i32
        %add3A_949 = arith.addi %mul3A_310, %add3A_948 : i32
        %get3A_950 = arith.index_cast %add3A_949 : i32 to index
        %get3A_951 = arith.constant 16 : index
        %get3A_952 = tpu.vector_load %arg6[%get3A_950, %get3A_951] {strides = array<i32>} : memref<200x128xf32, #tpu.memory_space<vmem>>, vector<1x16xf32>,
        %get3A_953 = vector.shape_cast %get3A_952 : vector<1x16xf32> to vector<16xf32>
        %swap3A_954 = arith.index_cast %add3A_947 : i32 to index
        %swap3A_955 = arith.constant 16 : index
        %swap3A_956 = tpu.vector_load %arg8[%swap3A_954, %swap3A_955] {strides = array<i32>} : memref<200x128xf32, #tpu.memory_space<vmem>>, vector<1x16xf32>,
        %swap3A_957 = vector.shape_cast %swap3A_956 : vector<1x16xf32> to vector<16xf32>
        %swap3A_958 = vector.shape_cast %get3A_953 : vector<16xf32> to vector<1x16xf32>
        tpu.vector_store %arg8[%swap3A_954, %swap3A_955], %swap3A_958 {add = true, strides = array<i32>} : memref<200x128xf32, #tpu.memory_space<vmem>>, vector<1x16xf32>,
        %add3A_959 = arith.constant 6 : i32
        %add3A_960 = arith.addi %mul3A_310, %add3A_959 : i32
        %add3A_961 = arith.constant 6 : i32
        %add3A_962 = arith.addi %mul3A_310, %add3A_961 : i32
        %get3A_963 = arith.index_cast %add3A_962 : i32 to index
        %get3A_964 = arith.constant 32 : index
        %get3A_965 = tpu.vector_load %arg6[%get3A_963, %get3A_964] {strides = array<i32>} : memref<200x128xf32, #tpu.memory_space<vmem>>, vector<1x16xf32>,
        %get3A_966 = vector.shape_cast %get3A_965 : vector<1x16xf32> to vector<16xf32>
        %swap3A_967 = arith.index_cast %add3A_960 : i32 to index
        %swap3A_968 = arith.constant 32 : index
        %swap3A_969 = tpu.vector_load %arg8[%swap3A_967, %swap3A_968] {strides = array<i32>} : memref<200x128xf32, #tpu.memory_space<vmem>>, vector<1x16xf32>,
        %swap3A_970 = vector.shape_cast %swap3A_969 : vector<1x16xf32> to vector<16xf32>
        %swap3A_971 = vector.shape_cast %get3A_966 : vector<16xf32> to vector<1x16xf32>
        tpu.vector_store %arg8[%swap3A_967, %swap3A_968], %swap3A_971 {add = true, strides = array<i32>} : memref<200x128xf32, #tpu.memory_space<vmem>>, vector<1x16xf32>,
        %add3A_972 = arith.constant 6 : i32
        %add3A_973 = arith.addi %mul3A_310, %add3A_972 : i32
        %add3A_974 = arith.constant 6 : i32
        %add3A_975 = arith.addi %mul3A_310, %add3A_974 : i32
        %get3A_976 = arith.index_cast %add3A_975 : i32 to index
        %get3A_977 = arith.constant 48 : index
        %get3A_978 = tpu.vector_load %arg6[%get3A_976, %get3A_977] {strides = array<i32>} : memref<200x128xf32, #tpu.memory_space<vmem>>, vector<1x16xf32>,
        %get3A_979 = vector.shape_cast %get3A_978 : vector<1x16xf32> to vector<16xf32>
        %swap3A_980 = arith.index_cast %add3A_973 : i32 to index
        %swap3A_981 = arith.constant 48 : index
        %swap3A_982 = tpu.vector_load %arg8[%swap3A_980, %swap3A_981] {strides = array<i32>} : memref<200x128xf32, #tpu.memory_space<vmem>>, vector<1x16xf32>,
        %swap3A_983 = vector.shape_cast %swap3A_982 : vector<1x16xf32> to vector<16xf32>
        %swap3A_984 = vector.shape_cast %get3A_979 : vector<16xf32> to vector<1x16xf32>
        tpu.vector_store %arg8[%swap3A_980, %swap3A_981], %swap3A_984 {add = true, strides = array<i32>} : memref<200x128xf32, #tpu.memory_space<vmem>>, vector<1x16xf32>,
        %add3A_985 = arith.constant 6 : i32
        %add3A_986 = arith.addi %mul3A_310, %add3A_985 : i32
        %add3A_987 = arith.constant 6 : i32
        %add3A_988 = arith.addi %mul3A_310, %add3A_987 : i32
        %get3A_989 = arith.index_cast %add3A_988 : i32 to index
        %get3A_990 = arith.constant 64 : index
        %get3A_991 = tpu.vector_load %arg6[%get3A_989, %get3A_990] {strides = array<i32>} : memref<200x128xf32, #tpu.memory_space<vmem>>, vector<1x16xf32>,
        %get3A_992 = vector.shape_cast %get3A_991 : vector<1x16xf32> to vector<16xf32>
        %swap3A_993 = arith.index_cast %add3A_986 : i32 to index
        %swap3A_994 = arith.constant 64 : index
        %swap3A_995 = tpu.vector_load %arg8[%swap3A_993, %swap3A_994] {strides = array<i32>} : memref<200x128xf32, #tpu.memory_space<vmem>>, vector<1x16xf32>,
        %swap3A_996 = vector.shape_cast %swap3A_995 : vector<1x16xf32> to vector<16xf32>
        %swap3A_997 = vector.shape_cast %get3A_992 : vector<16xf32> to vector<1x16xf32>
        tpu.vector_store %arg8[%swap3A_993, %swap3A_994], %swap3A_997 {add = true, strides = array<i32>} : memref<200x128xf32, #tpu.memory_space<vmem>>, vector<1x16xf32>,
        %add3A_998 = arith.constant 6 : i32
        %add3A_999 = arith.addi %mul3A_310, %add3A_998 : i32
        %add3A_1000 = arith.constant 6 : i32
        %add3A_1001 = arith.addi %mul3A_310, %add3A_1000 : i32
        %get3A_1002 = arith.index_cast %add3A_1001 : i32 to index
        %get3A_1003 = arith.constant 80 : index
        %get3A_1004 = tpu.vector_load %arg6[%get3A_1002, %get3A_1003] {strides = array<i32>} : memref<200x128xf32, #tpu.memory_space<vmem>>, vector<1x16xf32>,
        %get3A_1005 = vector.shape_cast %get3A_1004 : vector<1x16xf32> to vector<16xf32>
        %swap3A_1006 = arith.index_cast %add3A_999 : i32 to index
        %swap3A_1007 = arith.constant 80 : index
        %swap3A_1008 = tpu.vector_load %arg8[%swap3A_1006, %swap3A_1007] {strides = array<i32>} : memref<200x128xf32, #tpu.memory_space<vmem>>, vector<1x16xf32>,
        %swap3A_1009 = vector.shape_cast %swap3A_1008 : vector<1x16xf32> to vector<16xf32>
        %swap3A_1010 = vector.shape_cast %get3A_1005 : vector<16xf32> to vector<1x16xf32>
        tpu.vector_store %arg8[%swap3A_1006, %swap3A_1007], %swap3A_1010 {add = true, strides = array<i32>} : memref<200x128xf32, #tpu.memory_space<vmem>>, vector<1x16xf32>,
        %add3A_1011 = arith.constant 6 : i32
        %add3A_1012 = arith.addi %mul3A_310, %add3A_1011 : i32
        %add3A_1013 = arith.constant 6 : i32
        %add3A_1014 = arith.addi %mul3A_310, %add3A_1013 : i32
        %get3A_1015 = arith.index_cast %add3A_1014 : i32 to index
        %get3A_1016 = arith.constant 96 : index
        %get3A_1017 = tpu.vector_load %arg6[%get3A_1015, %get3A_1016] {strides = array<i32>} : memref<200x128xf32, #tpu.memory_space<vmem>>, vector<1x16xf32>,
        %get3A_1018 = vector.shape_cast %get3A_1017 : vector<1x16xf32> to vector<16xf32>
        %swap3A_1019 = arith.index_cast %add3A_1012 : i32 to index
        %swap3A_1020 = arith.constant 96 : index
        %swap3A_1021 = tpu.vector_load %arg8[%swap3A_1019, %swap3A_1020] {strides = array<i32>} : memref<200x128xf32, #tpu.memory_space<vmem>>, vector<1x16xf32>,
        %swap3A_1022 = vector.shape_cast %swap3A_1021 : vector<1x16xf32> to vector<16xf32>
        %swap3A_1023 = vector.shape_cast %get3A_1018 : vector<16xf32> to vector<1x16xf32>
        tpu.vector_store %arg8[%swap3A_1019, %swap3A_1020], %swap3A_1023 {add = true, strides = array<i32>} : memref<200x128xf32, #tpu.memory_space<vmem>>, vector<1x16xf32>,
        %add3A_1024 = arith.constant 6 : i32
        %add3A_1025 = arith.addi %mul3A_310, %add3A_1024 : i32
        %add3A_1026 = arith.constant 6 : i32
        %add3A_1027 = arith.addi %mul3A_310, %add3A_1026 : i32
        %get3A_1028 = arith.index_cast %add3A_1027 : i32 to index
        %get3A_1029 = arith.constant 112 : index
        %get3A_1030 = tpu.vector_load %arg6[%get3A_1028, %get3A_1029] {strides = array<i32>} : memref<200x128xf32, #tpu.memory_space<vmem>>, vector<1x16xf32>,
        %get3A_1031 = vector.shape_cast %get3A_1030 : vector<1x16xf32> to vector<16xf32>
        %swap3A_1032 = arith.index_cast %add3A_1025 : i32 to index
        %swap3A_1033 = arith.constant 112 : index
        %swap3A_1034 = tpu.vector_load %arg8[%swap3A_1032, %swap3A_1033] {strides = array<i32>} : memref<200x128xf32, #tpu.memory_space<vmem>>, vector<1x16xf32>,
        %swap3A_1035 = vector.shape_cast %swap3A_1034 : vector<1x16xf32> to vector<16xf32>
        %swap3A_1036 = vector.shape_cast %get3A_1031 : vector<16xf32> to vector<1x16xf32>
        tpu.vector_store %arg8[%swap3A_1032, %swap3A_1033], %swap3A_1036 {add = true, strides = array<i32>} : memref<200x128xf32, #tpu.memory_space<vmem>>, vector<1x16xf32>,
        %add3A_1037 = arith.constant 7 : i32
        %add3A_1038 = arith.addi %mul3A_310, %add3A_1037 : i32
        %add3A_1039 = arith.constant 7 : i32
        %add3A_1040 = arith.addi %mul3A_310, %add3A_1039 : i32
        %get3A_1041 = arith.index_cast %add3A_1040 : i32 to index
        %get3A_1042 = arith.constant 0 : index
        %get3A_1043 = tpu.vector_load %arg6[%get3A_1041, %get3A_1042] {strides = array<i32>} : memref<200x128xf32, #tpu.memory_space<vmem>>, vector<1x16xf32>,
        %get3A_1044 = vector.shape_cast %get3A_1043 : vector<1x16xf32> to vector<16xf32>
        %swap3A_1045 = arith.index_cast %add3A_1038 : i32 to index
        %swap3A_1046 = arith.constant 0 : index
        %swap3A_1047 = tpu.vector_load %arg8[%swap3A_1045, %swap3A_1046] {strides = array<i32>} : memref<200x128xf32, #tpu.memory_space<vmem>>, vector<1x16xf32>,
        %swap3A_1048 = vector.shape_cast %swap3A_1047 : vector<1x16xf32> to vector<16xf32>
        %swap3A_1049 = vector.shape_cast %get3A_1044 : vector<16xf32> to vector<1x16xf32>
        tpu.vector_store %arg8[%swap3A_1045, %swap3A_1046], %swap3A_1049 {add = true, strides = array<i32>} : memref<200x128xf32, #tpu.memory_space<vmem>>, vector<1x16xf32>,
        %add3A_1050 = arith.constant 7 : i32
        %add3A_1051 = arith.addi %mul3A_310, %add3A_1050 : i32
        %add3A_1052 = arith.constant 7 : i32
        %add3A_1053 = arith.addi %mul3A_310, %add3A_1052 : i32
        %get3A_1054 = arith.index_cast %add3A_1053 : i32 to index
        %get3A_1055 = arith.constant 16 : index
        %get3A_1056 = tpu.vector_load %arg6[%get3A_1054, %get3A_1055] {strides = array<i32>} : memref<200x128xf32, #tpu.memory_space<vmem>>, vector<1x16xf32>,
        %get3A_1057 = vector.shape_cast %get3A_1056 : vector<1x16xf32> to vector<16xf32>
        %swap3A_1058 = arith.index_cast %add3A_1051 : i32 to index
        %swap3A_1059 = arith.constant 16 : index
        %swap3A_1060 = tpu.vector_load %arg8[%swap3A_1058, %swap3A_1059] {strides = array<i32>} : memref<200x128xf32, #tpu.memory_space<vmem>>, vector<1x16xf32>,
        %swap3A_1061 = vector.shape_cast %swap3A_1060 : vector<1x16xf32> to vector<16xf32>
        %swap3A_1062 = vector.shape_cast %get3A_1057 : vector<16xf32> to vector<1x16xf32>
        tpu.vector_store %arg8[%swap3A_1058, %swap3A_1059], %swap3A_1062 {add = true, strides = array<i32>} : memref<200x128xf32, #tpu.memory_space<vmem>>, vector<1x16xf32>,
        %add3A_1063 = arith.constant 7 : i32
        %add3A_1064 = arith.addi %mul3A_310, %add3A_1063 : i32
        %add3A_1065 = arith.constant 7 : i32
        %add3A_1066 = arith.addi %mul3A_310, %add3A_1065 : i32
        %get3A_1067 = arith.index_cast %add3A_1066 : i32 to index
        %get3A_1068 = arith.constant 32 : index
        %get3A_1069 = tpu.vector_load %arg6[%get3A_1067, %get3A_1068] {strides = array<i32>} : memref<200x128xf32, #tpu.memory_space<vmem>>, vector<1x16xf32>,
        %get3A_1070 = vector.shape_cast %get3A_1069 : vector<1x16xf32> to vector<16xf32>
        %swap3A_1071 = arith.index_cast %add3A_1064 : i32 to index
        %swap3A_1072 = arith.constant 32 : index
        %swap3A_1073 = tpu.vector_load %arg8[%swap3A_1071, %swap3A_1072] {strides = array<i32>} : memref<200x128xf32, #tpu.memory_space<vmem>>, vector<1x16xf32>,
        %swap3A_1074 = vector.shape_cast %swap3A_1073 : vector<1x16xf32> to vector<16xf32>
        %swap3A_1075 = vector.shape_cast %get3A_1070 : vector<16xf32> to vector<1x16xf32>
        tpu.vector_store %arg8[%swap3A_1071, %swap3A_1072], %swap3A_1075 {add = true, strides = array<i32>} : memref<200x128xf32, #tpu.memory_space<vmem>>, vector<1x16xf32>,
        %add3A_1076 = arith.constant 7 : i32
        %add3A_1077 = arith.addi %mul3A_310, %add3A_1076 : i32
        %add3A_1078 = arith.constant 7 : i32
        %add3A_1079 = arith.addi %mul3A_310, %add3A_1078 : i32
        %get3A_1080 = arith.index_cast %add3A_1079 : i32 to index
        %get3A_1081 = arith.constant 48 : index
        %get3A_1082 = tpu.vector_load %arg6[%get3A_1080, %get3A_1081] {strides = array<i32>} : memref<200x128xf32, #tpu.memory_space<vmem>>, vector<1x16xf32>,
        %get3A_1083 = vector.shape_cast %get3A_1082 : vector<1x16xf32> to vector<16xf32>
        %swap3A_1084 = arith.index_cast %add3A_1077 : i32 to index
        %swap3A_1085 = arith.constant 48 : index
        %swap3A_1086 = tpu.vector_load %arg8[%swap3A_1084, %swap3A_1085] {strides = array<i32>} : memref<200x128xf32, #tpu.memory_space<vmem>>, vector<1x16xf32>,
        %swap3A_1087 = vector.shape_cast %swap3A_1086 : vector<1x16xf32> to vector<16xf32>
        %swap3A_1088 = vector.shape_cast %get3A_1083 : vector<16xf32> to vector<1x16xf32>
        tpu.vector_store %arg8[%swap3A_1084, %swap3A_1085], %swap3A_1088 {add = true, strides = array<i32>} : memref<200x128xf32, #tpu.memory_space<vmem>>, vector<1x16xf32>,
        %add3A_1089 = arith.constant 7 : i32
        %add3A_1090 = arith.addi %mul3A_310, %add3A_1089 : i32
        %add3A_1091 = arith.constant 7 : i32
        %add3A_1092 = arith.addi %mul3A_310, %add3A_1091 : i32
        %get3A_1093 = arith.index_cast %add3A_1092 : i32 to index
        %get3A_1094 = arith.constant 64 : index
        %get3A_1095 = tpu.vector_load %arg6[%get3A_1093, %get3A_1094] {strides = array<i32>} : memref<200x128xf32, #tpu.memory_space<vmem>>, vector<1x16xf32>,
        %get3A_1096 = vector.shape_cast %get3A_1095 : vector<1x16xf32> to vector<16xf32>
        %swap3A_1097 = arith.index_cast %add3A_1090 : i32 to index
        %swap3A_1098 = arith.constant 64 : index
        %swap3A_1099 = tpu.vector_load %arg8[%swap3A_1097, %swap3A_1098] {strides = array<i32>} : memref<200x128xf32, #tpu.memory_space<vmem>>, vector<1x16xf32>,
        %swap3A_1100 = vector.shape_cast %swap3A_1099 : vector<1x16xf32> to vector<16xf32>
        %swap3A_1101 = vector.shape_cast %get3A_1096 : vector<16xf32> to vector<1x16xf32>
        tpu.vector_store %arg8[%swap3A_1097, %swap3A_1098], %swap3A_1101 {add = true, strides = array<i32>} : memref<200x128xf32, #tpu.memory_space<vmem>>, vector<1x16xf32>,
        %add3A_1102 = arith.constant 7 : i32
        %add3A_1103 = arith.addi %mul3A_310, %add3A_1102 : i32
        %add3A_1104 = arith.constant 7 : i32
        %add3A_1105 = arith.addi %mul3A_310, %add3A_1104 : i32
        %get3A_1106 = arith.index_cast %add3A_1105 : i32 to index
        %get3A_1107 = arith.constant 80 : index
        %get3A_1108 = tpu.vector_load %arg6[%get3A_1106, %get3A_1107] {strides = array<i32>} : memref<200x128xf32, #tpu.memory_space<vmem>>, vector<1x16xf32>,
        %get3A_1109 = vector.shape_cast %get3A_1108 : vector<1x16xf32> to vector<16xf32>
        %swap3A_1110 = arith.index_cast %add3A_1103 : i32 to index
        %swap3A_1111 = arith.constant 80 : index
        %swap3A_1112 = tpu.vector_load %arg8[%swap3A_1110, %swap3A_1111] {strides = array<i32>} : memref<200x128xf32, #tpu.memory_space<vmem>>, vector<1x16xf32>,
        %swap3A_1113 = vector.shape_cast %swap3A_1112 : vector<1x16xf32> to vector<16xf32>
        %swap3A_1114 = vector.shape_cast %get3A_1109 : vector<16xf32> to vector<1x16xf32>
        tpu.vector_store %arg8[%swap3A_1110, %swap3A_1111], %swap3A_1114 {add = true, strides = array<i32>} : memref<200x128xf32, #tpu.memory_space<vmem>>, vector<1x16xf32>,
        %add3A_1115 = arith.constant 7 : i32
        %add3A_1116 = arith.addi %mul3A_310, %add3A_1115 : i32
        %add3A_1117 = arith.constant 7 : i32
        %add3A_1118 = arith.addi %mul3A_310, %add3A_1117 : i32
        %get3A_1119 = arith.index_cast %add3A_1118 : i32 to index
        %get3A_1120 = arith.constant 96 : index
        %get3A_1121 = tpu.vector_load %arg6[%get3A_1119, %get3A_1120] {strides = array<i32>} : memref<200x128xf32, #tpu.memory_space<vmem>>, vector<1x16xf32>,
        %get3A_1122 = vector.shape_cast %get3A_1121 : vector<1x16xf32> to vector<16xf32>
        %swap3A_1123 = arith.index_cast %add3A_1116 : i32 to index
        %swap3A_1124 = arith.constant 96 : index
        %swap3A_1125 = tpu.vector_load %arg8[%swap3A_1123, %swap3A_1124] {strides = array<i32>} : memref<200x128xf32, #tpu.memory_space<vmem>>, vector<1x16xf32>,
        %swap3A_1126 = vector.shape_cast %swap3A_1125 : vector<1x16xf32> to vector<16xf32>
        %swap3A_1127 = vector.shape_cast %get3A_1122 : vector<16xf32> to vector<1x16xf32>
        tpu.vector_store %arg8[%swap3A_1123, %swap3A_1124], %swap3A_1127 {add = true, strides = array<i32>} : memref<200x128xf32, #tpu.memory_space<vmem>>, vector<1x16xf32>,
        %add3A_1128 = arith.constant 7 : i32
        %add3A_1129 = arith.addi %mul3A_310, %add3A_1128 : i32
        %add3A_1130 = arith.constant 7 : i32
        %add3A_1131 = arith.addi %mul3A_310, %add3A_1130 : i32
        %get3A_1132 = arith.index_cast %add3A_1131 : i32 to index
        %get3A_1133 = arith.constant 112 : index
        %get3A_1134 = tpu.vector_load %arg6[%get3A_1132, %get3A_1133] {strides = array<i32>} : memref<200x128xf32, #tpu.memory_space<vmem>>, vector<1x16xf32>,
        %get3A_1135 = vector.shape_cast %get3A_1134 : vector<1x16xf32> to vector<16xf32>
        %swap3A_1136 = arith.index_cast %add3A_1129 : i32 to index
        %swap3A_1137 = arith.constant 112 : index
        %swap3A_1138 = tpu.vector_load %arg8[%swap3A_1136, %swap3A_1137] {strides = array<i32>} : memref<200x128xf32, #tpu.memory_space<vmem>>, vector<1x16xf32>,
        %swap3A_1139 = vector.shape_cast %swap3A_1138 : vector<1x16xf32> to vector<16xf32>
        %swap3A_1140 = vector.shape_cast %get3A_1135 : vector<16xf32> to vector<1x16xf32>
        tpu.vector_store %arg8[%swap3A_1136, %swap3A_1137], %swap3A_1140 {add = true, strides = array<i32>} : memref<200x128xf32, #tpu.memory_space<vmem>>, vector<1x16xf32>,
      }
      %scan3A_205 = arith.constant 25 : i32
      %add3A_206 = arith.constant 1 : i32
      %add3A_207 = arith.addi %mul3A_122, %add3A_206 : i32
      %mul3A_208 = arith.constant 128 : i32
      %mul3A_209 = arith.muli %add3A, %mul3A_208 : i32
      %add3A_210 = arith.addi %mul3A_209, %add3A_207 : i32
      %mul3A_211 = arith.constant 200 : i32
      %mul3A_212 = arith.muli %add3A_210, %mul3A_211 : i32
      %dma_start3A_213 = arith.constant 0 : i32
      %dma_start3A_214 = tpu.memref_slice %arg5[%mul3A_212, %dma_start3A_213] : memref<819200x128xf32, #tpu.memory_space<hbm>> -> memref<200x128xf32, #tpu.memory_space<hbm>>
      %dma_start3A_215 = arith.constant 0 : i32
      %dma_start3A_216 = tpu.memref_slice %arg5[%mul3A_212, %dma_start3A_215] : memref<819200x128xf32, #tpu.memory_space<hbm>> -> memref<200x128xf32, #tpu.memory_space<hbm>>
      tpu.enqueue_dma source(%arg8 : memref<200x128xf32, #tpu.memory_space<vmem>>) target(%dma_start3A_216 : memref<200x128xf32, #tpu.memory_space<hbm>>) target_semaphore(%arg17 : memref<!tpu.dma_semaphore, #tpu.memory_space<semaphore_mem>>)
      %dma_wait3A_217 = arith.constant 0 : i32
      %dma_wait3A_218 = arith.constant 0 : i32
      %dma_wait3A_219 = tpu.memref_slice %arg5[%dma_wait3A_217, %dma_wait3A_218] : memref<819200x128xf32, #tpu.memory_space<hbm>> -> memref<200x128xf32, #tpu.memory_space<hbm>>
      %dma_wait3A_220 = arith.constant 0 : i32
      %dma_wait3A_221 = arith.constant 0 : i32
      %dma_wait3A_222 = tpu.memref_slice %arg5[%dma_wait3A_220, %dma_wait3A_221] : memref<819200x128xf32, #tpu.memory_space<hbm>> -> memref<200x128xf32, #tpu.memory_space<hbm>>
      tpu.wait_dma2 semaphore(%arg16 : memref<!tpu.dma_semaphore, #tpu.memory_space<semaphore_mem>>) src(%arg7 : memref<200x128xf32, #tpu.memory_space<vmem>>) dst(%dma_wait3A_222 : memref<200x128xf32, #tpu.memory_space<hbm>>)
      %dma_wait3A_223 = arith.constant 0 : i32
      %dma_wait3A_224 = arith.constant 0 : i32
      %dma_wait3A_225 = tpu.memref_slice %arg2[%dma_wait3A_223, %dma_wait3A_224] : memref<8192x100xi32, #tpu.memory_space<hbm>> -> memref<2x100xi32, #tpu.memory_space<hbm>>
      %dma_wait3A_226 = arith.constant 0 : i32
      %dma_wait3A_227 = arith.constant 0 : i32
      %dma_wait3A_228 = tpu.memref_slice %arg2[%dma_wait3A_226, %dma_wait3A_227] : memref<8192x100xi32, #tpu.memory_space<hbm>> -> memref<2x100xi32, #tpu.memory_space<hbm>>
      tpu.wait_dma2 semaphore(%arg19 : memref<!tpu.dma_semaphore, #tpu.memory_space<semaphore_mem>>) src(%dma_wait3A_228 : memref<2x100xi32, #tpu.memory_space<hbm>>) dst(%arg10 : memref<2x100xi32, #tpu.memory_space<vmem>>)
      %dma_start3A_229 = arith.constant 0 : i32
      %dma_start3A_230 = arith.constant 0 : i32
      %dma_start3A_231 = arith.constant 0 : i32
      %dma_start3A_232 = tpu.memref_slice %arg7[%dma_start3A_230, %dma_start3A_231] : memref<200x128xf32, #tpu.memory_space<vmem>> -> memref<100x128xf32, #tpu.memory_space<vmem>>
      %dma_start3A_233 = arith.constant 0 : i32
      %dma_start3A_234 = tpu.memref_slice %arg10[%dma_start3A_229, %dma_start3A_233] : memref<2x100xi32, #tpu.memory_space<vmem>> -> memref<1x100xi32, #tpu.memory_space<vmem>>
      %dma_start3A_235 = tpu.memref_squeeze %dma_start3A_234 : memref<1x100xi32, #tpu.memory_space<vmem>> -> memref<100xi32, #tpu.memory_space<vmem>>
      %dma_start3A_236 = arith.constant 0 : i32
      %dma_start3A_237 = arith.constant 0 : i32
      %dma_start3A_238 = tpu.memref_slice %arg3[%dma_start3A_236, %dma_start3A_237] : memref<100000x128xf32, #tpu.memory_space<hbm>> -> memref<100000x128xf32, #tpu.memory_space<hbm>>
      tpu.enqueue_indirect_dma source(%dma_start3A_238 : memref<100000x128xf32, #tpu.memory_space<hbm>>) target(%dma_start3A_232 : memref<100x128xf32, #tpu.memory_space<vmem>>) offsets(%dma_start3A_235 : memref<100xi32, #tpu.memory_space<vmem>>) semaphore(%arg13 : memref<!tpu.dma_semaphore, #tpu.memory_space<semaphore_mem>>)
      %dma_start3A_239 = arith.constant 1 : i32
      %dma_start3A_240 = arith.constant 100 : i32
      %dma_start3A_241 = arith.constant 0 : i32
      %dma_start3A_242 = tpu.memref_slice %arg7[%dma_start3A_240, %dma_start3A_241] : memref<200x128xf32, #tpu.memory_space<vmem>> -> memref<100x128xf32, #tpu.memory_space<vmem>>
      %dma_start3A_243 = arith.constant 0 : i32
      %dma_start3A_244 = tpu.memref_slice %arg10[%dma_start3A_239, %dma_start3A_243] : memref<2x100xi32, #tpu.memory_space<vmem>> -> memref<1x100xi32, #tpu.memory_space<vmem>>
      %dma_start3A_245 = tpu.memref_squeeze %dma_start3A_244 : memref<1x100xi32, #tpu.memory_space<vmem>> -> memref<100xi32, #tpu.memory_space<vmem>>
      %dma_start3A_246 = arith.constant 0 : i32
      %dma_start3A_247 = arith.constant 0 : i32
      %dma_start3A_248 = tpu.memref_slice %arg3[%dma_start3A_246, %dma_start3A_247] : memref<100000x128xf32, #tpu.memory_space<hbm>> -> memref<100000x128xf32, #tpu.memory_space<hbm>>
      tpu.enqueue_indirect_dma source(%dma_start3A_248 : memref<100000x128xf32, #tpu.memory_space<hbm>>) target(%dma_start3A_242 : memref<100x128xf32, #tpu.memory_space<vmem>>) offsets(%dma_start3A_245 : memref<100xi32, #tpu.memory_space<vmem>>) semaphore(%arg13 : memref<!tpu.dma_semaphore, #tpu.memory_space<semaphore_mem>>)
      %dma_wait3A_249 = arith.constant 0 : i32
      %dma_wait3A_250 = arith.constant 0 : i32
      %dma_wait3A_251 = tpu.memref_slice %arg3[%dma_wait3A_249, %dma_wait3A_250] : memref<100000x128xf32, #tpu.memory_space<hbm>> -> memref<200x128xf32, #tpu.memory_space<hbm>>
      %dma_wait3A_252 = arith.constant 0 : i32
      %dma_wait3A_253 = arith.constant 0 : i32
      %dma_wait3A_254 = tpu.memref_slice %arg3[%dma_wait3A_252, %dma_wait3A_253] : memref<100000x128xf32, #tpu.memory_space<hbm>> -> memref<200x128xf32, #tpu.memory_space<hbm>>
      tpu.wait_dma2 semaphore(%arg15 : memref<!tpu.dma_semaphore, #tpu.memory_space<semaphore_mem>>) src(%dma_wait3A_254 : memref<200x128xf32, #tpu.memory_space<hbm>>) dst(%arg9 : memref<200x128xf32, #tpu.memory_space<vmem>>)
      %lt3A = arith.constant 41 : i32
      %lt3A_255 = arith.cmpi slt, %scan3A_120, %lt3A : i32
      %convert_element_type3A_256 = arith.extui %lt3A_255 : i1 to i32
      %cond3A_257 = arith.constant 0 : i32
      %cond3A_258 = arith.cmpi ne, %convert_element_type3A_256, %cond3A_257 : i32
      scf.if %cond3A_258 {
        %add3A_308 = arith.constant 5 : i32
        %add3A_309 = arith.addi %mul3A_122, %add3A_308 : i32
        %mul3A_310 = arith.constant 256 : i32
        %mul3A_311 = arith.muli %add3A, %mul3A_310 : i32
        %mul3A_312 = arith.constant 2 : i32
        %mul3A_313 = arith.muli %add3A_309, %mul3A_312 : i32
        %add3A_314 = arith.addi %mul3A_311, %mul3A_313 : i32
        %dma_start3A_315 = arith.constant 0 : i32
        %dma_start3A_316 = tpu.memref_slice %arg2[%add3A_314, %dma_start3A_315] : memref<8192x100xi32, #tpu.memory_space<hbm>> -> memref<2x100xi32, #tpu.memory_space<hbm>>
        %dma_start3A_317 = arith.constant 0 : i32
        %dma_start3A_318 = tpu.memref_slice %arg2[%add3A_314, %dma_start3A_317] : memref<8192x100xi32, #tpu.memory_space<hbm>> -> memref<2x100xi32, #tpu.memory_space<hbm>>
        tpu.enqueue_dma source(%dma_start3A_318 : memref<2x100xi32, #tpu.memory_space<hbm>>) target(%arg12 : memref<2x100xi32, #tpu.memory_space<vmem>>) target_semaphore(%arg21 : memref<!tpu.dma_semaphore, #tpu.memory_space<semaphore_mem>>)
      } else {
      }
      %scan3A_259 = arith.constant 0 : i32
      %scan3A_260 = arith.constant 0 : i32
      %scan3A_261 = arith.constant 25 : i32
      %scan3A_262 = arith.addi %scan3A_260, %scan3A_261 : i32
      %scan3A_263 = arith.constant 1 : i32
      scf.for %scan3A_308 = %scan3A_260 to %scan3A_262 step %scan3A_263  : i32 {
        %mul3A_309 = arith.constant 8 : i32
        %mul3A_310 = arith.muli %scan3A_308, %mul3A_309 : i32
        %add3A_311 = arith.constant 0 : i32
        %add3A_312 = arith.addi %mul3A_310, %add3A_311 : i32
        %add3A_313 = arith.constant 0 : i32
        %add3A_314 = arith.addi %mul3A_310, %add3A_313 : i32
        %get3A = arith.index_cast %add3A_314 : i32 to index
        %get3A_315 = arith.constant 0 : index
        %get3A_316 = tpu.vector_load %arg6[%get3A, %get3A_315] {strides = array<i32>} : memref<200x128xf32, #tpu.memory_space<vmem>>, vector<1x16xf32>,
        %get3A_317 = vector.shape_cast %get3A_316 : vector<1x16xf32> to vector<16xf32>
        %swap3A = arith.index_cast %add3A_312 : i32 to index
        %swap3A_318 = arith.constant 0 : index
        %swap3A_319 = tpu.vector_load %arg9[%swap3A, %swap3A_318] {strides = array<i32>} : memref<200x128xf32, #tpu.memory_space<vmem>>, vector<1x16xf32>,
        %swap3A_320 = vector.shape_cast %swap3A_319 : vector<1x16xf32> to vector<16xf32>
        %swap3A_321 = vector.shape_cast %get3A_317 : vector<16xf32> to vector<1x16xf32>
        tpu.vector_store %arg9[%swap3A, %swap3A_318], %swap3A_321 {add = true, strides = array<i32>} : memref<200x128xf32, #tpu.memory_space<vmem>>, vector<1x16xf32>,
        %add3A_322 = arith.constant 0 : i32
        %add3A_323 = arith.addi %mul3A_310, %add3A_322 : i32
        %add3A_324 = arith.constant 0 : i32
        %add3A_325 = arith.addi %mul3A_310, %add3A_324 : i32
        %get3A_326 = arith.index_cast %add3A_325 : i32 to index
        %get3A_327 = arith.constant 16 : index
        %get3A_328 = tpu.vector_load %arg6[%get3A_326, %get3A_327] {strides = array<i32>} : memref<200x128xf32, #tpu.memory_space<vmem>>, vector<1x16xf32>,
        %get3A_329 = vector.shape_cast %get3A_328 : vector<1x16xf32> to vector<16xf32>
        %swap3A_330 = arith.index_cast %add3A_323 : i32 to index
        %swap3A_331 = arith.constant 16 : index
        %swap3A_332 = tpu.vector_load %arg9[%swap3A_330, %swap3A_331] {strides = array<i32>} : memref<200x128xf32, #tpu.memory_space<vmem>>, vector<1x16xf32>,
        %swap3A_333 = vector.shape_cast %swap3A_332 : vector<1x16xf32> to vector<16xf32>
        %swap3A_334 = vector.shape_cast %get3A_329 : vector<16xf32> to vector<1x16xf32>
        tpu.vector_store %arg9[%swap3A_330, %swap3A_331], %swap3A_334 {add = true, strides = array<i32>} : memref<200x128xf32, #tpu.memory_space<vmem>>, vector<1x16xf32>,
        %add3A_335 = arith.constant 0 : i32
        %add3A_336 = arith.addi %mul3A_310, %add3A_335 : i32
        %add3A_337 = arith.constant 0 : i32
        %add3A_338 = arith.addi %mul3A_310, %add3A_337 : i32
        %get3A_339 = arith.index_cast %add3A_338 : i32 to index
        %get3A_340 = arith.constant 32 : index
        %get3A_341 = tpu.vector_load %arg6[%get3A_339, %get3A_340] {strides = array<i32>} : memref<200x128xf32, #tpu.memory_space<vmem>>, vector<1x16xf32>,
        %get3A_342 = vector.shape_cast %get3A_341 : vector<1x16xf32> to vector<16xf32>
        %swap3A_343 = arith.index_cast %add3A_336 : i32 to index
        %swap3A_344 = arith.constant 32 : index
        %swap3A_345 = tpu.vector_load %arg9[%swap3A_343, %swap3A_344] {strides = array<i32>} : memref<200x128xf32, #tpu.memory_space<vmem>>, vector<1x16xf32>,
        %swap3A_346 = vector.shape_cast %swap3A_345 : vector<1x16xf32> to vector<16xf32>
        %swap3A_347 = vector.shape_cast %get3A_342 : vector<16xf32> to vector<1x16xf32>
        tpu.vector_store %arg9[%swap3A_343, %swap3A_344], %swap3A_347 {add = true, strides = array<i32>} : memref<200x128xf32, #tpu.memory_space<vmem>>, vector<1x16xf32>,
        %add3A_348 = arith.constant 0 : i32
        %add3A_349 = arith.addi %mul3A_310, %add3A_348 : i32
        %add3A_350 = arith.constant 0 : i32
        %add3A_351 = arith.addi %mul3A_310, %add3A_350 : i32
        %get3A_352 = arith.index_cast %add3A_351 : i32 to index
        %get3A_353 = arith.constant 48 : index
        %get3A_354 = tpu.vector_load %arg6[%get3A_352, %get3A_353] {strides = array<i32>} : memref<200x128xf32, #tpu.memory_space<vmem>>, vector<1x16xf32>,
        %get3A_355 = vector.shape_cast %get3A_354 : vector<1x16xf32> to vector<16xf32>
        %swap3A_356 = arith.index_cast %add3A_349 : i32 to index
        %swap3A_357 = arith.constant 48 : index
        %swap3A_358 = tpu.vector_load %arg9[%swap3A_356, %swap3A_357] {strides = array<i32>} : memref<200x128xf32, #tpu.memory_space<vmem>>, vector<1x16xf32>,
        %swap3A_359 = vector.shape_cast %swap3A_358 : vector<1x16xf32> to vector<16xf32>
        %swap3A_360 = vector.shape_cast %get3A_355 : vector<16xf32> to vector<1x16xf32>
        tpu.vector_store %arg9[%swap3A_356, %swap3A_357], %swap3A_360 {add = true, strides = array<i32>} : memref<200x128xf32, #tpu.memory_space<vmem>>, vector<1x16xf32>,
        %add3A_361 = arith.constant 0 : i32
        %add3A_362 = arith.addi %mul3A_310, %add3A_361 : i32
        %add3A_363 = arith.constant 0 : i32
        %add3A_364 = arith.addi %mul3A_310, %add3A_363 : i32
        %get3A_365 = arith.index_cast %add3A_364 : i32 to index
        %get3A_366 = arith.constant 64 : index
        %get3A_367 = tpu.vector_load %arg6[%get3A_365, %get3A_366] {strides = array<i32>} : memref<200x128xf32, #tpu.memory_space<vmem>>, vector<1x16xf32>,
        %get3A_368 = vector.shape_cast %get3A_367 : vector<1x16xf32> to vector<16xf32>
        %swap3A_369 = arith.index_cast %add3A_362 : i32 to index
        %swap3A_370 = arith.constant 64 : index
        %swap3A_371 = tpu.vector_load %arg9[%swap3A_369, %swap3A_370] {strides = array<i32>} : memref<200x128xf32, #tpu.memory_space<vmem>>, vector<1x16xf32>,
        %swap3A_372 = vector.shape_cast %swap3A_371 : vector<1x16xf32> to vector<16xf32>
        %swap3A_373 = vector.shape_cast %get3A_368 : vector<16xf32> to vector<1x16xf32>
        tpu.vector_store %arg9[%swap3A_369, %swap3A_370], %swap3A_373 {add = true, strides = array<i32>} : memref<200x128xf32, #tpu.memory_space<vmem>>, vector<1x16xf32>,
        %add3A_374 = arith.constant 0 : i32
        %add3A_375 = arith.addi %mul3A_310, %add3A_374 : i32
        %add3A_376 = arith.constant 0 : i32
        %add3A_377 = arith.addi %mul3A_310, %add3A_376 : i32
        %get3A_378 = arith.index_cast %add3A_377 : i32 to index
        %get3A_379 = arith.constant 80 : index
        %get3A_380 = tpu.vector_load %arg6[%get3A_378, %get3A_379] {strides = array<i32>} : memref<200x128xf32, #tpu.memory_space<vmem>>, vector<1x16xf32>,
        %get3A_381 = vector.shape_cast %get3A_380 : vector<1x16xf32> to vector<16xf32>
        %swap3A_382 = arith.index_cast %add3A_375 : i32 to index
        %swap3A_383 = arith.constant 80 : index
        %swap3A_384 = tpu.vector_load %arg9[%swap3A_382, %swap3A_383] {strides = array<i32>} : memref<200x128xf32, #tpu.memory_space<vmem>>, vector<1x16xf32>,
        %swap3A_385 = vector.shape_cast %swap3A_384 : vector<1x16xf32> to vector<16xf32>
        %swap3A_386 = vector.shape_cast %get3A_381 : vector<16xf32> to vector<1x16xf32>
        tpu.vector_store %arg9[%swap3A_382, %swap3A_383], %swap3A_386 {add = true, strides = array<i32>} : memref<200x128xf32, #tpu.memory_space<vmem>>, vector<1x16xf32>,
        %add3A_387 = arith.constant 0 : i32
        %add3A_388 = arith.addi %mul3A_310, %add3A_387 : i32
        %add3A_389 = arith.constant 0 : i32
        %add3A_390 = arith.addi %mul3A_310, %add3A_389 : i32
        %get3A_391 = arith.index_cast %add3A_390 : i32 to index
        %get3A_392 = arith.constant 96 : index
        %get3A_393 = tpu.vector_load %arg6[%get3A_391, %get3A_392] {strides = array<i32>} : memref<200x128xf32, #tpu.memory_space<vmem>>, vector<1x16xf32>,
        %get3A_394 = vector.shape_cast %get3A_393 : vector<1x16xf32> to vector<16xf32>
        %swap3A_395 = arith.index_cast %add3A_388 : i32 to index
        %swap3A_396 = arith.constant 96 : index
        %swap3A_397 = tpu.vector_load %arg9[%swap3A_395, %swap3A_396] {strides = array<i32>} : memref<200x128xf32, #tpu.memory_space<vmem>>, vector<1x16xf32>,
        %swap3A_398 = vector.shape_cast %swap3A_397 : vector<1x16xf32> to vector<16xf32>
        %swap3A_399 = vector.shape_cast %get3A_394 : vector<16xf32> to vector<1x16xf32>
        tpu.vector_store %arg9[%swap3A_395, %swap3A_396], %swap3A_399 {add = true, strides = array<i32>} : memref<200x128xf32, #tpu.memory_space<vmem>>, vector<1x16xf32>,
        %add3A_400 = arith.constant 0 : i32
        %add3A_401 = arith.addi %mul3A_310, %add3A_400 : i32
        %add3A_402 = arith.constant 0 : i32
        %add3A_403 = arith.addi %mul3A_310, %add3A_402 : i32
        %get3A_404 = arith.index_cast %add3A_403 : i32 to index
        %get3A_405 = arith.constant 112 : index
        %get3A_406 = tpu.vector_load %arg6[%get3A_404, %get3A_405] {strides = array<i32>} : memref<200x128xf32, #tpu.memory_space<vmem>>, vector<1x16xf32>,
        %get3A_407 = vector.shape_cast %get3A_406 : vector<1x16xf32> to vector<16xf32>
        %swap3A_408 = arith.index_cast %add3A_401 : i32 to index
        %swap3A_409 = arith.constant 112 : index
        %swap3A_410 = tpu.vector_load %arg9[%swap3A_408, %swap3A_409] {strides = array<i32>} : memref<200x128xf32, #tpu.memory_space<vmem>>, vector<1x16xf32>,
        %swap3A_411 = vector.shape_cast %swap3A_410 : vector<1x16xf32> to vector<16xf32>
        %swap3A_412 = vector.shape_cast %get3A_407 : vector<16xf32> to vector<1x16xf32>
        tpu.vector_store %arg9[%swap3A_408, %swap3A_409], %swap3A_412 {add = true, strides = array<i32>} : memref<200x128xf32, #tpu.memory_space<vmem>>, vector<1x16xf32>,
        %add3A_413 = arith.constant 1 : i32
        %add3A_414 = arith.addi %mul3A_310, %add3A_413 : i32
        %add3A_415 = arith.constant 1 : i32
        %add3A_416 = arith.addi %mul3A_310, %add3A_415 : i32
        %get3A_417 = arith.index_cast %add3A_416 : i32 to index
        %get3A_418 = arith.constant 0 : index
        %get3A_419 = tpu.vector_load %arg6[%get3A_417, %get3A_418] {strides = array<i32>} : memref<200x128xf32, #tpu.memory_space<vmem>>, vector<1x16xf32>,
        %get3A_420 = vector.shape_cast %get3A_419 : vector<1x16xf32> to vector<16xf32>
        %swap3A_421 = arith.index_cast %add3A_414 : i32 to index
        %swap3A_422 = arith.constant 0 : index
        %swap3A_423 = tpu.vector_load %arg9[%swap3A_421, %swap3A_422] {strides = array<i32>} : memref<200x128xf32, #tpu.memory_space<vmem>>, vector<1x16xf32>,
        %swap3A_424 = vector.shape_cast %swap3A_423 : vector<1x16xf32> to vector<16xf32>
        %swap3A_425 = vector.shape_cast %get3A_420 : vector<16xf32> to vector<1x16xf32>
        tpu.vector_store %arg9[%swap3A_421, %swap3A_422], %swap3A_425 {add = true, strides = array<i32>} : memref<200x128xf32, #tpu.memory_space<vmem>>, vector<1x16xf32>,
        %add3A_426 = arith.constant 1 : i32
        %add3A_427 = arith.addi %mul3A_310, %add3A_426 : i32
        %add3A_428 = arith.constant 1 : i32
        %add3A_429 = arith.addi %mul3A_310, %add3A_428 : i32
        %get3A_430 = arith.index_cast %add3A_429 : i32 to index
        %get3A_431 = arith.constant 16 : index
        %get3A_432 = tpu.vector_load %arg6[%get3A_430, %get3A_431] {strides = array<i32>} : memref<200x128xf32, #tpu.memory_space<vmem>>, vector<1x16xf32>,
        %get3A_433 = vector.shape_cast %get3A_432 : vector<1x16xf32> to vector<16xf32>
        %swap3A_434 = arith.index_cast %add3A_427 : i32 to index
        %swap3A_435 = arith.constant 16 : index
        %swap3A_436 = tpu.vector_load %arg9[%swap3A_434, %swap3A_435] {strides = array<i32>} : memref<200x128xf32, #tpu.memory_space<vmem>>, vector<1x16xf32>,
        %swap3A_437 = vector.shape_cast %swap3A_436 : vector<1x16xf32> to vector<16xf32>
        %swap3A_438 = vector.shape_cast %get3A_433 : vector<16xf32> to vector<1x16xf32>
        tpu.vector_store %arg9[%swap3A_434, %swap3A_435], %swap3A_438 {add = true, strides = array<i32>} : memref<200x128xf32, #tpu.memory_space<vmem>>, vector<1x16xf32>,
        %add3A_439 = arith.constant 1 : i32
        %add3A_440 = arith.addi %mul3A_310, %add3A_439 : i32
        %add3A_441 = arith.constant 1 : i32
        %add3A_442 = arith.addi %mul3A_310, %add3A_441 : i32
        %get3A_443 = arith.index_cast %add3A_442 : i32 to index
        %get3A_444 = arith.constant 32 : index
        %get3A_445 = tpu.vector_load %arg6[%get3A_443, %get3A_444] {strides = array<i32>} : memref<200x128xf32, #tpu.memory_space<vmem>>, vector<1x16xf32>,
        %get3A_446 = vector.shape_cast %get3A_445 : vector<1x16xf32> to vector<16xf32>
        %swap3A_447 = arith.index_cast %add3A_440 : i32 to index
        %swap3A_448 = arith.constant 32 : index
        %swap3A_449 = tpu.vector_load %arg9[%swap3A_447, %swap3A_448] {strides = array<i32>} : memref<200x128xf32, #tpu.memory_space<vmem>>, vector<1x16xf32>,
        %swap3A_450 = vector.shape_cast %swap3A_449 : vector<1x16xf32> to vector<16xf32>
        %swap3A_451 = vector.shape_cast %get3A_446 : vector<16xf32> to vector<1x16xf32>
        tpu.vector_store %arg9[%swap3A_447, %swap3A_448], %swap3A_451 {add = true, strides = array<i32>} : memref<200x128xf32, #tpu.memory_space<vmem>>, vector<1x16xf32>,
        %add3A_452 = arith.constant 1 : i32
        %add3A_453 = arith.addi %mul3A_310, %add3A_452 : i32
        %add3A_454 = arith.constant 1 : i32
        %add3A_455 = arith.addi %mul3A_310, %add3A_454 : i32
        %get3A_456 = arith.index_cast %add3A_455 : i32 to index
        %get3A_457 = arith.constant 48 : index
        %get3A_458 = tpu.vector_load %arg6[%get3A_456, %get3A_457] {strides = array<i32>} : memref<200x128xf32, #tpu.memory_space<vmem>>, vector<1x16xf32>,
        %get3A_459 = vector.shape_cast %get3A_458 : vector<1x16xf32> to vector<16xf32>
        %swap3A_460 = arith.index_cast %add3A_453 : i32 to index
        %swap3A_461 = arith.constant 48 : index
        %swap3A_462 = tpu.vector_load %arg9[%swap3A_460, %swap3A_461] {strides = array<i32>} : memref<200x128xf32, #tpu.memory_space<vmem>>, vector<1x16xf32>,
        %swap3A_463 = vector.shape_cast %swap3A_462 : vector<1x16xf32> to vector<16xf32>
        %swap3A_464 = vector.shape_cast %get3A_459 : vector<16xf32> to vector<1x16xf32>
        tpu.vector_store %arg9[%swap3A_460, %swap3A_461], %swap3A_464 {add = true, strides = array<i32>} : memref<200x128xf32, #tpu.memory_space<vmem>>, vector<1x16xf32>,
        %add3A_465 = arith.constant 1 : i32
        %add3A_466 = arith.addi %mul3A_310, %add3A_465 : i32
        %add3A_467 = arith.constant 1 : i32
        %add3A_468 = arith.addi %mul3A_310, %add3A_467 : i32
        %get3A_469 = arith.index_cast %add3A_468 : i32 to index
        %get3A_470 = arith.constant 64 : index
        %get3A_471 = tpu.vector_load %arg6[%get3A_469, %get3A_470] {strides = array<i32>} : memref<200x128xf32, #tpu.memory_space<vmem>>, vector<1x16xf32>,
        %get3A_472 = vector.shape_cast %get3A_471 : vector<1x16xf32> to vector<16xf32>
        %swap3A_473 = arith.index_cast %add3A_466 : i32 to index
        %swap3A_474 = arith.constant 64 : index
        %swap3A_475 = tpu.vector_load %arg9[%swap3A_473, %swap3A_474] {strides = array<i32>} : memref<200x128xf32, #tpu.memory_space<vmem>>, vector<1x16xf32>,
        %swap3A_476 = vector.shape_cast %swap3A_475 : vector<1x16xf32> to vector<16xf32>
        %swap3A_477 = vector.shape_cast %get3A_472 : vector<16xf32> to vector<1x16xf32>
        tpu.vector_store %arg9[%swap3A_473, %swap3A_474], %swap3A_477 {add = true, strides = array<i32>} : memref<200x128xf32, #tpu.memory_space<vmem>>, vector<1x16xf32>,
        %add3A_478 = arith.constant 1 : i32
        %add3A_479 = arith.addi %mul3A_310, %add3A_478 : i32
        %add3A_480 = arith.constant 1 : i32
        %add3A_481 = arith.addi %mul3A_310, %add3A_480 : i32
        %get3A_482 = arith.index_cast %add3A_481 : i32 to index
        %get3A_483 = arith.constant 80 : index
        %get3A_484 = tpu.vector_load %arg6[%get3A_482, %get3A_483] {strides = array<i32>} : memref<200x128xf32, #tpu.memory_space<vmem>>, vector<1x16xf32>,
        %get3A_485 = vector.shape_cast %get3A_484 : vector<1x16xf32> to vector<16xf32>
        %swap3A_486 = arith.index_cast %add3A_479 : i32 to index
        %swap3A_487 = arith.constant 80 : index
        %swap3A_488 = tpu.vector_load %arg9[%swap3A_486, %swap3A_487] {strides = array<i32>} : memref<200x128xf32, #tpu.memory_space<vmem>>, vector<1x16xf32>,
        %swap3A_489 = vector.shape_cast %swap3A_488 : vector<1x16xf32> to vector<16xf32>
        %swap3A_490 = vector.shape_cast %get3A_485 : vector<16xf32> to vector<1x16xf32>
        tpu.vector_store %arg9[%swap3A_486, %swap3A_487], %swap3A_490 {add = true, strides = array<i32>} : memref<200x128xf32, #tpu.memory_space<vmem>>, vector<1x16xf32>,
        %add3A_491 = arith.constant 1 : i32
        %add3A_492 = arith.addi %mul3A_310, %add3A_491 : i32
        %add3A_493 = arith.constant 1 : i32
        %add3A_494 = arith.addi %mul3A_310, %add3A_493 : i32
        %get3A_495 = arith.index_cast %add3A_494 : i32 to index
        %get3A_496 = arith.constant 96 : index
        %get3A_497 = tpu.vector_load %arg6[%get3A_495, %get3A_496] {strides = array<i32>} : memref<200x128xf32, #tpu.memory_space<vmem>>, vector<1x16xf32>,
        %get3A_498 = vector.shape_cast %get3A_497 : vector<1x16xf32> to vector<16xf32>
        %swap3A_499 = arith.index_cast %add3A_492 : i32 to index
        %swap3A_500 = arith.constant 96 : index
        %swap3A_501 = tpu.vector_load %arg9[%swap3A_499, %swap3A_500] {strides = array<i32>} : memref<200x128xf32, #tpu.memory_space<vmem>>, vector<1x16xf32>,
        %swap3A_502 = vector.shape_cast %swap3A_501 : vector<1x16xf32> to vector<16xf32>
        %swap3A_503 = vector.shape_cast %get3A_498 : vector<16xf32> to vector<1x16xf32>
        tpu.vector_store %arg9[%swap3A_499, %swap3A_500], %swap3A_503 {add = true, strides = array<i32>} : memref<200x128xf32, #tpu.memory_space<vmem>>, vector<1x16xf32>,
        %add3A_504 = arith.constant 1 : i32
        %add3A_505 = arith.addi %mul3A_310, %add3A_504 : i32
        %add3A_506 = arith.constant 1 : i32
        %add3A_507 = arith.addi %mul3A_310, %add3A_506 : i32
        %get3A_508 = arith.index_cast %add3A_507 : i32 to index
        %get3A_509 = arith.constant 112 : index
        %get3A_510 = tpu.vector_load %arg6[%get3A_508, %get3A_509] {strides = array<i32>} : memref<200x128xf32, #tpu.memory_space<vmem>>, vector<1x16xf32>,
        %get3A_511 = vector.shape_cast %get3A_510 : vector<1x16xf32> to vector<16xf32>
        %swap3A_512 = arith.index_cast %add3A_505 : i32 to index
        %swap3A_513 = arith.constant 112 : index
        %swap3A_514 = tpu.vector_load %arg9[%swap3A_512, %swap3A_513] {strides = array<i32>} : memref<200x128xf32, #tpu.memory_space<vmem>>, vector<1x16xf32>,
        %swap3A_515 = vector.shape_cast %swap3A_514 : vector<1x16xf32> to vector<16xf32>
        %swap3A_516 = vector.shape_cast %get3A_511 : vector<16xf32> to vector<1x16xf32>
        tpu.vector_store %arg9[%swap3A_512, %swap3A_513], %swap3A_516 {add = true, strides = array<i32>} : memref<200x128xf32, #tpu.memory_space<vmem>>, vector<1x16xf32>,
        %add3A_517 = arith.constant 2 : i32
        %add3A_518 = arith.addi %mul3A_310, %add3A_517 : i32
        %add3A_519 = arith.constant 2 : i32
        %add3A_520 = arith.addi %mul3A_310, %add3A_519 : i32
        %get3A_521 = arith.index_cast %add3A_520 : i32 to index
        %get3A_522 = arith.constant 0 : index
        %get3A_523 = tpu.vector_load %arg6[%get3A_521, %get3A_522] {strides = array<i32>} : memref<200x128xf32, #tpu.memory_space<vmem>>, vector<1x16xf32>,
        %get3A_524 = vector.shape_cast %get3A_523 : vector<1x16xf32> to vector<16xf32>
        %swap3A_525 = arith.index_cast %add3A_518 : i32 to index
        %swap3A_526 = arith.constant 0 : index
        %swap3A_527 = tpu.vector_load %arg9[%swap3A_525, %swap3A_526] {strides = array<i32>} : memref<200x128xf32, #tpu.memory_space<vmem>>, vector<1x16xf32>,
        %swap3A_528 = vector.shape_cast %swap3A_527 : vector<1x16xf32> to vector<16xf32>
        %swap3A_529 = vector.shape_cast %get3A_524 : vector<16xf32> to vector<1x16xf32>
        tpu.vector_store %arg9[%swap3A_525, %swap3A_526], %swap3A_529 {add = true, strides = array<i32>} : memref<200x128xf32, #tpu.memory_space<vmem>>, vector<1x16xf32>,
        %add3A_530 = arith.constant 2 : i32
        %add3A_531 = arith.addi %mul3A_310, %add3A_530 : i32
        %add3A_532 = arith.constant 2 : i32
        %add3A_533 = arith.addi %mul3A_310, %add3A_532 : i32
        %get3A_534 = arith.index_cast %add3A_533 : i32 to index
        %get3A_535 = arith.constant 16 : index
        %get3A_536 = tpu.vector_load %arg6[%get3A_534, %get3A_535] {strides = array<i32>} : memref<200x128xf32, #tpu.memory_space<vmem>>, vector<1x16xf32>,
        %get3A_537 = vector.shape_cast %get3A_536 : vector<1x16xf32> to vector<16xf32>
        %swap3A_538 = arith.index_cast %add3A_531 : i32 to index
        %swap3A_539 = arith.constant 16 : index
        %swap3A_540 = tpu.vector_load %arg9[%swap3A_538, %swap3A_539] {strides = array<i32>} : memref<200x128xf32, #tpu.memory_space<vmem>>, vector<1x16xf32>,
        %swap3A_541 = vector.shape_cast %swap3A_540 : vector<1x16xf32> to vector<16xf32>
        %swap3A_542 = vector.shape_cast %get3A_537 : vector<16xf32> to vector<1x16xf32>
        tpu.vector_store %arg9[%swap3A_538, %swap3A_539], %swap3A_542 {add = true, strides = array<i32>} : memref<200x128xf32, #tpu.memory_space<vmem>>, vector<1x16xf32>,
        %add3A_543 = arith.constant 2 : i32
        %add3A_544 = arith.addi %mul3A_310, %add3A_543 : i32
        %add3A_545 = arith.constant 2 : i32
        %add3A_546 = arith.addi %mul3A_310, %add3A_545 : i32
        %get3A_547 = arith.index_cast %add3A_546 : i32 to index
        %get3A_548 = arith.constant 32 : index
        %get3A_549 = tpu.vector_load %arg6[%get3A_547, %get3A_548] {strides = array<i32>} : memref<200x128xf32, #tpu.memory_space<vmem>>, vector<1x16xf32>,
        %get3A_550 = vector.shape_cast %get3A_549 : vector<1x16xf32> to vector<16xf32>
        %swap3A_551 = arith.index_cast %add3A_544 : i32 to index
        %swap3A_552 = arith.constant 32 : index
        %swap3A_553 = tpu.vector_load %arg9[%swap3A_551, %swap3A_552] {strides = array<i32>} : memref<200x128xf32, #tpu.memory_space<vmem>>, vector<1x16xf32>,
        %swap3A_554 = vector.shape_cast %swap3A_553 : vector<1x16xf32> to vector<16xf32>
        %swap3A_555 = vector.shape_cast %get3A_550 : vector<16xf32> to vector<1x16xf32>
        tpu.vector_store %arg9[%swap3A_551, %swap3A_552], %swap3A_555 {add = true, strides = array<i32>} : memref<200x128xf32, #tpu.memory_space<vmem>>, vector<1x16xf32>,
        %add3A_556 = arith.constant 2 : i32
        %add3A_557 = arith.addi %mul3A_310, %add3A_556 : i32
        %add3A_558 = arith.constant 2 : i32
        %add3A_559 = arith.addi %mul3A_310, %add3A_558 : i32
        %get3A_560 = arith.index_cast %add3A_559 : i32 to index
        %get3A_561 = arith.constant 48 : index
        %get3A_562 = tpu.vector_load %arg6[%get3A_560, %get3A_561] {strides = array<i32>} : memref<200x128xf32, #tpu.memory_space<vmem>>, vector<1x16xf32>,
        %get3A_563 = vector.shape_cast %get3A_562 : vector<1x16xf32> to vector<16xf32>
        %swap3A_564 = arith.index_cast %add3A_557 : i32 to index
        %swap3A_565 = arith.constant 48 : index
        %swap3A_566 = tpu.vector_load %arg9[%swap3A_564, %swap3A_565] {strides = array<i32>} : memref<200x128xf32, #tpu.memory_space<vmem>>, vector<1x16xf32>,
        %swap3A_567 = vector.shape_cast %swap3A_566 : vector<1x16xf32> to vector<16xf32>
        %swap3A_568 = vector.shape_cast %get3A_563 : vector<16xf32> to vector<1x16xf32>
        tpu.vector_store %arg9[%swap3A_564, %swap3A_565], %swap3A_568 {add = true, strides = array<i32>} : memref<200x128xf32, #tpu.memory_space<vmem>>, vector<1x16xf32>,
        %add3A_569 = arith.constant 2 : i32
        %add3A_570 = arith.addi %mul3A_310, %add3A_569 : i32
        %add3A_571 = arith.constant 2 : i32
        %add3A_572 = arith.addi %mul3A_310, %add3A_571 : i32
        %get3A_573 = arith.index_cast %add3A_572 : i32 to index
        %get3A_574 = arith.constant 64 : index
        %get3A_575 = tpu.vector_load %arg6[%get3A_573, %get3A_574] {strides = array<i32>} : memref<200x128xf32, #tpu.memory_space<vmem>>, vector<1x16xf32>,
        %get3A_576 = vector.shape_cast %get3A_575 : vector<1x16xf32> to vector<16xf32>
        %swap3A_577 = arith.index_cast %add3A_570 : i32 to index
        %swap3A_578 = arith.constant 64 : index
        %swap3A_579 = tpu.vector_load %arg9[%swap3A_577, %swap3A_578] {strides = array<i32>} : memref<200x128xf32, #tpu.memory_space<vmem>>, vector<1x16xf32>,
        %swap3A_580 = vector.shape_cast %swap3A_579 : vector<1x16xf32> to vector<16xf32>
        %swap3A_581 = vector.shape_cast %get3A_576 : vector<16xf32> to vector<1x16xf32>
        tpu.vector_store %arg9[%swap3A_577, %swap3A_578], %swap3A_581 {add = true, strides = array<i32>} : memref<200x128xf32, #tpu.memory_space<vmem>>, vector<1x16xf32>,
        %add3A_582 = arith.constant 2 : i32
        %add3A_583 = arith.addi %mul3A_310, %add3A_582 : i32
        %add3A_584 = arith.constant 2 : i32
        %add3A_585 = arith.addi %mul3A_310, %add3A_584 : i32
        %get3A_586 = arith.index_cast %add3A_585 : i32 to index
        %get3A_587 = arith.constant 80 : index
        %get3A_588 = tpu.vector_load %arg6[%get3A_586, %get3A_587] {strides = array<i32>} : memref<200x128xf32, #tpu.memory_space<vmem>>, vector<1x16xf32>,
        %get3A_589 = vector.shape_cast %get3A_588 : vector<1x16xf32> to vector<16xf32>
        %swap3A_590 = arith.index_cast %add3A_583 : i32 to index
        %swap3A_591 = arith.constant 80 : index
        %swap3A_592 = tpu.vector_load %arg9[%swap3A_590, %swap3A_591] {strides = array<i32>} : memref<200x128xf32, #tpu.memory_space<vmem>>, vector<1x16xf32>,
        %swap3A_593 = vector.shape_cast %swap3A_592 : vector<1x16xf32> to vector<16xf32>
        %swap3A_594 = vector.shape_cast %get3A_589 : vector<16xf32> to vector<1x16xf32>
        tpu.vector_store %arg9[%swap3A_590, %swap3A_591], %swap3A_594 {add = true, strides = array<i32>} : memref<200x128xf32, #tpu.memory_space<vmem>>, vector<1x16xf32>,
        %add3A_595 = arith.constant 2 : i32
        %add3A_596 = arith.addi %mul3A_310, %add3A_595 : i32
        %add3A_597 = arith.constant 2 : i32
        %add3A_598 = arith.addi %mul3A_310, %add3A_597 : i32
        %get3A_599 = arith.index_cast %add3A_598 : i32 to index
        %get3A_600 = arith.constant 96 : index
        %get3A_601 = tpu.vector_load %arg6[%get3A_599, %get3A_600] {strides = array<i32>} : memref<200x128xf32, #tpu.memory_space<vmem>>, vector<1x16xf32>,
        %get3A_602 = vector.shape_cast %get3A_601 : vector<1x16xf32> to vector<16xf32>
        %swap3A_603 = arith.index_cast %add3A_596 : i32 to index
        %swap3A_604 = arith.constant 96 : index
        %swap3A_605 = tpu.vector_load %arg9[%swap3A_603, %swap3A_604] {strides = array<i32>} : memref<200x128xf32, #tpu.memory_space<vmem>>, vector<1x16xf32>,
        %swap3A_606 = vector.shape_cast %swap3A_605 : vector<1x16xf32> to vector<16xf32>
        %swap3A_607 = vector.shape_cast %get3A_602 : vector<16xf32> to vector<1x16xf32>
        tpu.vector_store %arg9[%swap3A_603, %swap3A_604], %swap3A_607 {add = true, strides = array<i32>} : memref<200x128xf32, #tpu.memory_space<vmem>>, vector<1x16xf32>,
        %add3A_608 = arith.constant 2 : i32
        %add3A_609 = arith.addi %mul3A_310, %add3A_608 : i32
        %add3A_610 = arith.constant 2 : i32
        %add3A_611 = arith.addi %mul3A_310, %add3A_610 : i32
        %get3A_612 = arith.index_cast %add3A_611 : i32 to index
        %get3A_613 = arith.constant 112 : index
        %get3A_614 = tpu.vector_load %arg6[%get3A_612, %get3A_613] {strides = array<i32>} : memref<200x128xf32, #tpu.memory_space<vmem>>, vector<1x16xf32>,
        %get3A_615 = vector.shape_cast %get3A_614 : vector<1x16xf32> to vector<16xf32>
        %swap3A_616 = arith.index_cast %add3A_609 : i32 to index
        %swap3A_617 = arith.constant 112 : index
        %swap3A_618 = tpu.vector_load %arg9[%swap3A_616, %swap3A_617] {strides = array<i32>} : memref<200x128xf32, #tpu.memory_space<vmem>>, vector<1x16xf32>,
        %swap3A_619 = vector.shape_cast %swap3A_618 : vector<1x16xf32> to vector<16xf32>
        %swap3A_620 = vector.shape_cast %get3A_615 : vector<16xf32> to vector<1x16xf32>
        tpu.vector_store %arg9[%swap3A_616, %swap3A_617], %swap3A_620 {add = true, strides = array<i32>} : memref<200x128xf32, #tpu.memory_space<vmem>>, vector<1x16xf32>,
        %add3A_621 = arith.constant 3 : i32
        %add3A_622 = arith.addi %mul3A_310, %add3A_621 : i32
        %add3A_623 = arith.constant 3 : i32
        %add3A_624 = arith.addi %mul3A_310, %add3A_623 : i32
        %get3A_625 = arith.index_cast %add3A_624 : i32 to index
        %get3A_626 = arith.constant 0 : index
        %get3A_627 = tpu.vector_load %arg6[%get3A_625, %get3A_626] {strides = array<i32>} : memref<200x128xf32, #tpu.memory_space<vmem>>, vector<1x16xf32>,
        %get3A_628 = vector.shape_cast %get3A_627 : vector<1x16xf32> to vector<16xf32>
        %swap3A_629 = arith.index_cast %add3A_622 : i32 to index
        %swap3A_630 = arith.constant 0 : index
        %swap3A_631 = tpu.vector_load %arg9[%swap3A_629, %swap3A_630] {strides = array<i32>} : memref<200x128xf32, #tpu.memory_space<vmem>>, vector<1x16xf32>,
        %swap3A_632 = vector.shape_cast %swap3A_631 : vector<1x16xf32> to vector<16xf32>
        %swap3A_633 = vector.shape_cast %get3A_628 : vector<16xf32> to vector<1x16xf32>
        tpu.vector_store %arg9[%swap3A_629, %swap3A_630], %swap3A_633 {add = true, strides = array<i32>} : memref<200x128xf32, #tpu.memory_space<vmem>>, vector<1x16xf32>,
        %add3A_634 = arith.constant 3 : i32
        %add3A_635 = arith.addi %mul3A_310, %add3A_634 : i32
        %add3A_636 = arith.constant 3 : i32
        %add3A_637 = arith.addi %mul3A_310, %add3A_636 : i32
        %get3A_638 = arith.index_cast %add3A_637 : i32 to index
        %get3A_639 = arith.constant 16 : index
        %get3A_640 = tpu.vector_load %arg6[%get3A_638, %get3A_639] {strides = array<i32>} : memref<200x128xf32, #tpu.memory_space<vmem>>, vector<1x16xf32>,
        %get3A_641 = vector.shape_cast %get3A_640 : vector<1x16xf32> to vector<16xf32>
        %swap3A_642 = arith.index_cast %add3A_635 : i32 to index
        %swap3A_643 = arith.constant 16 : index
        %swap3A_644 = tpu.vector_load %arg9[%swap3A_642, %swap3A_643] {strides = array<i32>} : memref<200x128xf32, #tpu.memory_space<vmem>>, vector<1x16xf32>,
        %swap3A_645 = vector.shape_cast %swap3A_644 : vector<1x16xf32> to vector<16xf32>
        %swap3A_646 = vector.shape_cast %get3A_641 : vector<16xf32> to vector<1x16xf32>
        tpu.vector_store %arg9[%swap3A_642, %swap3A_643], %swap3A_646 {add = true, strides = array<i32>} : memref<200x128xf32, #tpu.memory_space<vmem>>, vector<1x16xf32>,
        %add3A_647 = arith.constant 3 : i32
        %add3A_648 = arith.addi %mul3A_310, %add3A_647 : i32
        %add3A_649 = arith.constant 3 : i32
        %add3A_650 = arith.addi %mul3A_310, %add3A_649 : i32
        %get3A_651 = arith.index_cast %add3A_650 : i32 to index
        %get3A_652 = arith.constant 32 : index
        %get3A_653 = tpu.vector_load %arg6[%get3A_651, %get3A_652] {strides = array<i32>} : memref<200x128xf32, #tpu.memory_space<vmem>>, vector<1x16xf32>,
        %get3A_654 = vector.shape_cast %get3A_653 : vector<1x16xf32> to vector<16xf32>
        %swap3A_655 = arith.index_cast %add3A_648 : i32 to index
        %swap3A_656 = arith.constant 32 : index
        %swap3A_657 = tpu.vector_load %arg9[%swap3A_655, %swap3A_656] {strides = array<i32>} : memref<200x128xf32, #tpu.memory_space<vmem>>, vector<1x16xf32>,
        %swap3A_658 = vector.shape_cast %swap3A_657 : vector<1x16xf32> to vector<16xf32>
        %swap3A_659 = vector.shape_cast %get3A_654 : vector<16xf32> to vector<1x16xf32>
        tpu.vector_store %arg9[%swap3A_655, %swap3A_656], %swap3A_659 {add = true, strides = array<i32>} : memref<200x128xf32, #tpu.memory_space<vmem>>, vector<1x16xf32>,
        %add3A_660 = arith.constant 3 : i32
        %add3A_661 = arith.addi %mul3A_310, %add3A_660 : i32
        %add3A_662 = arith.constant 3 : i32
        %add3A_663 = arith.addi %mul3A_310, %add3A_662 : i32
        %get3A_664 = arith.index_cast %add3A_663 : i32 to index
        %get3A_665 = arith.constant 48 : index
        %get3A_666 = tpu.vector_load %arg6[%get3A_664, %get3A_665] {strides = array<i32>} : memref<200x128xf32, #tpu.memory_space<vmem>>, vector<1x16xf32>,
        %get3A_667 = vector.shape_cast %get3A_666 : vector<1x16xf32> to vector<16xf32>
        %swap3A_668 = arith.index_cast %add3A_661 : i32 to index
        %swap3A_669 = arith.constant 48 : index
        %swap3A_670 = tpu.vector_load %arg9[%swap3A_668, %swap3A_669] {strides = array<i32>} : memref<200x128xf32, #tpu.memory_space<vmem>>, vector<1x16xf32>,
        %swap3A_671 = vector.shape_cast %swap3A_670 : vector<1x16xf32> to vector<16xf32>
        %swap3A_672 = vector.shape_cast %get3A_667 : vector<16xf32> to vector<1x16xf32>
        tpu.vector_store %arg9[%swap3A_668, %swap3A_669], %swap3A_672 {add = true, strides = array<i32>} : memref<200x128xf32, #tpu.memory_space<vmem>>, vector<1x16xf32>,
        %add3A_673 = arith.constant 3 : i32
        %add3A_674 = arith.addi %mul3A_310, %add3A_673 : i32
        %add3A_675 = arith.constant 3 : i32
        %add3A_676 = arith.addi %mul3A_310, %add3A_675 : i32
        %get3A_677 = arith.index_cast %add3A_676 : i32 to index
        %get3A_678 = arith.constant 64 : index
        %get3A_679 = tpu.vector_load %arg6[%get3A_677, %get3A_678] {strides = array<i32>} : memref<200x128xf32, #tpu.memory_space<vmem>>, vector<1x16xf32>,
        %get3A_680 = vector.shape_cast %get3A_679 : vector<1x16xf32> to vector<16xf32>
        %swap3A_681 = arith.index_cast %add3A_674 : i32 to index
        %swap3A_682 = arith.constant 64 : index
        %swap3A_683 = tpu.vector_load %arg9[%swap3A_681, %swap3A_682] {strides = array<i32>} : memref<200x128xf32, #tpu.memory_space<vmem>>, vector<1x16xf32>,
        %swap3A_684 = vector.shape_cast %swap3A_683 : vector<1x16xf32> to vector<16xf32>
        %swap3A_685 = vector.shape_cast %get3A_680 : vector<16xf32> to vector<1x16xf32>
        tpu.vector_store %arg9[%swap3A_681, %swap3A_682], %swap3A_685 {add = true, strides = array<i32>} : memref<200x128xf32, #tpu.memory_space<vmem>>, vector<1x16xf32>,
        %add3A_686 = arith.constant 3 : i32
        %add3A_687 = arith.addi %mul3A_310, %add3A_686 : i32
        %add3A_688 = arith.constant 3 : i32
        %add3A_689 = arith.addi %mul3A_310, %add3A_688 : i32
        %get3A_690 = arith.index_cast %add3A_689 : i32 to index
        %get3A_691 = arith.constant 80 : index
        %get3A_692 = tpu.vector_load %arg6[%get3A_690, %get3A_691] {strides = array<i32>} : memref<200x128xf32, #tpu.memory_space<vmem>>, vector<1x16xf32>,
        %get3A_693 = vector.shape_cast %get3A_692 : vector<1x16xf32> to vector<16xf32>
        %swap3A_694 = arith.index_cast %add3A_687 : i32 to index
        %swap3A_695 = arith.constant 80 : index
        %swap3A_696 = tpu.vector_load %arg9[%swap3A_694, %swap3A_695] {strides = array<i32>} : memref<200x128xf32, #tpu.memory_space<vmem>>, vector<1x16xf32>,
        %swap3A_697 = vector.shape_cast %swap3A_696 : vector<1x16xf32> to vector<16xf32>
        %swap3A_698 = vector.shape_cast %get3A_693 : vector<16xf32> to vector<1x16xf32>
        tpu.vector_store %arg9[%swap3A_694, %swap3A_695], %swap3A_698 {add = true, strides = array<i32>} : memref<200x128xf32, #tpu.memory_space<vmem>>, vector<1x16xf32>,
        %add3A_699 = arith.constant 3 : i32
        %add3A_700 = arith.addi %mul3A_310, %add3A_699 : i32
        %add3A_701 = arith.constant 3 : i32
        %add3A_702 = arith.addi %mul3A_310, %add3A_701 : i32
        %get3A_703 = arith.index_cast %add3A_702 : i32 to index
        %get3A_704 = arith.constant 96 : index
        %get3A_705 = tpu.vector_load %arg6[%get3A_703, %get3A_704] {strides = array<i32>} : memref<200x128xf32, #tpu.memory_space<vmem>>, vector<1x16xf32>,
        %get3A_706 = vector.shape_cast %get3A_705 : vector<1x16xf32> to vector<16xf32>
        %swap3A_707 = arith.index_cast %add3A_700 : i32 to index
        %swap3A_708 = arith.constant 96 : index
        %swap3A_709 = tpu.vector_load %arg9[%swap3A_707, %swap3A_708] {strides = array<i32>} : memref<200x128xf32, #tpu.memory_space<vmem>>, vector<1x16xf32>,
        %swap3A_710 = vector.shape_cast %swap3A_709 : vector<1x16xf32> to vector<16xf32>
        %swap3A_711 = vector.shape_cast %get3A_706 : vector<16xf32> to vector<1x16xf32>
        tpu.vector_store %arg9[%swap3A_707, %swap3A_708], %swap3A_711 {add = true, strides = array<i32>} : memref<200x128xf32, #tpu.memory_space<vmem>>, vector<1x16xf32>,
        %add3A_712 = arith.constant 3 : i32
        %add3A_713 = arith.addi %mul3A_310, %add3A_712 : i32
        %add3A_714 = arith.constant 3 : i32
        %add3A_715 = arith.addi %mul3A_310, %add3A_714 : i32
        %get3A_716 = arith.index_cast %add3A_715 : i32 to index
        %get3A_717 = arith.constant 112 : index
        %get3A_718 = tpu.vector_load %arg6[%get3A_716, %get3A_717] {strides = array<i32>} : memref<200x128xf32, #tpu.memory_space<vmem>>, vector<1x16xf32>,
        %get3A_719 = vector.shape_cast %get3A_718 : vector<1x16xf32> to vector<16xf32>
        %swap3A_720 = arith.index_cast %add3A_713 : i32 to index
        %swap3A_721 = arith.constant 112 : index
        %swap3A_722 = tpu.vector_load %arg9[%swap3A_720, %swap3A_721] {strides = array<i32>} : memref<200x128xf32, #tpu.memory_space<vmem>>, vector<1x16xf32>,
        %swap3A_723 = vector.shape_cast %swap3A_722 : vector<1x16xf32> to vector<16xf32>
        %swap3A_724 = vector.shape_cast %get3A_719 : vector<16xf32> to vector<1x16xf32>
        tpu.vector_store %arg9[%swap3A_720, %swap3A_721], %swap3A_724 {add = true, strides = array<i32>} : memref<200x128xf32, #tpu.memory_space<vmem>>, vector<1x16xf32>,
        %add3A_725 = arith.constant 4 : i32
        %add3A_726 = arith.addi %mul3A_310, %add3A_725 : i32
        %add3A_727 = arith.constant 4 : i32
        %add3A_728 = arith.addi %mul3A_310, %add3A_727 : i32
        %get3A_729 = arith.index_cast %add3A_728 : i32 to index
        %get3A_730 = arith.constant 0 : index
        %get3A_731 = tpu.vector_load %arg6[%get3A_729, %get3A_730] {strides = array<i32>} : memref<200x128xf32, #tpu.memory_space<vmem>>, vector<1x16xf32>,
        %get3A_732 = vector.shape_cast %get3A_731 : vector<1x16xf32> to vector<16xf32>
        %swap3A_733 = arith.index_cast %add3A_726 : i32 to index
        %swap3A_734 = arith.constant 0 : index
        %swap3A_735 = tpu.vector_load %arg9[%swap3A_733, %swap3A_734] {strides = array<i32>} : memref<200x128xf32, #tpu.memory_space<vmem>>, vector<1x16xf32>,
        %swap3A_736 = vector.shape_cast %swap3A_735 : vector<1x16xf32> to vector<16xf32>
        %swap3A_737 = vector.shape_cast %get3A_732 : vector<16xf32> to vector<1x16xf32>
        tpu.vector_store %arg9[%swap3A_733, %swap3A_734], %swap3A_737 {add = true, strides = array<i32>} : memref<200x128xf32, #tpu.memory_space<vmem>>, vector<1x16xf32>,
        %add3A_738 = arith.constant 4 : i32
        %add3A_739 = arith.addi %mul3A_310, %add3A_738 : i32
        %add3A_740 = arith.constant 4 : i32
        %add3A_741 = arith.addi %mul3A_310, %add3A_740 : i32
        %get3A_742 = arith.index_cast %add3A_741 : i32 to index
        %get3A_743 = arith.constant 16 : index
        %get3A_744 = tpu.vector_load %arg6[%get3A_742, %get3A_743] {strides = array<i32>} : memref<200x128xf32, #tpu.memory_space<vmem>>, vector<1x16xf32>,
        %get3A_745 = vector.shape_cast %get3A_744 : vector<1x16xf32> to vector<16xf32>
        %swap3A_746 = arith.index_cast %add3A_739 : i32 to index
        %swap3A_747 = arith.constant 16 : index
        %swap3A_748 = tpu.vector_load %arg9[%swap3A_746, %swap3A_747] {strides = array<i32>} : memref<200x128xf32, #tpu.memory_space<vmem>>, vector<1x16xf32>,
        %swap3A_749 = vector.shape_cast %swap3A_748 : vector<1x16xf32> to vector<16xf32>
        %swap3A_750 = vector.shape_cast %get3A_745 : vector<16xf32> to vector<1x16xf32>
        tpu.vector_store %arg9[%swap3A_746, %swap3A_747], %swap3A_750 {add = true, strides = array<i32>} : memref<200x128xf32, #tpu.memory_space<vmem>>, vector<1x16xf32>,
        %add3A_751 = arith.constant 4 : i32
        %add3A_752 = arith.addi %mul3A_310, %add3A_751 : i32
        %add3A_753 = arith.constant 4 : i32
        %add3A_754 = arith.addi %mul3A_310, %add3A_753 : i32
        %get3A_755 = arith.index_cast %add3A_754 : i32 to index
        %get3A_756 = arith.constant 32 : index
        %get3A_757 = tpu.vector_load %arg6[%get3A_755, %get3A_756] {strides = array<i32>} : memref<200x128xf32, #tpu.memory_space<vmem>>, vector<1x16xf32>,
        %get3A_758 = vector.shape_cast %get3A_757 : vector<1x16xf32> to vector<16xf32>
        %swap3A_759 = arith.index_cast %add3A_752 : i32 to index
        %swap3A_760 = arith.constant 32 : index
        %swap3A_761 = tpu.vector_load %arg9[%swap3A_759, %swap3A_760] {strides = array<i32>} : memref<200x128xf32, #tpu.memory_space<vmem>>, vector<1x16xf32>,
        %swap3A_762 = vector.shape_cast %swap3A_761 : vector<1x16xf32> to vector<16xf32>
        %swap3A_763 = vector.shape_cast %get3A_758 : vector<16xf32> to vector<1x16xf32>
        tpu.vector_store %arg9[%swap3A_759, %swap3A_760], %swap3A_763 {add = true, strides = array<i32>} : memref<200x128xf32, #tpu.memory_space<vmem>>, vector<1x16xf32>,
        %add3A_764 = arith.constant 4 : i32
        %add3A_765 = arith.addi %mul3A_310, %add3A_764 : i32
        %add3A_766 = arith.constant 4 : i32
        %add3A_767 = arith.addi %mul3A_310, %add3A_766 : i32
        %get3A_768 = arith.index_cast %add3A_767 : i32 to index
        %get3A_769 = arith.constant 48 : index
        %get3A_770 = tpu.vector_load %arg6[%get3A_768, %get3A_769] {strides = array<i32>} : memref<200x128xf32, #tpu.memory_space<vmem>>, vector<1x16xf32>,
        %get3A_771 = vector.shape_cast %get3A_770 : vector<1x16xf32> to vector<16xf32>
        %swap3A_772 = arith.index_cast %add3A_765 : i32 to index
        %swap3A_773 = arith.constant 48 : index
        %swap3A_774 = tpu.vector_load %arg9[%swap3A_772, %swap3A_773] {strides = array<i32>} : memref<200x128xf32, #tpu.memory_space<vmem>>, vector<1x16xf32>,
        %swap3A_775 = vector.shape_cast %swap3A_774 : vector<1x16xf32> to vector<16xf32>
        %swap3A_776 = vector.shape_cast %get3A_771 : vector<16xf32> to vector<1x16xf32>
        tpu.vector_store %arg9[%swap3A_772, %swap3A_773], %swap3A_776 {add = true, strides = array<i32>} : memref<200x128xf32, #tpu.memory_space<vmem>>, vector<1x16xf32>,
        %add3A_777 = arith.constant 4 : i32
        %add3A_778 = arith.addi %mul3A_310, %add3A_777 : i32
        %add3A_779 = arith.constant 4 : i32
        %add3A_780 = arith.addi %mul3A_310, %add3A_779 : i32
        %get3A_781 = arith.index_cast %add3A_780 : i32 to index
        %get3A_782 = arith.constant 64 : index
        %get3A_783 = tpu.vector_load %arg6[%get3A_781, %get3A_782] {strides = array<i32>} : memref<200x128xf32, #tpu.memory_space<vmem>>, vector<1x16xf32>,
        %get3A_784 = vector.shape_cast %get3A_783 : vector<1x16xf32> to vector<16xf32>
        %swap3A_785 = arith.index_cast %add3A_778 : i32 to index
        %swap3A_786 = arith.constant 64 : index
        %swap3A_787 = tpu.vector_load %arg9[%swap3A_785, %swap3A_786] {strides = array<i32>} : memref<200x128xf32, #tpu.memory_space<vmem>>, vector<1x16xf32>,
        %swap3A_788 = vector.shape_cast %swap3A_787 : vector<1x16xf32> to vector<16xf32>
        %swap3A_789 = vector.shape_cast %get3A_784 : vector<16xf32> to vector<1x16xf32>
        tpu.vector_store %arg9[%swap3A_785, %swap3A_786], %swap3A_789 {add = true, strides = array<i32>} : memref<200x128xf32, #tpu.memory_space<vmem>>, vector<1x16xf32>,
        %add3A_790 = arith.constant 4 : i32
        %add3A_791 = arith.addi %mul3A_310, %add3A_790 : i32
        %add3A_792 = arith.constant 4 : i32
        %add3A_793 = arith.addi %mul3A_310, %add3A_792 : i32
        %get3A_794 = arith.index_cast %add3A_793 : i32 to index
        %get3A_795 = arith.constant 80 : index
        %get3A_796 = tpu.vector_load %arg6[%get3A_794, %get3A_795] {strides = array<i32>} : memref<200x128xf32, #tpu.memory_space<vmem>>, vector<1x16xf32>,
        %get3A_797 = vector.shape_cast %get3A_796 : vector<1x16xf32> to vector<16xf32>
        %swap3A_798 = arith.index_cast %add3A_791 : i32 to index
        %swap3A_799 = arith.constant 80 : index
        %swap3A_800 = tpu.vector_load %arg9[%swap3A_798, %swap3A_799] {strides = array<i32>} : memref<200x128xf32, #tpu.memory_space<vmem>>, vector<1x16xf32>,
        %swap3A_801 = vector.shape_cast %swap3A_800 : vector<1x16xf32> to vector<16xf32>
        %swap3A_802 = vector.shape_cast %get3A_797 : vector<16xf32> to vector<1x16xf32>
        tpu.vector_store %arg9[%swap3A_798, %swap3A_799], %swap3A_802 {add = true, strides = array<i32>} : memref<200x128xf32, #tpu.memory_space<vmem>>, vector<1x16xf32>,
        %add3A_803 = arith.constant 4 : i32
        %add3A_804 = arith.addi %mul3A_310, %add3A_803 : i32
        %add3A_805 = arith.constant 4 : i32
        %add3A_806 = arith.addi %mul3A_310, %add3A_805 : i32
        %get3A_807 = arith.index_cast %add3A_806 : i32 to index
        %get3A_808 = arith.constant 96 : index
        %get3A_809 = tpu.vector_load %arg6[%get3A_807, %get3A_808] {strides = array<i32>} : memref<200x128xf32, #tpu.memory_space<vmem>>, vector<1x16xf32>,
        %get3A_810 = vector.shape_cast %get3A_809 : vector<1x16xf32> to vector<16xf32>
        %swap3A_811 = arith.index_cast %add3A_804 : i32 to index
        %swap3A_812 = arith.constant 96 : index
        %swap3A_813 = tpu.vector_load %arg9[%swap3A_811, %swap3A_812] {strides = array<i32>} : memref<200x128xf32, #tpu.memory_space<vmem>>, vector<1x16xf32>,
        %swap3A_814 = vector.shape_cast %swap3A_813 : vector<1x16xf32> to vector<16xf32>
        %swap3A_815 = vector.shape_cast %get3A_810 : vector<16xf32> to vector<1x16xf32>
        tpu.vector_store %arg9[%swap3A_811, %swap3A_812], %swap3A_815 {add = true, strides = array<i32>} : memref<200x128xf32, #tpu.memory_space<vmem>>, vector<1x16xf32>,
        %add3A_816 = arith.constant 4 : i32
        %add3A_817 = arith.addi %mul3A_310, %add3A_816 : i32
        %add3A_818 = arith.constant 4 : i32
        %add3A_819 = arith.addi %mul3A_310, %add3A_818 : i32
        %get3A_820 = arith.index_cast %add3A_819 : i32 to index
        %get3A_821 = arith.constant 112 : index
        %get3A_822 = tpu.vector_load %arg6[%get3A_820, %get3A_821] {strides = array<i32>} : memref<200x128xf32, #tpu.memory_space<vmem>>, vector<1x16xf32>,
        %get3A_823 = vector.shape_cast %get3A_822 : vector<1x16xf32> to vector<16xf32>
        %swap3A_824 = arith.index_cast %add3A_817 : i32 to index
        %swap3A_825 = arith.constant 112 : index
        %swap3A_826 = tpu.vector_load %arg9[%swap3A_824, %swap3A_825] {strides = array<i32>} : memref<200x128xf32, #tpu.memory_space<vmem>>, vector<1x16xf32>,
        %swap3A_827 = vector.shape_cast %swap3A_826 : vector<1x16xf32> to vector<16xf32>
        %swap3A_828 = vector.shape_cast %get3A_823 : vector<16xf32> to vector<1x16xf32>
        tpu.vector_store %arg9[%swap3A_824, %swap3A_825], %swap3A_828 {add = true, strides = array<i32>} : memref<200x128xf32, #tpu.memory_space<vmem>>, vector<1x16xf32>,
        %add3A_829 = arith.constant 5 : i32
        %add3A_830 = arith.addi %mul3A_310, %add3A_829 : i32
        %add3A_831 = arith.constant 5 : i32
        %add3A_832 = arith.addi %mul3A_310, %add3A_831 : i32
        %get3A_833 = arith.index_cast %add3A_832 : i32 to index
        %get3A_834 = arith.constant 0 : index
        %get3A_835 = tpu.vector_load %arg6[%get3A_833, %get3A_834] {strides = array<i32>} : memref<200x128xf32, #tpu.memory_space<vmem>>, vector<1x16xf32>,
        %get3A_836 = vector.shape_cast %get3A_835 : vector<1x16xf32> to vector<16xf32>
        %swap3A_837 = arith.index_cast %add3A_830 : i32 to index
        %swap3A_838 = arith.constant 0 : index
        %swap3A_839 = tpu.vector_load %arg9[%swap3A_837, %swap3A_838] {strides = array<i32>} : memref<200x128xf32, #tpu.memory_space<vmem>>, vector<1x16xf32>,
        %swap3A_840 = vector.shape_cast %swap3A_839 : vector<1x16xf32> to vector<16xf32>
        %swap3A_841 = vector.shape_cast %get3A_836 : vector<16xf32> to vector<1x16xf32>
        tpu.vector_store %arg9[%swap3A_837, %swap3A_838], %swap3A_841 {add = true, strides = array<i32>} : memref<200x128xf32, #tpu.memory_space<vmem>>, vector<1x16xf32>,
        %add3A_842 = arith.constant 5 : i32
        %add3A_843 = arith.addi %mul3A_310, %add3A_842 : i32
        %add3A_844 = arith.constant 5 : i32
        %add3A_845 = arith.addi %mul3A_310, %add3A_844 : i32
        %get3A_846 = arith.index_cast %add3A_845 : i32 to index
        %get3A_847 = arith.constant 16 : index
        %get3A_848 = tpu.vector_load %arg6[%get3A_846, %get3A_847] {strides = array<i32>} : memref<200x128xf32, #tpu.memory_space<vmem>>, vector<1x16xf32>,
        %get3A_849 = vector.shape_cast %get3A_848 : vector<1x16xf32> to vector<16xf32>
        %swap3A_850 = arith.index_cast %add3A_843 : i32 to index
        %swap3A_851 = arith.constant 16 : index
        %swap3A_852 = tpu.vector_load %arg9[%swap3A_850, %swap3A_851] {strides = array<i32>} : memref<200x128xf32, #tpu.memory_space<vmem>>, vector<1x16xf32>,
        %swap3A_853 = vector.shape_cast %swap3A_852 : vector<1x16xf32> to vector<16xf32>
        %swap3A_854 = vector.shape_cast %get3A_849 : vector<16xf32> to vector<1x16xf32>
        tpu.vector_store %arg9[%swap3A_850, %swap3A_851], %swap3A_854 {add = true, strides = array<i32>} : memref<200x128xf32, #tpu.memory_space<vmem>>, vector<1x16xf32>,
        %add3A_855 = arith.constant 5 : i32
        %add3A_856 = arith.addi %mul3A_310, %add3A_855 : i32
        %add3A_857 = arith.constant 5 : i32
        %add3A_858 = arith.addi %mul3A_310, %add3A_857 : i32
        %get3A_859 = arith.index_cast %add3A_858 : i32 to index
        %get3A_860 = arith.constant 32 : index
        %get3A_861 = tpu.vector_load %arg6[%get3A_859, %get3A_860] {strides = array<i32>} : memref<200x128xf32, #tpu.memory_space<vmem>>, vector<1x16xf32>,
        %get3A_862 = vector.shape_cast %get3A_861 : vector<1x16xf32> to vector<16xf32>
        %swap3A_863 = arith.index_cast %add3A_856 : i32 to index
        %swap3A_864 = arith.constant 32 : index
        %swap3A_865 = tpu.vector_load %arg9[%swap3A_863, %swap3A_864] {strides = array<i32>} : memref<200x128xf32, #tpu.memory_space<vmem>>, vector<1x16xf32>,
        %swap3A_866 = vector.shape_cast %swap3A_865 : vector<1x16xf32> to vector<16xf32>
        %swap3A_867 = vector.shape_cast %get3A_862 : vector<16xf32> to vector<1x16xf32>
        tpu.vector_store %arg9[%swap3A_863, %swap3A_864], %swap3A_867 {add = true, strides = array<i32>} : memref<200x128xf32, #tpu.memory_space<vmem>>, vector<1x16xf32>,
        %add3A_868 = arith.constant 5 : i32
        %add3A_869 = arith.addi %mul3A_310, %add3A_868 : i32
        %add3A_870 = arith.constant 5 : i32
        %add3A_871 = arith.addi %mul3A_310, %add3A_870 : i32
        %get3A_872 = arith.index_cast %add3A_871 : i32 to index
        %get3A_873 = arith.constant 48 : index
        %get3A_874 = tpu.vector_load %arg6[%get3A_872, %get3A_873] {strides = array<i32>} : memref<200x128xf32, #tpu.memory_space<vmem>>, vector<1x16xf32>,
        %get3A_875 = vector.shape_cast %get3A_874 : vector<1x16xf32> to vector<16xf32>
        %swap3A_876 = arith.index_cast %add3A_869 : i32 to index
        %swap3A_877 = arith.constant 48 : index
        %swap3A_878 = tpu.vector_load %arg9[%swap3A_876, %swap3A_877] {strides = array<i32>} : memref<200x128xf32, #tpu.memory_space<vmem>>, vector<1x16xf32>,
        %swap3A_879 = vector.shape_cast %swap3A_878 : vector<1x16xf32> to vector<16xf32>
        %swap3A_880 = vector.shape_cast %get3A_875 : vector<16xf32> to vector<1x16xf32>
        tpu.vector_store %arg9[%swap3A_876, %swap3A_877], %swap3A_880 {add = true, strides = array<i32>} : memref<200x128xf32, #tpu.memory_space<vmem>>, vector<1x16xf32>,
        %add3A_881 = arith.constant 5 : i32
        %add3A_882 = arith.addi %mul3A_310, %add3A_881 : i32
        %add3A_883 = arith.constant 5 : i32
        %add3A_884 = arith.addi %mul3A_310, %add3A_883 : i32
        %get3A_885 = arith.index_cast %add3A_884 : i32 to index
        %get3A_886 = arith.constant 64 : index
        %get3A_887 = tpu.vector_load %arg6[%get3A_885, %get3A_886] {strides = array<i32>} : memref<200x128xf32, #tpu.memory_space<vmem>>, vector<1x16xf32>,
        %get3A_888 = vector.shape_cast %get3A_887 : vector<1x16xf32> to vector<16xf32>
        %swap3A_889 = arith.index_cast %add3A_882 : i32 to index
        %swap3A_890 = arith.constant 64 : index
        %swap3A_891 = tpu.vector_load %arg9[%swap3A_889, %swap3A_890] {strides = array<i32>} : memref<200x128xf32, #tpu.memory_space<vmem>>, vector<1x16xf32>,
        %swap3A_892 = vector.shape_cast %swap3A_891 : vector<1x16xf32> to vector<16xf32>
        %swap3A_893 = vector.shape_cast %get3A_888 : vector<16xf32> to vector<1x16xf32>
        tpu.vector_store %arg9[%swap3A_889, %swap3A_890], %swap3A_893 {add = true, strides = array<i32>} : memref<200x128xf32, #tpu.memory_space<vmem>>, vector<1x16xf32>,
        %add3A_894 = arith.constant 5 : i32
        %add3A_895 = arith.addi %mul3A_310, %add3A_894 : i32
        %add3A_896 = arith.constant 5 : i32
        %add3A_897 = arith.addi %mul3A_310, %add3A_896 : i32
        %get3A_898 = arith.index_cast %add3A_897 : i32 to index
        %get3A_899 = arith.constant 80 : index
        %get3A_900 = tpu.vector_load %arg6[%get3A_898, %get3A_899] {strides = array<i32>} : memref<200x128xf32, #tpu.memory_space<vmem>>, vector<1x16xf32>,
        %get3A_901 = vector.shape_cast %get3A_900 : vector<1x16xf32> to vector<16xf32>
        %swap3A_902 = arith.index_cast %add3A_895 : i32 to index
        %swap3A_903 = arith.constant 80 : index
        %swap3A_904 = tpu.vector_load %arg9[%swap3A_902, %swap3A_903] {strides = array<i32>} : memref<200x128xf32, #tpu.memory_space<vmem>>, vector<1x16xf32>,
        %swap3A_905 = vector.shape_cast %swap3A_904 : vector<1x16xf32> to vector<16xf32>
        %swap3A_906 = vector.shape_cast %get3A_901 : vector<16xf32> to vector<1x16xf32>
        tpu.vector_store %arg9[%swap3A_902, %swap3A_903], %swap3A_906 {add = true, strides = array<i32>} : memref<200x128xf32, #tpu.memory_space<vmem>>, vector<1x16xf32>,
        %add3A_907 = arith.constant 5 : i32
        %add3A_908 = arith.addi %mul3A_310, %add3A_907 : i32
        %add3A_909 = arith.constant 5 : i32
        %add3A_910 = arith.addi %mul3A_310, %add3A_909 : i32
        %get3A_911 = arith.index_cast %add3A_910 : i32 to index
        %get3A_912 = arith.constant 96 : index
        %get3A_913 = tpu.vector_load %arg6[%get3A_911, %get3A_912] {strides = array<i32>} : memref<200x128xf32, #tpu.memory_space<vmem>>, vector<1x16xf32>,
        %get3A_914 = vector.shape_cast %get3A_913 : vector<1x16xf32> to vector<16xf32>
        %swap3A_915 = arith.index_cast %add3A_908 : i32 to index
        %swap3A_916 = arith.constant 96 : index
        %swap3A_917 = tpu.vector_load %arg9[%swap3A_915, %swap3A_916] {strides = array<i32>} : memref<200x128xf32, #tpu.memory_space<vmem>>, vector<1x16xf32>,
        %swap3A_918 = vector.shape_cast %swap3A_917 : vector<1x16xf32> to vector<16xf32>
        %swap3A_919 = vector.shape_cast %get3A_914 : vector<16xf32> to vector<1x16xf32>
        tpu.vector_store %arg9[%swap3A_915, %swap3A_916], %swap3A_919 {add = true, strides = array<i32>} : memref<200x128xf32, #tpu.memory_space<vmem>>, vector<1x16xf32>,
        %add3A_920 = arith.constant 5 : i32
        %add3A_921 = arith.addi %mul3A_310, %add3A_920 : i32
        %add3A_922 = arith.constant 5 : i32
        %add3A_923 = arith.addi %mul3A_310, %add3A_922 : i32
        %get3A_924 = arith.index_cast %add3A_923 : i32 to index
        %get3A_925 = arith.constant 112 : index
        %get3A_926 = tpu.vector_load %arg6[%get3A_924, %get3A_925] {strides = array<i32>} : memref<200x128xf32, #tpu.memory_space<vmem>>, vector<1x16xf32>,
        %get3A_927 = vector.shape_cast %get3A_926 : vector<1x16xf32> to vector<16xf32>
        %swap3A_928 = arith.index_cast %add3A_921 : i32 to index
        %swap3A_929 = arith.constant 112 : index
        %swap3A_930 = tpu.vector_load %arg9[%swap3A_928, %swap3A_929] {strides = array<i32>} : memref<200x128xf32, #tpu.memory_space<vmem>>, vector<1x16xf32>,
        %swap3A_931 = vector.shape_cast %swap3A_930 : vector<1x16xf32> to vector<16xf32>
        %swap3A_932 = vector.shape_cast %get3A_927 : vector<16xf32> to vector<1x16xf32>
        tpu.vector_store %arg9[%swap3A_928, %swap3A_929], %swap3A_932 {add = true, strides = array<i32>} : memref<200x128xf32, #tpu.memory_space<vmem>>, vector<1x16xf32>,
        %add3A_933 = arith.constant 6 : i32
        %add3A_934 = arith.addi %mul3A_310, %add3A_933 : i32
        %add3A_935 = arith.constant 6 : i32
        %add3A_936 = arith.addi %mul3A_310, %add3A_935 : i32
        %get3A_937 = arith.index_cast %add3A_936 : i32 to index
        %get3A_938 = arith.constant 0 : index
        %get3A_939 = tpu.vector_load %arg6[%get3A_937, %get3A_938] {strides = array<i32>} : memref<200x128xf32, #tpu.memory_space<vmem>>, vector<1x16xf32>,
        %get3A_940 = vector.shape_cast %get3A_939 : vector<1x16xf32> to vector<16xf32>
        %swap3A_941 = arith.index_cast %add3A_934 : i32 to index
        %swap3A_942 = arith.constant 0 : index
        %swap3A_943 = tpu.vector_load %arg9[%swap3A_941, %swap3A_942] {strides = array<i32>} : memref<200x128xf32, #tpu.memory_space<vmem>>, vector<1x16xf32>,
        %swap3A_944 = vector.shape_cast %swap3A_943 : vector<1x16xf32> to vector<16xf32>
        %swap3A_945 = vector.shape_cast %get3A_940 : vector<16xf32> to vector<1x16xf32>
        tpu.vector_store %arg9[%swap3A_941, %swap3A_942], %swap3A_945 {add = true, strides = array<i32>} : memref<200x128xf32, #tpu.memory_space<vmem>>, vector<1x16xf32>,
        %add3A_946 = arith.constant 6 : i32
        %add3A_947 = arith.addi %mul3A_310, %add3A_946 : i32
        %add3A_948 = arith.constant 6 : i32
        %add3A_949 = arith.addi %mul3A_310, %add3A_948 : i32
        %get3A_950 = arith.index_cast %add3A_949 : i32 to index
        %get3A_951 = arith.constant 16 : index
        %get3A_952 = tpu.vector_load %arg6[%get3A_950, %get3A_951] {strides = array<i32>} : memref<200x128xf32, #tpu.memory_space<vmem>>, vector<1x16xf32>,
        %get3A_953 = vector.shape_cast %get3A_952 : vector<1x16xf32> to vector<16xf32>
        %swap3A_954 = arith.index_cast %add3A_947 : i32 to index
        %swap3A_955 = arith.constant 16 : index
        %swap3A_956 = tpu.vector_load %arg9[%swap3A_954, %swap3A_955] {strides = array<i32>} : memref<200x128xf32, #tpu.memory_space<vmem>>, vector<1x16xf32>,
        %swap3A_957 = vector.shape_cast %swap3A_956 : vector<1x16xf32> to vector<16xf32>
        %swap3A_958 = vector.shape_cast %get3A_953 : vector<16xf32> to vector<1x16xf32>
        tpu.vector_store %arg9[%swap3A_954, %swap3A_955], %swap3A_958 {add = true, strides = array<i32>} : memref<200x128xf32, #tpu.memory_space<vmem>>, vector<1x16xf32>,
        %add3A_959 = arith.constant 6 : i32
        %add3A_960 = arith.addi %mul3A_310, %add3A_959 : i32
        %add3A_961 = arith.constant 6 : i32
        %add3A_962 = arith.addi %mul3A_310, %add3A_961 : i32
        %get3A_963 = arith.index_cast %add3A_962 : i32 to index
        %get3A_964 = arith.constant 32 : index
        %get3A_965 = tpu.vector_load %arg6[%get3A_963, %get3A_964] {strides = array<i32>} : memref<200x128xf32, #tpu.memory_space<vmem>>, vector<1x16xf32>,
        %get3A_966 = vector.shape_cast %get3A_965 : vector<1x16xf32> to vector<16xf32>
        %swap3A_967 = arith.index_cast %add3A_960 : i32 to index
        %swap3A_968 = arith.constant 32 : index
        %swap3A_969 = tpu.vector_load %arg9[%swap3A_967, %swap3A_968] {strides = array<i32>} : memref<200x128xf32, #tpu.memory_space<vmem>>, vector<1x16xf32>,
        %swap3A_970 = vector.shape_cast %swap3A_969 : vector<1x16xf32> to vector<16xf32>
        %swap3A_971 = vector.shape_cast %get3A_966 : vector<16xf32> to vector<1x16xf32>
        tpu.vector_store %arg9[%swap3A_967, %swap3A_968], %swap3A_971 {add = true, strides = array<i32>} : memref<200x128xf32, #tpu.memory_space<vmem>>, vector<1x16xf32>,
        %add3A_972 = arith.constant 6 : i32
        %add3A_973 = arith.addi %mul3A_310, %add3A_972 : i32
        %add3A_974 = arith.constant 6 : i32
        %add3A_975 = arith.addi %mul3A_310, %add3A_974 : i32
        %get3A_976 = arith.index_cast %add3A_975 : i32 to index
        %get3A_977 = arith.constant 48 : index
        %get3A_978 = tpu.vector_load %arg6[%get3A_976, %get3A_977] {strides = array<i32>} : memref<200x128xf32, #tpu.memory_space<vmem>>, vector<1x16xf32>,
        %get3A_979 = vector.shape_cast %get3A_978 : vector<1x16xf32> to vector<16xf32>
        %swap3A_980 = arith.index_cast %add3A_973 : i32 to index
        %swap3A_981 = arith.constant 48 : index
        %swap3A_982 = tpu.vector_load %arg9[%swap3A_980, %swap3A_981] {strides = array<i32>} : memref<200x128xf32, #tpu.memory_space<vmem>>, vector<1x16xf32>,
        %swap3A_983 = vector.shape_cast %swap3A_982 : vector<1x16xf32> to vector<16xf32>
        %swap3A_984 = vector.shape_cast %get3A_979 : vector<16xf32> to vector<1x16xf32>
        tpu.vector_store %arg9[%swap3A_980, %swap3A_981], %swap3A_984 {add = true, strides = array<i32>} : memref<200x128xf32, #tpu.memory_space<vmem>>, vector<1x16xf32>,
        %add3A_985 = arith.constant 6 : i32
        %add3A_986 = arith.addi %mul3A_310, %add3A_985 : i32
        %add3A_987 = arith.constant 6 : i32
        %add3A_988 = arith.addi %mul3A_310, %add3A_987 : i32
        %get3A_989 = arith.index_cast %add3A_988 : i32 to index
        %get3A_990 = arith.constant 64 : index
        %get3A_991 = tpu.vector_load %arg6[%get3A_989, %get3A_990] {strides = array<i32>} : memref<200x128xf32, #tpu.memory_space<vmem>>, vector<1x16xf32>,
        %get3A_992 = vector.shape_cast %get3A_991 : vector<1x16xf32> to vector<16xf32>
        %swap3A_993 = arith.index_cast %add3A_986 : i32 to index
        %swap3A_994 = arith.constant 64 : index
        %swap3A_995 = tpu.vector_load %arg9[%swap3A_993, %swap3A_994] {strides = array<i32>} : memref<200x128xf32, #tpu.memory_space<vmem>>, vector<1x16xf32>,
        %swap3A_996 = vector.shape_cast %swap3A_995 : vector<1x16xf32> to vector<16xf32>
        %swap3A_997 = vector.shape_cast %get3A_992 : vector<16xf32> to vector<1x16xf32>
        tpu.vector_store %arg9[%swap3A_993, %swap3A_994], %swap3A_997 {add = true, strides = array<i32>} : memref<200x128xf32, #tpu.memory_space<vmem>>, vector<1x16xf32>,
        %add3A_998 = arith.constant 6 : i32
        %add3A_999 = arith.addi %mul3A_310, %add3A_998 : i32
        %add3A_1000 = arith.constant 6 : i32
        %add3A_1001 = arith.addi %mul3A_310, %add3A_1000 : i32
        %get3A_1002 = arith.index_cast %add3A_1001 : i32 to index
        %get3A_1003 = arith.constant 80 : index
        %get3A_1004 = tpu.vector_load %arg6[%get3A_1002, %get3A_1003] {strides = array<i32>} : memref<200x128xf32, #tpu.memory_space<vmem>>, vector<1x16xf32>,
        %get3A_1005 = vector.shape_cast %get3A_1004 : vector<1x16xf32> to vector<16xf32>
        %swap3A_1006 = arith.index_cast %add3A_999 : i32 to index
        %swap3A_1007 = arith.constant 80 : index
        %swap3A_1008 = tpu.vector_load %arg9[%swap3A_1006, %swap3A_1007] {strides = array<i32>} : memref<200x128xf32, #tpu.memory_space<vmem>>, vector<1x16xf32>,
        %swap3A_1009 = vector.shape_cast %swap3A_1008 : vector<1x16xf32> to vector<16xf32>
        %swap3A_1010 = vector.shape_cast %get3A_1005 : vector<16xf32> to vector<1x16xf32>
        tpu.vector_store %arg9[%swap3A_1006, %swap3A_1007], %swap3A_1010 {add = true, strides = array<i32>} : memref<200x128xf32, #tpu.memory_space<vmem>>, vector<1x16xf32>,
        %add3A_1011 = arith.constant 6 : i32
        %add3A_1012 = arith.addi %mul3A_310, %add3A_1011 : i32
        %add3A_1013 = arith.constant 6 : i32
        %add3A_1014 = arith.addi %mul3A_310, %add3A_1013 : i32
        %get3A_1015 = arith.index_cast %add3A_1014 : i32 to index
        %get3A_1016 = arith.constant 96 : index
        %get3A_1017 = tpu.vector_load %arg6[%get3A_1015, %get3A_1016] {strides = array<i32>} : memref<200x128xf32, #tpu.memory_space<vmem>>, vector<1x16xf32>,
        %get3A_1018 = vector.shape_cast %get3A_1017 : vector<1x16xf32> to vector<16xf32>
        %swap3A_1019 = arith.index_cast %add3A_1012 : i32 to index
        %swap3A_1020 = arith.constant 96 : index
        %swap3A_1021 = tpu.vector_load %arg9[%swap3A_1019, %swap3A_1020] {strides = array<i32>} : memref<200x128xf32, #tpu.memory_space<vmem>>, vector<1x16xf32>,
        %swap3A_1022 = vector.shape_cast %swap3A_1021 : vector<1x16xf32> to vector<16xf32>
        %swap3A_1023 = vector.shape_cast %get3A_1018 : vector<16xf32> to vector<1x16xf32>
        tpu.vector_store %arg9[%swap3A_1019, %swap3A_1020], %swap3A_1023 {add = true, strides = array<i32>} : memref<200x128xf32, #tpu.memory_space<vmem>>, vector<1x16xf32>,
        %add3A_1024 = arith.constant 6 : i32
        %add3A_1025 = arith.addi %mul3A_310, %add3A_1024 : i32
        %add3A_1026 = arith.constant 6 : i32
        %add3A_1027 = arith.addi %mul3A_310, %add3A_1026 : i32
        %get3A_1028 = arith.index_cast %add3A_1027 : i32 to index
        %get3A_1029 = arith.constant 112 : index
        %get3A_1030 = tpu.vector_load %arg6[%get3A_1028, %get3A_1029] {strides = array<i32>} : memref<200x128xf32, #tpu.memory_space<vmem>>, vector<1x16xf32>,
        %get3A_1031 = vector.shape_cast %get3A_1030 : vector<1x16xf32> to vector<16xf32>
        %swap3A_1032 = arith.index_cast %add3A_1025 : i32 to index
        %swap3A_1033 = arith.constant 112 : index
        %swap3A_1034 = tpu.vector_load %arg9[%swap3A_1032, %swap3A_1033] {strides = array<i32>} : memref<200x128xf32, #tpu.memory_space<vmem>>, vector<1x16xf32>,
        %swap3A_1035 = vector.shape_cast %swap3A_1034 : vector<1x16xf32> to vector<16xf32>
        %swap3A_1036 = vector.shape_cast %get3A_1031 : vector<16xf32> to vector<1x16xf32>
        tpu.vector_store %arg9[%swap3A_1032, %swap3A_1033], %swap3A_1036 {add = true, strides = array<i32>} : memref<200x128xf32, #tpu.memory_space<vmem>>, vector<1x16xf32>,
        %add3A_1037 = arith.constant 7 : i32
        %add3A_1038 = arith.addi %mul3A_310, %add3A_1037 : i32
        %add3A_1039 = arith.constant 7 : i32
        %add3A_1040 = arith.addi %mul3A_310, %add3A_1039 : i32
        %get3A_1041 = arith.index_cast %add3A_1040 : i32 to index
        %get3A_1042 = arith.constant 0 : index
        %get3A_1043 = tpu.vector_load %arg6[%get3A_1041, %get3A_1042] {strides = array<i32>} : memref<200x128xf32, #tpu.memory_space<vmem>>, vector<1x16xf32>,
        %get3A_1044 = vector.shape_cast %get3A_1043 : vector<1x16xf32> to vector<16xf32>
        %swap3A_1045 = arith.index_cast %add3A_1038 : i32 to index
        %swap3A_1046 = arith.constant 0 : index
        %swap3A_1047 = tpu.vector_load %arg9[%swap3A_1045, %swap3A_1046] {strides = array<i32>} : memref<200x128xf32, #tpu.memory_space<vmem>>, vector<1x16xf32>,
        %swap3A_1048 = vector.shape_cast %swap3A_1047 : vector<1x16xf32> to vector<16xf32>
        %swap3A_1049 = vector.shape_cast %get3A_1044 : vector<16xf32> to vector<1x16xf32>
        tpu.vector_store %arg9[%swap3A_1045, %swap3A_1046], %swap3A_1049 {add = true, strides = array<i32>} : memref<200x128xf32, #tpu.memory_space<vmem>>, vector<1x16xf32>,
        %add3A_1050 = arith.constant 7 : i32
        %add3A_1051 = arith.addi %mul3A_310, %add3A_1050 : i32
        %add3A_1052 = arith.constant 7 : i32
        %add3A_1053 = arith.addi %mul3A_310, %add3A_1052 : i32
        %get3A_1054 = arith.index_cast %add3A_1053 : i32 to index
        %get3A_1055 = arith.constant 16 : index
        %get3A_1056 = tpu.vector_load %arg6[%get3A_1054, %get3A_1055] {strides = array<i32>} : memref<200x128xf32, #tpu.memory_space<vmem>>, vector<1x16xf32>,
        %get3A_1057 = vector.shape_cast %get3A_1056 : vector<1x16xf32> to vector<16xf32>
        %swap3A_1058 = arith.index_cast %add3A_1051 : i32 to index
        %swap3A_1059 = arith.constant 16 : index
        %swap3A_1060 = tpu.vector_load %arg9[%swap3A_1058, %swap3A_1059] {strides = array<i32>} : memref<200x128xf32, #tpu.memory_space<vmem>>, vector<1x16xf32>,
        %swap3A_1061 = vector.shape_cast %swap3A_1060 : vector<1x16xf32> to vector<16xf32>
        %swap3A_1062 = vector.shape_cast %get3A_1057 : vector<16xf32> to vector<1x16xf32>
        tpu.vector_store %arg9[%swap3A_1058, %swap3A_1059], %swap3A_1062 {add = true, strides = array<i32>} : memref<200x128xf32, #tpu.memory_space<vmem>>, vector<1x16xf32>,
        %add3A_1063 = arith.constant 7 : i32
        %add3A_1064 = arith.addi %mul3A_310, %add3A_1063 : i32
        %add3A_1065 = arith.constant 7 : i32
        %add3A_1066 = arith.addi %mul3A_310, %add3A_1065 : i32
        %get3A_1067 = arith.index_cast %add3A_1066 : i32 to index
        %get3A_1068 = arith.constant 32 : index
        %get3A_1069 = tpu.vector_load %arg6[%get3A_1067, %get3A_1068] {strides = array<i32>} : memref<200x128xf32, #tpu.memory_space<vmem>>, vector<1x16xf32>,
        %get3A_1070 = vector.shape_cast %get3A_1069 : vector<1x16xf32> to vector<16xf32>
        %swap3A_1071 = arith.index_cast %add3A_1064 : i32 to index
        %swap3A_1072 = arith.constant 32 : index
        %swap3A_1073 = tpu.vector_load %arg9[%swap3A_1071, %swap3A_1072] {strides = array<i32>} : memref<200x128xf32, #tpu.memory_space<vmem>>, vector<1x16xf32>,
        %swap3A_1074 = vector.shape_cast %swap3A_1073 : vector<1x16xf32> to vector<16xf32>
        %swap3A_1075 = vector.shape_cast %get3A_1070 : vector<16xf32> to vector<1x16xf32>
        tpu.vector_store %arg9[%swap3A_1071, %swap3A_1072], %swap3A_1075 {add = true, strides = array<i32>} : memref<200x128xf32, #tpu.memory_space<vmem>>, vector<1x16xf32>,
        %add3A_1076 = arith.constant 7 : i32
        %add3A_1077 = arith.addi %mul3A_310, %add3A_1076 : i32
        %add3A_1078 = arith.constant 7 : i32
        %add3A_1079 = arith.addi %mul3A_310, %add3A_1078 : i32
        %get3A_1080 = arith.index_cast %add3A_1079 : i32 to index
        %get3A_1081 = arith.constant 48 : index
        %get3A_1082 = tpu.vector_load %arg6[%get3A_1080, %get3A_1081] {strides = array<i32>} : memref<200x128xf32, #tpu.memory_space<vmem>>, vector<1x16xf32>,
        %get3A_1083 = vector.shape_cast %get3A_1082 : vector<1x16xf32> to vector<16xf32>
        %swap3A_1084 = arith.index_cast %add3A_1077 : i32 to index
        %swap3A_1085 = arith.constant 48 : index
        %swap3A_1086 = tpu.vector_load %arg9[%swap3A_1084, %swap3A_1085] {strides = array<i32>} : memref<200x128xf32, #tpu.memory_space<vmem>>, vector<1x16xf32>,
        %swap3A_1087 = vector.shape_cast %swap3A_1086 : vector<1x16xf32> to vector<16xf32>
        %swap3A_1088 = vector.shape_cast %get3A_1083 : vector<16xf32> to vector<1x16xf32>
        tpu.vector_store %arg9[%swap3A_1084, %swap3A_1085], %swap3A_1088 {add = true, strides = array<i32>} : memref<200x128xf32, #tpu.memory_space<vmem>>, vector<1x16xf32>,
        %add3A_1089 = arith.constant 7 : i32
        %add3A_1090 = arith.addi %mul3A_310, %add3A_1089 : i32
        %add3A_1091 = arith.constant 7 : i32
        %add3A_1092 = arith.addi %mul3A_310, %add3A_1091 : i32
        %get3A_1093 = arith.index_cast %add3A_1092 : i32 to index
        %get3A_1094 = arith.constant 64 : index
        %get3A_1095 = tpu.vector_load %arg6[%get3A_1093, %get3A_1094] {strides = array<i32>} : memref<200x128xf32, #tpu.memory_space<vmem>>, vector<1x16xf32>,
        %get3A_1096 = vector.shape_cast %get3A_1095 : vector<1x16xf32> to vector<16xf32>
        %swap3A_1097 = arith.index_cast %add3A_1090 : i32 to index
        %swap3A_1098 = arith.constant 64 : index
        %swap3A_1099 = tpu.vector_load %arg9[%swap3A_1097, %swap3A_1098] {strides = array<i32>} : memref<200x128xf32, #tpu.memory_space<vmem>>, vector<1x16xf32>,
        %swap3A_1100 = vector.shape_cast %swap3A_1099 : vector<1x16xf32> to vector<16xf32>
        %swap3A_1101 = vector.shape_cast %get3A_1096 : vector<16xf32> to vector<1x16xf32>
        tpu.vector_store %arg9[%swap3A_1097, %swap3A_1098], %swap3A_1101 {add = true, strides = array<i32>} : memref<200x128xf32, #tpu.memory_space<vmem>>, vector<1x16xf32>,
        %add3A_1102 = arith.constant 7 : i32
        %add3A_1103 = arith.addi %mul3A_310, %add3A_1102 : i32
        %add3A_1104 = arith.constant 7 : i32
        %add3A_1105 = arith.addi %mul3A_310, %add3A_1104 : i32
        %get3A_1106 = arith.index_cast %add3A_1105 : i32 to index
        %get3A_1107 = arith.constant 80 : index
        %get3A_1108 = tpu.vector_load %arg6[%get3A_1106, %get3A_1107] {strides = array<i32>} : memref<200x128xf32, #tpu.memory_space<vmem>>, vector<1x16xf32>,
        %get3A_1109 = vector.shape_cast %get3A_1108 : vector<1x16xf32> to vector<16xf32>
        %swap3A_1110 = arith.index_cast %add3A_1103 : i32 to index
        %swap3A_1111 = arith.constant 80 : index
        %swap3A_1112 = tpu.vector_load %arg9[%swap3A_1110, %swap3A_1111] {strides = array<i32>} : memref<200x128xf32, #tpu.memory_space<vmem>>, vector<1x16xf32>,
        %swap3A_1113 = vector.shape_cast %swap3A_1112 : vector<1x16xf32> to vector<16xf32>
        %swap3A_1114 = vector.shape_cast %get3A_1109 : vector<16xf32> to vector<1x16xf32>
        tpu.vector_store %arg9[%swap3A_1110, %swap3A_1111], %swap3A_1114 {add = true, strides = array<i32>} : memref<200x128xf32, #tpu.memory_space<vmem>>, vector<1x16xf32>,
        %add3A_1115 = arith.constant 7 : i32
        %add3A_1116 = arith.addi %mul3A_310, %add3A_1115 : i32
        %add3A_1117 = arith.constant 7 : i32
        %add3A_1118 = arith.addi %mul3A_310, %add3A_1117 : i32
        %get3A_1119 = arith.index_cast %add3A_1118 : i32 to index
        %get3A_1120 = arith.constant 96 : index
        %get3A_1121 = tpu.vector_load %arg6[%get3A_1119, %get3A_1120] {strides = array<i32>} : memref<200x128xf32, #tpu.memory_space<vmem>>, vector<1x16xf32>,
        %get3A_1122 = vector.shape_cast %get3A_1121 : vector<1x16xf32> to vector<16xf32>
        %swap3A_1123 = arith.index_cast %add3A_1116 : i32 to index
        %swap3A_1124 = arith.constant 96 : index
        %swap3A_1125 = tpu.vector_load %arg9[%swap3A_1123, %swap3A_1124] {strides = array<i32>} : memref<200x128xf32, #tpu.memory_space<vmem>>, vector<1x16xf32>,
        %swap3A_1126 = vector.shape_cast %swap3A_1125 : vector<1x16xf32> to vector<16xf32>
        %swap3A_1127 = vector.shape_cast %get3A_1122 : vector<16xf32> to vector<1x16xf32>
        tpu.vector_store %arg9[%swap3A_1123, %swap3A_1124], %swap3A_1127 {add = true, strides = array<i32>} : memref<200x128xf32, #tpu.memory_space<vmem>>, vector<1x16xf32>,
        %add3A_1128 = arith.constant 7 : i32
        %add3A_1129 = arith.addi %mul3A_310, %add3A_1128 : i32
        %add3A_1130 = arith.constant 7 : i32
        %add3A_1131 = arith.addi %mul3A_310, %add3A_1130 : i32
        %get3A_1132 = arith.index_cast %add3A_1131 : i32 to index
        %get3A_1133 = arith.constant 112 : index
        %get3A_1134 = tpu.vector_load %arg6[%get3A_1132, %get3A_1133] {strides = array<i32>} : memref<200x128xf32, #tpu.memory_space<vmem>>, vector<1x16xf32>,
        %get3A_1135 = vector.shape_cast %get3A_1134 : vector<1x16xf32> to vector<16xf32>
        %swap3A_1136 = arith.index_cast %add3A_1129 : i32 to index
        %swap3A_1137 = arith.constant 112 : index
        %swap3A_1138 = tpu.vector_load %arg9[%swap3A_1136, %swap3A_1137] {strides = array<i32>} : memref<200x128xf32, #tpu.memory_space<vmem>>, vector<1x16xf32>,
        %swap3A_1139 = vector.shape_cast %swap3A_1138 : vector<1x16xf32> to vector<16xf32>
        %swap3A_1140 = vector.shape_cast %get3A_1135 : vector<16xf32> to vector<1x16xf32>
        tpu.vector_store %arg9[%swap3A_1136, %swap3A_1137], %swap3A_1140 {add = true, strides = array<i32>} : memref<200x128xf32, #tpu.memory_space<vmem>>, vector<1x16xf32>,
      }
      %scan3A_264 = arith.constant 25 : i32
      %add3A_265 = arith.constant 2 : i32
      %add3A_266 = arith.addi %mul3A_122, %add3A_265 : i32
      %mul3A_267 = arith.constant 128 : i32
      %mul3A_268 = arith.muli %add3A, %mul3A_267 : i32
      %add3A_269 = arith.addi %mul3A_268, %add3A_266 : i32
      %mul3A_270 = arith.constant 200 : i32
      %mul3A_271 = arith.muli %add3A_269, %mul3A_270 : i32
      %dma_start3A_272 = arith.constant 0 : i32
      %dma_start3A_273 = tpu.memref_slice %arg5[%mul3A_271, %dma_start3A_272] : memref<819200x128xf32, #tpu.memory_space<hbm>> -> memref<200x128xf32, #tpu.memory_space<hbm>>
      %dma_start3A_274 = arith.constant 0 : i32
      %dma_start3A_275 = tpu.memref_slice %arg5[%mul3A_271, %dma_start3A_274] : memref<819200x128xf32, #tpu.memory_space<hbm>> -> memref<200x128xf32, #tpu.memory_space<hbm>>
      tpu.enqueue_dma source(%arg9 : memref<200x128xf32, #tpu.memory_space<vmem>>) target(%dma_start3A_275 : memref<200x128xf32, #tpu.memory_space<hbm>>) target_semaphore(%arg18 : memref<!tpu.dma_semaphore, #tpu.memory_space<semaphore_mem>>)
      %dma_wait3A_276 = arith.constant 0 : i32
      %dma_wait3A_277 = arith.constant 0 : i32
      %dma_wait3A_278 = tpu.memref_slice %arg5[%dma_wait3A_276, %dma_wait3A_277] : memref<819200x128xf32, #tpu.memory_space<hbm>> -> memref<200x128xf32, #tpu.memory_space<hbm>>
      %dma_wait3A_279 = arith.constant 0 : i32
      %dma_wait3A_280 = arith.constant 0 : i32
      %dma_wait3A_281 = tpu.memref_slice %arg5[%dma_wait3A_279, %dma_wait3A_280] : memref<819200x128xf32, #tpu.memory_space<hbm>> -> memref<200x128xf32, #tpu.memory_space<hbm>>
      tpu.wait_dma2 semaphore(%arg17 : memref<!tpu.dma_semaphore, #tpu.memory_space<semaphore_mem>>) src(%arg8 : memref<200x128xf32, #tpu.memory_space<vmem>>) dst(%dma_wait3A_281 : memref<200x128xf32, #tpu.memory_space<hbm>>)
      %dma_wait3A_282 = arith.constant 0 : i32
      %dma_wait3A_283 = arith.constant 0 : i32
      %dma_wait3A_284 = tpu.memref_slice %arg2[%dma_wait3A_282, %dma_wait3A_283] : memref<8192x100xi32, #tpu.memory_space<hbm>> -> memref<2x100xi32, #tpu.memory_space<hbm>>
      %dma_wait3A_285 = arith.constant 0 : i32
      %dma_wait3A_286 = arith.constant 0 : i32
      %dma_wait3A_287 = tpu.memref_slice %arg2[%dma_wait3A_285, %dma_wait3A_286] : memref<8192x100xi32, #tpu.memory_space<hbm>> -> memref<2x100xi32, #tpu.memory_space<hbm>>
      tpu.wait_dma2 semaphore(%arg20 : memref<!tpu.dma_semaphore, #tpu.memory_space<semaphore_mem>>) src(%dma_wait3A_287 : memref<2x100xi32, #tpu.memory_space<hbm>>) dst(%arg11 : memref<2x100xi32, #tpu.memory_space<vmem>>)
      %dma_start3A_288 = arith.constant 0 : i32
      %dma_start3A_289 = arith.constant 0 : i32
      %dma_start3A_290 = arith.constant 0 : i32
      %dma_start3A_291 = tpu.memref_slice %arg8[%dma_start3A_289, %dma_start3A_290] : memref<200x128xf32, #tpu.memory_space<vmem>> -> memref<100x128xf32, #tpu.memory_space<vmem>>
      %dma_start3A_292 = arith.constant 0 : i32
      %dma_start3A_293 = tpu.memref_slice %arg11[%dma_start3A_288, %dma_start3A_292] : memref<2x100xi32, #tpu.memory_space<vmem>> -> memref<1x100xi32, #tpu.memory_space<vmem>>
      %dma_start3A_294 = tpu.memref_squeeze %dma_start3A_293 : memref<1x100xi32, #tpu.memory_space<vmem>> -> memref<100xi32, #tpu.memory_space<vmem>>
      %dma_start3A_295 = arith.constant 0 : i32
      %dma_start3A_296 = arith.constant 0 : i32
      %dma_start3A_297 = tpu.memref_slice %arg3[%dma_start3A_295, %dma_start3A_296] : memref<100000x128xf32, #tpu.memory_space<hbm>> -> memref<100000x128xf32, #tpu.memory_space<hbm>>
      tpu.enqueue_indirect_dma source(%dma_start3A_297 : memref<100000x128xf32, #tpu.memory_space<hbm>>) target(%dma_start3A_291 : memref<100x128xf32, #tpu.memory_space<vmem>>) offsets(%dma_start3A_294 : memref<100xi32, #tpu.memory_space<vmem>>) semaphore(%arg14 : memref<!tpu.dma_semaphore, #tpu.memory_space<semaphore_mem>>)
      %dma_start3A_298 = arith.constant 1 : i32
      %dma_start3A_299 = arith.constant 100 : i32
      %dma_start3A_300 = arith.constant 0 : i32
      %dma_start3A_301 = tpu.memref_slice %arg8[%dma_start3A_299, %dma_start3A_300] : memref<200x128xf32, #tpu.memory_space<vmem>> -> memref<100x128xf32, #tpu.memory_space<vmem>>
      %dma_start3A_302 = arith.constant 0 : i32
      %dma_start3A_303 = tpu.memref_slice %arg11[%dma_start3A_298, %dma_start3A_302] : memref<2x100xi32, #tpu.memory_space<vmem>> -> memref<1x100xi32, #tpu.memory_space<vmem>>
      %dma_start3A_304 = tpu.memref_squeeze %dma_start3A_303 : memref<1x100xi32, #tpu.memory_space<vmem>> -> memref<100xi32, #tpu.memory_space<vmem>>
      %dma_start3A_305 = arith.constant 0 : i32
      %dma_start3A_306 = arith.constant 0 : i32
      %dma_start3A_307 = tpu.memref_slice %arg3[%dma_start3A_305, %dma_start3A_306] : memref<100000x128xf32, #tpu.memory_space<hbm>> -> memref<100000x128xf32, #tpu.memory_space<hbm>>
      tpu.enqueue_indirect_dma source(%dma_start3A_307 : memref<100000x128xf32, #tpu.memory_space<hbm>>) target(%dma_start3A_301 : memref<100x128xf32, #tpu.memory_space<vmem>>) offsets(%dma_start3A_304 : memref<100xi32, #tpu.memory_space<vmem>>) semaphore(%arg14 : memref<!tpu.dma_semaphore, #tpu.memory_space<semaphore_mem>>)
    }
    %scan3A_58 = arith.constant 42 : i32
    %dma_wait3A = arith.constant 0 : i32
    %dma_wait3A_59 = arith.constant 0 : i32
    %dma_wait3A_60 = tpu.memref_slice %arg3[%dma_wait3A, %dma_wait3A_59] : memref<100000x128xf32, #tpu.memory_space<hbm>> -> memref<200x128xf32, #tpu.memory_space<hbm>>
    %dma_wait3A_61 = arith.constant 0 : i32
    %dma_wait3A_62 = arith.constant 0 : i32
    %dma_wait3A_63 = tpu.memref_slice %arg3[%dma_wait3A_61, %dma_wait3A_62] : memref<100000x128xf32, #tpu.memory_space<hbm>> -> memref<200x128xf32, #tpu.memory_space<hbm>>
    tpu.wait_dma2 semaphore(%arg13 : memref<!tpu.dma_semaphore, #tpu.memory_space<semaphore_mem>>) src(%dma_wait3A_63 : memref<200x128xf32, #tpu.memory_space<hbm>>) dst(%arg7 : memref<200x128xf32, #tpu.memory_space<vmem>>)
    %scan3A_64 = arith.constant 0 : i32
    %scan3A_65 = arith.constant 0 : i32
    %scan3A_66 = arith.constant 25 : i32
    %scan3A_67 = arith.addi %scan3A_65, %scan3A_66 : i32
    %scan3A_68 = arith.constant 1 : i32
    scf.for %scan3A_120 = %scan3A_65 to %scan3A_67 step %scan3A_68  : i32 {
      %mul3A_121 = arith.constant 8 : i32
      %mul3A_122 = arith.muli %scan3A_120, %mul3A_121 : i32
      %add3A_123 = arith.constant 0 : i32
      %add3A_124 = arith.addi %mul3A_122, %add3A_123 : i32
      %add3A_125 = arith.constant 0 : i32
      %add3A_126 = arith.addi %mul3A_122, %add3A_125 : i32
      %get3A = arith.index_cast %add3A_126 : i32 to index
      %get3A_127 = arith.constant 0 : index
      %get3A_128 = tpu.vector_load %arg6[%get3A, %get3A_127] {strides = array<i32>} : memref<200x128xf32, #tpu.memory_space<vmem>>, vector<1x16xf32>,
      %get3A_129 = vector.shape_cast %get3A_128 : vector<1x16xf32> to vector<16xf32>
      %swap3A = arith.index_cast %add3A_124 : i32 to index
      %swap3A_130 = arith.constant 0 : index
      %swap3A_131 = tpu.vector_load %arg7[%swap3A, %swap3A_130] {strides = array<i32>} : memref<200x128xf32, #tpu.memory_space<vmem>>, vector<1x16xf32>,
      %swap3A_132 = vector.shape_cast %swap3A_131 : vector<1x16xf32> to vector<16xf32>
      %swap3A_133 = vector.shape_cast %get3A_129 : vector<16xf32> to vector<1x16xf32>
      tpu.vector_store %arg7[%swap3A, %swap3A_130], %swap3A_133 {add = true, strides = array<i32>} : memref<200x128xf32, #tpu.memory_space<vmem>>, vector<1x16xf32>,
      %add3A_134 = arith.constant 0 : i32
      %add3A_135 = arith.addi %mul3A_122, %add3A_134 : i32
      %add3A_136 = arith.constant 0 : i32
      %add3A_137 = arith.addi %mul3A_122, %add3A_136 : i32
      %get3A_138 = arith.index_cast %add3A_137 : i32 to index
      %get3A_139 = arith.constant 16 : index
      %get3A_140 = tpu.vector_load %arg6[%get3A_138, %get3A_139] {strides = array<i32>} : memref<200x128xf32, #tpu.memory_space<vmem>>, vector<1x16xf32>,
      %get3A_141 = vector.shape_cast %get3A_140 : vector<1x16xf32> to vector<16xf32>
      %swap3A_142 = arith.index_cast %add3A_135 : i32 to index
      %swap3A_143 = arith.constant 16 : index
      %swap3A_144 = tpu.vector_load %arg7[%swap3A_142, %swap3A_143] {strides = array<i32>} : memref<200x128xf32, #tpu.memory_space<vmem>>, vector<1x16xf32>,
      %swap3A_145 = vector.shape_cast %swap3A_144 : vector<1x16xf32> to vector<16xf32>
      %swap3A_146 = vector.shape_cast %get3A_141 : vector<16xf32> to vector<1x16xf32>
      tpu.vector_store %arg7[%swap3A_142, %swap3A_143], %swap3A_146 {add = true, strides = array<i32>} : memref<200x128xf32, #tpu.memory_space<vmem>>, vector<1x16xf32>,
      %add3A_147 = arith.constant 0 : i32
      %add3A_148 = arith.addi %mul3A_122, %add3A_147 : i32
      %add3A_149 = arith.constant 0 : i32
      %add3A_150 = arith.addi %mul3A_122, %add3A_149 : i32
      %get3A_151 = arith.index_cast %add3A_150 : i32 to index
      %get3A_152 = arith.constant 32 : index
      %get3A_153 = tpu.vector_load %arg6[%get3A_151, %get3A_152] {strides = array<i32>} : memref<200x128xf32, #tpu.memory_space<vmem>>, vector<1x16xf32>,
      %get3A_154 = vector.shape_cast %get3A_153 : vector<1x16xf32> to vector<16xf32>
      %swap3A_155 = arith.index_cast %add3A_148 : i32 to index
      %swap3A_156 = arith.constant 32 : index
      %swap3A_157 = tpu.vector_load %arg7[%swap3A_155, %swap3A_156] {strides = array<i32>} : memref<200x128xf32, #tpu.memory_space<vmem>>, vector<1x16xf32>,
      %swap3A_158 = vector.shape_cast %swap3A_157 : vector<1x16xf32> to vector<16xf32>
      %swap3A_159 = vector.shape_cast %get3A_154 : vector<16xf32> to vector<1x16xf32>
      tpu.vector_store %arg7[%swap3A_155, %swap3A_156], %swap3A_159 {add = true, strides = array<i32>} : memref<200x128xf32, #tpu.memory_space<vmem>>, vector<1x16xf32>,
      %add3A_160 = arith.constant 0 : i32
      %add3A_161 = arith.addi %mul3A_122, %add3A_160 : i32
      %add3A_162 = arith.constant 0 : i32
      %add3A_163 = arith.addi %mul3A_122, %add3A_162 : i32
      %get3A_164 = arith.index_cast %add3A_163 : i32 to index
      %get3A_165 = arith.constant 48 : index
      %get3A_166 = tpu.vector_load %arg6[%get3A_164, %get3A_165] {strides = array<i32>} : memref<200x128xf32, #tpu.memory_space<vmem>>, vector<1x16xf32>,
      %get3A_167 = vector.shape_cast %get3A_166 : vector<1x16xf32> to vector<16xf32>
      %swap3A_168 = arith.index_cast %add3A_161 : i32 to index
      %swap3A_169 = arith.constant 48 : index
      %swap3A_170 = tpu.vector_load %arg7[%swap3A_168, %swap3A_169] {strides = array<i32>} : memref<200x128xf32, #tpu.memory_space<vmem>>, vector<1x16xf32>,
      %swap3A_171 = vector.shape_cast %swap3A_170 : vector<1x16xf32> to vector<16xf32>
      %swap3A_172 = vector.shape_cast %get3A_167 : vector<16xf32> to vector<1x16xf32>
      tpu.vector_store %arg7[%swap3A_168, %swap3A_169], %swap3A_172 {add = true, strides = array<i32>} : memref<200x128xf32, #tpu.memory_space<vmem>>, vector<1x16xf32>,
      %add3A_173 = arith.constant 0 : i32
      %add3A_174 = arith.addi %mul3A_122, %add3A_173 : i32
      %add3A_175 = arith.constant 0 : i32
      %add3A_176 = arith.addi %mul3A_122, %add3A_175 : i32
      %get3A_177 = arith.index_cast %add3A_176 : i32 to index
      %get3A_178 = arith.constant 64 : index
      %get3A_179 = tpu.vector_load %arg6[%get3A_177, %get3A_178] {strides = array<i32>} : memref<200x128xf32, #tpu.memory_space<vmem>>, vector<1x16xf32>,
      %get3A_180 = vector.shape_cast %get3A_179 : vector<1x16xf32> to vector<16xf32>
      %swap3A_181 = arith.index_cast %add3A_174 : i32 to index
      %swap3A_182 = arith.constant 64 : index
      %swap3A_183 = tpu.vector_load %arg7[%swap3A_181, %swap3A_182] {strides = array<i32>} : memref<200x128xf32, #tpu.memory_space<vmem>>, vector<1x16xf32>,
      %swap3A_184 = vector.shape_cast %swap3A_183 : vector<1x16xf32> to vector<16xf32>
      %swap3A_185 = vector.shape_cast %get3A_180 : vector<16xf32> to vector<1x16xf32>
      tpu.vector_store %arg7[%swap3A_181, %swap3A_182], %swap3A_185 {add = true, strides = array<i32>} : memref<200x128xf32, #tpu.memory_space<vmem>>, vector<1x16xf32>,
      %add3A_186 = arith.constant 0 : i32
      %add3A_187 = arith.addi %mul3A_122, %add3A_186 : i32
      %add3A_188 = arith.constant 0 : i32
      %add3A_189 = arith.addi %mul3A_122, %add3A_188 : i32
      %get3A_190 = arith.index_cast %add3A_189 : i32 to index
      %get3A_191 = arith.constant 80 : index
      %get3A_192 = tpu.vector_load %arg6[%get3A_190, %get3A_191] {strides = array<i32>} : memref<200x128xf32, #tpu.memory_space<vmem>>, vector<1x16xf32>,
      %get3A_193 = vector.shape_cast %get3A_192 : vector<1x16xf32> to vector<16xf32>
      %swap3A_194 = arith.index_cast %add3A_187 : i32 to index
      %swap3A_195 = arith.constant 80 : index
      %swap3A_196 = tpu.vector_load %arg7[%swap3A_194, %swap3A_195] {strides = array<i32>} : memref<200x128xf32, #tpu.memory_space<vmem>>, vector<1x16xf32>,
      %swap3A_197 = vector.shape_cast %swap3A_196 : vector<1x16xf32> to vector<16xf32>
      %swap3A_198 = vector.shape_cast %get3A_193 : vector<16xf32> to vector<1x16xf32>
      tpu.vector_store %arg7[%swap3A_194, %swap3A_195], %swap3A_198 {add = true, strides = array<i32>} : memref<200x128xf32, #tpu.memory_space<vmem>>, vector<1x16xf32>,
      %add3A_199 = arith.constant 0 : i32
      %add3A_200 = arith.addi %mul3A_122, %add3A_199 : i32
      %add3A_201 = arith.constant 0 : i32
      %add3A_202 = arith.addi %mul3A_122, %add3A_201 : i32
      %get3A_203 = arith.index_cast %add3A_202 : i32 to index
      %get3A_204 = arith.constant 96 : index
      %get3A_205 = tpu.vector_load %arg6[%get3A_203, %get3A_204] {strides = array<i32>} : memref<200x128xf32, #tpu.memory_space<vmem>>, vector<1x16xf32>,
      %get3A_206 = vector.shape_cast %get3A_205 : vector<1x16xf32> to vector<16xf32>
      %swap3A_207 = arith.index_cast %add3A_200 : i32 to index
      %swap3A_208 = arith.constant 96 : index
      %swap3A_209 = tpu.vector_load %arg7[%swap3A_207, %swap3A_208] {strides = array<i32>} : memref<200x128xf32, #tpu.memory_space<vmem>>, vector<1x16xf32>,
      %swap3A_210 = vector.shape_cast %swap3A_209 : vector<1x16xf32> to vector<16xf32>
      %swap3A_211 = vector.shape_cast %get3A_206 : vector<16xf32> to vector<1x16xf32>
      tpu.vector_store %arg7[%swap3A_207, %swap3A_208], %swap3A_211 {add = true, strides = array<i32>} : memref<200x128xf32, #tpu.memory_space<vmem>>, vector<1x16xf32>,
      %add3A_212 = arith.constant 0 : i32
      %add3A_213 = arith.addi %mul3A_122, %add3A_212 : i32
      %add3A_214 = arith.constant 0 : i32
      %add3A_215 = arith.addi %mul3A_122, %add3A_214 : i32
      %get3A_216 = arith.index_cast %add3A_215 : i32 to index
      %get3A_217 = arith.constant 112 : index
      %get3A_218 = tpu.vector_load %arg6[%get3A_216, %get3A_217] {strides = array<i32>} : memref<200x128xf32, #tpu.memory_space<vmem>>, vector<1x16xf32>,
      %get3A_219 = vector.shape_cast %get3A_218 : vector<1x16xf32> to vector<16xf32>
      %swap3A_220 = arith.index_cast %add3A_213 : i32 to index
      %swap3A_221 = arith.constant 112 : index
      %swap3A_222 = tpu.vector_load %arg7[%swap3A_220, %swap3A_221] {strides = array<i32>} : memref<200x128xf32, #tpu.memory_space<vmem>>, vector<1x16xf32>,
      %swap3A_223 = vector.shape_cast %swap3A_222 : vector<1x16xf32> to vector<16xf32>
      %swap3A_224 = vector.shape_cast %get3A_219 : vector<16xf32> to vector<1x16xf32>
      tpu.vector_store %arg7[%swap3A_220, %swap3A_221], %swap3A_224 {add = true, strides = array<i32>} : memref<200x128xf32, #tpu.memory_space<vmem>>, vector<1x16xf32>,
      %add3A_225 = arith.constant 1 : i32
      %add3A_226 = arith.addi %mul3A_122, %add3A_225 : i32
      %add3A_227 = arith.constant 1 : i32
      %add3A_228 = arith.addi %mul3A_122, %add3A_227 : i32
      %get3A_229 = arith.index_cast %add3A_228 : i32 to index
      %get3A_230 = arith.constant 0 : index
      %get3A_231 = tpu.vector_load %arg6[%get3A_229, %get3A_230] {strides = array<i32>} : memref<200x128xf32, #tpu.memory_space<vmem>>, vector<1x16xf32>,
      %get3A_232 = vector.shape_cast %get3A_231 : vector<1x16xf32> to vector<16xf32>
      %swap3A_233 = arith.index_cast %add3A_226 : i32 to index
      %swap3A_234 = arith.constant 0 : index
      %swap3A_235 = tpu.vector_load %arg7[%swap3A_233, %swap3A_234] {strides = array<i32>} : memref<200x128xf32, #tpu.memory_space<vmem>>, vector<1x16xf32>,
      %swap3A_236 = vector.shape_cast %swap3A_235 : vector<1x16xf32> to vector<16xf32>
      %swap3A_237 = vector.shape_cast %get3A_232 : vector<16xf32> to vector<1x16xf32>
      tpu.vector_store %arg7[%swap3A_233, %swap3A_234], %swap3A_237 {add = true, strides = array<i32>} : memref<200x128xf32, #tpu.memory_space<vmem>>, vector<1x16xf32>,
      %add3A_238 = arith.constant 1 : i32
      %add3A_239 = arith.addi %mul3A_122, %add3A_238 : i32
      %add3A_240 = arith.constant 1 : i32
      %add3A_241 = arith.addi %mul3A_122, %add3A_240 : i32
      %get3A_242 = arith.index_cast %add3A_241 : i32 to index
      %get3A_243 = arith.constant 16 : index
      %get3A_244 = tpu.vector_load %arg6[%get3A_242, %get3A_243] {strides = array<i32>} : memref<200x128xf32, #tpu.memory_space<vmem>>, vector<1x16xf32>,
      %get3A_245 = vector.shape_cast %get3A_244 : vector<1x16xf32> to vector<16xf32>
      %swap3A_246 = arith.index_cast %add3A_239 : i32 to index
      %swap3A_247 = arith.constant 16 : index
      %swap3A_248 = tpu.vector_load %arg7[%swap3A_246, %swap3A_247] {strides = array<i32>} : memref<200x128xf32, #tpu.memory_space<vmem>>, vector<1x16xf32>,
      %swap3A_249 = vector.shape_cast %swap3A_248 : vector<1x16xf32> to vector<16xf32>
      %swap3A_250 = vector.shape_cast %get3A_245 : vector<16xf32> to vector<1x16xf32>
      tpu.vector_store %arg7[%swap3A_246, %swap3A_247], %swap3A_250 {add = true, strides = array<i32>} : memref<200x128xf32, #tpu.memory_space<vmem>>, vector<1x16xf32>,
      %add3A_251 = arith.constant 1 : i32
      %add3A_252 = arith.addi %mul3A_122, %add3A_251 : i32
      %add3A_253 = arith.constant 1 : i32
      %add3A_254 = arith.addi %mul3A_122, %add3A_253 : i32
      %get3A_255 = arith.index_cast %add3A_254 : i32 to index
      %get3A_256 = arith.constant 32 : index
      %get3A_257 = tpu.vector_load %arg6[%get3A_255, %get3A_256] {strides = array<i32>} : memref<200x128xf32, #tpu.memory_space<vmem>>, vector<1x16xf32>,
      %get3A_258 = vector.shape_cast %get3A_257 : vector<1x16xf32> to vector<16xf32>
      %swap3A_259 = arith.index_cast %add3A_252 : i32 to index
      %swap3A_260 = arith.constant 32 : index
      %swap3A_261 = tpu.vector_load %arg7[%swap3A_259, %swap3A_260] {strides = array<i32>} : memref<200x128xf32, #tpu.memory_space<vmem>>, vector<1x16xf32>,
      %swap3A_262 = vector.shape_cast %swap3A_261 : vector<1x16xf32> to vector<16xf32>
      %swap3A_263 = vector.shape_cast %get3A_258 : vector<16xf32> to vector<1x16xf32>
      tpu.vector_store %arg7[%swap3A_259, %swap3A_260], %swap3A_263 {add = true, strides = array<i32>} : memref<200x128xf32, #tpu.memory_space<vmem>>, vector<1x16xf32>,
      %add3A_264 = arith.constant 1 : i32
      %add3A_265 = arith.addi %mul3A_122, %add3A_264 : i32
      %add3A_266 = arith.constant 1 : i32
      %add3A_267 = arith.addi %mul3A_122, %add3A_266 : i32
      %get3A_268 = arith.index_cast %add3A_267 : i32 to index
      %get3A_269 = arith.constant 48 : index
      %get3A_270 = tpu.vector_load %arg6[%get3A_268, %get3A_269] {strides = array<i32>} : memref<200x128xf32, #tpu.memory_space<vmem>>, vector<1x16xf32>,
      %get3A_271 = vector.shape_cast %get3A_270 : vector<1x16xf32> to vector<16xf32>
      %swap3A_272 = arith.index_cast %add3A_265 : i32 to index
      %swap3A_273 = arith.constant 48 : index
      %swap3A_274 = tpu.vector_load %arg7[%swap3A_272, %swap3A_273] {strides = array<i32>} : memref<200x128xf32, #tpu.memory_space<vmem>>, vector<1x16xf32>,
      %swap3A_275 = vector.shape_cast %swap3A_274 : vector<1x16xf32> to vector<16xf32>
      %swap3A_276 = vector.shape_cast %get3A_271 : vector<16xf32> to vector<1x16xf32>
      tpu.vector_store %arg7[%swap3A_272, %swap3A_273], %swap3A_276 {add = true, strides = array<i32>} : memref<200x128xf32, #tpu.memory_space<vmem>>, vector<1x16xf32>,
      %add3A_277 = arith.constant 1 : i32
      %add3A_278 = arith.addi %mul3A_122, %add3A_277 : i32
      %add3A_279 = arith.constant 1 : i32
      %add3A_280 = arith.addi %mul3A_122, %add3A_279 : i32
      %get3A_281 = arith.index_cast %add3A_280 : i32 to index
      %get3A_282 = arith.constant 64 : index
      %get3A_283 = tpu.vector_load %arg6[%get3A_281, %get3A_282] {strides = array<i32>} : memref<200x128xf32, #tpu.memory_space<vmem>>, vector<1x16xf32>,
      %get3A_284 = vector.shape_cast %get3A_283 : vector<1x16xf32> to vector<16xf32>
      %swap3A_285 = arith.index_cast %add3A_278 : i32 to index
      %swap3A_286 = arith.constant 64 : index
      %swap3A_287 = tpu.vector_load %arg7[%swap3A_285, %swap3A_286] {strides = array<i32>} : memref<200x128xf32, #tpu.memory_space<vmem>>, vector<1x16xf32>,
      %swap3A_288 = vector.shape_cast %swap3A_287 : vector<1x16xf32> to vector<16xf32>
      %swap3A_289 = vector.shape_cast %get3A_284 : vector<16xf32> to vector<1x16xf32>
      tpu.vector_store %arg7[%swap3A_285, %swap3A_286], %swap3A_289 {add = true, strides = array<i32>} : memref<200x128xf32, #tpu.memory_space<vmem>>, vector<1x16xf32>,
      %add3A_290 = arith.constant 1 : i32
      %add3A_291 = arith.addi %mul3A_122, %add3A_290 : i32
      %add3A_292 = arith.constant 1 : i32
      %add3A_293 = arith.addi %mul3A_122, %add3A_292 : i32
      %get3A_294 = arith.index_cast %add3A_293 : i32 to index
      %get3A_295 = arith.constant 80 : index
      %get3A_296 = tpu.vector_load %arg6[%get3A_294, %get3A_295] {strides = array<i32>} : memref<200x128xf32, #tpu.memory_space<vmem>>, vector<1x16xf32>,
      %get3A_297 = vector.shape_cast %get3A_296 : vector<1x16xf32> to vector<16xf32>
      %swap3A_298 = arith.index_cast %add3A_291 : i32 to index
      %swap3A_299 = arith.constant 80 : index
      %swap3A_300 = tpu.vector_load %arg7[%swap3A_298, %swap3A_299] {strides = array<i32>} : memref<200x128xf32, #tpu.memory_space<vmem>>, vector<1x16xf32>,
      %swap3A_301 = vector.shape_cast %swap3A_300 : vector<1x16xf32> to vector<16xf32>
      %swap3A_302 = vector.shape_cast %get3A_297 : vector<16xf32> to vector<1x16xf32>
      tpu.vector_store %arg7[%swap3A_298, %swap3A_299], %swap3A_302 {add = true, strides = array<i32>} : memref<200x128xf32, #tpu.memory_space<vmem>>, vector<1x16xf32>,
      %add3A_303 = arith.constant 1 : i32
      %add3A_304 = arith.addi %mul3A_122, %add3A_303 : i32
      %add3A_305 = arith.constant 1 : i32
      %add3A_306 = arith.addi %mul3A_122, %add3A_305 : i32
      %get3A_307 = arith.index_cast %add3A_306 : i32 to index
      %get3A_308 = arith.constant 96 : index
      %get3A_309 = tpu.vector_load %arg6[%get3A_307, %get3A_308] {strides = array<i32>} : memref<200x128xf32, #tpu.memory_space<vmem>>, vector<1x16xf32>,
      %get3A_310 = vector.shape_cast %get3A_309 : vector<1x16xf32> to vector<16xf32>
      %swap3A_311 = arith.index_cast %add3A_304 : i32 to index
      %swap3A_312 = arith.constant 96 : index
      %swap3A_313 = tpu.vector_load %arg7[%swap3A_311, %swap3A_312] {strides = array<i32>} : memref<200x128xf32, #tpu.memory_space<vmem>>, vector<1x16xf32>,
      %swap3A_314 = vector.shape_cast %swap3A_313 : vector<1x16xf32> to vector<16xf32>
      %swap3A_315 = vector.shape_cast %get3A_310 : vector<16xf32> to vector<1x16xf32>
      tpu.vector_store %arg7[%swap3A_311, %swap3A_312], %swap3A_315 {add = true, strides = array<i32>} : memref<200x128xf32, #tpu.memory_space<vmem>>, vector<1x16xf32>,
      %add3A_316 = arith.constant 1 : i32
      %add3A_317 = arith.addi %mul3A_122, %add3A_316 : i32
      %add3A_318 = arith.constant 1 : i32
      %add3A_319 = arith.addi %mul3A_122, %add3A_318 : i32
      %get3A_320 = arith.index_cast %add3A_319 : i32 to index
      %get3A_321 = arith.constant 112 : index
      %get3A_322 = tpu.vector_load %arg6[%get3A_320, %get3A_321] {strides = array<i32>} : memref<200x128xf32, #tpu.memory_space<vmem>>, vector<1x16xf32>,
      %get3A_323 = vector.shape_cast %get3A_322 : vector<1x16xf32> to vector<16xf32>
      %swap3A_324 = arith.index_cast %add3A_317 : i32 to index
      %swap3A_325 = arith.constant 112 : index
      %swap3A_326 = tpu.vector_load %arg7[%swap3A_324, %swap3A_325] {strides = array<i32>} : memref<200x128xf32, #tpu.memory_space<vmem>>, vector<1x16xf32>,
      %swap3A_327 = vector.shape_cast %swap3A_326 : vector<1x16xf32> to vector<16xf32>
      %swap3A_328 = vector.shape_cast %get3A_323 : vector<16xf32> to vector<1x16xf32>
      tpu.vector_store %arg7[%swap3A_324, %swap3A_325], %swap3A_328 {add = true, strides = array<i32>} : memref<200x128xf32, #tpu.memory_space<vmem>>, vector<1x16xf32>,
      %add3A_329 = arith.constant 2 : i32
      %add3A_330 = arith.addi %mul3A_122, %add3A_329 : i32
      %add3A_331 = arith.constant 2 : i32
      %add3A_332 = arith.addi %mul3A_122, %add3A_331 : i32
      %get3A_333 = arith.index_cast %add3A_332 : i32 to index
      %get3A_334 = arith.constant 0 : index
      %get3A_335 = tpu.vector_load %arg6[%get3A_333, %get3A_334] {strides = array<i32>} : memref<200x128xf32, #tpu.memory_space<vmem>>, vector<1x16xf32>,
      %get3A_336 = vector.shape_cast %get3A_335 : vector<1x16xf32> to vector<16xf32>
      %swap3A_337 = arith.index_cast %add3A_330 : i32 to index
      %swap3A_338 = arith.constant 0 : index
      %swap3A_339 = tpu.vector_load %arg7[%swap3A_337, %swap3A_338] {strides = array<i32>} : memref<200x128xf32, #tpu.memory_space<vmem>>, vector<1x16xf32>,
      %swap3A_340 = vector.shape_cast %swap3A_339 : vector<1x16xf32> to vector<16xf32>
      %swap3A_341 = vector.shape_cast %get3A_336 : vector<16xf32> to vector<1x16xf32>
      tpu.vector_store %arg7[%swap3A_337, %swap3A_338], %swap3A_341 {add = true, strides = array<i32>} : memref<200x128xf32, #tpu.memory_space<vmem>>, vector<1x16xf32>,
      %add3A_342 = arith.constant 2 : i32
      %add3A_343 = arith.addi %mul3A_122, %add3A_342 : i32
      %add3A_344 = arith.constant 2 : i32
      %add3A_345 = arith.addi %mul3A_122, %add3A_344 : i32
      %get3A_346 = arith.index_cast %add3A_345 : i32 to index
      %get3A_347 = arith.constant 16 : index
      %get3A_348 = tpu.vector_load %arg6[%get3A_346, %get3A_347] {strides = array<i32>} : memref<200x128xf32, #tpu.memory_space<vmem>>, vector<1x16xf32>,
      %get3A_349 = vector.shape_cast %get3A_348 : vector<1x16xf32> to vector<16xf32>
      %swap3A_350 = arith.index_cast %add3A_343 : i32 to index
      %swap3A_351 = arith.constant 16 : index
      %swap3A_352 = tpu.vector_load %arg7[%swap3A_350, %swap3A_351] {strides = array<i32>} : memref<200x128xf32, #tpu.memory_space<vmem>>, vector<1x16xf32>,
      %swap3A_353 = vector.shape_cast %swap3A_352 : vector<1x16xf32> to vector<16xf32>
      %swap3A_354 = vector.shape_cast %get3A_349 : vector<16xf32> to vector<1x16xf32>
      tpu.vector_store %arg7[%swap3A_350, %swap3A_351], %swap3A_354 {add = true, strides = array<i32>} : memref<200x128xf32, #tpu.memory_space<vmem>>, vector<1x16xf32>,
      %add3A_355 = arith.constant 2 : i32
      %add3A_356 = arith.addi %mul3A_122, %add3A_355 : i32
      %add3A_357 = arith.constant 2 : i32
      %add3A_358 = arith.addi %mul3A_122, %add3A_357 : i32
      %get3A_359 = arith.index_cast %add3A_358 : i32 to index
      %get3A_360 = arith.constant 32 : index
      %get3A_361 = tpu.vector_load %arg6[%get3A_359, %get3A_360] {strides = array<i32>} : memref<200x128xf32, #tpu.memory_space<vmem>>, vector<1x16xf32>,
      %get3A_362 = vector.shape_cast %get3A_361 : vector<1x16xf32> to vector<16xf32>
      %swap3A_363 = arith.index_cast %add3A_356 : i32 to index
      %swap3A_364 = arith.constant 32 : index
      %swap3A_365 = tpu.vector_load %arg7[%swap3A_363, %swap3A_364] {strides = array<i32>} : memref<200x128xf32, #tpu.memory_space<vmem>>, vector<1x16xf32>,
      %swap3A_366 = vector.shape_cast %swap3A_365 : vector<1x16xf32> to vector<16xf32>
      %swap3A_367 = vector.shape_cast %get3A_362 : vector<16xf32> to vector<1x16xf32>
      tpu.vector_store %arg7[%swap3A_363, %swap3A_364], %swap3A_367 {add = true, strides = array<i32>} : memref<200x128xf32, #tpu.memory_space<vmem>>, vector<1x16xf32>,
      %add3A_368 = arith.constant 2 : i32
      %add3A_369 = arith.addi %mul3A_122, %add3A_368 : i32
      %add3A_370 = arith.constant 2 : i32
      %add3A_371 = arith.addi %mul3A_122, %add3A_370 : i32
      %get3A_372 = arith.index_cast %add3A_371 : i32 to index
      %get3A_373 = arith.constant 48 : index
      %get3A_374 = tpu.vector_load %arg6[%get3A_372, %get3A_373] {strides = array<i32>} : memref<200x128xf32, #tpu.memory_space<vmem>>, vector<1x16xf32>,
      %get3A_375 = vector.shape_cast %get3A_374 : vector<1x16xf32> to vector<16xf32>
      %swap3A_376 = arith.index_cast %add3A_369 : i32 to index
      %swap3A_377 = arith.constant 48 : index
      %swap3A_378 = tpu.vector_load %arg7[%swap3A_376, %swap3A_377] {strides = array<i32>} : memref<200x128xf32, #tpu.memory_space<vmem>>, vector<1x16xf32>,
      %swap3A_379 = vector.shape_cast %swap3A_378 : vector<1x16xf32> to vector<16xf32>
      %swap3A_380 = vector.shape_cast %get3A_375 : vector<16xf32> to vector<1x16xf32>
      tpu.vector_store %arg7[%swap3A_376, %swap3A_377], %swap3A_380 {add = true, strides = array<i32>} : memref<200x128xf32, #tpu.memory_space<vmem>>, vector<1x16xf32>,
      %add3A_381 = arith.constant 2 : i32
      %add3A_382 = arith.addi %mul3A_122, %add3A_381 : i32
      %add3A_383 = arith.constant 2 : i32
      %add3A_384 = arith.addi %mul3A_122, %add3A_383 : i32
      %get3A_385 = arith.index_cast %add3A_384 : i32 to index
      %get3A_386 = arith.constant 64 : index
      %get3A_387 = tpu.vector_load %arg6[%get3A_385, %get3A_386] {strides = array<i32>} : memref<200x128xf32, #tpu.memory_space<vmem>>, vector<1x16xf32>,
      %get3A_388 = vector.shape_cast %get3A_387 : vector<1x16xf32> to vector<16xf32>
      %swap3A_389 = arith.index_cast %add3A_382 : i32 to index
      %swap3A_390 = arith.constant 64 : index
      %swap3A_391 = tpu.vector_load %arg7[%swap3A_389, %swap3A_390] {strides = array<i32>} : memref<200x128xf32, #tpu.memory_space<vmem>>, vector<1x16xf32>,
      %swap3A_392 = vector.shape_cast %swap3A_391 : vector<1x16xf32> to vector<16xf32>
      %swap3A_393 = vector.shape_cast %get3A_388 : vector<16xf32> to vector<1x16xf32>
      tpu.vector_store %arg7[%swap3A_389, %swap3A_390], %swap3A_393 {add = true, strides = array<i32>} : memref<200x128xf32, #tpu.memory_space<vmem>>, vector<1x16xf32>,
      %add3A_394 = arith.constant 2 : i32
      %add3A_395 = arith.addi %mul3A_122, %add3A_394 : i32
      %add3A_396 = arith.constant 2 : i32
      %add3A_397 = arith.addi %mul3A_122, %add3A_396 : i32
      %get3A_398 = arith.index_cast %add3A_397 : i32 to index
      %get3A_399 = arith.constant 80 : index
      %get3A_400 = tpu.vector_load %arg6[%get3A_398, %get3A_399] {strides = array<i32>} : memref<200x128xf32, #tpu.memory_space<vmem>>, vector<1x16xf32>,
      %get3A_401 = vector.shape_cast %get3A_400 : vector<1x16xf32> to vector<16xf32>
      %swap3A_402 = arith.index_cast %add3A_395 : i32 to index
      %swap3A_403 = arith.constant 80 : index
      %swap3A_404 = tpu.vector_load %arg7[%swap3A_402, %swap3A_403] {strides = array<i32>} : memref<200x128xf32, #tpu.memory_space<vmem>>, vector<1x16xf32>,
      %swap3A_405 = vector.shape_cast %swap3A_404 : vector<1x16xf32> to vector<16xf32>
      %swap3A_406 = vector.shape_cast %get3A_401 : vector<16xf32> to vector<1x16xf32>
      tpu.vector_store %arg7[%swap3A_402, %swap3A_403], %swap3A_406 {add = true, strides = array<i32>} : memref<200x128xf32, #tpu.memory_space<vmem>>, vector<1x16xf32>,
      %add3A_407 = arith.constant 2 : i32
      %add3A_408 = arith.addi %mul3A_122, %add3A_407 : i32
      %add3A_409 = arith.constant 2 : i32
      %add3A_410 = arith.addi %mul3A_122, %add3A_409 : i32
      %get3A_411 = arith.index_cast %add3A_410 : i32 to index
      %get3A_412 = arith.constant 96 : index
      %get3A_413 = tpu.vector_load %arg6[%get3A_411, %get3A_412] {strides = array<i32>} : memref<200x128xf32, #tpu.memory_space<vmem>>, vector<1x16xf32>,
      %get3A_414 = vector.shape_cast %get3A_413 : vector<1x16xf32> to vector<16xf32>
      %swap3A_415 = arith.index_cast %add3A_408 : i32 to index
      %swap3A_416 = arith.constant 96 : index
      %swap3A_417 = tpu.vector_load %arg7[%swap3A_415, %swap3A_416] {strides = array<i32>} : memref<200x128xf32, #tpu.memory_space<vmem>>, vector<1x16xf32>,
      %swap3A_418 = vector.shape_cast %swap3A_417 : vector<1x16xf32> to vector<16xf32>
      %swap3A_419 = vector.shape_cast %get3A_414 : vector<16xf32> to vector<1x16xf32>
      tpu.vector_store %arg7[%swap3A_415, %swap3A_416], %swap3A_419 {add = true, strides = array<i32>} : memref<200x128xf32, #tpu.memory_space<vmem>>, vector<1x16xf32>,
      %add3A_420 = arith.constant 2 : i32
      %add3A_421 = arith.addi %mul3A_122, %add3A_420 : i32
      %add3A_422 = arith.constant 2 : i32
      %add3A_423 = arith.addi %mul3A_122, %add3A_422 : i32
      %get3A_424 = arith.index_cast %add3A_423 : i32 to index
      %get3A_425 = arith.constant 112 : index
      %get3A_426 = tpu.vector_load %arg6[%get3A_424, %get3A_425] {strides = array<i32>} : memref<200x128xf32, #tpu.memory_space<vmem>>, vector<1x16xf32>,
      %get3A_427 = vector.shape_cast %get3A_426 : vector<1x16xf32> to vector<16xf32>
      %swap3A_428 = arith.index_cast %add3A_421 : i32 to index
      %swap3A_429 = arith.constant 112 : index
      %swap3A_430 = tpu.vector_load %arg7[%swap3A_428, %swap3A_429] {strides = array<i32>} : memref<200x128xf32, #tpu.memory_space<vmem>>, vector<1x16xf32>,
      %swap3A_431 = vector.shape_cast %swap3A_430 : vector<1x16xf32> to vector<16xf32>
      %swap3A_432 = vector.shape_cast %get3A_427 : vector<16xf32> to vector<1x16xf32>
      tpu.vector_store %arg7[%swap3A_428, %swap3A_429], %swap3A_432 {add = true, strides = array<i32>} : memref<200x128xf32, #tpu.memory_space<vmem>>, vector<1x16xf32>,
      %add3A_433 = arith.constant 3 : i32
      %add3A_434 = arith.addi %mul3A_122, %add3A_433 : i32
      %add3A_435 = arith.constant 3 : i32
      %add3A_436 = arith.addi %mul3A_122, %add3A_435 : i32
      %get3A_437 = arith.index_cast %add3A_436 : i32 to index
      %get3A_438 = arith.constant 0 : index
      %get3A_439 = tpu.vector_load %arg6[%get3A_437, %get3A_438] {strides = array<i32>} : memref<200x128xf32, #tpu.memory_space<vmem>>, vector<1x16xf32>,
      %get3A_440 = vector.shape_cast %get3A_439 : vector<1x16xf32> to vector<16xf32>
      %swap3A_441 = arith.index_cast %add3A_434 : i32 to index
      %swap3A_442 = arith.constant 0 : index
      %swap3A_443 = tpu.vector_load %arg7[%swap3A_441, %swap3A_442] {strides = array<i32>} : memref<200x128xf32, #tpu.memory_space<vmem>>, vector<1x16xf32>,
      %swap3A_444 = vector.shape_cast %swap3A_443 : vector<1x16xf32> to vector<16xf32>
      %swap3A_445 = vector.shape_cast %get3A_440 : vector<16xf32> to vector<1x16xf32>
      tpu.vector_store %arg7[%swap3A_441, %swap3A_442], %swap3A_445 {add = true, strides = array<i32>} : memref<200x128xf32, #tpu.memory_space<vmem>>, vector<1x16xf32>,
      %add3A_446 = arith.constant 3 : i32
      %add3A_447 = arith.addi %mul3A_122, %add3A_446 : i32
      %add3A_448 = arith.constant 3 : i32
      %add3A_449 = arith.addi %mul3A_122, %add3A_448 : i32
      %get3A_450 = arith.index_cast %add3A_449 : i32 to index
      %get3A_451 = arith.constant 16 : index
      %get3A_452 = tpu.vector_load %arg6[%get3A_450, %get3A_451] {strides = array<i32>} : memref<200x128xf32, #tpu.memory_space<vmem>>, vector<1x16xf32>,
      %get3A_453 = vector.shape_cast %get3A_452 : vector<1x16xf32> to vector<16xf32>
      %swap3A_454 = arith.index_cast %add3A_447 : i32 to index
      %swap3A_455 = arith.constant 16 : index
      %swap3A_456 = tpu.vector_load %arg7[%swap3A_454, %swap3A_455] {strides = array<i32>} : memref<200x128xf32, #tpu.memory_space<vmem>>, vector<1x16xf32>,
      %swap3A_457 = vector.shape_cast %swap3A_456 : vector<1x16xf32> to vector<16xf32>
      %swap3A_458 = vector.shape_cast %get3A_453 : vector<16xf32> to vector<1x16xf32>
      tpu.vector_store %arg7[%swap3A_454, %swap3A_455], %swap3A_458 {add = true, strides = array<i32>} : memref<200x128xf32, #tpu.memory_space<vmem>>, vector<1x16xf32>,
      %add3A_459 = arith.constant 3 : i32
      %add3A_460 = arith.addi %mul3A_122, %add3A_459 : i32
      %add3A_461 = arith.constant 3 : i32
      %add3A_462 = arith.addi %mul3A_122, %add3A_461 : i32
      %get3A_463 = arith.index_cast %add3A_462 : i32 to index
      %get3A_464 = arith.constant 32 : index
      %get3A_465 = tpu.vector_load %arg6[%get3A_463, %get3A_464] {strides = array<i32>} : memref<200x128xf32, #tpu.memory_space<vmem>>, vector<1x16xf32>,
      %get3A_466 = vector.shape_cast %get3A_465 : vector<1x16xf32> to vector<16xf32>
      %swap3A_467 = arith.index_cast %add3A_460 : i32 to index
      %swap3A_468 = arith.constant 32 : index
      %swap3A_469 = tpu.vector_load %arg7[%swap3A_467, %swap3A_468] {strides = array<i32>} : memref<200x128xf32, #tpu.memory_space<vmem>>, vector<1x16xf32>,
      %swap3A_470 = vector.shape_cast %swap3A_469 : vector<1x16xf32> to vector<16xf32>
      %swap3A_471 = vector.shape_cast %get3A_466 : vector<16xf32> to vector<1x16xf32>
      tpu.vector_store %arg7[%swap3A_467, %swap3A_468], %swap3A_471 {add = true, strides = array<i32>} : memref<200x128xf32, #tpu.memory_space<vmem>>, vector<1x16xf32>,
      %add3A_472 = arith.constant 3 : i32
      %add3A_473 = arith.addi %mul3A_122, %add3A_472 : i32
      %add3A_474 = arith.constant 3 : i32
      %add3A_475 = arith.addi %mul3A_122, %add3A_474 : i32
      %get3A_476 = arith.index_cast %add3A_475 : i32 to index
      %get3A_477 = arith.constant 48 : index
      %get3A_478 = tpu.vector_load %arg6[%get3A_476, %get3A_477] {strides = array<i32>} : memref<200x128xf32, #tpu.memory_space<vmem>>, vector<1x16xf32>,
      %get3A_479 = vector.shape_cast %get3A_478 : vector<1x16xf32> to vector<16xf32>
      %swap3A_480 = arith.index_cast %add3A_473 : i32 to index
      %swap3A_481 = arith.constant 48 : index
      %swap3A_482 = tpu.vector_load %arg7[%swap3A_480, %swap3A_481] {strides = array<i32>} : memref<200x128xf32, #tpu.memory_space<vmem>>, vector<1x16xf32>,
      %swap3A_483 = vector.shape_cast %swap3A_482 : vector<1x16xf32> to vector<16xf32>
      %swap3A_484 = vector.shape_cast %get3A_479 : vector<16xf32> to vector<1x16xf32>
      tpu.vector_store %arg7[%swap3A_480, %swap3A_481], %swap3A_484 {add = true, strides = array<i32>} : memref<200x128xf32, #tpu.memory_space<vmem>>, vector<1x16xf32>,
      %add3A_485 = arith.constant 3 : i32
      %add3A_486 = arith.addi %mul3A_122, %add3A_485 : i32
      %add3A_487 = arith.constant 3 : i32
      %add3A_488 = arith.addi %mul3A_122, %add3A_487 : i32
      %get3A_489 = arith.index_cast %add3A_488 : i32 to index
      %get3A_490 = arith.constant 64 : index
      %get3A_491 = tpu.vector_load %arg6[%get3A_489, %get3A_490] {strides = array<i32>} : memref<200x128xf32, #tpu.memory_space<vmem>>, vector<1x16xf32>,
      %get3A_492 = vector.shape_cast %get3A_491 : vector<1x16xf32> to vector<16xf32>
      %swap3A_493 = arith.index_cast %add3A_486 : i32 to index
      %swap3A_494 = arith.constant 64 : index
      %swap3A_495 = tpu.vector_load %arg7[%swap3A_493, %swap3A_494] {strides = array<i32>} : memref<200x128xf32, #tpu.memory_space<vmem>>, vector<1x16xf32>,
      %swap3A_496 = vector.shape_cast %swap3A_495 : vector<1x16xf32> to vector<16xf32>
      %swap3A_497 = vector.shape_cast %get3A_492 : vector<16xf32> to vector<1x16xf32>
      tpu.vector_store %arg7[%swap3A_493, %swap3A_494], %swap3A_497 {add = true, strides = array<i32>} : memref<200x128xf32, #tpu.memory_space<vmem>>, vector<1x16xf32>,
      %add3A_498 = arith.constant 3 : i32
      %add3A_499 = arith.addi %mul3A_122, %add3A_498 : i32
      %add3A_500 = arith.constant 3 : i32
      %add3A_501 = arith.addi %mul3A_122, %add3A_500 : i32
      %get3A_502 = arith.index_cast %add3A_501 : i32 to index
      %get3A_503 = arith.constant 80 : index
      %get3A_504 = tpu.vector_load %arg6[%get3A_502, %get3A_503] {strides = array<i32>} : memref<200x128xf32, #tpu.memory_space<vmem>>, vector<1x16xf32>,
      %get3A_505 = vector.shape_cast %get3A_504 : vector<1x16xf32> to vector<16xf32>
      %swap3A_506 = arith.index_cast %add3A_499 : i32 to index
      %swap3A_507 = arith.constant 80 : index
      %swap3A_508 = tpu.vector_load %arg7[%swap3A_506, %swap3A_507] {strides = array<i32>} : memref<200x128xf32, #tpu.memory_space<vmem>>, vector<1x16xf32>,
      %swap3A_509 = vector.shape_cast %swap3A_508 : vector<1x16xf32> to vector<16xf32>
      %swap3A_510 = vector.shape_cast %get3A_505 : vector<16xf32> to vector<1x16xf32>
      tpu.vector_store %arg7[%swap3A_506, %swap3A_507], %swap3A_510 {add = true, strides = array<i32>} : memref<200x128xf32, #tpu.memory_space<vmem>>, vector<1x16xf32>,
      %add3A_511 = arith.constant 3 : i32
      %add3A_512 = arith.addi %mul3A_122, %add3A_511 : i32
      %add3A_513 = arith.constant 3 : i32
      %add3A_514 = arith.addi %mul3A_122, %add3A_513 : i32
      %get3A_515 = arith.index_cast %add3A_514 : i32 to index
      %get3A_516 = arith.constant 96 : index
      %get3A_517 = tpu.vector_load %arg6[%get3A_515, %get3A_516] {strides = array<i32>} : memref<200x128xf32, #tpu.memory_space<vmem>>, vector<1x16xf32>,
      %get3A_518 = vector.shape_cast %get3A_517 : vector<1x16xf32> to vector<16xf32>
      %swap3A_519 = arith.index_cast %add3A_512 : i32 to index
      %swap3A_520 = arith.constant 96 : index
      %swap3A_521 = tpu.vector_load %arg7[%swap3A_519, %swap3A_520] {strides = array<i32>} : memref<200x128xf32, #tpu.memory_space<vmem>>, vector<1x16xf32>,
      %swap3A_522 = vector.shape_cast %swap3A_521 : vector<1x16xf32> to vector<16xf32>
      %swap3A_523 = vector.shape_cast %get3A_518 : vector<16xf32> to vector<1x16xf32>
      tpu.vector_store %arg7[%swap3A_519, %swap3A_520], %swap3A_523 {add = true, strides = array<i32>} : memref<200x128xf32, #tpu.memory_space<vmem>>, vector<1x16xf32>,
      %add3A_524 = arith.constant 3 : i32
      %add3A_525 = arith.addi %mul3A_122, %add3A_524 : i32
      %add3A_526 = arith.constant 3 : i32
      %add3A_527 = arith.addi %mul3A_122, %add3A_526 : i32
      %get3A_528 = arith.index_cast %add3A_527 : i32 to index
      %get3A_529 = arith.constant 112 : index
      %get3A_530 = tpu.vector_load %arg6[%get3A_528, %get3A_529] {strides = array<i32>} : memref<200x128xf32, #tpu.memory_space<vmem>>, vector<1x16xf32>,
      %get3A_531 = vector.shape_cast %get3A_530 : vector<1x16xf32> to vector<16xf32>
      %swap3A_532 = arith.index_cast %add3A_525 : i32 to index
      %swap3A_533 = arith.constant 112 : index
      %swap3A_534 = tpu.vector_load %arg7[%swap3A_532, %swap3A_533] {strides = array<i32>} : memref<200x128xf32, #tpu.memory_space<vmem>>, vector<1x16xf32>,
      %swap3A_535 = vector.shape_cast %swap3A_534 : vector<1x16xf32> to vector<16xf32>
      %swap3A_536 = vector.shape_cast %get3A_531 : vector<16xf32> to vector<1x16xf32>
      tpu.vector_store %arg7[%swap3A_532, %swap3A_533], %swap3A_536 {add = true, strides = array<i32>} : memref<200x128xf32, #tpu.memory_space<vmem>>, vector<1x16xf32>,
      %add3A_537 = arith.constant 4 : i32
      %add3A_538 = arith.addi %mul3A_122, %add3A_537 : i32
      %add3A_539 = arith.constant 4 : i32
      %add3A_540 = arith.addi %mul3A_122, %add3A_539 : i32
      %get3A_541 = arith.index_cast %add3A_540 : i32 to index
      %get3A_542 = arith.constant 0 : index
      %get3A_543 = tpu.vector_load %arg6[%get3A_541, %get3A_542] {strides = array<i32>} : memref<200x128xf32, #tpu.memory_space<vmem>>, vector<1x16xf32>,
      %get3A_544 = vector.shape_cast %get3A_543 : vector<1x16xf32> to vector<16xf32>
      %swap3A_545 = arith.index_cast %add3A_538 : i32 to index
      %swap3A_546 = arith.constant 0 : index
      %swap3A_547 = tpu.vector_load %arg7[%swap3A_545, %swap3A_546] {strides = array<i32>} : memref<200x128xf32, #tpu.memory_space<vmem>>, vector<1x16xf32>,
      %swap3A_548 = vector.shape_cast %swap3A_547 : vector<1x16xf32> to vector<16xf32>
      %swap3A_549 = vector.shape_cast %get3A_544 : vector<16xf32> to vector<1x16xf32>
      tpu.vector_store %arg7[%swap3A_545, %swap3A_546], %swap3A_549 {add = true, strides = array<i32>} : memref<200x128xf32, #tpu.memory_space<vmem>>, vector<1x16xf32>,
      %add3A_550 = arith.constant 4 : i32
      %add3A_551 = arith.addi %mul3A_122, %add3A_550 : i32
      %add3A_552 = arith.constant 4 : i32
      %add3A_553 = arith.addi %mul3A_122, %add3A_552 : i32
      %get3A_554 = arith.index_cast %add3A_553 : i32 to index
      %get3A_555 = arith.constant 16 : index
      %get3A_556 = tpu.vector_load %arg6[%get3A_554, %get3A_555] {strides = array<i32>} : memref<200x128xf32, #tpu.memory_space<vmem>>, vector<1x16xf32>,
      %get3A_557 = vector.shape_cast %get3A_556 : vector<1x16xf32> to vector<16xf32>
      %swap3A_558 = arith.index_cast %add3A_551 : i32 to index
      %swap3A_559 = arith.constant 16 : index
      %swap3A_560 = tpu.vector_load %arg7[%swap3A_558, %swap3A_559] {strides = array<i32>} : memref<200x128xf32, #tpu.memory_space<vmem>>, vector<1x16xf32>,
      %swap3A_561 = vector.shape_cast %swap3A_560 : vector<1x16xf32> to vector<16xf32>
      %swap3A_562 = vector.shape_cast %get3A_557 : vector<16xf32> to vector<1x16xf32>
      tpu.vector_store %arg7[%swap3A_558, %swap3A_559], %swap3A_562 {add = true, strides = array<i32>} : memref<200x128xf32, #tpu.memory_space<vmem>>, vector<1x16xf32>,
      %add3A_563 = arith.constant 4 : i32
      %add3A_564 = arith.addi %mul3A_122, %add3A_563 : i32
      %add3A_565 = arith.constant 4 : i32
      %add3A_566 = arith.addi %mul3A_122, %add3A_565 : i32
      %get3A_567 = arith.index_cast %add3A_566 : i32 to index
      %get3A_568 = arith.constant 32 : index
      %get3A_569 = tpu.vector_load %arg6[%get3A_567, %get3A_568] {strides = array<i32>} : memref<200x128xf32, #tpu.memory_space<vmem>>, vector<1x16xf32>,
      %get3A_570 = vector.shape_cast %get3A_569 : vector<1x16xf32> to vector<16xf32>
      %swap3A_571 = arith.index_cast %add3A_564 : i32 to index
      %swap3A_572 = arith.constant 32 : index
      %swap3A_573 = tpu.vector_load %arg7[%swap3A_571, %swap3A_572] {strides = array<i32>} : memref<200x128xf32, #tpu.memory_space<vmem>>, vector<1x16xf32>,
      %swap3A_574 = vector.shape_cast %swap3A_573 : vector<1x16xf32> to vector<16xf32>
      %swap3A_575 = vector.shape_cast %get3A_570 : vector<16xf32> to vector<1x16xf32>
      tpu.vector_store %arg7[%swap3A_571, %swap3A_572], %swap3A_575 {add = true, strides = array<i32>} : memref<200x128xf32, #tpu.memory_space<vmem>>, vector<1x16xf32>,
      %add3A_576 = arith.constant 4 : i32
      %add3A_577 = arith.addi %mul3A_122, %add3A_576 : i32
      %add3A_578 = arith.constant 4 : i32
      %add3A_579 = arith.addi %mul3A_122, %add3A_578 : i32
      %get3A_580 = arith.index_cast %add3A_579 : i32 to index
      %get3A_581 = arith.constant 48 : index
      %get3A_582 = tpu.vector_load %arg6[%get3A_580, %get3A_581] {strides = array<i32>} : memref<200x128xf32, #tpu.memory_space<vmem>>, vector<1x16xf32>,
      %get3A_583 = vector.shape_cast %get3A_582 : vector<1x16xf32> to vector<16xf32>
      %swap3A_584 = arith.index_cast %add3A_577 : i32 to index
      %swap3A_585 = arith.constant 48 : index
      %swap3A_586 = tpu.vector_load %arg7[%swap3A_584, %swap3A_585] {strides = array<i32>} : memref<200x128xf32, #tpu.memory_space<vmem>>, vector<1x16xf32>,
      %swap3A_587 = vector.shape_cast %swap3A_586 : vector<1x16xf32> to vector<16xf32>
      %swap3A_588 = vector.shape_cast %get3A_583 : vector<16xf32> to vector<1x16xf32>
      tpu.vector_store %arg7[%swap3A_584, %swap3A_585], %swap3A_588 {add = true, strides = array<i32>} : memref<200x128xf32, #tpu.memory_space<vmem>>, vector<1x16xf32>,
      %add3A_589 = arith.constant 4 : i32
      %add3A_590 = arith.addi %mul3A_122, %add3A_589 : i32
      %add3A_591 = arith.constant 4 : i32
      %add3A_592 = arith.addi %mul3A_122, %add3A_591 : i32
      %get3A_593 = arith.index_cast %add3A_592 : i32 to index
      %get3A_594 = arith.constant 64 : index
      %get3A_595 = tpu.vector_load %arg6[%get3A_593, %get3A_594] {strides = array<i32>} : memref<200x128xf32, #tpu.memory_space<vmem>>, vector<1x16xf32>,
      %get3A_596 = vector.shape_cast %get3A_595 : vector<1x16xf32> to vector<16xf32>
      %swap3A_597 = arith.index_cast %add3A_590 : i32 to index
      %swap3A_598 = arith.constant 64 : index
      %swap3A_599 = tpu.vector_load %arg7[%swap3A_597, %swap3A_598] {strides = array<i32>} : memref<200x128xf32, #tpu.memory_space<vmem>>, vector<1x16xf32>,
      %swap3A_600 = vector.shape_cast %swap3A_599 : vector<1x16xf32> to vector<16xf32>
      %swap3A_601 = vector.shape_cast %get3A_596 : vector<16xf32> to vector<1x16xf32>
      tpu.vector_store %arg7[%swap3A_597, %swap3A_598], %swap3A_601 {add = true, strides = array<i32>} : memref<200x128xf32, #tpu.memory_space<vmem>>, vector<1x16xf32>,
      %add3A_602 = arith.constant 4 : i32
      %add3A_603 = arith.addi %mul3A_122, %add3A_602 : i32
      %add3A_604 = arith.constant 4 : i32
      %add3A_605 = arith.addi %mul3A_122, %add3A_604 : i32
      %get3A_606 = arith.index_cast %add3A_605 : i32 to index
      %get3A_607 = arith.constant 80 : index
      %get3A_608 = tpu.vector_load %arg6[%get3A_606, %get3A_607] {strides = array<i32>} : memref<200x128xf32, #tpu.memory_space<vmem>>, vector<1x16xf32>,
      %get3A_609 = vector.shape_cast %get3A_608 : vector<1x16xf32> to vector<16xf32>
      %swap3A_610 = arith.index_cast %add3A_603 : i32 to index
      %swap3A_611 = arith.constant 80 : index
      %swap3A_612 = tpu.vector_load %arg7[%swap3A_610, %swap3A_611] {strides = array<i32>} : memref<200x128xf32, #tpu.memory_space<vmem>>, vector<1x16xf32>,
      %swap3A_613 = vector.shape_cast %swap3A_612 : vector<1x16xf32> to vector<16xf32>
      %swap3A_614 = vector.shape_cast %get3A_609 : vector<16xf32> to vector<1x16xf32>
      tpu.vector_store %arg7[%swap3A_610, %swap3A_611], %swap3A_614 {add = true, strides = array<i32>} : memref<200x128xf32, #tpu.memory_space<vmem>>, vector<1x16xf32>,
      %add3A_615 = arith.constant 4 : i32
      %add3A_616 = arith.addi %mul3A_122, %add3A_615 : i32
      %add3A_617 = arith.constant 4 : i32
      %add3A_618 = arith.addi %mul3A_122, %add3A_617 : i32
      %get3A_619 = arith.index_cast %add3A_618 : i32 to index
      %get3A_620 = arith.constant 96 : index
      %get3A_621 = tpu.vector_load %arg6[%get3A_619, %get3A_620] {strides = array<i32>} : memref<200x128xf32, #tpu.memory_space<vmem>>, vector<1x16xf32>,
      %get3A_622 = vector.shape_cast %get3A_621 : vector<1x16xf32> to vector<16xf32>
      %swap3A_623 = arith.index_cast %add3A_616 : i32 to index
      %swap3A_624 = arith.constant 96 : index
      %swap3A_625 = tpu.vector_load %arg7[%swap3A_623, %swap3A_624] {strides = array<i32>} : memref<200x128xf32, #tpu.memory_space<vmem>>, vector<1x16xf32>,
      %swap3A_626 = vector.shape_cast %swap3A_625 : vector<1x16xf32> to vector<16xf32>
      %swap3A_627 = vector.shape_cast %get3A_622 : vector<16xf32> to vector<1x16xf32>
      tpu.vector_store %arg7[%swap3A_623, %swap3A_624], %swap3A_627 {add = true, strides = array<i32>} : memref<200x128xf32, #tpu.memory_space<vmem>>, vector<1x16xf32>,
      %add3A_628 = arith.constant 4 : i32
      %add3A_629 = arith.addi %mul3A_122, %add3A_628 : i32
      %add3A_630 = arith.constant 4 : i32
      %add3A_631 = arith.addi %mul3A_122, %add3A_630 : i32
      %get3A_632 = arith.index_cast %add3A_631 : i32 to index
      %get3A_633 = arith.constant 112 : index
      %get3A_634 = tpu.vector_load %arg6[%get3A_632, %get3A_633] {strides = array<i32>} : memref<200x128xf32, #tpu.memory_space<vmem>>, vector<1x16xf32>,
      %get3A_635 = vector.shape_cast %get3A_634 : vector<1x16xf32> to vector<16xf32>
      %swap3A_636 = arith.index_cast %add3A_629 : i32 to index
      %swap3A_637 = arith.constant 112 : index
      %swap3A_638 = tpu.vector_load %arg7[%swap3A_636, %swap3A_637] {strides = array<i32>} : memref<200x128xf32, #tpu.memory_space<vmem>>, vector<1x16xf32>,
      %swap3A_639 = vector.shape_cast %swap3A_638 : vector<1x16xf32> to vector<16xf32>
      %swap3A_640 = vector.shape_cast %get3A_635 : vector<16xf32> to vector<1x16xf32>
      tpu.vector_store %arg7[%swap3A_636, %swap3A_637], %swap3A_640 {add = true, strides = array<i32>} : memref<200x128xf32, #tpu.memory_space<vmem>>, vector<1x16xf32>,
      %add3A_641 = arith.constant 5 : i32
      %add3A_642 = arith.addi %mul3A_122, %add3A_641 : i32
      %add3A_643 = arith.constant 5 : i32
      %add3A_644 = arith.addi %mul3A_122, %add3A_643 : i32
      %get3A_645 = arith.index_cast %add3A_644 : i32 to index
      %get3A_646 = arith.constant 0 : index
      %get3A_647 = tpu.vector_load %arg6[%get3A_645, %get3A_646] {strides = array<i32>} : memref<200x128xf32, #tpu.memory_space<vmem>>, vector<1x16xf32>,
      %get3A_648 = vector.shape_cast %get3A_647 : vector<1x16xf32> to vector<16xf32>
      %swap3A_649 = arith.index_cast %add3A_642 : i32 to index
      %swap3A_650 = arith.constant 0 : index
      %swap3A_651 = tpu.vector_load %arg7[%swap3A_649, %swap3A_650] {strides = array<i32>} : memref<200x128xf32, #tpu.memory_space<vmem>>, vector<1x16xf32>,
      %swap3A_652 = vector.shape_cast %swap3A_651 : vector<1x16xf32> to vector<16xf32>
      %swap3A_653 = vector.shape_cast %get3A_648 : vector<16xf32> to vector<1x16xf32>
      tpu.vector_store %arg7[%swap3A_649, %swap3A_650], %swap3A_653 {add = true, strides = array<i32>} : memref<200x128xf32, #tpu.memory_space<vmem>>, vector<1x16xf32>,
      %add3A_654 = arith.constant 5 : i32
      %add3A_655 = arith.addi %mul3A_122, %add3A_654 : i32
      %add3A_656 = arith.constant 5 : i32
      %add3A_657 = arith.addi %mul3A_122, %add3A_656 : i32
      %get3A_658 = arith.index_cast %add3A_657 : i32 to index
      %get3A_659 = arith.constant 16 : index
      %get3A_660 = tpu.vector_load %arg6[%get3A_658, %get3A_659] {strides = array<i32>} : memref<200x128xf32, #tpu.memory_space<vmem>>, vector<1x16xf32>,
      %get3A_661 = vector.shape_cast %get3A_660 : vector<1x16xf32> to vector<16xf32>
      %swap3A_662 = arith.index_cast %add3A_655 : i32 to index
      %swap3A_663 = arith.constant 16 : index
      %swap3A_664 = tpu.vector_load %arg7[%swap3A_662, %swap3A_663] {strides = array<i32>} : memref<200x128xf32, #tpu.memory_space<vmem>>, vector<1x16xf32>,
      %swap3A_665 = vector.shape_cast %swap3A_664 : vector<1x16xf32> to vector<16xf32>
      %swap3A_666 = vector.shape_cast %get3A_661 : vector<16xf32> to vector<1x16xf32>
      tpu.vector_store %arg7[%swap3A_662, %swap3A_663], %swap3A_666 {add = true, strides = array<i32>} : memref<200x128xf32, #tpu.memory_space<vmem>>, vector<1x16xf32>,
      %add3A_667 = arith.constant 5 : i32
      %add3A_668 = arith.addi %mul3A_122, %add3A_667 : i32
      %add3A_669 = arith.constant 5 : i32
      %add3A_670 = arith.addi %mul3A_122, %add3A_669 : i32
      %get3A_671 = arith.index_cast %add3A_670 : i32 to index
      %get3A_672 = arith.constant 32 : index
      %get3A_673 = tpu.vector_load %arg6[%get3A_671, %get3A_672] {strides = array<i32>} : memref<200x128xf32, #tpu.memory_space<vmem>>, vector<1x16xf32>,
      %get3A_674 = vector.shape_cast %get3A_673 : vector<1x16xf32> to vector<16xf32>
      %swap3A_675 = arith.index_cast %add3A_668 : i32 to index
      %swap3A_676 = arith.constant 32 : index
      %swap3A_677 = tpu.vector_load %arg7[%swap3A_675, %swap3A_676] {strides = array<i32>} : memref<200x128xf32, #tpu.memory_space<vmem>>, vector<1x16xf32>,
      %swap3A_678 = vector.shape_cast %swap3A_677 : vector<1x16xf32> to vector<16xf32>
      %swap3A_679 = vector.shape_cast %get3A_674 : vector<16xf32> to vector<1x16xf32>
      tpu.vector_store %arg7[%swap3A_675, %swap3A_676], %swap3A_679 {add = true, strides = array<i32>} : memref<200x128xf32, #tpu.memory_space<vmem>>, vector<1x16xf32>,
      %add3A_680 = arith.constant 5 : i32
      %add3A_681 = arith.addi %mul3A_122, %add3A_680 : i32
      %add3A_682 = arith.constant 5 : i32
      %add3A_683 = arith.addi %mul3A_122, %add3A_682 : i32
      %get3A_684 = arith.index_cast %add3A_683 : i32 to index
      %get3A_685 = arith.constant 48 : index
      %get3A_686 = tpu.vector_load %arg6[%get3A_684, %get3A_685] {strides = array<i32>} : memref<200x128xf32, #tpu.memory_space<vmem>>, vector<1x16xf32>,
      %get3A_687 = vector.shape_cast %get3A_686 : vector<1x16xf32> to vector<16xf32>
      %swap3A_688 = arith.index_cast %add3A_681 : i32 to index
      %swap3A_689 = arith.constant 48 : index
      %swap3A_690 = tpu.vector_load %arg7[%swap3A_688, %swap3A_689] {strides = array<i32>} : memref<200x128xf32, #tpu.memory_space<vmem>>, vector<1x16xf32>,
      %swap3A_691 = vector.shape_cast %swap3A_690 : vector<1x16xf32> to vector<16xf32>
      %swap3A_692 = vector.shape_cast %get3A_687 : vector<16xf32> to vector<1x16xf32>
      tpu.vector_store %arg7[%swap3A_688, %swap3A_689], %swap3A_692 {add = true, strides = array<i32>} : memref<200x128xf32, #tpu.memory_space<vmem>>, vector<1x16xf32>,
      %add3A_693 = arith.constant 5 : i32
      %add3A_694 = arith.addi %mul3A_122, %add3A_693 : i32
      %add3A_695 = arith.constant 5 : i32
      %add3A_696 = arith.addi %mul3A_122, %add3A_695 : i32
      %get3A_697 = arith.index_cast %add3A_696 : i32 to index
      %get3A_698 = arith.constant 64 : index
      %get3A_699 = tpu.vector_load %arg6[%get3A_697, %get3A_698] {strides = array<i32>} : memref<200x128xf32, #tpu.memory_space<vmem>>, vector<1x16xf32>,
      %get3A_700 = vector.shape_cast %get3A_699 : vector<1x16xf32> to vector<16xf32>
      %swap3A_701 = arith.index_cast %add3A_694 : i32 to index
      %swap3A_702 = arith.constant 64 : index
      %swap3A_703 = tpu.vector_load %arg7[%swap3A_701, %swap3A_702] {strides = array<i32>} : memref<200x128xf32, #tpu.memory_space<vmem>>, vector<1x16xf32>,
      %swap3A_704 = vector.shape_cast %swap3A_703 : vector<1x16xf32> to vector<16xf32>
      %swap3A_705 = vector.shape_cast %get3A_700 : vector<16xf32> to vector<1x16xf32>
      tpu.vector_store %arg7[%swap3A_701, %swap3A_702], %swap3A_705 {add = true, strides = array<i32>} : memref<200x128xf32, #tpu.memory_space<vmem>>, vector<1x16xf32>,
      %add3A_706 = arith.constant 5 : i32
      %add3A_707 = arith.addi %mul3A_122, %add3A_706 : i32
      %add3A_708 = arith.constant 5 : i32
      %add3A_709 = arith.addi %mul3A_122, %add3A_708 : i32
      %get3A_710 = arith.index_cast %add3A_709 : i32 to index
      %get3A_711 = arith.constant 80 : index
      %get3A_712 = tpu.vector_load %arg6[%get3A_710, %get3A_711] {strides = array<i32>} : memref<200x128xf32, #tpu.memory_space<vmem>>, vector<1x16xf32>,
      %get3A_713 = vector.shape_cast %get3A_712 : vector<1x16xf32> to vector<16xf32>
      %swap3A_714 = arith.index_cast %add3A_707 : i32 to index
      %swap3A_715 = arith.constant 80 : index
      %swap3A_716 = tpu.vector_load %arg7[%swap3A_714, %swap3A_715] {strides = array<i32>} : memref<200x128xf32, #tpu.memory_space<vmem>>, vector<1x16xf32>,
      %swap3A_717 = vector.shape_cast %swap3A_716 : vector<1x16xf32> to vector<16xf32>
      %swap3A_718 = vector.shape_cast %get3A_713 : vector<16xf32> to vector<1x16xf32>
      tpu.vector_store %arg7[%swap3A_714, %swap3A_715], %swap3A_718 {add = true, strides = array<i32>} : memref<200x128xf32, #tpu.memory_space<vmem>>, vector<1x16xf32>,
      %add3A_719 = arith.constant 5 : i32
      %add3A_720 = arith.addi %mul3A_122, %add3A_719 : i32
      %add3A_721 = arith.constant 5 : i32
      %add3A_722 = arith.addi %mul3A_122, %add3A_721 : i32
      %get3A_723 = arith.index_cast %add3A_722 : i32 to index
      %get3A_724 = arith.constant 96 : index
      %get3A_725 = tpu.vector_load %arg6[%get3A_723, %get3A_724] {strides = array<i32>} : memref<200x128xf32, #tpu.memory_space<vmem>>, vector<1x16xf32>,
      %get3A_726 = vector.shape_cast %get3A_725 : vector<1x16xf32> to vector<16xf32>
      %swap3A_727 = arith.index_cast %add3A_720 : i32 to index
      %swap3A_728 = arith.constant 96 : index
      %swap3A_729 = tpu.vector_load %arg7[%swap3A_727, %swap3A_728] {strides = array<i32>} : memref<200x128xf32, #tpu.memory_space<vmem>>, vector<1x16xf32>,
      %swap3A_730 = vector.shape_cast %swap3A_729 : vector<1x16xf32> to vector<16xf32>
      %swap3A_731 = vector.shape_cast %get3A_726 : vector<16xf32> to vector<1x16xf32>
      tpu.vector_store %arg7[%swap3A_727, %swap3A_728], %swap3A_731 {add = true, strides = array<i32>} : memref<200x128xf32, #tpu.memory_space<vmem>>, vector<1x16xf32>,
      %add3A_732 = arith.constant 5 : i32
      %add3A_733 = arith.addi %mul3A_122, %add3A_732 : i32
      %add3A_734 = arith.constant 5 : i32
      %add3A_735 = arith.addi %mul3A_122, %add3A_734 : i32
      %get3A_736 = arith.index_cast %add3A_735 : i32 to index
      %get3A_737 = arith.constant 112 : index
      %get3A_738 = tpu.vector_load %arg6[%get3A_736, %get3A_737] {strides = array<i32>} : memref<200x128xf32, #tpu.memory_space<vmem>>, vector<1x16xf32>,
      %get3A_739 = vector.shape_cast %get3A_738 : vector<1x16xf32> to vector<16xf32>
      %swap3A_740 = arith.index_cast %add3A_733 : i32 to index
      %swap3A_741 = arith.constant 112 : index
      %swap3A_742 = tpu.vector_load %arg7[%swap3A_740, %swap3A_741] {strides = array<i32>} : memref<200x128xf32, #tpu.memory_space<vmem>>, vector<1x16xf32>,
      %swap3A_743 = vector.shape_cast %swap3A_742 : vector<1x16xf32> to vector<16xf32>
      %swap3A_744 = vector.shape_cast %get3A_739 : vector<16xf32> to vector<1x16xf32>
      tpu.vector_store %arg7[%swap3A_740, %swap3A_741], %swap3A_744 {add = true, strides = array<i32>} : memref<200x128xf32, #tpu.memory_space<vmem>>, vector<1x16xf32>,
      %add3A_745 = arith.constant 6 : i32
      %add3A_746 = arith.addi %mul3A_122, %add3A_745 : i32
      %add3A_747 = arith.constant 6 : i32
      %add3A_748 = arith.addi %mul3A_122, %add3A_747 : i32
      %get3A_749 = arith.index_cast %add3A_748 : i32 to index
      %get3A_750 = arith.constant 0 : index
      %get3A_751 = tpu.vector_load %arg6[%get3A_749, %get3A_750] {strides = array<i32>} : memref<200x128xf32, #tpu.memory_space<vmem>>, vector<1x16xf32>,
      %get3A_752 = vector.shape_cast %get3A_751 : vector<1x16xf32> to vector<16xf32>
      %swap3A_753 = arith.index_cast %add3A_746 : i32 to index
      %swap3A_754 = arith.constant 0 : index
      %swap3A_755 = tpu.vector_load %arg7[%swap3A_753, %swap3A_754] {strides = array<i32>} : memref<200x128xf32, #tpu.memory_space<vmem>>, vector<1x16xf32>,
      %swap3A_756 = vector.shape_cast %swap3A_755 : vector<1x16xf32> to vector<16xf32>
      %swap3A_757 = vector.shape_cast %get3A_752 : vector<16xf32> to vector<1x16xf32>
      tpu.vector_store %arg7[%swap3A_753, %swap3A_754], %swap3A_757 {add = true, strides = array<i32>} : memref<200x128xf32, #tpu.memory_space<vmem>>, vector<1x16xf32>,
      %add3A_758 = arith.constant 6 : i32
      %add3A_759 = arith.addi %mul3A_122, %add3A_758 : i32
      %add3A_760 = arith.constant 6 : i32
      %add3A_761 = arith.addi %mul3A_122, %add3A_760 : i32
      %get3A_762 = arith.index_cast %add3A_761 : i32 to index
      %get3A_763 = arith.constant 16 : index
      %get3A_764 = tpu.vector_load %arg6[%get3A_762, %get3A_763] {strides = array<i32>} : memref<200x128xf32, #tpu.memory_space<vmem>>, vector<1x16xf32>,
      %get3A_765 = vector.shape_cast %get3A_764 : vector<1x16xf32> to vector<16xf32>
      %swap3A_766 = arith.index_cast %add3A_759 : i32 to index
      %swap3A_767 = arith.constant 16 : index
      %swap3A_768 = tpu.vector_load %arg7[%swap3A_766, %swap3A_767] {strides = array<i32>} : memref<200x128xf32, #tpu.memory_space<vmem>>, vector<1x16xf32>,
      %swap3A_769 = vector.shape_cast %swap3A_768 : vector<1x16xf32> to vector<16xf32>
      %swap3A_770 = vector.shape_cast %get3A_765 : vector<16xf32> to vector<1x16xf32>
      tpu.vector_store %arg7[%swap3A_766, %swap3A_767], %swap3A_770 {add = true, strides = array<i32>} : memref<200x128xf32, #tpu.memory_space<vmem>>, vector<1x16xf32>,
      %add3A_771 = arith.constant 6 : i32
      %add3A_772 = arith.addi %mul3A_122, %add3A_771 : i32
      %add3A_773 = arith.constant 6 : i32
      %add3A_774 = arith.addi %mul3A_122, %add3A_773 : i32
      %get3A_775 = arith.index_cast %add3A_774 : i32 to index
      %get3A_776 = arith.constant 32 : index
      %get3A_777 = tpu.vector_load %arg6[%get3A_775, %get3A_776] {strides = array<i32>} : memref<200x128xf32, #tpu.memory_space<vmem>>, vector<1x16xf32>,
      %get3A_778 = vector.shape_cast %get3A_777 : vector<1x16xf32> to vector<16xf32>
      %swap3A_779 = arith.index_cast %add3A_772 : i32 to index
      %swap3A_780 = arith.constant 32 : index
      %swap3A_781 = tpu.vector_load %arg7[%swap3A_779, %swap3A_780] {strides = array<i32>} : memref<200x128xf32, #tpu.memory_space<vmem>>, vector<1x16xf32>,
      %swap3A_782 = vector.shape_cast %swap3A_781 : vector<1x16xf32> to vector<16xf32>
      %swap3A_783 = vector.shape_cast %get3A_778 : vector<16xf32> to vector<1x16xf32>
      tpu.vector_store %arg7[%swap3A_779, %swap3A_780], %swap3A_783 {add = true, strides = array<i32>} : memref<200x128xf32, #tpu.memory_space<vmem>>, vector<1x16xf32>,
      %add3A_784 = arith.constant 6 : i32
      %add3A_785 = arith.addi %mul3A_122, %add3A_784 : i32
      %add3A_786 = arith.constant 6 : i32
      %add3A_787 = arith.addi %mul3A_122, %add3A_786 : i32
      %get3A_788 = arith.index_cast %add3A_787 : i32 to index
      %get3A_789 = arith.constant 48 : index
      %get3A_790 = tpu.vector_load %arg6[%get3A_788, %get3A_789] {strides = array<i32>} : memref<200x128xf32, #tpu.memory_space<vmem>>, vector<1x16xf32>,
      %get3A_791 = vector.shape_cast %get3A_790 : vector<1x16xf32> to vector<16xf32>
      %swap3A_792 = arith.index_cast %add3A_785 : i32 to index
      %swap3A_793 = arith.constant 48 : index
      %swap3A_794 = tpu.vector_load %arg7[%swap3A_792, %swap3A_793] {strides = array<i32>} : memref<200x128xf32, #tpu.memory_space<vmem>>, vector<1x16xf32>,
      %swap3A_795 = vector.shape_cast %swap3A_794 : vector<1x16xf32> to vector<16xf32>
      %swap3A_796 = vector.shape_cast %get3A_791 : vector<16xf32> to vector<1x16xf32>
      tpu.vector_store %arg7[%swap3A_792, %swap3A_793], %swap3A_796 {add = true, strides = array<i32>} : memref<200x128xf32, #tpu.memory_space<vmem>>, vector<1x16xf32>,
      %add3A_797 = arith.constant 6 : i32
      %add3A_798 = arith.addi %mul3A_122, %add3A_797 : i32
      %add3A_799 = arith.constant 6 : i32
      %add3A_800 = arith.addi %mul3A_122, %add3A_799 : i32
      %get3A_801 = arith.index_cast %add3A_800 : i32 to index
      %get3A_802 = arith.constant 64 : index
      %get3A_803 = tpu.vector_load %arg6[%get3A_801, %get3A_802] {strides = array<i32>} : memref<200x128xf32, #tpu.memory_space<vmem>>, vector<1x16xf32>,
      %get3A_804 = vector.shape_cast %get3A_803 : vector<1x16xf32> to vector<16xf32>
      %swap3A_805 = arith.index_cast %add3A_798 : i32 to index
      %swap3A_806 = arith.constant 64 : index
      %swap3A_807 = tpu.vector_load %arg7[%swap3A_805, %swap3A_806] {strides = array<i32>} : memref<200x128xf32, #tpu.memory_space<vmem>>, vector<1x16xf32>,
      %swap3A_808 = vector.shape_cast %swap3A_807 : vector<1x16xf32> to vector<16xf32>
      %swap3A_809 = vector.shape_cast %get3A_804 : vector<16xf32> to vector<1x16xf32>
      tpu.vector_store %arg7[%swap3A_805, %swap3A_806], %swap3A_809 {add = true, strides = array<i32>} : memref<200x128xf32, #tpu.memory_space<vmem>>, vector<1x16xf32>,
      %add3A_810 = arith.constant 6 : i32
      %add3A_811 = arith.addi %mul3A_122, %add3A_810 : i32
      %add3A_812 = arith.constant 6 : i32
      %add3A_813 = arith.addi %mul3A_122, %add3A_812 : i32
      %get3A_814 = arith.index_cast %add3A_813 : i32 to index
      %get3A_815 = arith.constant 80 : index
      %get3A_816 = tpu.vector_load %arg6[%get3A_814, %get3A_815] {strides = array<i32>} : memref<200x128xf32, #tpu.memory_space<vmem>>, vector<1x16xf32>,
      %get3A_817 = vector.shape_cast %get3A_816 : vector<1x16xf32> to vector<16xf32>
      %swap3A_818 = arith.index_cast %add3A_811 : i32 to index
      %swap3A_819 = arith.constant 80 : index
      %swap3A_820 = tpu.vector_load %arg7[%swap3A_818, %swap3A_819] {strides = array<i32>} : memref<200x128xf32, #tpu.memory_space<vmem>>, vector<1x16xf32>,
      %swap3A_821 = vector.shape_cast %swap3A_820 : vector<1x16xf32> to vector<16xf32>
      %swap3A_822 = vector.shape_cast %get3A_817 : vector<16xf32> to vector<1x16xf32>
      tpu.vector_store %arg7[%swap3A_818, %swap3A_819], %swap3A_822 {add = true, strides = array<i32>} : memref<200x128xf32, #tpu.memory_space<vmem>>, vector<1x16xf32>,
      %add3A_823 = arith.constant 6 : i32
      %add3A_824 = arith.addi %mul3A_122, %add3A_823 : i32
      %add3A_825 = arith.constant 6 : i32
      %add3A_826 = arith.addi %mul3A_122, %add3A_825 : i32
      %get3A_827 = arith.index_cast %add3A_826 : i32 to index
      %get3A_828 = arith.constant 96 : index
      %get3A_829 = tpu.vector_load %arg6[%get3A_827, %get3A_828] {strides = array<i32>} : memref<200x128xf32, #tpu.memory_space<vmem>>, vector<1x16xf32>,
      %get3A_830 = vector.shape_cast %get3A_829 : vector<1x16xf32> to vector<16xf32>
      %swap3A_831 = arith.index_cast %add3A_824 : i32 to index
      %swap3A_832 = arith.constant 96 : index
      %swap3A_833 = tpu.vector_load %arg7[%swap3A_831, %swap3A_832] {strides = array<i32>} : memref<200x128xf32, #tpu.memory_space<vmem>>, vector<1x16xf32>,
      %swap3A_834 = vector.shape_cast %swap3A_833 : vector<1x16xf32> to vector<16xf32>
      %swap3A_835 = vector.shape_cast %get3A_830 : vector<16xf32> to vector<1x16xf32>
      tpu.vector_store %arg7[%swap3A_831, %swap3A_832], %swap3A_835 {add = true, strides = array<i32>} : memref<200x128xf32, #tpu.memory_space<vmem>>, vector<1x16xf32>,
      %add3A_836 = arith.constant 6 : i32
      %add3A_837 = arith.addi %mul3A_122, %add3A_836 : i32
      %add3A_838 = arith.constant 6 : i32
      %add3A_839 = arith.addi %mul3A_122, %add3A_838 : i32
      %get3A_840 = arith.index_cast %add3A_839 : i32 to index
      %get3A_841 = arith.constant 112 : index
      %get3A_842 = tpu.vector_load %arg6[%get3A_840, %get3A_841] {strides = array<i32>} : memref<200x128xf32, #tpu.memory_space<vmem>>, vector<1x16xf32>,
      %get3A_843 = vector.shape_cast %get3A_842 : vector<1x16xf32> to vector<16xf32>
      %swap3A_844 = arith.index_cast %add3A_837 : i32 to index
      %swap3A_845 = arith.constant 112 : index
      %swap3A_846 = tpu.vector_load %arg7[%swap3A_844, %swap3A_845] {strides = array<i32>} : memref<200x128xf32, #tpu.memory_space<vmem>>, vector<1x16xf32>,
      %swap3A_847 = vector.shape_cast %swap3A_846 : vector<1x16xf32> to vector<16xf32>
      %swap3A_848 = vector.shape_cast %get3A_843 : vector<16xf32> to vector<1x16xf32>
      tpu.vector_store %arg7[%swap3A_844, %swap3A_845], %swap3A_848 {add = true, strides = array<i32>} : memref<200x128xf32, #tpu.memory_space<vmem>>, vector<1x16xf32>,
      %add3A_849 = arith.constant 7 : i32
      %add3A_850 = arith.addi %mul3A_122, %add3A_849 : i32
      %add3A_851 = arith.constant 7 : i32
      %add3A_852 = arith.addi %mul3A_122, %add3A_851 : i32
      %get3A_853 = arith.index_cast %add3A_852 : i32 to index
      %get3A_854 = arith.constant 0 : index
      %get3A_855 = tpu.vector_load %arg6[%get3A_853, %get3A_854] {strides = array<i32>} : memref<200x128xf32, #tpu.memory_space<vmem>>, vector<1x16xf32>,
      %get3A_856 = vector.shape_cast %get3A_855 : vector<1x16xf32> to vector<16xf32>
      %swap3A_857 = arith.index_cast %add3A_850 : i32 to index
      %swap3A_858 = arith.constant 0 : index
      %swap3A_859 = tpu.vector_load %arg7[%swap3A_857, %swap3A_858] {strides = array<i32>} : memref<200x128xf32, #tpu.memory_space<vmem>>, vector<1x16xf32>,
      %swap3A_860 = vector.shape_cast %swap3A_859 : vector<1x16xf32> to vector<16xf32>
      %swap3A_861 = vector.shape_cast %get3A_856 : vector<16xf32> to vector<1x16xf32>
      tpu.vector_store %arg7[%swap3A_857, %swap3A_858], %swap3A_861 {add = true, strides = array<i32>} : memref<200x128xf32, #tpu.memory_space<vmem>>, vector<1x16xf32>,
      %add3A_862 = arith.constant 7 : i32
      %add3A_863 = arith.addi %mul3A_122, %add3A_862 : i32
      %add3A_864 = arith.constant 7 : i32
      %add3A_865 = arith.addi %mul3A_122, %add3A_864 : i32
      %get3A_866 = arith.index_cast %add3A_865 : i32 to index
      %get3A_867 = arith.constant 16 : index
      %get3A_868 = tpu.vector_load %arg6[%get3A_866, %get3A_867] {strides = array<i32>} : memref<200x128xf32, #tpu.memory_space<vmem>>, vector<1x16xf32>,
      %get3A_869 = vector.shape_cast %get3A_868 : vector<1x16xf32> to vector<16xf32>
      %swap3A_870 = arith.index_cast %add3A_863 : i32 to index
      %swap3A_871 = arith.constant 16 : index
      %swap3A_872 = tpu.vector_load %arg7[%swap3A_870, %swap3A_871] {strides = array<i32>} : memref<200x128xf32, #tpu.memory_space<vmem>>, vector<1x16xf32>,
      %swap3A_873 = vector.shape_cast %swap3A_872 : vector<1x16xf32> to vector<16xf32>
      %swap3A_874 = vector.shape_cast %get3A_869 : vector<16xf32> to vector<1x16xf32>
      tpu.vector_store %arg7[%swap3A_870, %swap3A_871], %swap3A_874 {add = true, strides = array<i32>} : memref<200x128xf32, #tpu.memory_space<vmem>>, vector<1x16xf32>,
      %add3A_875 = arith.constant 7 : i32
      %add3A_876 = arith.addi %mul3A_122, %add3A_875 : i32
      %add3A_877 = arith.constant 7 : i32
      %add3A_878 = arith.addi %mul3A_122, %add3A_877 : i32
      %get3A_879 = arith.index_cast %add3A_878 : i32 to index
      %get3A_880 = arith.constant 32 : index
      %get3A_881 = tpu.vector_load %arg6[%get3A_879, %get3A_880] {strides = array<i32>} : memref<200x128xf32, #tpu.memory_space<vmem>>, vector<1x16xf32>,
      %get3A_882 = vector.shape_cast %get3A_881 : vector<1x16xf32> to vector<16xf32>
      %swap3A_883 = arith.index_cast %add3A_876 : i32 to index
      %swap3A_884 = arith.constant 32 : index
      %swap3A_885 = tpu.vector_load %arg7[%swap3A_883, %swap3A_884] {strides = array<i32>} : memref<200x128xf32, #tpu.memory_space<vmem>>, vector<1x16xf32>,
      %swap3A_886 = vector.shape_cast %swap3A_885 : vector<1x16xf32> to vector<16xf32>
      %swap3A_887 = vector.shape_cast %get3A_882 : vector<16xf32> to vector<1x16xf32>
      tpu.vector_store %arg7[%swap3A_883, %swap3A_884], %swap3A_887 {add = true, strides = array<i32>} : memref<200x128xf32, #tpu.memory_space<vmem>>, vector<1x16xf32>,
      %add3A_888 = arith.constant 7 : i32
      %add3A_889 = arith.addi %mul3A_122, %add3A_888 : i32
      %add3A_890 = arith.constant 7 : i32
      %add3A_891 = arith.addi %mul3A_122, %add3A_890 : i32
      %get3A_892 = arith.index_cast %add3A_891 : i32 to index
      %get3A_893 = arith.constant 48 : index
      %get3A_894 = tpu.vector_load %arg6[%get3A_892, %get3A_893] {strides = array<i32>} : memref<200x128xf32, #tpu.memory_space<vmem>>, vector<1x16xf32>,
      %get3A_895 = vector.shape_cast %get3A_894 : vector<1x16xf32> to vector<16xf32>
      %swap3A_896 = arith.index_cast %add3A_889 : i32 to index
      %swap3A_897 = arith.constant 48 : index
      %swap3A_898 = tpu.vector_load %arg7[%swap3A_896, %swap3A_897] {strides = array<i32>} : memref<200x128xf32, #tpu.memory_space<vmem>>, vector<1x16xf32>,
      %swap3A_899 = vector.shape_cast %swap3A_898 : vector<1x16xf32> to vector<16xf32>
      %swap3A_900 = vector.shape_cast %get3A_895 : vector<16xf32> to vector<1x16xf32>
      tpu.vector_store %arg7[%swap3A_896, %swap3A_897], %swap3A_900 {add = true, strides = array<i32>} : memref<200x128xf32, #tpu.memory_space<vmem>>, vector<1x16xf32>,
      %add3A_901 = arith.constant 7 : i32
      %add3A_902 = arith.addi %mul3A_122, %add3A_901 : i32
      %add3A_903 = arith.constant 7 : i32
      %add3A_904 = arith.addi %mul3A_122, %add3A_903 : i32
      %get3A_905 = arith.index_cast %add3A_904 : i32 to index
      %get3A_906 = arith.constant 64 : index
      %get3A_907 = tpu.vector_load %arg6[%get3A_905, %get3A_906] {strides = array<i32>} : memref<200x128xf32, #tpu.memory_space<vmem>>, vector<1x16xf32>,
      %get3A_908 = vector.shape_cast %get3A_907 : vector<1x16xf32> to vector<16xf32>
      %swap3A_909 = arith.index_cast %add3A_902 : i32 to index
      %swap3A_910 = arith.constant 64 : index
      %swap3A_911 = tpu.vector_load %arg7[%swap3A_909, %swap3A_910] {strides = array<i32>} : memref<200x128xf32, #tpu.memory_space<vmem>>, vector<1x16xf32>,
      %swap3A_912 = vector.shape_cast %swap3A_911 : vector<1x16xf32> to vector<16xf32>
      %swap3A_913 = vector.shape_cast %get3A_908 : vector<16xf32> to vector<1x16xf32>
      tpu.vector_store %arg7[%swap3A_909, %swap3A_910], %swap3A_913 {add = true, strides = array<i32>} : memref<200x128xf32, #tpu.memory_space<vmem>>, vector<1x16xf32>,
      %add3A_914 = arith.constant 7 : i32
      %add3A_915 = arith.addi %mul3A_122, %add3A_914 : i32
      %add3A_916 = arith.constant 7 : i32
      %add3A_917 = arith.addi %mul3A_122, %add3A_916 : i32
      %get3A_918 = arith.index_cast %add3A_917 : i32 to index
      %get3A_919 = arith.constant 80 : index
      %get3A_920 = tpu.vector_load %arg6[%get3A_918, %get3A_919] {strides = array<i32>} : memref<200x128xf32, #tpu.memory_space<vmem>>, vector<1x16xf32>,
      %get3A_921 = vector.shape_cast %get3A_920 : vector<1x16xf32> to vector<16xf32>
      %swap3A_922 = arith.index_cast %add3A_915 : i32 to index
      %swap3A_923 = arith.constant 80 : index
      %swap3A_924 = tpu.vector_load %arg7[%swap3A_922, %swap3A_923] {strides = array<i32>} : memref<200x128xf32, #tpu.memory_space<vmem>>, vector<1x16xf32>,
      %swap3A_925 = vector.shape_cast %swap3A_924 : vector<1x16xf32> to vector<16xf32>
      %swap3A_926 = vector.shape_cast %get3A_921 : vector<16xf32> to vector<1x16xf32>
      tpu.vector_store %arg7[%swap3A_922, %swap3A_923], %swap3A_926 {add = true, strides = array<i32>} : memref<200x128xf32, #tpu.memory_space<vmem>>, vector<1x16xf32>,
      %add3A_927 = arith.constant 7 : i32
      %add3A_928 = arith.addi %mul3A_122, %add3A_927 : i32
      %add3A_929 = arith.constant 7 : i32
      %add3A_930 = arith.addi %mul3A_122, %add3A_929 : i32
      %get3A_931 = arith.index_cast %add3A_930 : i32 to index
      %get3A_932 = arith.constant 96 : index
      %get3A_933 = tpu.vector_load %arg6[%get3A_931, %get3A_932] {strides = array<i32>} : memref<200x128xf32, #tpu.memory_space<vmem>>, vector<1x16xf32>,
      %get3A_934 = vector.shape_cast %get3A_933 : vector<1x16xf32> to vector<16xf32>
      %swap3A_935 = arith.index_cast %add3A_928 : i32 to index
      %swap3A_936 = arith.constant 96 : index
      %swap3A_937 = tpu.vector_load %arg7[%swap3A_935, %swap3A_936] {strides = array<i32>} : memref<200x128xf32, #tpu.memory_space<vmem>>, vector<1x16xf32>,
      %swap3A_938 = vector.shape_cast %swap3A_937 : vector<1x16xf32> to vector<16xf32>
      %swap3A_939 = vector.shape_cast %get3A_934 : vector<16xf32> to vector<1x16xf32>
      tpu.vector_store %arg7[%swap3A_935, %swap3A_936], %swap3A_939 {add = true, strides = array<i32>} : memref<200x128xf32, #tpu.memory_space<vmem>>, vector<1x16xf32>,
      %add3A_940 = arith.constant 7 : i32
      %add3A_941 = arith.addi %mul3A_122, %add3A_940 : i32
      %add3A_942 = arith.constant 7 : i32
      %add3A_943 = arith.addi %mul3A_122, %add3A_942 : i32
      %get3A_944 = arith.index_cast %add3A_943 : i32 to index
      %get3A_945 = arith.constant 112 : index
      %get3A_946 = tpu.vector_load %arg6[%get3A_944, %get3A_945] {strides = array<i32>} : memref<200x128xf32, #tpu.memory_space<vmem>>, vector<1x16xf32>,
      %get3A_947 = vector.shape_cast %get3A_946 : vector<1x16xf32> to vector<16xf32>
      %swap3A_948 = arith.index_cast %add3A_941 : i32 to index
      %swap3A_949 = arith.constant 112 : index
      %swap3A_950 = tpu.vector_load %arg7[%swap3A_948, %swap3A_949] {strides = array<i32>} : memref<200x128xf32, #tpu.memory_space<vmem>>, vector<1x16xf32>,
      %swap3A_951 = vector.shape_cast %swap3A_950 : vector<1x16xf32> to vector<16xf32>
      %swap3A_952 = vector.shape_cast %get3A_947 : vector<16xf32> to vector<1x16xf32>
      tpu.vector_store %arg7[%swap3A_948, %swap3A_949], %swap3A_952 {add = true, strides = array<i32>} : memref<200x128xf32, #tpu.memory_space<vmem>>, vector<1x16xf32>,
    }
    %scan3A_69 = arith.constant 25 : i32
    %mul3A_70 = arith.constant 128 : i32
    %mul3A_71 = arith.muli %add3A, %mul3A_70 : i32
    %add3A_72 = arith.constant 126 : i32
    %add3A_73 = arith.addi %mul3A_71, %add3A_72 : i32
    %mul3A_74 = arith.constant 200 : i32
    %mul3A_75 = arith.muli %add3A_73, %mul3A_74 : i32
    %dma_start3A_76 = arith.constant 0 : i32
    %dma_start3A_77 = tpu.memref_slice %arg5[%mul3A_75, %dma_start3A_76] : memref<819200x128xf32, #tpu.memory_space<hbm>> -> memref<200x128xf32, #tpu.memory_space<hbm>>
    %dma_start3A_78 = arith.constant 0 : i32
    %dma_start3A_79 = tpu.memref_slice %arg5[%mul3A_75, %dma_start3A_78] : memref<819200x128xf32, #tpu.memory_space<hbm>> -> memref<200x128xf32, #tpu.memory_space<hbm>>
    tpu.enqueue_dma source(%arg7 : memref<200x128xf32, #tpu.memory_space<vmem>>) target(%dma_start3A_79 : memref<200x128xf32, #tpu.memory_space<hbm>>) target_semaphore(%arg16 : memref<!tpu.dma_semaphore, #tpu.memory_space<semaphore_mem>>)
    %dma_wait3A_80 = arith.constant 0 : i32
    %dma_wait3A_81 = arith.constant 0 : i32
    %dma_wait3A_82 = tpu.memref_slice %arg3[%dma_wait3A_80, %dma_wait3A_81] : memref<100000x128xf32, #tpu.memory_space<hbm>> -> memref<200x128xf32, #tpu.memory_space<hbm>>
    %dma_wait3A_83 = arith.constant 0 : i32
    %dma_wait3A_84 = arith.constant 0 : i32
    %dma_wait3A_85 = tpu.memref_slice %arg3[%dma_wait3A_83, %dma_wait3A_84] : memref<100000x128xf32, #tpu.memory_space<hbm>> -> memref<200x128xf32, #tpu.memory_space<hbm>>
    tpu.wait_dma2 semaphore(%arg14 : memref<!tpu.dma_semaphore, #tpu.memory_space<semaphore_mem>>) src(%dma_wait3A_85 : memref<200x128xf32, #tpu.memory_space<hbm>>) dst(%arg8 : memref<200x128xf32, #tpu.memory_space<vmem>>)
    %scan3A_86 = arith.constant 0 : i32
    %scan3A_87 = arith.constant 0 : i32
    %scan3A_88 = arith.constant 25 : i32
    %scan3A_89 = arith.addi %scan3A_87, %scan3A_88 : i32
    %scan3A_90 = arith.constant 1 : i32
    scf.for %scan3A_120 = %scan3A_87 to %scan3A_89 step %scan3A_90  : i32 {
      %mul3A_121 = arith.constant 8 : i32
      %mul3A_122 = arith.muli %scan3A_120, %mul3A_121 : i32
      %add3A_123 = arith.constant 0 : i32
      %add3A_124 = arith.addi %mul3A_122, %add3A_123 : i32
      %add3A_125 = arith.constant 0 : i32
      %add3A_126 = arith.addi %mul3A_122, %add3A_125 : i32
      %get3A = arith.index_cast %add3A_126 : i32 to index
      %get3A_127 = arith.constant 0 : index
      %get3A_128 = tpu.vector_load %arg6[%get3A, %get3A_127] {strides = array<i32>} : memref<200x128xf32, #tpu.memory_space<vmem>>, vector<1x16xf32>,
      %get3A_129 = vector.shape_cast %get3A_128 : vector<1x16xf32> to vector<16xf32>
      %swap3A = arith.index_cast %add3A_124 : i32 to index
      %swap3A_130 = arith.constant 0 : index
      %swap3A_131 = tpu.vector_load %arg8[%swap3A, %swap3A_130] {strides = array<i32>} : memref<200x128xf32, #tpu.memory_space<vmem>>, vector<1x16xf32>,
      %swap3A_132 = vector.shape_cast %swap3A_131 : vector<1x16xf32> to vector<16xf32>
      %swap3A_133 = vector.shape_cast %get3A_129 : vector<16xf32> to vector<1x16xf32>
      tpu.vector_store %arg8[%swap3A, %swap3A_130], %swap3A_133 {add = true, strides = array<i32>} : memref<200x128xf32, #tpu.memory_space<vmem>>, vector<1x16xf32>,
      %add3A_134 = arith.constant 0 : i32
      %add3A_135 = arith.addi %mul3A_122, %add3A_134 : i32
      %add3A_136 = arith.constant 0 : i32
      %add3A_137 = arith.addi %mul3A_122, %add3A_136 : i32
      %get3A_138 = arith.index_cast %add3A_137 : i32 to index
      %get3A_139 = arith.constant 16 : index
      %get3A_140 = tpu.vector_load %arg6[%get3A_138, %get3A_139] {strides = array<i32>} : memref<200x128xf32, #tpu.memory_space<vmem>>, vector<1x16xf32>,
      %get3A_141 = vector.shape_cast %get3A_140 : vector<1x16xf32> to vector<16xf32>
      %swap3A_142 = arith.index_cast %add3A_135 : i32 to index
      %swap3A_143 = arith.constant 16 : index
      %swap3A_144 = tpu.vector_load %arg8[%swap3A_142, %swap3A_143] {strides = array<i32>} : memref<200x128xf32, #tpu.memory_space<vmem>>, vector<1x16xf32>,
      %swap3A_145 = vector.shape_cast %swap3A_144 : vector<1x16xf32> to vector<16xf32>
      %swap3A_146 = vector.shape_cast %get3A_141 : vector<16xf32> to vector<1x16xf32>
      tpu.vector_store %arg8[%swap3A_142, %swap3A_143], %swap3A_146 {add = true, strides = array<i32>} : memref<200x128xf32, #tpu.memory_space<vmem>>, vector<1x16xf32>,
      %add3A_147 = arith.constant 0 : i32
      %add3A_148 = arith.addi %mul3A_122, %add3A_147 : i32
      %add3A_149 = arith.constant 0 : i32
      %add3A_150 = arith.addi %mul3A_122, %add3A_149 : i32
      %get3A_151 = arith.index_cast %add3A_150 : i32 to index
      %get3A_152 = arith.constant 32 : index
      %get3A_153 = tpu.vector_load %arg6[%get3A_151, %get3A_152] {strides = array<i32>} : memref<200x128xf32, #tpu.memory_space<vmem>>, vector<1x16xf32>,
      %get3A_154 = vector.shape_cast %get3A_153 : vector<1x16xf32> to vector<16xf32>
      %swap3A_155 = arith.index_cast %add3A_148 : i32 to index
      %swap3A_156 = arith.constant 32 : index
      %swap3A_157 = tpu.vector_load %arg8[%swap3A_155, %swap3A_156] {strides = array<i32>} : memref<200x128xf32, #tpu.memory_space<vmem>>, vector<1x16xf32>,
      %swap3A_158 = vector.shape_cast %swap3A_157 : vector<1x16xf32> to vector<16xf32>
      %swap3A_159 = vector.shape_cast %get3A_154 : vector<16xf32> to vector<1x16xf32>
      tpu.vector_store %arg8[%swap3A_155, %swap3A_156], %swap3A_159 {add = true, strides = array<i32>} : memref<200x128xf32, #tpu.memory_space<vmem>>, vector<1x16xf32>,
      %add3A_160 = arith.constant 0 : i32
      %add3A_161 = arith.addi %mul3A_122, %add3A_160 : i32
      %add3A_162 = arith.constant 0 : i32
      %add3A_163 = arith.addi %mul3A_122, %add3A_162 : i32
      %get3A_164 = arith.index_cast %add3A_163 : i32 to index
      %get3A_165 = arith.constant 48 : index
      %get3A_166 = tpu.vector_load %arg6[%get3A_164, %get3A_165] {strides = array<i32>} : memref<200x128xf32, #tpu.memory_space<vmem>>, vector<1x16xf32>,
      %get3A_167 = vector.shape_cast %get3A_166 : vector<1x16xf32> to vector<16xf32>
      %swap3A_168 = arith.index_cast %add3A_161 : i32 to index
      %swap3A_169 = arith.constant 48 : index
      %swap3A_170 = tpu.vector_load %arg8[%swap3A_168, %swap3A_169] {strides = array<i32>} : memref<200x128xf32, #tpu.memory_space<vmem>>, vector<1x16xf32>,
      %swap3A_171 = vector.shape_cast %swap3A_170 : vector<1x16xf32> to vector<16xf32>
      %swap3A_172 = vector.shape_cast %get3A_167 : vector<16xf32> to vector<1x16xf32>
      tpu.vector_store %arg8[%swap3A_168, %swap3A_169], %swap3A_172 {add = true, strides = array<i32>} : memref<200x128xf32, #tpu.memory_space<vmem>>, vector<1x16xf32>,
      %add3A_173 = arith.constant 0 : i32
      %add3A_174 = arith.addi %mul3A_122, %add3A_173 : i32
      %add3A_175 = arith.constant 0 : i32
      %add3A_176 = arith.addi %mul3A_122, %add3A_175 : i32
      %get3A_177 = arith.index_cast %add3A_176 : i32 to index
      %get3A_178 = arith.constant 64 : index
      %get3A_179 = tpu.vector_load %arg6[%get3A_177, %get3A_178] {strides = array<i32>} : memref<200x128xf32, #tpu.memory_space<vmem>>, vector<1x16xf32>,
      %get3A_180 = vector.shape_cast %get3A_179 : vector<1x16xf32> to vector<16xf32>
      %swap3A_181 = arith.index_cast %add3A_174 : i32 to index
      %swap3A_182 = arith.constant 64 : index
      %swap3A_183 = tpu.vector_load %arg8[%swap3A_181, %swap3A_182] {strides = array<i32>} : memref<200x128xf32, #tpu.memory_space<vmem>>, vector<1x16xf32>,
      %swap3A_184 = vector.shape_cast %swap3A_183 : vector<1x16xf32> to vector<16xf32>
      %swap3A_185 = vector.shape_cast %get3A_180 : vector<16xf32> to vector<1x16xf32>
      tpu.vector_store %arg8[%swap3A_181, %swap3A_182], %swap3A_185 {add = true, strides = array<i32>} : memref<200x128xf32, #tpu.memory_space<vmem>>, vector<1x16xf32>,
      %add3A_186 = arith.constant 0 : i32
      %add3A_187 = arith.addi %mul3A_122, %add3A_186 : i32
      %add3A_188 = arith.constant 0 : i32
      %add3A_189 = arith.addi %mul3A_122, %add3A_188 : i32
      %get3A_190 = arith.index_cast %add3A_189 : i32 to index
      %get3A_191 = arith.constant 80 : index
      %get3A_192 = tpu.vector_load %arg6[%get3A_190, %get3A_191] {strides = array<i32>} : memref<200x128xf32, #tpu.memory_space<vmem>>, vector<1x16xf32>,
      %get3A_193 = vector.shape_cast %get3A_192 : vector<1x16xf32> to vector<16xf32>
      %swap3A_194 = arith.index_cast %add3A_187 : i32 to index
      %swap3A_195 = arith.constant 80 : index
      %swap3A_196 = tpu.vector_load %arg8[%swap3A_194, %swap3A_195] {strides = array<i32>} : memref<200x128xf32, #tpu.memory_space<vmem>>, vector<1x16xf32>,
      %swap3A_197 = vector.shape_cast %swap3A_196 : vector<1x16xf32> to vector<16xf32>
      %swap3A_198 = vector.shape_cast %get3A_193 : vector<16xf32> to vector<1x16xf32>
      tpu.vector_store %arg8[%swap3A_194, %swap3A_195], %swap3A_198 {add = true, strides = array<i32>} : memref<200x128xf32, #tpu.memory_space<vmem>>, vector<1x16xf32>,
      %add3A_199 = arith.constant 0 : i32
      %add3A_200 = arith.addi %mul3A_122, %add3A_199 : i32
      %add3A_201 = arith.constant 0 : i32
      %add3A_202 = arith.addi %mul3A_122, %add3A_201 : i32
      %get3A_203 = arith.index_cast %add3A_202 : i32 to index
      %get3A_204 = arith.constant 96 : index
      %get3A_205 = tpu.vector_load %arg6[%get3A_203, %get3A_204] {strides = array<i32>} : memref<200x128xf32, #tpu.memory_space<vmem>>, vector<1x16xf32>,
      %get3A_206 = vector.shape_cast %get3A_205 : vector<1x16xf32> to vector<16xf32>
      %swap3A_207 = arith.index_cast %add3A_200 : i32 to index
      %swap3A_208 = arith.constant 96 : index
      %swap3A_209 = tpu.vector_load %arg8[%swap3A_207, %swap3A_208] {strides = array<i32>} : memref<200x128xf32, #tpu.memory_space<vmem>>, vector<1x16xf32>,
      %swap3A_210 = vector.shape_cast %swap3A_209 : vector<1x16xf32> to vector<16xf32>
      %swap3A_211 = vector.shape_cast %get3A_206 : vector<16xf32> to vector<1x16xf32>
      tpu.vector_store %arg8[%swap3A_207, %swap3A_208], %swap3A_211 {add = true, strides = array<i32>} : memref<200x128xf32, #tpu.memory_space<vmem>>, vector<1x16xf32>,
      %add3A_212 = arith.constant 0 : i32
      %add3A_213 = arith.addi %mul3A_122, %add3A_212 : i32
      %add3A_214 = arith.constant 0 : i32
      %add3A_215 = arith.addi %mul3A_122, %add3A_214 : i32
      %get3A_216 = arith.index_cast %add3A_215 : i32 to index
      %get3A_217 = arith.constant 112 : index
      %get3A_218 = tpu.vector_load %arg6[%get3A_216, %get3A_217] {strides = array<i32>} : memref<200x128xf32, #tpu.memory_space<vmem>>, vector<1x16xf32>,
      %get3A_219 = vector.shape_cast %get3A_218 : vector<1x16xf32> to vector<16xf32>
      %swap3A_220 = arith.index_cast %add3A_213 : i32 to index
      %swap3A_221 = arith.constant 112 : index
      %swap3A_222 = tpu.vector_load %arg8[%swap3A_220, %swap3A_221] {strides = array<i32>} : memref<200x128xf32, #tpu.memory_space<vmem>>, vector<1x16xf32>,
      %swap3A_223 = vector.shape_cast %swap3A_222 : vector<1x16xf32> to vector<16xf32>
      %swap3A_224 = vector.shape_cast %get3A_219 : vector<16xf32> to vector<1x16xf32>
      tpu.vector_store %arg8[%swap3A_220, %swap3A_221], %swap3A_224 {add = true, strides = array<i32>} : memref<200x128xf32, #tpu.memory_space<vmem>>, vector<1x16xf32>,
      %add3A_225 = arith.constant 1 : i32
      %add3A_226 = arith.addi %mul3A_122, %add3A_225 : i32
      %add3A_227 = arith.constant 1 : i32
      %add3A_228 = arith.addi %mul3A_122, %add3A_227 : i32
      %get3A_229 = arith.index_cast %add3A_228 : i32 to index
      %get3A_230 = arith.constant 0 : index
      %get3A_231 = tpu.vector_load %arg6[%get3A_229, %get3A_230] {strides = array<i32>} : memref<200x128xf32, #tpu.memory_space<vmem>>, vector<1x16xf32>,
      %get3A_232 = vector.shape_cast %get3A_231 : vector<1x16xf32> to vector<16xf32>
      %swap3A_233 = arith.index_cast %add3A_226 : i32 to index
      %swap3A_234 = arith.constant 0 : index
      %swap3A_235 = tpu.vector_load %arg8[%swap3A_233, %swap3A_234] {strides = array<i32>} : memref<200x128xf32, #tpu.memory_space<vmem>>, vector<1x16xf32>,
      %swap3A_236 = vector.shape_cast %swap3A_235 : vector<1x16xf32> to vector<16xf32>
      %swap3A_237 = vector.shape_cast %get3A_232 : vector<16xf32> to vector<1x16xf32>
      tpu.vector_store %arg8[%swap3A_233, %swap3A_234], %swap3A_237 {add = true, strides = array<i32>} : memref<200x128xf32, #tpu.memory_space<vmem>>, vector<1x16xf32>,
      %add3A_238 = arith.constant 1 : i32
      %add3A_239 = arith.addi %mul3A_122, %add3A_238 : i32
      %add3A_240 = arith.constant 1 : i32
      %add3A_241 = arith.addi %mul3A_122, %add3A_240 : i32
      %get3A_242 = arith.index_cast %add3A_241 : i32 to index
      %get3A_243 = arith.constant 16 : index
      %get3A_244 = tpu.vector_load %arg6[%get3A_242, %get3A_243] {strides = array<i32>} : memref<200x128xf32, #tpu.memory_space<vmem>>, vector<1x16xf32>,
      %get3A_245 = vector.shape_cast %get3A_244 : vector<1x16xf32> to vector<16xf32>
      %swap3A_246 = arith.index_cast %add3A_239 : i32 to index
      %swap3A_247 = arith.constant 16 : index
      %swap3A_248 = tpu.vector_load %arg8[%swap3A_246, %swap3A_247] {strides = array<i32>} : memref<200x128xf32, #tpu.memory_space<vmem>>, vector<1x16xf32>,
      %swap3A_249 = vector.shape_cast %swap3A_248 : vector<1x16xf32> to vector<16xf32>
      %swap3A_250 = vector.shape_cast %get3A_245 : vector<16xf32> to vector<1x16xf32>
      tpu.vector_store %arg8[%swap3A_246, %swap3A_247], %swap3A_250 {add = true, strides = array<i32>} : memref<200x128xf32, #tpu.memory_space<vmem>>, vector<1x16xf32>,
      %add3A_251 = arith.constant 1 : i32
      %add3A_252 = arith.addi %mul3A_122, %add3A_251 : i32
      %add3A_253 = arith.constant 1 : i32
      %add3A_254 = arith.addi %mul3A_122, %add3A_253 : i32
      %get3A_255 = arith.index_cast %add3A_254 : i32 to index
      %get3A_256 = arith.constant 32 : index
      %get3A_257 = tpu.vector_load %arg6[%get3A_255, %get3A_256] {strides = array<i32>} : memref<200x128xf32, #tpu.memory_space<vmem>>, vector<1x16xf32>,
      %get3A_258 = vector.shape_cast %get3A_257 : vector<1x16xf32> to vector<16xf32>
      %swap3A_259 = arith.index_cast %add3A_252 : i32 to index
      %swap3A_260 = arith.constant 32 : index
      %swap3A_261 = tpu.vector_load %arg8[%swap3A_259, %swap3A_260] {strides = array<i32>} : memref<200x128xf32, #tpu.memory_space<vmem>>, vector<1x16xf32>,
      %swap3A_262 = vector.shape_cast %swap3A_261 : vector<1x16xf32> to vector<16xf32>
      %swap3A_263 = vector.shape_cast %get3A_258 : vector<16xf32> to vector<1x16xf32>
      tpu.vector_store %arg8[%swap3A_259, %swap3A_260], %swap3A_263 {add = true, strides = array<i32>} : memref<200x128xf32, #tpu.memory_space<vmem>>, vector<1x16xf32>,
      %add3A_264 = arith.constant 1 : i32
      %add3A_265 = arith.addi %mul3A_122, %add3A_264 : i32
      %add3A_266 = arith.constant 1 : i32
      %add3A_267 = arith.addi %mul3A_122, %add3A_266 : i32
      %get3A_268 = arith.index_cast %add3A_267 : i32 to index
      %get3A_269 = arith.constant 48 : index
      %get3A_270 = tpu.vector_load %arg6[%get3A_268, %get3A_269] {strides = array<i32>} : memref<200x128xf32, #tpu.memory_space<vmem>>, vector<1x16xf32>,
      %get3A_271 = vector.shape_cast %get3A_270 : vector<1x16xf32> to vector<16xf32>
      %swap3A_272 = arith.index_cast %add3A_265 : i32 to index
      %swap3A_273 = arith.constant 48 : index
      %swap3A_274 = tpu.vector_load %arg8[%swap3A_272, %swap3A_273] {strides = array<i32>} : memref<200x128xf32, #tpu.memory_space<vmem>>, vector<1x16xf32>,
      %swap3A_275 = vector.shape_cast %swap3A_274 : vector<1x16xf32> to vector<16xf32>
      %swap3A_276 = vector.shape_cast %get3A_271 : vector<16xf32> to vector<1x16xf32>
      tpu.vector_store %arg8[%swap3A_272, %swap3A_273], %swap3A_276 {add = true, strides = array<i32>} : memref<200x128xf32, #tpu.memory_space<vmem>>, vector<1x16xf32>,
      %add3A_277 = arith.constant 1 : i32
      %add3A_278 = arith.addi %mul3A_122, %add3A_277 : i32
      %add3A_279 = arith.constant 1 : i32
      %add3A_280 = arith.addi %mul3A_122, %add3A_279 : i32
      %get3A_281 = arith.index_cast %add3A_280 : i32 to index
      %get3A_282 = arith.constant 64 : index
      %get3A_283 = tpu.vector_load %arg6[%get3A_281, %get3A_282] {strides = array<i32>} : memref<200x128xf32, #tpu.memory_space<vmem>>, vector<1x16xf32>,
      %get3A_284 = vector.shape_cast %get3A_283 : vector<1x16xf32> to vector<16xf32>
      %swap3A_285 = arith.index_cast %add3A_278 : i32 to index
      %swap3A_286 = arith.constant 64 : index
      %swap3A_287 = tpu.vector_load %arg8[%swap3A_285, %swap3A_286] {strides = array<i32>} : memref<200x128xf32, #tpu.memory_space<vmem>>, vector<1x16xf32>,
      %swap3A_288 = vector.shape_cast %swap3A_287 : vector<1x16xf32> to vector<16xf32>
      %swap3A_289 = vector.shape_cast %get3A_284 : vector<16xf32> to vector<1x16xf32>
      tpu.vector_store %arg8[%swap3A_285, %swap3A_286], %swap3A_289 {add = true, strides = array<i32>} : memref<200x128xf32, #tpu.memory_space<vmem>>, vector<1x16xf32>,
      %add3A_290 = arith.constant 1 : i32
      %add3A_291 = arith.addi %mul3A_122, %add3A_290 : i32
      %add3A_292 = arith.constant 1 : i32
      %add3A_293 = arith.addi %mul3A_122, %add3A_292 : i32
      %get3A_294 = arith.index_cast %add3A_293 : i32 to index
      %get3A_295 = arith.constant 80 : index
      %get3A_296 = tpu.vector_load %arg6[%get3A_294, %get3A_295] {strides = array<i32>} : memref<200x128xf32, #tpu.memory_space<vmem>>, vector<1x16xf32>,
      %get3A_297 = vector.shape_cast %get3A_296 : vector<1x16xf32> to vector<16xf32>
      %swap3A_298 = arith.index_cast %add3A_291 : i32 to index
      %swap3A_299 = arith.constant 80 : index
      %swap3A_300 = tpu.vector_load %arg8[%swap3A_298, %swap3A_299] {strides = array<i32>} : memref<200x128xf32, #tpu.memory_space<vmem>>, vector<1x16xf32>,
      %swap3A_301 = vector.shape_cast %swap3A_300 : vector<1x16xf32> to vector<16xf32>
      %swap3A_302 = vector.shape_cast %get3A_297 : vector<16xf32> to vector<1x16xf32>
      tpu.vector_store %arg8[%swap3A_298, %swap3A_299], %swap3A_302 {add = true, strides = array<i32>} : memref<200x128xf32, #tpu.memory_space<vmem>>, vector<1x16xf32>,
      %add3A_303 = arith.constant 1 : i32
      %add3A_304 = arith.addi %mul3A_122, %add3A_303 : i32
      %add3A_305 = arith.constant 1 : i32
      %add3A_306 = arith.addi %mul3A_122, %add3A_305 : i32
      %get3A_307 = arith.index_cast %add3A_306 : i32 to index
      %get3A_308 = arith.constant 96 : index
      %get3A_309 = tpu.vector_load %arg6[%get3A_307, %get3A_308] {strides = array<i32>} : memref<200x128xf32, #tpu.memory_space<vmem>>, vector<1x16xf32>,
      %get3A_310 = vector.shape_cast %get3A_309 : vector<1x16xf32> to vector<16xf32>
      %swap3A_311 = arith.index_cast %add3A_304 : i32 to index
      %swap3A_312 = arith.constant 96 : index
      %swap3A_313 = tpu.vector_load %arg8[%swap3A_311, %swap3A_312] {strides = array<i32>} : memref<200x128xf32, #tpu.memory_space<vmem>>, vector<1x16xf32>,
      %swap3A_314 = vector.shape_cast %swap3A_313 : vector<1x16xf32> to vector<16xf32>
      %swap3A_315 = vector.shape_cast %get3A_310 : vector<16xf32> to vector<1x16xf32>
      tpu.vector_store %arg8[%swap3A_311, %swap3A_312], %swap3A_315 {add = true, strides = array<i32>} : memref<200x128xf32, #tpu.memory_space<vmem>>, vector<1x16xf32>,
      %add3A_316 = arith.constant 1 : i32
      %add3A_317 = arith.addi %mul3A_122, %add3A_316 : i32
      %add3A_318 = arith.constant 1 : i32
      %add3A_319 = arith.addi %mul3A_122, %add3A_318 : i32
      %get3A_320 = arith.index_cast %add3A_319 : i32 to index
      %get3A_321 = arith.constant 112 : index
      %get3A_322 = tpu.vector_load %arg6[%get3A_320, %get3A_321] {strides = array<i32>} : memref<200x128xf32, #tpu.memory_space<vmem>>, vector<1x16xf32>,
      %get3A_323 = vector.shape_cast %get3A_322 : vector<1x16xf32> to vector<16xf32>
      %swap3A_324 = arith.index_cast %add3A_317 : i32 to index
      %swap3A_325 = arith.constant 112 : index
      %swap3A_326 = tpu.vector_load %arg8[%swap3A_324, %swap3A_325] {strides = array<i32>} : memref<200x128xf32, #tpu.memory_space<vmem>>, vector<1x16xf32>,
      %swap3A_327 = vector.shape_cast %swap3A_326 : vector<1x16xf32> to vector<16xf32>
      %swap3A_328 = vector.shape_cast %get3A_323 : vector<16xf32> to vector<1x16xf32>
      tpu.vector_store %arg8[%swap3A_324, %swap3A_325], %swap3A_328 {add = true, strides = array<i32>} : memref<200x128xf32, #tpu.memory_space<vmem>>, vector<1x16xf32>,
      %add3A_329 = arith.constant 2 : i32
      %add3A_330 = arith.addi %mul3A_122, %add3A_329 : i32
      %add3A_331 = arith.constant 2 : i32
      %add3A_332 = arith.addi %mul3A_122, %add3A_331 : i32
      %get3A_333 = arith.index_cast %add3A_332 : i32 to index
      %get3A_334 = arith.constant 0 : index
      %get3A_335 = tpu.vector_load %arg6[%get3A_333, %get3A_334] {strides = array<i32>} : memref<200x128xf32, #tpu.memory_space<vmem>>, vector<1x16xf32>,
      %get3A_336 = vector.shape_cast %get3A_335 : vector<1x16xf32> to vector<16xf32>
      %swap3A_337 = arith.index_cast %add3A_330 : i32 to index
      %swap3A_338 = arith.constant 0 : index
      %swap3A_339 = tpu.vector_load %arg8[%swap3A_337, %swap3A_338] {strides = array<i32>} : memref<200x128xf32, #tpu.memory_space<vmem>>, vector<1x16xf32>,
      %swap3A_340 = vector.shape_cast %swap3A_339 : vector<1x16xf32> to vector<16xf32>
      %swap3A_341 = vector.shape_cast %get3A_336 : vector<16xf32> to vector<1x16xf32>
      tpu.vector_store %arg8[%swap3A_337, %swap3A_338], %swap3A_341 {add = true, strides = array<i32>} : memref<200x128xf32, #tpu.memory_space<vmem>>, vector<1x16xf32>,
      %add3A_342 = arith.constant 2 : i32
      %add3A_343 = arith.addi %mul3A_122, %add3A_342 : i32
      %add3A_344 = arith.constant 2 : i32
      %add3A_345 = arith.addi %mul3A_122, %add3A_344 : i32
      %get3A_346 = arith.index_cast %add3A_345 : i32 to index
      %get3A_347 = arith.constant 16 : index
      %get3A_348 = tpu.vector_load %arg6[%get3A_346, %get3A_347] {strides = array<i32>} : memref<200x128xf32, #tpu.memory_space<vmem>>, vector<1x16xf32>,
      %get3A_349 = vector.shape_cast %get3A_348 : vector<1x16xf32> to vector<16xf32>
      %swap3A_350 = arith.index_cast %add3A_343 : i32 to index
      %swap3A_351 = arith.constant 16 : index
      %swap3A_352 = tpu.vector_load %arg8[%swap3A_350, %swap3A_351] {strides = array<i32>} : memref<200x128xf32, #tpu.memory_space<vmem>>, vector<1x16xf32>,
      %swap3A_353 = vector.shape_cast %swap3A_352 : vector<1x16xf32> to vector<16xf32>
      %swap3A_354 = vector.shape_cast %get3A_349 : vector<16xf32> to vector<1x16xf32>
      tpu.vector_store %arg8[%swap3A_350, %swap3A_351], %swap3A_354 {add = true, strides = array<i32>} : memref<200x128xf32, #tpu.memory_space<vmem>>, vector<1x16xf32>,
      %add3A_355 = arith.constant 2 : i32
      %add3A_356 = arith.addi %mul3A_122, %add3A_355 : i32
      %add3A_357 = arith.constant 2 : i32
      %add3A_358 = arith.addi %mul3A_122, %add3A_357 : i32
      %get3A_359 = arith.index_cast %add3A_358 : i32 to index
      %get3A_360 = arith.constant 32 : index
      %get3A_361 = tpu.vector_load %arg6[%get3A_359, %get3A_360] {strides = array<i32>} : memref<200x128xf32, #tpu.memory_space<vmem>>, vector<1x16xf32>,
      %get3A_362 = vector.shape_cast %get3A_361 : vector<1x16xf32> to vector<16xf32>
      %swap3A_363 = arith.index_cast %add3A_356 : i32 to index
      %swap3A_364 = arith.constant 32 : index
      %swap3A_365 = tpu.vector_load %arg8[%swap3A_363, %swap3A_364] {strides = array<i32>} : memref<200x128xf32, #tpu.memory_space<vmem>>, vector<1x16xf32>,
      %swap3A_366 = vector.shape_cast %swap3A_365 : vector<1x16xf32> to vector<16xf32>
      %swap3A_367 = vector.shape_cast %get3A_362 : vector<16xf32> to vector<1x16xf32>
      tpu.vector_store %arg8[%swap3A_363, %swap3A_364], %swap3A_367 {add = true, strides = array<i32>} : memref<200x128xf32, #tpu.memory_space<vmem>>, vector<1x16xf32>,
      %add3A_368 = arith.constant 2 : i32
      %add3A_369 = arith.addi %mul3A_122, %add3A_368 : i32
      %add3A_370 = arith.constant 2 : i32
      %add3A_371 = arith.addi %mul3A_122, %add3A_370 : i32
      %get3A_372 = arith.index_cast %add3A_371 : i32 to index
      %get3A_373 = arith.constant 48 : index
      %get3A_374 = tpu.vector_load %arg6[%get3A_372, %get3A_373] {strides = array<i32>} : memref<200x128xf32, #tpu.memory_space<vmem>>, vector<1x16xf32>,
      %get3A_375 = vector.shape_cast %get3A_374 : vector<1x16xf32> to vector<16xf32>
      %swap3A_376 = arith.index_cast %add3A_369 : i32 to index
      %swap3A_377 = arith.constant 48 : index
      %swap3A_378 = tpu.vector_load %arg8[%swap3A_376, %swap3A_377] {strides = array<i32>} : memref<200x128xf32, #tpu.memory_space<vmem>>, vector<1x16xf32>,
      %swap3A_379 = vector.shape_cast %swap3A_378 : vector<1x16xf32> to vector<16xf32>
      %swap3A_380 = vector.shape_cast %get3A_375 : vector<16xf32> to vector<1x16xf32>
      tpu.vector_store %arg8[%swap3A_376, %swap3A_377], %swap3A_380 {add = true, strides = array<i32>} : memref<200x128xf32, #tpu.memory_space<vmem>>, vector<1x16xf32>,
      %add3A_381 = arith.constant 2 : i32
      %add3A_382 = arith.addi %mul3A_122, %add3A_381 : i32
      %add3A_383 = arith.constant 2 : i32
      %add3A_384 = arith.addi %mul3A_122, %add3A_383 : i32
      %get3A_385 = arith.index_cast %add3A_384 : i32 to index
      %get3A_386 = arith.constant 64 : index
      %get3A_387 = tpu.vector_load %arg6[%get3A_385, %get3A_386] {strides = array<i32>} : memref<200x128xf32, #tpu.memory_space<vmem>>, vector<1x16xf32>,
      %get3A_388 = vector.shape_cast %get3A_387 : vector<1x16xf32> to vector<16xf32>
      %swap3A_389 = arith.index_cast %add3A_382 : i32 to index
      %swap3A_390 = arith.constant 64 : index
      %swap3A_391 = tpu.vector_load %arg8[%swap3A_389, %swap3A_390] {strides = array<i32>} : memref<200x128xf32, #tpu.memory_space<vmem>>, vector<1x16xf32>,
      %swap3A_392 = vector.shape_cast %swap3A_391 : vector<1x16xf32> to vector<16xf32>
      %swap3A_393 = vector.shape_cast %get3A_388 : vector<16xf32> to vector<1x16xf32>
      tpu.vector_store %arg8[%swap3A_389, %swap3A_390], %swap3A_393 {add = true, strides = array<i32>} : memref<200x128xf32, #tpu.memory_space<vmem>>, vector<1x16xf32>,
      %add3A_394 = arith.constant 2 : i32
      %add3A_395 = arith.addi %mul3A_122, %add3A_394 : i32
      %add3A_396 = arith.constant 2 : i32
      %add3A_397 = arith.addi %mul3A_122, %add3A_396 : i32
      %get3A_398 = arith.index_cast %add3A_397 : i32 to index
      %get3A_399 = arith.constant 80 : index
      %get3A_400 = tpu.vector_load %arg6[%get3A_398, %get3A_399] {strides = array<i32>} : memref<200x128xf32, #tpu.memory_space<vmem>>, vector<1x16xf32>,
      %get3A_401 = vector.shape_cast %get3A_400 : vector<1x16xf32> to vector<16xf32>
      %swap3A_402 = arith.index_cast %add3A_395 : i32 to index
      %swap3A_403 = arith.constant 80 : index
      %swap3A_404 = tpu.vector_load %arg8[%swap3A_402, %swap3A_403] {strides = array<i32>} : memref<200x128xf32, #tpu.memory_space<vmem>>, vector<1x16xf32>,
      %swap3A_405 = vector.shape_cast %swap3A_404 : vector<1x16xf32> to vector<16xf32>
      %swap3A_406 = vector.shape_cast %get3A_401 : vector<16xf32> to vector<1x16xf32>
      tpu.vector_store %arg8[%swap3A_402, %swap3A_403], %swap3A_406 {add = true, strides = array<i32>} : memref<200x128xf32, #tpu.memory_space<vmem>>, vector<1x16xf32>,
      %add3A_407 = arith.constant 2 : i32
      %add3A_408 = arith.addi %mul3A_122, %add3A_407 : i32
      %add3A_409 = arith.constant 2 : i32
      %add3A_410 = arith.addi %mul3A_122, %add3A_409 : i32
      %get3A_411 = arith.index_cast %add3A_410 : i32 to index
      %get3A_412 = arith.constant 96 : index
      %get3A_413 = tpu.vector_load %arg6[%get3A_411, %get3A_412] {strides = array<i32>} : memref<200x128xf32, #tpu.memory_space<vmem>>, vector<1x16xf32>,
      %get3A_414 = vector.shape_cast %get3A_413 : vector<1x16xf32> to vector<16xf32>
      %swap3A_415 = arith.index_cast %add3A_408 : i32 to index
      %swap3A_416 = arith.constant 96 : index
      %swap3A_417 = tpu.vector_load %arg8[%swap3A_415, %swap3A_416] {strides = array<i32>} : memref<200x128xf32, #tpu.memory_space<vmem>>, vector<1x16xf32>,
      %swap3A_418 = vector.shape_cast %swap3A_417 : vector<1x16xf32> to vector<16xf32>
      %swap3A_419 = vector.shape_cast %get3A_414 : vector<16xf32> to vector<1x16xf32>
      tpu.vector_store %arg8[%swap3A_415, %swap3A_416], %swap3A_419 {add = true, strides = array<i32>} : memref<200x128xf32, #tpu.memory_space<vmem>>, vector<1x16xf32>,
      %add3A_420 = arith.constant 2 : i32
      %add3A_421 = arith.addi %mul3A_122, %add3A_420 : i32
      %add3A_422 = arith.constant 2 : i32
      %add3A_423 = arith.addi %mul3A_122, %add3A_422 : i32
      %get3A_424 = arith.index_cast %add3A_423 : i32 to index
      %get3A_425 = arith.constant 112 : index
      %get3A_426 = tpu.vector_load %arg6[%get3A_424, %get3A_425] {strides = array<i32>} : memref<200x128xf32, #tpu.memory_space<vmem>>, vector<1x16xf32>,
      %get3A_427 = vector.shape_cast %get3A_426 : vector<1x16xf32> to vector<16xf32>
      %swap3A_428 = arith.index_cast %add3A_421 : i32 to index
      %swap3A_429 = arith.constant 112 : index
      %swap3A_430 = tpu.vector_load %arg8[%swap3A_428, %swap3A_429] {strides = array<i32>} : memref<200x128xf32, #tpu.memory_space<vmem>>, vector<1x16xf32>,
      %swap3A_431 = vector.shape_cast %swap3A_430 : vector<1x16xf32> to vector<16xf32>
      %swap3A_432 = vector.shape_cast %get3A_427 : vector<16xf32> to vector<1x16xf32>
      tpu.vector_store %arg8[%swap3A_428, %swap3A_429], %swap3A_432 {add = true, strides = array<i32>} : memref<200x128xf32, #tpu.memory_space<vmem>>, vector<1x16xf32>,
      %add3A_433 = arith.constant 3 : i32
      %add3A_434 = arith.addi %mul3A_122, %add3A_433 : i32
      %add3A_435 = arith.constant 3 : i32
      %add3A_436 = arith.addi %mul3A_122, %add3A_435 : i32
      %get3A_437 = arith.index_cast %add3A_436 : i32 to index
      %get3A_438 = arith.constant 0 : index
      %get3A_439 = tpu.vector_load %arg6[%get3A_437, %get3A_438] {strides = array<i32>} : memref<200x128xf32, #tpu.memory_space<vmem>>, vector<1x16xf32>,
      %get3A_440 = vector.shape_cast %get3A_439 : vector<1x16xf32> to vector<16xf32>
      %swap3A_441 = arith.index_cast %add3A_434 : i32 to index
      %swap3A_442 = arith.constant 0 : index
      %swap3A_443 = tpu.vector_load %arg8[%swap3A_441, %swap3A_442] {strides = array<i32>} : memref<200x128xf32, #tpu.memory_space<vmem>>, vector<1x16xf32>,
      %swap3A_444 = vector.shape_cast %swap3A_443 : vector<1x16xf32> to vector<16xf32>
      %swap3A_445 = vector.shape_cast %get3A_440 : vector<16xf32> to vector<1x16xf32>
      tpu.vector_store %arg8[%swap3A_441, %swap3A_442], %swap3A_445 {add = true, strides = array<i32>} : memref<200x128xf32, #tpu.memory_space<vmem>>, vector<1x16xf32>,
      %add3A_446 = arith.constant 3 : i32
      %add3A_447 = arith.addi %mul3A_122, %add3A_446 : i32
      %add3A_448 = arith.constant 3 : i32
      %add3A_449 = arith.addi %mul3A_122, %add3A_448 : i32
      %get3A_450 = arith.index_cast %add3A_449 : i32 to index
      %get3A_451 = arith.constant 16 : index
      %get3A_452 = tpu.vector_load %arg6[%get3A_450, %get3A_451] {strides = array<i32>} : memref<200x128xf32, #tpu.memory_space<vmem>>, vector<1x16xf32>,
      %get3A_453 = vector.shape_cast %get3A_452 : vector<1x16xf32> to vector<16xf32>
      %swap3A_454 = arith.index_cast %add3A_447 : i32 to index
      %swap3A_455 = arith.constant 16 : index
      %swap3A_456 = tpu.vector_load %arg8[%swap3A_454, %swap3A_455] {strides = array<i32>} : memref<200x128xf32, #tpu.memory_space<vmem>>, vector<1x16xf32>,
      %swap3A_457 = vector.shape_cast %swap3A_456 : vector<1x16xf32> to vector<16xf32>
      %swap3A_458 = vector.shape_cast %get3A_453 : vector<16xf32> to vector<1x16xf32>
      tpu.vector_store %arg8[%swap3A_454, %swap3A_455], %swap3A_458 {add = true, strides = array<i32>} : memref<200x128xf32, #tpu.memory_space<vmem>>, vector<1x16xf32>,
      %add3A_459 = arith.constant 3 : i32
      %add3A_460 = arith.addi %mul3A_122, %add3A_459 : i32
      %add3A_461 = arith.constant 3 : i32
      %add3A_462 = arith.addi %mul3A_122, %add3A_461 : i32
      %get3A_463 = arith.index_cast %add3A_462 : i32 to index
      %get3A_464 = arith.constant 32 : index
      %get3A_465 = tpu.vector_load %arg6[%get3A_463, %get3A_464] {strides = array<i32>} : memref<200x128xf32, #tpu.memory_space<vmem>>, vector<1x16xf32>,
      %get3A_466 = vector.shape_cast %get3A_465 : vector<1x16xf32> to vector<16xf32>
      %swap3A_467 = arith.index_cast %add3A_460 : i32 to index
      %swap3A_468 = arith.constant 32 : index
      %swap3A_469 = tpu.vector_load %arg8[%swap3A_467, %swap3A_468] {strides = array<i32>} : memref<200x128xf32, #tpu.memory_space<vmem>>, vector<1x16xf32>,
      %swap3A_470 = vector.shape_cast %swap3A_469 : vector<1x16xf32> to vector<16xf32>
      %swap3A_471 = vector.shape_cast %get3A_466 : vector<16xf32> to vector<1x16xf32>
      tpu.vector_store %arg8[%swap3A_467, %swap3A_468], %swap3A_471 {add = true, strides = array<i32>} : memref<200x128xf32, #tpu.memory_space<vmem>>, vector<1x16xf32>,
      %add3A_472 = arith.constant 3 : i32
      %add3A_473 = arith.addi %mul3A_122, %add3A_472 : i32
      %add3A_474 = arith.constant 3 : i32
      %add3A_475 = arith.addi %mul3A_122, %add3A_474 : i32
      %get3A_476 = arith.index_cast %add3A_475 : i32 to index
      %get3A_477 = arith.constant 48 : index
      %get3A_478 = tpu.vector_load %arg6[%get3A_476, %get3A_477] {strides = array<i32>} : memref<200x128xf32, #tpu.memory_space<vmem>>, vector<1x16xf32>,
      %get3A_479 = vector.shape_cast %get3A_478 : vector<1x16xf32> to vector<16xf32>
      %swap3A_480 = arith.index_cast %add3A_473 : i32 to index
      %swap3A_481 = arith.constant 48 : index
      %swap3A_482 = tpu.vector_load %arg8[%swap3A_480, %swap3A_481] {strides = array<i32>} : memref<200x128xf32, #tpu.memory_space<vmem>>, vector<1x16xf32>,
      %swap3A_483 = vector.shape_cast %swap3A_482 : vector<1x16xf32> to vector<16xf32>
      %swap3A_484 = vector.shape_cast %get3A_479 : vector<16xf32> to vector<1x16xf32>
      tpu.vector_store %arg8[%swap3A_480, %swap3A_481], %swap3A_484 {add = true, strides = array<i32>} : memref<200x128xf32, #tpu.memory_space<vmem>>, vector<1x16xf32>,
      %add3A_485 = arith.constant 3 : i32
      %add3A_486 = arith.addi %mul3A_122, %add3A_485 : i32
      %add3A_487 = arith.constant 3 : i32
      %add3A_488 = arith.addi %mul3A_122, %add3A_487 : i32
      %get3A_489 = arith.index_cast %add3A_488 : i32 to index
      %get3A_490 = arith.constant 64 : index
      %get3A_491 = tpu.vector_load %arg6[%get3A_489, %get3A_490] {strides = array<i32>} : memref<200x128xf32, #tpu.memory_space<vmem>>, vector<1x16xf32>,
      %get3A_492 = vector.shape_cast %get3A_491 : vector<1x16xf32> to vector<16xf32>
      %swap3A_493 = arith.index_cast %add3A_486 : i32 to index
      %swap3A_494 = arith.constant 64 : index
      %swap3A_495 = tpu.vector_load %arg8[%swap3A_493, %swap3A_494] {strides = array<i32>} : memref<200x128xf32, #tpu.memory_space<vmem>>, vector<1x16xf32>,
      %swap3A_496 = vector.shape_cast %swap3A_495 : vector<1x16xf32> to vector<16xf32>
      %swap3A_497 = vector.shape_cast %get3A_492 : vector<16xf32> to vector<1x16xf32>
      tpu.vector_store %arg8[%swap3A_493, %swap3A_494], %swap3A_497 {add = true, strides = array<i32>} : memref<200x128xf32, #tpu.memory_space<vmem>>, vector<1x16xf32>,
      %add3A_498 = arith.constant 3 : i32
      %add3A_499 = arith.addi %mul3A_122, %add3A_498 : i32
      %add3A_500 = arith.constant 3 : i32
      %add3A_501 = arith.addi %mul3A_122, %add3A_500 : i32
      %get3A_502 = arith.index_cast %add3A_501 : i32 to index
      %get3A_503 = arith.constant 80 : index
      %get3A_504 = tpu.vector_load %arg6[%get3A_502, %get3A_503] {strides = array<i32>} : memref<200x128xf32, #tpu.memory_space<vmem>>, vector<1x16xf32>,
      %get3A_505 = vector.shape_cast %get3A_504 : vector<1x16xf32> to vector<16xf32>
      %swap3A_506 = arith.index_cast %add3A_499 : i32 to index
      %swap3A_507 = arith.constant 80 : index
      %swap3A_508 = tpu.vector_load %arg8[%swap3A_506, %swap3A_507] {strides = array<i32>} : memref<200x128xf32, #tpu.memory_space<vmem>>, vector<1x16xf32>,
      %swap3A_509 = vector.shape_cast %swap3A_508 : vector<1x16xf32> to vector<16xf32>
      %swap3A_510 = vector.shape_cast %get3A_505 : vector<16xf32> to vector<1x16xf32>
      tpu.vector_store %arg8[%swap3A_506, %swap3A_507], %swap3A_510 {add = true, strides = array<i32>} : memref<200x128xf32, #tpu.memory_space<vmem>>, vector<1x16xf32>,
      %add3A_511 = arith.constant 3 : i32
      %add3A_512 = arith.addi %mul3A_122, %add3A_511 : i32
      %add3A_513 = arith.constant 3 : i32
      %add3A_514 = arith.addi %mul3A_122, %add3A_513 : i32
      %get3A_515 = arith.index_cast %add3A_514 : i32 to index
      %get3A_516 = arith.constant 96 : index
      %get3A_517 = tpu.vector_load %arg6[%get3A_515, %get3A_516] {strides = array<i32>} : memref<200x128xf32, #tpu.memory_space<vmem>>, vector<1x16xf32>,
      %get3A_518 = vector.shape_cast %get3A_517 : vector<1x16xf32> to vector<16xf32>
      %swap3A_519 = arith.index_cast %add3A_512 : i32 to index
      %swap3A_520 = arith.constant 96 : index
      %swap3A_521 = tpu.vector_load %arg8[%swap3A_519, %swap3A_520] {strides = array<i32>} : memref<200x128xf32, #tpu.memory_space<vmem>>, vector<1x16xf32>,
      %swap3A_522 = vector.shape_cast %swap3A_521 : vector<1x16xf32> to vector<16xf32>
      %swap3A_523 = vector.shape_cast %get3A_518 : vector<16xf32> to vector<1x16xf32>
      tpu.vector_store %arg8[%swap3A_519, %swap3A_520], %swap3A_523 {add = true, strides = array<i32>} : memref<200x128xf32, #tpu.memory_space<vmem>>, vector<1x16xf32>,
      %add3A_524 = arith.constant 3 : i32
      %add3A_525 = arith.addi %mul3A_122, %add3A_524 : i32
      %add3A_526 = arith.constant 3 : i32
      %add3A_527 = arith.addi %mul3A_122, %add3A_526 : i32
      %get3A_528 = arith.index_cast %add3A_527 : i32 to index
      %get3A_529 = arith.constant 112 : index
      %get3A_530 = tpu.vector_load %arg6[%get3A_528, %get3A_529] {strides = array<i32>} : memref<200x128xf32, #tpu.memory_space<vmem>>, vector<1x16xf32>,
      %get3A_531 = vector.shape_cast %get3A_530 : vector<1x16xf32> to vector<16xf32>
      %swap3A_532 = arith.index_cast %add3A_525 : i32 to index
      %swap3A_533 = arith.constant 112 : index
      %swap3A_534 = tpu.vector_load %arg8[%swap3A_532, %swap3A_533] {strides = array<i32>} : memref<200x128xf32, #tpu.memory_space<vmem>>, vector<1x16xf32>,
      %swap3A_535 = vector.shape_cast %swap3A_534 : vector<1x16xf32> to vector<16xf32>
      %swap3A_536 = vector.shape_cast %get3A_531 : vector<16xf32> to vector<1x16xf32>
      tpu.vector_store %arg8[%swap3A_532, %swap3A_533], %swap3A_536 {add = true, strides = array<i32>} : memref<200x128xf32, #tpu.memory_space<vmem>>, vector<1x16xf32>,
      %add3A_537 = arith.constant 4 : i32
      %add3A_538 = arith.addi %mul3A_122, %add3A_537 : i32
      %add3A_539 = arith.constant 4 : i32
      %add3A_540 = arith.addi %mul3A_122, %add3A_539 : i32
      %get3A_541 = arith.index_cast %add3A_540 : i32 to index
      %get3A_542 = arith.constant 0 : index
      %get3A_543 = tpu.vector_load %arg6[%get3A_541, %get3A_542] {strides = array<i32>} : memref<200x128xf32, #tpu.memory_space<vmem>>, vector<1x16xf32>,
      %get3A_544 = vector.shape_cast %get3A_543 : vector<1x16xf32> to vector<16xf32>
      %swap3A_545 = arith.index_cast %add3A_538 : i32 to index
      %swap3A_546 = arith.constant 0 : index
      %swap3A_547 = tpu.vector_load %arg8[%swap3A_545, %swap3A_546] {strides = array<i32>} : memref<200x128xf32, #tpu.memory_space<vmem>>, vector<1x16xf32>,
      %swap3A_548 = vector.shape_cast %swap3A_547 : vector<1x16xf32> to vector<16xf32>
      %swap3A_549 = vector.shape_cast %get3A_544 : vector<16xf32> to vector<1x16xf32>
      tpu.vector_store %arg8[%swap3A_545, %swap3A_546], %swap3A_549 {add = true, strides = array<i32>} : memref<200x128xf32, #tpu.memory_space<vmem>>, vector<1x16xf32>,
      %add3A_550 = arith.constant 4 : i32
      %add3A_551 = arith.addi %mul3A_122, %add3A_550 : i32
      %add3A_552 = arith.constant 4 : i32
      %add3A_553 = arith.addi %mul3A_122, %add3A_552 : i32
      %get3A_554 = arith.index_cast %add3A_553 : i32 to index
      %get3A_555 = arith.constant 16 : index
      %get3A_556 = tpu.vector_load %arg6[%get3A_554, %get3A_555] {strides = array<i32>} : memref<200x128xf32, #tpu.memory_space<vmem>>, vector<1x16xf32>,
      %get3A_557 = vector.shape_cast %get3A_556 : vector<1x16xf32> to vector<16xf32>
      %swap3A_558 = arith.index_cast %add3A_551 : i32 to index
      %swap3A_559 = arith.constant 16 : index
      %swap3A_560 = tpu.vector_load %arg8[%swap3A_558, %swap3A_559] {strides = array<i32>} : memref<200x128xf32, #tpu.memory_space<vmem>>, vector<1x16xf32>,
      %swap3A_561 = vector.shape_cast %swap3A_560 : vector<1x16xf32> to vector<16xf32>
      %swap3A_562 = vector.shape_cast %get3A_557 : vector<16xf32> to vector<1x16xf32>
      tpu.vector_store %arg8[%swap3A_558, %swap3A_559], %swap3A_562 {add = true, strides = array<i32>} : memref<200x128xf32, #tpu.memory_space<vmem>>, vector<1x16xf32>,
      %add3A_563 = arith.constant 4 : i32
      %add3A_564 = arith.addi %mul3A_122, %add3A_563 : i32
      %add3A_565 = arith.constant 4 : i32
      %add3A_566 = arith.addi %mul3A_122, %add3A_565 : i32
      %get3A_567 = arith.index_cast %add3A_566 : i32 to index
      %get3A_568 = arith.constant 32 : index
      %get3A_569 = tpu.vector_load %arg6[%get3A_567, %get3A_568] {strides = array<i32>} : memref<200x128xf32, #tpu.memory_space<vmem>>, vector<1x16xf32>,
      %get3A_570 = vector.shape_cast %get3A_569 : vector<1x16xf32> to vector<16xf32>
      %swap3A_571 = arith.index_cast %add3A_564 : i32 to index
      %swap3A_572 = arith.constant 32 : index
      %swap3A_573 = tpu.vector_load %arg8[%swap3A_571, %swap3A_572] {strides = array<i32>} : memref<200x128xf32, #tpu.memory_space<vmem>>, vector<1x16xf32>,
      %swap3A_574 = vector.shape_cast %swap3A_573 : vector<1x16xf32> to vector<16xf32>
      %swap3A_575 = vector.shape_cast %get3A_570 : vector<16xf32> to vector<1x16xf32>
      tpu.vector_store %arg8[%swap3A_571, %swap3A_572], %swap3A_575 {add = true, strides = array<i32>} : memref<200x128xf32, #tpu.memory_space<vmem>>, vector<1x16xf32>,
      %add3A_576 = arith.constant 4 : i32
      %add3A_577 = arith.addi %mul3A_122, %add3A_576 : i32
      %add3A_578 = arith.constant 4 : i32
      %add3A_579 = arith.addi %mul3A_122, %add3A_578 : i32
      %get3A_580 = arith.index_cast %add3A_579 : i32 to index
      %get3A_581 = arith.constant 48 : index
      %get3A_582 = tpu.vector_load %arg6[%get3A_580, %get3A_581] {strides = array<i32>} : memref<200x128xf32, #tpu.memory_space<vmem>>, vector<1x16xf32>,
      %get3A_583 = vector.shape_cast %get3A_582 : vector<1x16xf32> to vector<16xf32>
      %swap3A_584 = arith.index_cast %add3A_577 : i32 to index
      %swap3A_585 = arith.constant 48 : index
      %swap3A_586 = tpu.vector_load %arg8[%swap3A_584, %swap3A_585] {strides = array<i32>} : memref<200x128xf32, #tpu.memory_space<vmem>>, vector<1x16xf32>,
      %swap3A_587 = vector.shape_cast %swap3A_586 : vector<1x16xf32> to vector<16xf32>
      %swap3A_588 = vector.shape_cast %get3A_583 : vector<16xf32> to vector<1x16xf32>
      tpu.vector_store %arg8[%swap3A_584, %swap3A_585], %swap3A_588 {add = true, strides = array<i32>} : memref<200x128xf32, #tpu.memory_space<vmem>>, vector<1x16xf32>,
      %add3A_589 = arith.constant 4 : i32
      %add3A_590 = arith.addi %mul3A_122, %add3A_589 : i32
      %add3A_591 = arith.constant 4 : i32
      %add3A_592 = arith.addi %mul3A_122, %add3A_591 : i32
      %get3A_593 = arith.index_cast %add3A_592 : i32 to index
      %get3A_594 = arith.constant 64 : index
      %get3A_595 = tpu.vector_load %arg6[%get3A_593, %get3A_594] {strides = array<i32>} : memref<200x128xf32, #tpu.memory_space<vmem>>, vector<1x16xf32>,
      %get3A_596 = vector.shape_cast %get3A_595 : vector<1x16xf32> to vector<16xf32>
      %swap3A_597 = arith.index_cast %add3A_590 : i32 to index
      %swap3A_598 = arith.constant 64 : index
      %swap3A_599 = tpu.vector_load %arg8[%swap3A_597, %swap3A_598] {strides = array<i32>} : memref<200x128xf32, #tpu.memory_space<vmem>>, vector<1x16xf32>,
      %swap3A_600 = vector.shape_cast %swap3A_599 : vector<1x16xf32> to vector<16xf32>
      %swap3A_601 = vector.shape_cast %get3A_596 : vector<16xf32> to vector<1x16xf32>
      tpu.vector_store %arg8[%swap3A_597, %swap3A_598], %swap3A_601 {add = true, strides = array<i32>} : memref<200x128xf32, #tpu.memory_space<vmem>>, vector<1x16xf32>,
      %add3A_602 = arith.constant 4 : i32
      %add3A_603 = arith.addi %mul3A_122, %add3A_602 : i32
      %add3A_604 = arith.constant 4 : i32
      %add3A_605 = arith.addi %mul3A_122, %add3A_604 : i32
      %get3A_606 = arith.index_cast %add3A_605 : i32 to index
      %get3A_607 = arith.constant 80 : index
      %get3A_608 = tpu.vector_load %arg6[%get3A_606, %get3A_607] {strides = array<i32>} : memref<200x128xf32, #tpu.memory_space<vmem>>, vector<1x16xf32>,
      %get3A_609 = vector.shape_cast %get3A_608 : vector<1x16xf32> to vector<16xf32>
      %swap3A_610 = arith.index_cast %add3A_603 : i32 to index
      %swap3A_611 = arith.constant 80 : index
      %swap3A_612 = tpu.vector_load %arg8[%swap3A_610, %swap3A_611] {strides = array<i32>} : memref<200x128xf32, #tpu.memory_space<vmem>>, vector<1x16xf32>,
      %swap3A_613 = vector.shape_cast %swap3A_612 : vector<1x16xf32> to vector<16xf32>
      %swap3A_614 = vector.shape_cast %get3A_609 : vector<16xf32> to vector<1x16xf32>
      tpu.vector_store %arg8[%swap3A_610, %swap3A_611], %swap3A_614 {add = true, strides = array<i32>} : memref<200x128xf32, #tpu.memory_space<vmem>>, vector<1x16xf32>,
      %add3A_615 = arith.constant 4 : i32
      %add3A_616 = arith.addi %mul3A_122, %add3A_615 : i32
      %add3A_617 = arith.constant 4 : i32
      %add3A_618 = arith.addi %mul3A_122, %add3A_617 : i32
      %get3A_619 = arith.index_cast %add3A_618 : i32 to index
      %get3A_620 = arith.constant 96 : index
      %get3A_621 = tpu.vector_load %arg6[%get3A_619, %get3A_620] {strides = array<i32>} : memref<200x128xf32, #tpu.memory_space<vmem>>, vector<1x16xf32>,
      %get3A_622 = vector.shape_cast %get3A_621 : vector<1x16xf32> to vector<16xf32>
      %swap3A_623 = arith.index_cast %add3A_616 : i32 to index
      %swap3A_624 = arith.constant 96 : index
      %swap3A_625 = tpu.vector_load %arg8[%swap3A_623, %swap3A_624] {strides = array<i32>} : memref<200x128xf32, #tpu.memory_space<vmem>>, vector<1x16xf32>,
      %swap3A_626 = vector.shape_cast %swap3A_625 : vector<1x16xf32> to vector<16xf32>
      %swap3A_627 = vector.shape_cast %get3A_622 : vector<16xf32> to vector<1x16xf32>
      tpu.vector_store %arg8[%swap3A_623, %swap3A_624], %swap3A_627 {add = true, strides = array<i32>} : memref<200x128xf32, #tpu.memory_space<vmem>>, vector<1x16xf32>,
      %add3A_628 = arith.constant 4 : i32
      %add3A_629 = arith.addi %mul3A_122, %add3A_628 : i32
      %add3A_630 = arith.constant 4 : i32
      %add3A_631 = arith.addi %mul3A_122, %add3A_630 : i32
      %get3A_632 = arith.index_cast %add3A_631 : i32 to index
      %get3A_633 = arith.constant 112 : index
      %get3A_634 = tpu.vector_load %arg6[%get3A_632, %get3A_633] {strides = array<i32>} : memref<200x128xf32, #tpu.memory_space<vmem>>, vector<1x16xf32>,
      %get3A_635 = vector.shape_cast %get3A_634 : vector<1x16xf32> to vector<16xf32>
      %swap3A_636 = arith.index_cast %add3A_629 : i32 to index
      %swap3A_637 = arith.constant 112 : index
      %swap3A_638 = tpu.vector_load %arg8[%swap3A_636, %swap3A_637] {strides = array<i32>} : memref<200x128xf32, #tpu.memory_space<vmem>>, vector<1x16xf32>,
      %swap3A_639 = vector.shape_cast %swap3A_638 : vector<1x16xf32> to vector<16xf32>
      %swap3A_640 = vector.shape_cast %get3A_635 : vector<16xf32> to vector<1x16xf32>
      tpu.vector_store %arg8[%swap3A_636, %swap3A_637], %swap3A_640 {add = true, strides = array<i32>} : memref<200x128xf32, #tpu.memory_space<vmem>>, vector<1x16xf32>,
      %add3A_641 = arith.constant 5 : i32
      %add3A_642 = arith.addi %mul3A_122, %add3A_641 : i32
      %add3A_643 = arith.constant 5 : i32
      %add3A_644 = arith.addi %mul3A_122, %add3A_643 : i32
      %get3A_645 = arith.index_cast %add3A_644 : i32 to index
      %get3A_646 = arith.constant 0 : index
      %get3A_647 = tpu.vector_load %arg6[%get3A_645, %get3A_646] {strides = array<i32>} : memref<200x128xf32, #tpu.memory_space<vmem>>, vector<1x16xf32>,
      %get3A_648 = vector.shape_cast %get3A_647 : vector<1x16xf32> to vector<16xf32>
      %swap3A_649 = arith.index_cast %add3A_642 : i32 to index
      %swap3A_650 = arith.constant 0 : index
      %swap3A_651 = tpu.vector_load %arg8[%swap3A_649, %swap3A_650] {strides = array<i32>} : memref<200x128xf32, #tpu.memory_space<vmem>>, vector<1x16xf32>,
      %swap3A_652 = vector.shape_cast %swap3A_651 : vector<1x16xf32> to vector<16xf32>
      %swap3A_653 = vector.shape_cast %get3A_648 : vector<16xf32> to vector<1x16xf32>
      tpu.vector_store %arg8[%swap3A_649, %swap3A_650], %swap3A_653 {add = true, strides = array<i32>} : memref<200x128xf32, #tpu.memory_space<vmem>>, vector<1x16xf32>,
      %add3A_654 = arith.constant 5 : i32
      %add3A_655 = arith.addi %mul3A_122, %add3A_654 : i32
      %add3A_656 = arith.constant 5 : i32
      %add3A_657 = arith.addi %mul3A_122, %add3A_656 : i32
      %get3A_658 = arith.index_cast %add3A_657 : i32 to index
      %get3A_659 = arith.constant 16 : index
      %get3A_660 = tpu.vector_load %arg6[%get3A_658, %get3A_659] {strides = array<i32>} : memref<200x128xf32, #tpu.memory_space<vmem>>, vector<1x16xf32>,
      %get3A_661 = vector.shape_cast %get3A_660 : vector<1x16xf32> to vector<16xf32>
      %swap3A_662 = arith.index_cast %add3A_655 : i32 to index
      %swap3A_663 = arith.constant 16 : index
      %swap3A_664 = tpu.vector_load %arg8[%swap3A_662, %swap3A_663] {strides = array<i32>} : memref<200x128xf32, #tpu.memory_space<vmem>>, vector<1x16xf32>,
      %swap3A_665 = vector.shape_cast %swap3A_664 : vector<1x16xf32> to vector<16xf32>
      %swap3A_666 = vector.shape_cast %get3A_661 : vector<16xf32> to vector<1x16xf32>
      tpu.vector_store %arg8[%swap3A_662, %swap3A_663], %swap3A_666 {add = true, strides = array<i32>} : memref<200x128xf32, #tpu.memory_space<vmem>>, vector<1x16xf32>,
      %add3A_667 = arith.constant 5 : i32
      %add3A_668 = arith.addi %mul3A_122, %add3A_667 : i32
      %add3A_669 = arith.constant 5 : i32
      %add3A_670 = arith.addi %mul3A_122, %add3A_669 : i32
      %get3A_671 = arith.index_cast %add3A_670 : i32 to index
      %get3A_672 = arith.constant 32 : index
      %get3A_673 = tpu.vector_load %arg6[%get3A_671, %get3A_672] {strides = array<i32>} : memref<200x128xf32, #tpu.memory_space<vmem>>, vector<1x16xf32>,
      %get3A_674 = vector.shape_cast %get3A_673 : vector<1x16xf32> to vector<16xf32>
      %swap3A_675 = arith.index_cast %add3A_668 : i32 to index
      %swap3A_676 = arith.constant 32 : index
      %swap3A_677 = tpu.vector_load %arg8[%swap3A_675, %swap3A_676] {strides = array<i32>} : memref<200x128xf32, #tpu.memory_space<vmem>>, vector<1x16xf32>,
      %swap3A_678 = vector.shape_cast %swap3A_677 : vector<1x16xf32> to vector<16xf32>
      %swap3A_679 = vector.shape_cast %get3A_674 : vector<16xf32> to vector<1x16xf32>
      tpu.vector_store %arg8[%swap3A_675, %swap3A_676], %swap3A_679 {add = true, strides = array<i32>} : memref<200x128xf32, #tpu.memory_space<vmem>>, vector<1x16xf32>,
      %add3A_680 = arith.constant 5 : i32
      %add3A_681 = arith.addi %mul3A_122, %add3A_680 : i32
      %add3A_682 = arith.constant 5 : i32
      %add3A_683 = arith.addi %mul3A_122, %add3A_682 : i32
      %get3A_684 = arith.index_cast %add3A_683 : i32 to index
      %get3A_685 = arith.constant 48 : index
      %get3A_686 = tpu.vector_load %arg6[%get3A_684, %get3A_685] {strides = array<i32>} : memref<200x128xf32, #tpu.memory_space<vmem>>, vector<1x16xf32>,
      %get3A_687 = vector.shape_cast %get3A_686 : vector<1x16xf32> to vector<16xf32>
      %swap3A_688 = arith.index_cast %add3A_681 : i32 to index
      %swap3A_689 = arith.constant 48 : index
      %swap3A_690 = tpu.vector_load %arg8[%swap3A_688, %swap3A_689] {strides = array<i32>} : memref<200x128xf32, #tpu.memory_space<vmem>>, vector<1x16xf32>,
      %swap3A_691 = vector.shape_cast %swap3A_690 : vector<1x16xf32> to vector<16xf32>
      %swap3A_692 = vector.shape_cast %get3A_687 : vector<16xf32> to vector<1x16xf32>
      tpu.vector_store %arg8[%swap3A_688, %swap3A_689], %swap3A_692 {add = true, strides = array<i32>} : memref<200x128xf32, #tpu.memory_space<vmem>>, vector<1x16xf32>,
      %add3A_693 = arith.constant 5 : i32
      %add3A_694 = arith.addi %mul3A_122, %add3A_693 : i32
      %add3A_695 = arith.constant 5 : i32
      %add3A_696 = arith.addi %mul3A_122, %add3A_695 : i32
      %get3A_697 = arith.index_cast %add3A_696 : i32 to index
      %get3A_698 = arith.constant 64 : index
      %get3A_699 = tpu.vector_load %arg6[%get3A_697, %get3A_698] {strides = array<i32>} : memref<200x128xf32, #tpu.memory_space<vmem>>, vector<1x16xf32>,
      %get3A_700 = vector.shape_cast %get3A_699 : vector<1x16xf32> to vector<16xf32>
      %swap3A_701 = arith.index_cast %add3A_694 : i32 to index
      %swap3A_702 = arith.constant 64 : index
      %swap3A_703 = tpu.vector_load %arg8[%swap3A_701, %swap3A_702] {strides = array<i32>} : memref<200x128xf32, #tpu.memory_space<vmem>>, vector<1x16xf32>,
      %swap3A_704 = vector.shape_cast %swap3A_703 : vector<1x16xf32> to vector<16xf32>
      %swap3A_705 = vector.shape_cast %get3A_700 : vector<16xf32> to vector<1x16xf32>
      tpu.vector_store %arg8[%swap3A_701, %swap3A_702], %swap3A_705 {add = true, strides = array<i32>} : memref<200x128xf32, #tpu.memory_space<vmem>>, vector<1x16xf32>,
      %add3A_706 = arith.constant 5 : i32
      %add3A_707 = arith.addi %mul3A_122, %add3A_706 : i32
      %add3A_708 = arith.constant 5 : i32
      %add3A_709 = arith.addi %mul3A_122, %add3A_708 : i32
      %get3A_710 = arith.index_cast %add3A_709 : i32 to index
      %get3A_711 = arith.constant 80 : index
      %get3A_712 = tpu.vector_load %arg6[%get3A_710, %get3A_711] {strides = array<i32>} : memref<200x128xf32, #tpu.memory_space<vmem>>, vector<1x16xf32>,
      %get3A_713 = vector.shape_cast %get3A_712 : vector<1x16xf32> to vector<16xf32>
      %swap3A_714 = arith.index_cast %add3A_707 : i32 to index
      %swap3A_715 = arith.constant 80 : index
      %swap3A_716 = tpu.vector_load %arg8[%swap3A_714, %swap3A_715] {strides = array<i32>} : memref<200x128xf32, #tpu.memory_space<vmem>>, vector<1x16xf32>,
      %swap3A_717 = vector.shape_cast %swap3A_716 : vector<1x16xf32> to vector<16xf32>
      %swap3A_718 = vector.shape_cast %get3A_713 : vector<16xf32> to vector<1x16xf32>
      tpu.vector_store %arg8[%swap3A_714, %swap3A_715], %swap3A_718 {add = true, strides = array<i32>} : memref<200x128xf32, #tpu.memory_space<vmem>>, vector<1x16xf32>,
      %add3A_719 = arith.constant 5 : i32
      %add3A_720 = arith.addi %mul3A_122, %add3A_719 : i32
      %add3A_721 = arith.constant 5 : i32
      %add3A_722 = arith.addi %mul3A_122, %add3A_721 : i32
      %get3A_723 = arith.index_cast %add3A_722 : i32 to index
      %get3A_724 = arith.constant 96 : index
      %get3A_725 = tpu.vector_load %arg6[%get3A_723, %get3A_724] {strides = array<i32>} : memref<200x128xf32, #tpu.memory_space<vmem>>, vector<1x16xf32>,
      %get3A_726 = vector.shape_cast %get3A_725 : vector<1x16xf32> to vector<16xf32>
      %swap3A_727 = arith.index_cast %add3A_720 : i32 to index
      %swap3A_728 = arith.constant 96 : index
      %swap3A_729 = tpu.vector_load %arg8[%swap3A_727, %swap3A_728] {strides = array<i32>} : memref<200x128xf32, #tpu.memory_space<vmem>>, vector<1x16xf32>,
      %swap3A_730 = vector.shape_cast %swap3A_729 : vector<1x16xf32> to vector<16xf32>
      %swap3A_731 = vector.shape_cast %get3A_726 : vector<16xf32> to vector<1x16xf32>
      tpu.vector_store %arg8[%swap3A_727, %swap3A_728], %swap3A_731 {add = true, strides = array<i32>} : memref<200x128xf32, #tpu.memory_space<vmem>>, vector<1x16xf32>,
      %add3A_732 = arith.constant 5 : i32
      %add3A_733 = arith.addi %mul3A_122, %add3A_732 : i32
      %add3A_734 = arith.constant 5 : i32
      %add3A_735 = arith.addi %mul3A_122, %add3A_734 : i32
      %get3A_736 = arith.index_cast %add3A_735 : i32 to index
      %get3A_737 = arith.constant 112 : index
      %get3A_738 = tpu.vector_load %arg6[%get3A_736, %get3A_737] {strides = array<i32>} : memref<200x128xf32, #tpu.memory_space<vmem>>, vector<1x16xf32>,
      %get3A_739 = vector.shape_cast %get3A_738 : vector<1x16xf32> to vector<16xf32>
      %swap3A_740 = arith.index_cast %add3A_733 : i32 to index
      %swap3A_741 = arith.constant 112 : index
      %swap3A_742 = tpu.vector_load %arg8[%swap3A_740, %swap3A_741] {strides = array<i32>} : memref<200x128xf32, #tpu.memory_space<vmem>>, vector<1x16xf32>,
      %swap3A_743 = vector.shape_cast %swap3A_742 : vector<1x16xf32> to vector<16xf32>
      %swap3A_744 = vector.shape_cast %get3A_739 : vector<16xf32> to vector<1x16xf32>
      tpu.vector_store %arg8[%swap3A_740, %swap3A_741], %swap3A_744 {add = true, strides = array<i32>} : memref<200x128xf32, #tpu.memory_space<vmem>>, vector<1x16xf32>,
      %add3A_745 = arith.constant 6 : i32
      %add3A_746 = arith.addi %mul3A_122, %add3A_745 : i32
      %add3A_747 = arith.constant 6 : i32
      %add3A_748 = arith.addi %mul3A_122, %add3A_747 : i32
      %get3A_749 = arith.index_cast %add3A_748 : i32 to index
      %get3A_750 = arith.constant 0 : index
      %get3A_751 = tpu.vector_load %arg6[%get3A_749, %get3A_750] {strides = array<i32>} : memref<200x128xf32, #tpu.memory_space<vmem>>, vector<1x16xf32>,
      %get3A_752 = vector.shape_cast %get3A_751 : vector<1x16xf32> to vector<16xf32>
      %swap3A_753 = arith.index_cast %add3A_746 : i32 to index
      %swap3A_754 = arith.constant 0 : index
      %swap3A_755 = tpu.vector_load %arg8[%swap3A_753, %swap3A_754] {strides = array<i32>} : memref<200x128xf32, #tpu.memory_space<vmem>>, vector<1x16xf32>,
      %swap3A_756 = vector.shape_cast %swap3A_755 : vector<1x16xf32> to vector<16xf32>
      %swap3A_757 = vector.shape_cast %get3A_752 : vector<16xf32> to vector<1x16xf32>
      tpu.vector_store %arg8[%swap3A_753, %swap3A_754], %swap3A_757 {add = true, strides = array<i32>} : memref<200x128xf32, #tpu.memory_space<vmem>>, vector<1x16xf32>,
      %add3A_758 = arith.constant 6 : i32
      %add3A_759 = arith.addi %mul3A_122, %add3A_758 : i32
      %add3A_760 = arith.constant 6 : i32
      %add3A_761 = arith.addi %mul3A_122, %add3A_760 : i32
      %get3A_762 = arith.index_cast %add3A_761 : i32 to index
      %get3A_763 = arith.constant 16 : index
      %get3A_764 = tpu.vector_load %arg6[%get3A_762, %get3A_763] {strides = array<i32>} : memref<200x128xf32, #tpu.memory_space<vmem>>, vector<1x16xf32>,
      %get3A_765 = vector.shape_cast %get3A_764 : vector<1x16xf32> to vector<16xf32>
      %swap3A_766 = arith.index_cast %add3A_759 : i32 to index
      %swap3A_767 = arith.constant 16 : index
      %swap3A_768 = tpu.vector_load %arg8[%swap3A_766, %swap3A_767] {strides = array<i32>} : memref<200x128xf32, #tpu.memory_space<vmem>>, vector<1x16xf32>,
      %swap3A_769 = vector.shape_cast %swap3A_768 : vector<1x16xf32> to vector<16xf32>
      %swap3A_770 = vector.shape_cast %get3A_765 : vector<16xf32> to vector<1x16xf32>
      tpu.vector_store %arg8[%swap3A_766, %swap3A_767], %swap3A_770 {add = true, strides = array<i32>} : memref<200x128xf32, #tpu.memory_space<vmem>>, vector<1x16xf32>,
      %add3A_771 = arith.constant 6 : i32
      %add3A_772 = arith.addi %mul3A_122, %add3A_771 : i32
      %add3A_773 = arith.constant 6 : i32
      %add3A_774 = arith.addi %mul3A_122, %add3A_773 : i32
      %get3A_775 = arith.index_cast %add3A_774 : i32 to index
      %get3A_776 = arith.constant 32 : index
      %get3A_777 = tpu.vector_load %arg6[%get3A_775, %get3A_776] {strides = array<i32>} : memref<200x128xf32, #tpu.memory_space<vmem>>, vector<1x16xf32>,
      %get3A_778 = vector.shape_cast %get3A_777 : vector<1x16xf32> to vector<16xf32>
      %swap3A_779 = arith.index_cast %add3A_772 : i32 to index
      %swap3A_780 = arith.constant 32 : index
      %swap3A_781 = tpu.vector_load %arg8[%swap3A_779, %swap3A_780] {strides = array<i32>} : memref<200x128xf32, #tpu.memory_space<vmem>>, vector<1x16xf32>,
      %swap3A_782 = vector.shape_cast %swap3A_781 : vector<1x16xf32> to vector<16xf32>
      %swap3A_783 = vector.shape_cast %get3A_778 : vector<16xf32> to vector<1x16xf32>
      tpu.vector_store %arg8[%swap3A_779, %swap3A_780], %swap3A_783 {add = true, strides = array<i32>} : memref<200x128xf32, #tpu.memory_space<vmem>>, vector<1x16xf32>,
      %add3A_784 = arith.constant 6 : i32
      %add3A_785 = arith.addi %mul3A_122, %add3A_784 : i32
      %add3A_786 = arith.constant 6 : i32
      %add3A_787 = arith.addi %mul3A_122, %add3A_786 : i32
      %get3A_788 = arith.index_cast %add3A_787 : i32 to index
      %get3A_789 = arith.constant 48 : index
      %get3A_790 = tpu.vector_load %arg6[%get3A_788, %get3A_789] {strides = array<i32>} : memref<200x128xf32, #tpu.memory_space<vmem>>, vector<1x16xf32>,
      %get3A_791 = vector.shape_cast %get3A_790 : vector<1x16xf32> to vector<16xf32>
      %swap3A_792 = arith.index_cast %add3A_785 : i32 to index
      %swap3A_793 = arith.constant 48 : index
      %swap3A_794 = tpu.vector_load %arg8[%swap3A_792, %swap3A_793] {strides = array<i32>} : memref<200x128xf32, #tpu.memory_space<vmem>>, vector<1x16xf32>,
      %swap3A_795 = vector.shape_cast %swap3A_794 : vector<1x16xf32> to vector<16xf32>
      %swap3A_796 = vector.shape_cast %get3A_791 : vector<16xf32> to vector<1x16xf32>
      tpu.vector_store %arg8[%swap3A_792, %swap3A_793], %swap3A_796 {add = true, strides = array<i32>} : memref<200x128xf32, #tpu.memory_space<vmem>>, vector<1x16xf32>,
      %add3A_797 = arith.constant 6 : i32
      %add3A_798 = arith.addi %mul3A_122, %add3A_797 : i32
      %add3A_799 = arith.constant 6 : i32
      %add3A_800 = arith.addi %mul3A_122, %add3A_799 : i32
      %get3A_801 = arith.index_cast %add3A_800 : i32 to index
      %get3A_802 = arith.constant 64 : index
      %get3A_803 = tpu.vector_load %arg6[%get3A_801, %get3A_802] {strides = array<i32>} : memref<200x128xf32, #tpu.memory_space<vmem>>, vector<1x16xf32>,
      %get3A_804 = vector.shape_cast %get3A_803 : vector<1x16xf32> to vector<16xf32>
      %swap3A_805 = arith.index_cast %add3A_798 : i32 to index
      %swap3A_806 = arith.constant 64 : index
      %swap3A_807 = tpu.vector_load %arg8[%swap3A_805, %swap3A_806] {strides = array<i32>} : memref<200x128xf32, #tpu.memory_space<vmem>>, vector<1x16xf32>,
      %swap3A_808 = vector.shape_cast %swap3A_807 : vector<1x16xf32> to vector<16xf32>
      %swap3A_809 = vector.shape_cast %get3A_804 : vector<16xf32> to vector<1x16xf32>
      tpu.vector_store %arg8[%swap3A_805, %swap3A_806], %swap3A_809 {add = true, strides = array<i32>} : memref<200x128xf32, #tpu.memory_space<vmem>>, vector<1x16xf32>,
      %add3A_810 = arith.constant 6 : i32
      %add3A_811 = arith.addi %mul3A_122, %add3A_810 : i32
      %add3A_812 = arith.constant 6 : i32
      %add3A_813 = arith.addi %mul3A_122, %add3A_812 : i32
      %get3A_814 = arith.index_cast %add3A_813 : i32 to index
      %get3A_815 = arith.constant 80 : index
      %get3A_816 = tpu.vector_load %arg6[%get3A_814, %get3A_815] {strides = array<i32>} : memref<200x128xf32, #tpu.memory_space<vmem>>, vector<1x16xf32>,
      %get3A_817 = vector.shape_cast %get3A_816 : vector<1x16xf32> to vector<16xf32>
      %swap3A_818 = arith.index_cast %add3A_811 : i32 to index
      %swap3A_819 = arith.constant 80 : index
      %swap3A_820 = tpu.vector_load %arg8[%swap3A_818, %swap3A_819] {strides = array<i32>} : memref<200x128xf32, #tpu.memory_space<vmem>>, vector<1x16xf32>,
      %swap3A_821 = vector.shape_cast %swap3A_820 : vector<1x16xf32> to vector<16xf32>
      %swap3A_822 = vector.shape_cast %get3A_817 : vector<16xf32> to vector<1x16xf32>
      tpu.vector_store %arg8[%swap3A_818, %swap3A_819], %swap3A_822 {add = true, strides = array<i32>} : memref<200x128xf32, #tpu.memory_space<vmem>>, vector<1x16xf32>,
      %add3A_823 = arith.constant 6 : i32
      %add3A_824 = arith.addi %mul3A_122, %add3A_823 : i32
      %add3A_825 = arith.constant 6 : i32
      %add3A_826 = arith.addi %mul3A_122, %add3A_825 : i32
      %get3A_827 = arith.index_cast %add3A_826 : i32 to index
      %get3A_828 = arith.constant 96 : index
      %get3A_829 = tpu.vector_load %arg6[%get3A_827, %get3A_828] {strides = array<i32>} : memref<200x128xf32, #tpu.memory_space<vmem>>, vector<1x16xf32>,
      %get3A_830 = vector.shape_cast %get3A_829 : vector<1x16xf32> to vector<16xf32>
      %swap3A_831 = arith.index_cast %add3A_824 : i32 to index
      %swap3A_832 = arith.constant 96 : index
      %swap3A_833 = tpu.vector_load %arg8[%swap3A_831, %swap3A_832] {strides = array<i32>} : memref<200x128xf32, #tpu.memory_space<vmem>>, vector<1x16xf32>,
      %swap3A_834 = vector.shape_cast %swap3A_833 : vector<1x16xf32> to vector<16xf32>
      %swap3A_835 = vector.shape_cast %get3A_830 : vector<16xf32> to vector<1x16xf32>
      tpu.vector_store %arg8[%swap3A_831, %swap3A_832], %swap3A_835 {add = true, strides = array<i32>} : memref<200x128xf32, #tpu.memory_space<vmem>>, vector<1x16xf32>,
      %add3A_836 = arith.constant 6 : i32
      %add3A_837 = arith.addi %mul3A_122, %add3A_836 : i32
      %add3A_838 = arith.constant 6 : i32
      %add3A_839 = arith.addi %mul3A_122, %add3A_838 : i32
      %get3A_840 = arith.index_cast %add3A_839 : i32 to index
      %get3A_841 = arith.constant 112 : index
      %get3A_842 = tpu.vector_load %arg6[%get3A_840, %get3A_841] {strides = array<i32>} : memref<200x128xf32, #tpu.memory_space<vmem>>, vector<1x16xf32>,
      %get3A_843 = vector.shape_cast %get3A_842 : vector<1x16xf32> to vector<16xf32>
      %swap3A_844 = arith.index_cast %add3A_837 : i32 to index
      %swap3A_845 = arith.constant 112 : index
      %swap3A_846 = tpu.vector_load %arg8[%swap3A_844, %swap3A_845] {strides = array<i32>} : memref<200x128xf32, #tpu.memory_space<vmem>>, vector<1x16xf32>,
      %swap3A_847 = vector.shape_cast %swap3A_846 : vector<1x16xf32> to vector<16xf32>
      %swap3A_848 = vector.shape_cast %get3A_843 : vector<16xf32> to vector<1x16xf32>
      tpu.vector_store %arg8[%swap3A_844, %swap3A_845], %swap3A_848 {add = true, strides = array<i32>} : memref<200x128xf32, #tpu.memory_space<vmem>>, vector<1x16xf32>,
      %add3A_849 = arith.constant 7 : i32
      %add3A_850 = arith.addi %mul3A_122, %add3A_849 : i32
      %add3A_851 = arith.constant 7 : i32
      %add3A_852 = arith.addi %mul3A_122, %add3A_851 : i32
      %get3A_853 = arith.index_cast %add3A_852 : i32 to index
      %get3A_854 = arith.constant 0 : index
      %get3A_855 = tpu.vector_load %arg6[%get3A_853, %get3A_854] {strides = array<i32>} : memref<200x128xf32, #tpu.memory_space<vmem>>, vector<1x16xf32>,
      %get3A_856 = vector.shape_cast %get3A_855 : vector<1x16xf32> to vector<16xf32>
      %swap3A_857 = arith.index_cast %add3A_850 : i32 to index
      %swap3A_858 = arith.constant 0 : index
      %swap3A_859 = tpu.vector_load %arg8[%swap3A_857, %swap3A_858] {strides = array<i32>} : memref<200x128xf32, #tpu.memory_space<vmem>>, vector<1x16xf32>,
      %swap3A_860 = vector.shape_cast %swap3A_859 : vector<1x16xf32> to vector<16xf32>
      %swap3A_861 = vector.shape_cast %get3A_856 : vector<16xf32> to vector<1x16xf32>
      tpu.vector_store %arg8[%swap3A_857, %swap3A_858], %swap3A_861 {add = true, strides = array<i32>} : memref<200x128xf32, #tpu.memory_space<vmem>>, vector<1x16xf32>,
      %add3A_862 = arith.constant 7 : i32
      %add3A_863 = arith.addi %mul3A_122, %add3A_862 : i32
      %add3A_864 = arith.constant 7 : i32
      %add3A_865 = arith.addi %mul3A_122, %add3A_864 : i32
      %get3A_866 = arith.index_cast %add3A_865 : i32 to index
      %get3A_867 = arith.constant 16 : index
      %get3A_868 = tpu.vector_load %arg6[%get3A_866, %get3A_867] {strides = array<i32>} : memref<200x128xf32, #tpu.memory_space<vmem>>, vector<1x16xf32>,
      %get3A_869 = vector.shape_cast %get3A_868 : vector<1x16xf32> to vector<16xf32>
      %swap3A_870 = arith.index_cast %add3A_863 : i32 to index
      %swap3A_871 = arith.constant 16 : index
      %swap3A_872 = tpu.vector_load %arg8[%swap3A_870, %swap3A_871] {strides = array<i32>} : memref<200x128xf32, #tpu.memory_space<vmem>>, vector<1x16xf32>,
      %swap3A_873 = vector.shape_cast %swap3A_872 : vector<1x16xf32> to vector<16xf32>
      %swap3A_874 = vector.shape_cast %get3A_869 : vector<16xf32> to vector<1x16xf32>
      tpu.vector_store %arg8[%swap3A_870, %swap3A_871], %swap3A_874 {add = true, strides = array<i32>} : memref<200x128xf32, #tpu.memory_space<vmem>>, vector<1x16xf32>,
      %add3A_875 = arith.constant 7 : i32
      %add3A_876 = arith.addi %mul3A_122, %add3A_875 : i32
      %add3A_877 = arith.constant 7 : i32
      %add3A_878 = arith.addi %mul3A_122, %add3A_877 : i32
      %get3A_879 = arith.index_cast %add3A_878 : i32 to index
      %get3A_880 = arith.constant 32 : index
      %get3A_881 = tpu.vector_load %arg6[%get3A_879, %get3A_880] {strides = array<i32>} : memref<200x128xf32, #tpu.memory_space<vmem>>, vector<1x16xf32>,
      %get3A_882 = vector.shape_cast %get3A_881 : vector<1x16xf32> to vector<16xf32>
      %swap3A_883 = arith.index_cast %add3A_876 : i32 to index
      %swap3A_884 = arith.constant 32 : index
      %swap3A_885 = tpu.vector_load %arg8[%swap3A_883, %swap3A_884] {strides = array<i32>} : memref<200x128xf32, #tpu.memory_space<vmem>>, vector<1x16xf32>,
      %swap3A_886 = vector.shape_cast %swap3A_885 : vector<1x16xf32> to vector<16xf32>
      %swap3A_887 = vector.shape_cast %get3A_882 : vector<16xf32> to vector<1x16xf32>
      tpu.vector_store %arg8[%swap3A_883, %swap3A_884], %swap3A_887 {add = true, strides = array<i32>} : memref<200x128xf32, #tpu.memory_space<vmem>>, vector<1x16xf32>,
      %add3A_888 = arith.constant 7 : i32
      %add3A_889 = arith.addi %mul3A_122, %add3A_888 : i32
      %add3A_890 = arith.constant 7 : i32
      %add3A_891 = arith.addi %mul3A_122, %add3A_890 : i32
      %get3A_892 = arith.index_cast %add3A_891 : i32 to index
      %get3A_893 = arith.constant 48 : index
      %get3A_894 = tpu.vector_load %arg6[%get3A_892, %get3A_893] {strides = array<i32>} : memref<200x128xf32, #tpu.memory_space<vmem>>, vector<1x16xf32>,
      %get3A_895 = vector.shape_cast %get3A_894 : vector<1x16xf32> to vector<16xf32>
      %swap3A_896 = arith.index_cast %add3A_889 : i32 to index
      %swap3A_897 = arith.constant 48 : index
      %swap3A_898 = tpu.vector_load %arg8[%swap3A_896, %swap3A_897] {strides = array<i32>} : memref<200x128xf32, #tpu.memory_space<vmem>>, vector<1x16xf32>,
      %swap3A_899 = vector.shape_cast %swap3A_898 : vector<1x16xf32> to vector<16xf32>
      %swap3A_900 = vector.shape_cast %get3A_895 : vector<16xf32> to vector<1x16xf32>
      tpu.vector_store %arg8[%swap3A_896, %swap3A_897], %swap3A_900 {add = true, strides = array<i32>} : memref<200x128xf32, #tpu.memory_space<vmem>>, vector<1x16xf32>,
      %add3A_901 = arith.constant 7 : i32
      %add3A_902 = arith.addi %mul3A_122, %add3A_901 : i32
      %add3A_903 = arith.constant 7 : i32
      %add3A_904 = arith.addi %mul3A_122, %add3A_903 : i32
      %get3A_905 = arith.index_cast %add3A_904 : i32 to index
      %get3A_906 = arith.constant 64 : index
      %get3A_907 = tpu.vector_load %arg6[%get3A_905, %get3A_906] {strides = array<i32>} : memref<200x128xf32, #tpu.memory_space<vmem>>, vector<1x16xf32>,
      %get3A_908 = vector.shape_cast %get3A_907 : vector<1x16xf32> to vector<16xf32>
      %swap3A_909 = arith.index_cast %add3A_902 : i32 to index
      %swap3A_910 = arith.constant 64 : index
      %swap3A_911 = tpu.vector_load %arg8[%swap3A_909, %swap3A_910] {strides = array<i32>} : memref<200x128xf32, #tpu.memory_space<vmem>>, vector<1x16xf32>,
      %swap3A_912 = vector.shape_cast %swap3A_911 : vector<1x16xf32> to vector<16xf32>
      %swap3A_913 = vector.shape_cast %get3A_908 : vector<16xf32> to vector<1x16xf32>
      tpu.vector_store %arg8[%swap3A_909, %swap3A_910], %swap3A_913 {add = true, strides = array<i32>} : memref<200x128xf32, #tpu.memory_space<vmem>>, vector<1x16xf32>,
      %add3A_914 = arith.constant 7 : i32
      %add3A_915 = arith.addi %mul3A_122, %add3A_914 : i32
      %add3A_916 = arith.constant 7 : i32
      %add3A_917 = arith.addi %mul3A_122, %add3A_916 : i32
      %get3A_918 = arith.index_cast %add3A_917 : i32 to index
      %get3A_919 = arith.constant 80 : index
      %get3A_920 = tpu.vector_load %arg6[%get3A_918, %get3A_919] {strides = array<i32>} : memref<200x128xf32, #tpu.memory_space<vmem>>, vector<1x16xf32>,
      %get3A_921 = vector.shape_cast %get3A_920 : vector<1x16xf32> to vector<16xf32>
      %swap3A_922 = arith.index_cast %add3A_915 : i32 to index
      %swap3A_923 = arith.constant 80 : index
      %swap3A_924 = tpu.vector_load %arg8[%swap3A_922, %swap3A_923] {strides = array<i32>} : memref<200x128xf32, #tpu.memory_space<vmem>>, vector<1x16xf32>,
      %swap3A_925 = vector.shape_cast %swap3A_924 : vector<1x16xf32> to vector<16xf32>
      %swap3A_926 = vector.shape_cast %get3A_921 : vector<16xf32> to vector<1x16xf32>
      tpu.vector_store %arg8[%swap3A_922, %swap3A_923], %swap3A_926 {add = true, strides = array<i32>} : memref<200x128xf32, #tpu.memory_space<vmem>>, vector<1x16xf32>,
      %add3A_927 = arith.constant 7 : i32
      %add3A_928 = arith.addi %mul3A_122, %add3A_927 : i32
      %add3A_929 = arith.constant 7 : i32
      %add3A_930 = arith.addi %mul3A_122, %add3A_929 : i32
      %get3A_931 = arith.index_cast %add3A_930 : i32 to index
      %get3A_932 = arith.constant 96 : index
      %get3A_933 = tpu.vector_load %arg6[%get3A_931, %get3A_932] {strides = array<i32>} : memref<200x128xf32, #tpu.memory_space<vmem>>, vector<1x16xf32>,
      %get3A_934 = vector.shape_cast %get3A_933 : vector<1x16xf32> to vector<16xf32>
      %swap3A_935 = arith.index_cast %add3A_928 : i32 to index
      %swap3A_936 = arith.constant 96 : index
      %swap3A_937 = tpu.vector_load %arg8[%swap3A_935, %swap3A_936] {strides = array<i32>} : memref<200x128xf32, #tpu.memory_space<vmem>>, vector<1x16xf32>,
      %swap3A_938 = vector.shape_cast %swap3A_937 : vector<1x16xf32> to vector<16xf32>
      %swap3A_939 = vector.shape_cast %get3A_934 : vector<16xf32> to vector<1x16xf32>
      tpu.vector_store %arg8[%swap3A_935, %swap3A_936], %swap3A_939 {add = true, strides = array<i32>} : memref<200x128xf32, #tpu.memory_space<vmem>>, vector<1x16xf32>,
      %add3A_940 = arith.constant 7 : i32
      %add3A_941 = arith.addi %mul3A_122, %add3A_940 : i32
      %add3A_942 = arith.constant 7 : i32
      %add3A_943 = arith.addi %mul3A_122, %add3A_942 : i32
      %get3A_944 = arith.index_cast %add3A_943 : i32 to index
      %get3A_945 = arith.constant 112 : index
      %get3A_946 = tpu.vector_load %arg6[%get3A_944, %get3A_945] {strides = array<i32>} : memref<200x128xf32, #tpu.memory_space<vmem>>, vector<1x16xf32>,
      %get3A_947 = vector.shape_cast %get3A_946 : vector<1x16xf32> to vector<16xf32>
      %swap3A_948 = arith.index_cast %add3A_941 : i32 to index
      %swap3A_949 = arith.constant 112 : index
      %swap3A_950 = tpu.vector_load %arg8[%swap3A_948, %swap3A_949] {strides = array<i32>} : memref<200x128xf32, #tpu.memory_space<vmem>>, vector<1x16xf32>,
      %swap3A_951 = vector.shape_cast %swap3A_950 : vector<1x16xf32> to vector<16xf32>
      %swap3A_952 = vector.shape_cast %get3A_947 : vector<16xf32> to vector<1x16xf32>
      tpu.vector_store %arg8[%swap3A_948, %swap3A_949], %swap3A_952 {add = true, strides = array<i32>} : memref<200x128xf32, #tpu.memory_space<vmem>>, vector<1x16xf32>,
    }
    %scan3A_91 = arith.constant 25 : i32
    %mul3A_92 = arith.constant 128 : i32
    %mul3A_93 = arith.muli %add3A, %mul3A_92 : i32
    %add3A_94 = arith.constant 127 : i32
    %add3A_95 = arith.addi %mul3A_93, %add3A_94 : i32
    %mul3A_96 = arith.constant 200 : i32
    %mul3A_97 = arith.muli %add3A_95, %mul3A_96 : i32
    %dma_start3A_98 = arith.constant 0 : i32
    %dma_start3A_99 = tpu.memref_slice %arg5[%mul3A_97, %dma_start3A_98] : memref<819200x128xf32, #tpu.memory_space<hbm>> -> memref<200x128xf32, #tpu.memory_space<hbm>>
    %dma_start3A_100 = arith.constant 0 : i32
    %dma_start3A_101 = tpu.memref_slice %arg5[%mul3A_97, %dma_start3A_100] : memref<819200x128xf32, #tpu.memory_space<hbm>> -> memref<200x128xf32, #tpu.memory_space<hbm>>
    tpu.enqueue_dma source(%arg8 : memref<200x128xf32, #tpu.memory_space<vmem>>) target(%dma_start3A_101 : memref<200x128xf32, #tpu.memory_space<hbm>>) target_semaphore(%arg17 : memref<!tpu.dma_semaphore, #tpu.memory_space<semaphore_mem>>)
    %dma_wait3A_102 = arith.constant 0 : i32
    %dma_wait3A_103 = arith.constant 0 : i32
    %dma_wait3A_104 = tpu.memref_slice %arg5[%dma_wait3A_102, %dma_wait3A_103] : memref<819200x128xf32, #tpu.memory_space<hbm>> -> memref<200x128xf32, #tpu.memory_space<hbm>>
    %dma_wait3A_105 = arith.constant 0 : i32
    %dma_wait3A_106 = arith.constant 0 : i32
    %dma_wait3A_107 = tpu.memref_slice %arg5[%dma_wait3A_105, %dma_wait3A_106] : memref<819200x128xf32, #tpu.memory_space<hbm>> -> memref<200x128xf32, #tpu.memory_space<hbm>>
    tpu.wait_dma2 semaphore(%arg18 : memref<!tpu.dma_semaphore, #tpu.memory_space<semaphore_mem>>) src(%arg9 : memref<200x128xf32, #tpu.memory_space<vmem>>) dst(%dma_wait3A_107 : memref<200x128xf32, #tpu.memory_space<hbm>>)
    %dma_wait3A_108 = arith.constant 0 : i32
    %dma_wait3A_109 = arith.constant 0 : i32
    %dma_wait3A_110 = tpu.memref_slice %arg5[%dma_wait3A_108, %dma_wait3A_109] : memref<819200x128xf32, #tpu.memory_space<hbm>> -> memref<200x128xf32, #tpu.memory_space<hbm>>
    %dma_wait3A_111 = arith.constant 0 : i32
    %dma_wait3A_112 = arith.constant 0 : i32
    %dma_wait3A_113 = tpu.memref_slice %arg5[%dma_wait3A_111, %dma_wait3A_112] : memref<819200x128xf32, #tpu.memory_space<hbm>> -> memref<200x128xf32, #tpu.memory_space<hbm>>
    tpu.wait_dma2 semaphore(%arg16 : memref<!tpu.dma_semaphore, #tpu.memory_space<semaphore_mem>>) src(%arg7 : memref<200x128xf32, #tpu.memory_space<vmem>>) dst(%dma_wait3A_113 : memref<200x128xf32, #tpu.memory_space<hbm>>)
    %dma_wait3A_114 = arith.constant 0 : i32
    %dma_wait3A_115 = arith.constant 0 : i32
    %dma_wait3A_116 = tpu.memref_slice %arg5[%dma_wait3A_114, %dma_wait3A_115] : memref<819200x128xf32, #tpu.memory_space<hbm>> -> memref<200x128xf32, #tpu.memory_space<hbm>>
    %dma_wait3A_117 = arith.constant 0 : i32
    %dma_wait3A_118 = arith.constant 0 : i32
    %dma_wait3A_119 = tpu.memref_slice %arg5[%dma_wait3A_117, %dma_wait3A_118] : memref<819200x128xf32, #tpu.memory_space<hbm>> -> memref<200x128xf32, #tpu.memory_space<hbm>>
    tpu.wait_dma2 semaphore(%arg17 : memref<!tpu.dma_semaphore, #tpu.memory_space<semaphore_mem>>) src(%arg8 : memref<200x128xf32, #tpu.memory_space<vmem>>) dst(%dma_wait3A_119 : memref<200x128xf32, #tpu.memory_space<hbm>>)
    return
  }
}

</mosaic_0001>

<sc_bundles>
// kernel: _run.3.cloned.1.call-start
scs
__scs_entry_jumppad:
0x0: {  	(pc) =	sbr.rel $0x88, $3  }
0x1: {  	(tag) =	ssettag $0x0;
	lr =	simm.s32 $0x1  }
0x2: {  	[smem:$0x3F9E] =	sst lr;
	_ =	strace $0xD0000000  }
0x3: {  	_ = 	snop  }
0x4: {  	_ = 	snop  }
0x5: {  	_ = 	snop  }
0x6: {  	_ = 	snop  }
0x7: {  	_ = 	snop  }
__scs_overlays_trampoline_lowered:
0x8: {  	[smem:$0x3FAD] =	sst s0  }
0x9: {  	[smem:$0x3FAE] =	sst s1  }
0xa: {  	[smem:$0x3FAF] =	sst s2  }
0xb: {  	[smem:$0x3FB0] =	sst s3  }
0xc: {  	[smem:$0x3FB1] =	sst s4  }
0xd: {  	[smem:$0x3FB2] =	sst s5  }
0xe: {  	[smem:$0x3FB3] =	sst s6  }
0xf: {  	[smem:$0x3FB4] =	sst s7  }
0x10: {  	[smem:$0x3FB5] =	sst s8  }
0x11: {  	[smem:$0x3FB6] =	sst s9;
	s0 =	simm.s32 @!p0 $0x0  }
0x12: {  	s1 =	sld [smem:$0x3F9C];
	s0 =	simm.s32 @p0 $0x1  }
0x13: {  	[smem:$0x3FB7] =	sst s0;
	s0 =	simm.s32 @!p1 $0x0  }
0x14: {  	s2 =	sld [smem:$0x3F9B];
	s0 =	simm.s32 @p1 $0x1  }
0x15: {  	[smem:$0x3FB8] =	sst s0;
	s0 =	simm.s32 @!p2 $0x0  }
0x16: {  	s3 =	sld [smem:$0x3FDB];
	s0 =	simm.s32 @p2 $0x1  }
0x17: {  	s4 =	simm.s32 $0x1BF5;
	[smem:$0x3FBA] =	sst s0  }
0x18: {  	s0 =	sld [smem:$0x3F9D];
	_ =	swait.ge [sflag:s4], $0x0  }
0x19: {  	s7 =	sld [smem:$0x3F9E]  }
0x1a: {  	s8 =	sadd.s32 $0xFFFFE003, lr  }
0x1b: {  	s9 =	sadd.s32 $0xFFFFFEF7, lr;
	s5 =	simm.s32 $0xFFFFFFFF;
	p2 =	slt.u32 s8, $0xFFFFF086  }
0x1c: {  	p1 =	slt.u32 s9, $0xF7A;
	s5 =	simm.s32 @!p2 $0x0  }
0x1d: {  	s5 =	simm.s32 @p1 $0x1;
	p0 =	seq.s32 s7, s2  }
0x1e: {  	s7 =	smul.u32 @!p0 $0xF7A, s2;
	p2 =	seq.s32 @!p0 s5, $0x0  }
0x1f: {  	s9 =	smul.u32 $0xF7A, s1;
	s8 =	simm.s32 @!p0 $0x1BF5;
	p2 =	por !p2, p0  }
0x20: {  	[sflag:s8] =	ssyncset.s32 @!p0 $0xFFFFF086;
	s6 =	sadd.s32 @!p0 s3, s7;
	s7 =	simm.s32 @!p0 $0x108  }
0x21: {  	s3 =	sadd.s32 s3, s9;
	s6 =	sadd.s32 @!p0 $0x88, s6;
	s7 =	simm.s32 @p2 $0x1082  }
0x22: {  	[simem:s7], [sflag:s8] =	dma.local @!p0 [hbm:s6], $0xF7A  }
0x23: {  	s9 =	sor.u32 $0xD0000000, s2;
	s6 =	simm.s32 $0x108;
	_ =	swait.ge @!p0 [sflag:s8], $0x0  }
0x24: {  	s3 =	sadd.s32 $0x88, s3;
	s6 =	simm.s32 @!p1 $0x1082;
	[sflag:s4] =	ssyncset.s32 $0xFFFFF086  }
0x25: {  	[simem:s6], [sflag:s4] =	dma.local [hbm:s3], $0xF7A  }
0x26: {  	[smem:$0x3F9E] =	sst s1;
	(tag) =	ssettag s2;
	_ =	strace s9  }
0x27: {  	s1 =	sld [smem:$0x3FAE]  }
0x28: {  	s2 =	sld [smem:$0x3FAF]  }
0x29: {  	s4 =	sld [smem:$0x3FB1]  }
0x2a: {  	p0 =	seq.s32 s5, $0x0;
	s5 =	sld [smem:$0x3FB2]  }
0x2b: {  	s6 =	sld [smem:$0x3FB3]  }
0x2c: {  	s7 =	sld [smem:$0x3FB4]  }
0x2d: {  	s3 =	simm.s32 $0x108;
	s8 =	sld [smem:$0x3FB5]  }
0x2e: {  	s3 =	simm.s32 @!p0 $0x1082;
	s9 =	sld [smem:$0x3FB6]  }
0x2f: {  	lr =	sadd.s32 s0, s3;
	s0 =	sld [smem:$0x3FAD]  }
0x30: {  	s3 =	sld [smem:$0x3FB0]  }
0x31: {  	[smem:$0x3FB9] =	sst s10  }
0x32: {  	s10 =	sld [smem:$0x3FB7];
	_ =	sdelay $0x3  }
0x33: {  	p0 =	seq.s32 s10, $0x1;
	s10 =	sld [smem:$0x3FB9];
	_ =	sdelay $0x3  }
0x34: {  	[smem:$0x3FB9] =	sst s10  }
0x35: {  	s10 =	sld [smem:$0x3FB8];
	_ =	sdelay $0x3  }
0x36: {  	p1 =	seq.s32 s10, $0x1;
	s10 =	sld [smem:$0x3FB9];
	_ =	sdelay $0x3  }
0x37: {  	[smem:$0x3FB9] =	sst s10  }
0x38: {  	s10 =	sld [smem:$0x3FBA]  }
0x39: {  	_ = 	snop;
	(pc) =	sbr.ind lr, $3  }
0x3a: {  	_ = 	snop  }
0x3b: {  	_ = 	snop  }
0x3c: {  	p2 =	seq.s32 s10, $0x1;
	s10 =	sld [smem:$0x3FB9]  }
0x3d: {  	_ =	shalt  }
0x3e: {  	_ =	shalt  }
0x3f: {  	_ =	shalt  }
0x40: {  	_ =	shalt  }
0x41: {  	_ =	shalt  }
0x42: {  	_ =	shalt  }
0x43: {  	_ =	shalt  }
0x44: {  	_ =	shalt  }
0x45: {  	_ =	shalt  }
0x46: {  	_ =	shalt  }
0x47: {  	_ =	shalt  }
0x48: {  	_ =	shalt  }
0x49: {  	_ =	shalt  }
0x4a: {  	_ =	shalt  }
0x4b: {  	_ =	shalt  }
0x4c: {  	_ =	shalt  }
0x4d: {  	_ =	shalt  }
0x4e: {  	_ =	shalt  }
0x4f: {  	_ =	shalt  }
0x50: {  	_ =	shalt  }
0x51: {  	_ =	shalt  }
0x52: {  	_ =	shalt  }
0x53: {  	_ =	shalt  }
0x54: {  	_ =	shalt  }
0x55: {  	_ =	shalt  }
0x56: {  	_ =	shalt  }
0x57: {  	_ =	shalt  }
0x58: {  	_ =	shalt  }
0x59: {  	_ =	shalt  }
0x5a: {  	_ =	shalt  }
0x5b: {  	_ =	shalt  }
0x5c: {  	_ =	shalt  }
0x5d: {  	_ =	shalt  }
0x5e: {  	_ =	shalt  }
0x5f: {  	_ =	shalt  }
0x60: {  	_ =	shalt  }
0x61: {  	_ =	shalt  }
0x62: {  	_ =	shalt  }
0x63: {  	_ =	shalt  }
0x64: {  	_ =	shalt  }
0x65: {  	_ =	shalt  }
0x66: {  	_ =	shalt  }
0x67: {  	_ =	shalt  }
0x68: {  	_ =	shalt  }
0x69: {  	_ =	shalt  }
0x6a: {  	_ =	shalt  }
0x6b: {  	_ =	shalt  }
0x6c: {  	_ =	shalt  }
0x6d: {  	_ =	shalt  }
0x6e: {  	_ =	shalt  }
0x6f: {  	_ =	shalt  }
0x70: {  	_ =	shalt  }
0x71: {  	_ =	shalt  }
0x72: {  	_ =	shalt  }
0x73: {  	_ =	shalt  }
0x74: {  	_ =	shalt  }
0x75: {  	_ =	shalt  }
0x76: {  	_ =	shalt  }
0x77: {  	_ =	shalt  }
0x78: {  	_ =	shalt  }
0x79: {  	_ =	shalt  }
0x7a: {  	_ =	shalt  }
0x7b: {  	_ =	shalt  }
0x7c: {  	_ =	shalt  }
0x7d: {  	_ =	shalt  }
0x7e: {  	_ =	shalt  }
0x7f: {  	_ =	shalt  }
0x80: {  	_ =	shalt  }
0x81: {  	_ =	shalt  }
0x82: {  	_ =	shalt  }
0x83: {  	_ =	shalt  }
0x84: {  	_ =	shalt  }
0x85: {  	_ =	shalt  }
0x86: {  	_ =	shalt  }
0x87: {  	_ =	shalt  }
.Lfunc_end0:
.L_simem_size_0:
called_computation_lowered:
.L_overlay_start_0:
0x88: {  	s2 =	sld [smem:$0x3FD9]  }
0x89: {  	s3 =	sld [smem:$0x3FFE];
	_ =	sdelay $0x1  }
0x8a: {  	s1 =	srdreg.scid  }
0x8b: {  	s0 =	sand.u32 $0x1, s1  }
0x8c: {  	s17 =	sshll.u32 s0, $0xA;
	s2 =	sadd.s32 s3, s2  }
0x8d: {  	s2 =	sadd.s32 s2, s17  }
0x8e: {  	[smem:$0x3FC5] =	sst s2  }
0x8f: {  	_ = 	snop  }
0x90: {  	s2 =	sld [smem:$0x3FC8]  }
0x91: {  	s18 =	sld [smem:$0x3FC7]  }
0x92: {  	s4 =	sld [smem:$0x3FD0];
	(tm) =	ssettm $0x1  }
0x93: {  	s5 =	sld [smem:$0x3FFB];
	_ =	sdelay $0x3  }
0x94: {  	_ =	strace s5  }
0x95: {  	s5 =	sld [smem:$0x3FFC];
	_ =	sdelay $0x3  }
0x96: {  	_ =	strace s5  }
0x97: {  	s5 =	sld [smem:$0x3FFD];
	_ =	sdelay $0x3  }
0x98: {  	_ =	strace s5  }
0x99: {  	_ =	strace $0x8FFFFFFF  }
0x9a: {  	s19 =	sld [smem:$0x3FDB];
	_ =	sdelay $0x1  }
0x9b: {  	s6 =	simm.s32 $_scs_section_size  }
0x9c: {  	s7 =	simm.s32 $_size__tile_overlayer_lowered;
	s8 =	simm.s32 $_tile_overlayer_lowered  }
0x9d: {  	s22 =	simm.s32 $0x1BFF;
	s21 =	sshll.u32 s8, $0x1;
	s5 =	sadd.s32 s6, s19  }
0x9e: {  	s9 =	simm.s32 $0x0;
	s20 =	sshll.u32 s7, $0x1;
	s7 =	sadd.s32 s21, s5  }
0x9f: {  	[timem:s9], [sflag:s22] =	dma.local [hbm:s7], s20  }
0xa0: {  	_ =	swait.ge [sflag:s22], s20  }
0xa1: {  	s6 =	ssub.s32 $0x0, s20;
	[sflag:s22] =	ssyncset.done $0x0  }
0xa2: {  	[sflag:s22] =	ssyncadd.s32 s6;
	_ =	sdelay $0x1  }
0xa3: {  	s23 =	simm.s32 $0x1B8B  }
0xa4: {  	_ =	swait.ge [sflag:s23], $0x1  }
0xa5: {  	[sflag:s23] =	ssyncset.done $0x0  }
0xa6: {  	s25 =	simm.s32 $0x1B8E;
	s24 =	sld [smem:$0x3FFE];
	[sflag:s23] =	ssyncadd.s32 $0xFFFFFFFF  }
0xa7: {  	s26 =	simm.s32 $execute0_lowered;
	[smem:$0x3FD2] =	sst s25  }
0xa8: {  	s7 =	sshll.u32 s26, $0x1;
	_ =	strace $0x80000046;
	[dreg:$0x1] =	wrdreg $0xFFFFFFFF  }
0xa9: {  	s28 =	simm.s32 $_size_execute0_lowered;
	s5 =	sadd.s32 s5, s7;
	[dreg:$0x0] =	wrdreg $0x0  }
0xaa: {  	s7 =	sshll.u32 s28, $0x1;
	[dreg:$0x2] =	wrdreg s5  }
0xab: {  	[dreg:$0x3] =	wrdreg s7  }
0xac: {  	[dreg:$0x4] =	wrdreg $0xC0  }
0xad: {  	_ =	task [dreg:s9], $0x5FFFF  }
0xae: {  	[dreg:$0x1] =	wrdreg $0xFFFFFFFF  }
0xaf: {  	[dreg:$0x0] =	wrdreg $0x60  }
0xb0: {  	[dreg:$0x2] =	wrdreg s24  }
0xb1: {  	[dreg:$0x3] =	wrdreg s2  }
0xb2: {  	[dreg:$0x4] =	wrdreg s18  }
0xb3: {  	[dreg:$0x5] =	wrdreg s4  }
0xb4: {  	[dreg:$0x6] =	wrdreg $0x9  }
0xb5: {  	_ =	task.clear_ibuf [dreg:s9], $0x7FFFF;
	_ =	strace $0x90000046  }
0xb6: {  	s29 =	simm.s32 $0x9;
	_ =	strace $0x80000048  }
0xb7: {  	_ =	swait.ge [sflag:s29], $0x1  }
0xb8: {  	[sflag:s29] =	ssyncadd.s32 $0xFFFFFFFF  }
0xb9: {  	_ =	strace $0x90000048  }
0xba: {  	_ =	sfence  }
0xbb: {  	s30 =	sld [smem:$0x0];
	_ =	sdelay $0x2  }
0xbc: {  	s31 =	sshll.u32 s1, $0xD;
	s1 =	sshrl.u32 s1, $0x2  }
0xbd: {  	s3 =	sand.u32 $0x4000, s31;
	s1 =	sadd.s32 s1, s30  }
0xbe: {  	s0 =	sor.u32 s3, s0;
	s1 =	sshll.u32 s1, $0x11  }
0xbf: {  	s0 =	sor.u32 s1, s0  }
0xc0: {  	s0 =	sadd.s32 $0x8F2B, s0  }
0xc1: {  	[sflag:s0] =	ssyncadd.remote.s32 $0x1  }
0xc2: {  	_ =	sfence.sel $0xFFFF  }
0xc3: {  	[dreg:$0x0] =	wrdreg $0xFFFFFFFF;
	(pc) =	sbr.abs _section_cstart, $3  }
0xc4: {  	[dreg:$0x1] =	wrdreg $0xFFFFFFFF  }
0xc5: {  	_ =	task.clear_ibuf [dreg:s9], $0x2FFFF;
	_ =	strace $0x9FFFFFFF  }
0xc6: {  	(tm) =	ssettm $0x7FFFFFFF  }
0xc7: {  	_ =	shalt  }
tec
execute0_lowered:
.L_overlay_start_1:
0x0: {  	(tag) =	ssettag $0x1  }
0x1: {  	s0 =	rddreg [dreg:$0x0]  }
0x2: {  	s1 =	rddreg [dreg:$0x1]  }
0x3: {  	s4 =	rddreg [dreg:$0x3]  }
0x4: {  	s5 =	simm.s32 $0x0;
	s2 =	srdreg.scid;
	s3 =	stileid.u32  }
0x5: {  	s19 =	simm.s32 $0x19000;
	s20 =	simm.s32 $0x19100;
	s21 =	simm.s32 $0x64  }
0x6: {  	s28 =	simm.s32 $0xFA00;
	s29 =	simm.s32 $0x19200;
	s30 =	simm.s32 $0x1  }
0x7: {  	s31 =	simm.s32 $0x9;
	s10 =	simm.s32 $0x4;
	s15 =	simm.s32 $0x7  }
0x8: {  	s16 =	simm.s32 $0x3;
	s17 =	simm.s32 $0x5;
	[smem:$0x7FF] =	sst s5  }
0x9: {  	s2 =	sand.u32 $0x1, s2;
	s3 =	sshll.u32 s3, $0x1;
	s6 =	sadd.s32 $0x400, s0  }
0xa: {  	_ =	strace $0x80000047;
	s7 =	ssub.s32 $0x2, s2;
	s2 =	sor.u32 s2, s3  }
0xb: {  	s22 =	sshrl.u32 s7, $0x1;
	s3 =	sshll.u32 s2, $0xC;
	s24 =	smul.u32 $0x320000, s2  }
0xc: {  	s8 =	sshll.u32 s2, $0x8;
	s11 =	sshll.u32 s2, $0x7;
	s0 =	ssub.s32 s7, s22  }
0xd: {  	s23 =	sadd.s32 s6, s3;
	s12 =	sor.u32 $0x8, s8;
	s13 =	sor.u32 $0x1, s11  }
0xe: {  	s14 =	sor.u32 $0x2, s11;
	s9 =	sadd.s32 $0x20, s23;
	[dreg:$0x5] =	wrdreg s23  }
0xf: {  	s22 =	simm.s32 $0x6400;
	s7 =	sadd.s32 $0x40, s23;
	[dreg:$0x6] =	wrdreg s9  }
0x10: {  	s25 =	sshrl.u32 s24, $0x3;
	s0 =	smax.u32 s0, $0x1;
	[dreg:$0x7] =	wrdreg s7  }
0x11: {  	s3 =	simm.s32 $0x0;
	s2 =	sadd.s32 s4, s25;
	[dreg:$0xa] =	wrdreg s0  }
0x12: {  	s25 =	simm.s32 $0xC800;
	s0 =	simm.s32 $0x12C00;
	s26 =	sadd.s32 $0x62700, s2  }
0x13: {  	s9 =	simm.s32 $0x2;
	s2 =	sadd.s32 $0x63380, s2;
	[dreg:$0x8] =	wrdreg s26  }
0x14: {  	s7 =	simm.s32 $0x8;
	[dreg:$0x9] =	wrdreg s2;
	s26 =	simm.s32 $0x19180  }
.LBB2_1:
0x15: {  	[dreg:$0xb] =	wrdreg s3  }
0x16: {  	s2 =	rddreg [dreg:$0x2];
	s18 =	simm.s32 $0xA  }
0x17: {  	[tilespmem:s5], [sflag:$0xA] =	stream.linear.gather [hbm4b:s2+s5], $0x6400, $0x38;
	[tilespmem:$0x19300] =	vst v63  }
0x18: {  	_ =	swait.ge [sflag:s18], $0x6400  }
0x19: {  	[sflag:s18] =	ssyncset.done $0x0  }
0x1a: {  	s23 =	rddreg [dreg:$0x5];
	[sflag:s18] =	ssyncadd.s32 $0xFFFF9C00  }
0x1b: {  	[tilespmem:s19], [sflag:$0xA] =	stream.linear.gather [hbm4b:s23+s5], $0x100, $0x38;
	[tilespmem:$0x19300] =	vst v63  }
0x1c: {  	_ =	swait.ge [sflag:s18], $0x100  }
0x1d: {  	[sflag:s18] =	ssyncset.done $0x0  }
0x1e: {  	s24 =	rddreg [dreg:$0x6];
	[sflag:s18] =	ssyncadd.s32 $0xFFFFFF00  }
0x1f: {  	[tilespmem:s20], [sflag:$0xA] =	stream.linear.gather [hbm4b:s24+s5], $0x100, $0x38;
	[tilespmem:$0x19300] =	vst v63  }
0x20: {  	_ =	swait.ge [sflag:s18], $0x100  }
0x21: {  	[sflag:s18] =	ssyncset.done $0x0  }
0x22: {  	[sflag:s18] =	ssyncadd.s32 $0xFFFFFF00  }
0x23: {  	[tilespmem:s22], [sflag:$0x1] =	stream.indirect.gather [hbm4b:s1+s21], $0x80, s19, s21, $0xb8;
	[tilespmem:$0x19300] =	vst v63  }
0x24: {  	s23 =	simm.s32 $0x9600;
	s18 =	simm.s32 $0x19080  }
0x25: {  	[tilespmem:s23], [sflag:$0x1] =	stream.indirect.gather [hbm4b:s1+s21], $0x80, s18, s21, $0xb8;
	[tilespmem:$0x19300] =	vst v63  }
0x26: {  	_ = 	snop  }
0x27: {  	[tilespmem:s25], [sflag:$0x2] =	stream.indirect.gather [hbm4b:s1+s21], $0x80, s20, s21, $0xb8;
	[tilespmem:$0x19300] =	vst v63  }
0x28: {  	_ = 	snop  }
0x29: {  	[tilespmem:s28], [sflag:$0x2] =	stream.indirect.gather [hbm4b:s1+s21], $0x80, s26, s21, $0xb8;
	[tilespmem:$0x19300] =	vst v63  }
0x2a: {  	s24 =	rddreg [dreg:$0x7];
	s18 =	simm.s32 $0x0  }
0x2b: {  	[tilespmem:s29], [sflag:$0x9] =	stream.linear.gather [hbm4b:s24+s5], $0x100, $0x38;
	[tilespmem:$0x19300] =	vst v63  }
.LBB2_2:
0x2c: {  	s2 =	smul.u32 $0x6, s18;
	_ =	sdelay $0x1  }
0x2d: {  	s3 =	sadd.s32 $0x6, s2  }
0x2e: {  	s23 =	sadd.s32 s8, s3;
	s3 =	sshll.u32 s3, $0x4  }
0x2f: {  	_ =	swait.ge [sflag:s30], $0x6400;
	s23 =	sshll.u32 s23, $0x4;
	s3 =	sand.u32 $0x60, s3  }
0x30: {  	[sflag:s30] =	ssyncset.done $0x0;
	s23 =	sand.u32 $0xFFFFF80, s23;
	s3 =	sadd.s32 s6, s3  }
0x31: {  	s24 =	simm.s32 $0x0;
	[sflag:s30] =	ssyncadd.s32 $0xFFFF9C00;
	s3 =	sadd.s32 s23, s3  }
0x32: {  	[tilespmem:s19], [sflag:$0x7] =	stream.linear.gather [hbm4b:s3+s24], $0x100, $0x38;
	[tilespmem:$0x19300] =	vst v63  }
0x33: {  	s23 =	simm.s32 $0x0;
	s3 =	simm.s32 $0x1000  }
.LBB2_3:
0x34: {  	p0 =	sne.s32 s3, $0x18000;
	v0 =	vld [tilespmem:s23+$0x3F0]  }
0x35: {  	v1 =	vld [tilespmem:s23+$0x0]  }
0x36: {  	v2 =	vld [tilespmem:s23+$0x10]  }
0x37: {  	v3 =	vld [tilespmem:s23+$0x20]  }
0x38: {  	v4 =	vld [tilespmem:s23+$0x30]  }
0x39: {  	[tilespmem:s23+$0x67F0] =	vst.add.f32.msk $0xffff, v0  }
0x3a: {  	v0 =	vld [tilespmem:s23+$0x40]  }
0x3b: {  	v5 =	vld [tilespmem:s23+$0x50]  }
0x3c: {  	v6 =	vld [tilespmem:s23+$0x60]  }
0x3d: {  	v7 =	vld [tilespmem:s23+$0x70]  }
0x3e: {  	v8 =	vld [tilespmem:s23+$0x80]  }
0x3f: {  	v9 =	vld [tilespmem:s23+$0x90]  }
0x40: {  	v10 =	vld [tilespmem:s23+$0xA0]  }
0x41: {  	v11 =	vld [tilespmem:s23+$0xB0]  }
0x42: {  	v12 =	vld [tilespmem:s23+$0xC0]  }
0x43: {  	v13 =	vld [tilespmem:s23+$0xD0]  }
0x44: {  	v14 =	vld [tilespmem:s23+$0xE0]  }
0x45: {  	v15 =	vld [tilespmem:s23+$0xF0]  }
0x46: {  	v16 =	vld [tilespmem:s23+$0x100]  }
0x47: {  	v17 =	vld [tilespmem:s23+$0x110]  }
0x48: {  	v18 =	vld [tilespmem:s23+$0x120]  }
0x49: {  	v19 =	vld [tilespmem:s23+$0x130]  }
0x4a: {  	v20 =	vld [tilespmem:s23+$0x140]  }
0x4b: {  	v21 =	vld [tilespmem:s23+$0x150]  }
0x4c: {  	v22 =	vld [tilespmem:s23+$0x160]  }
0x4d: {  	v23 =	vld [tilespmem:s23+$0x170]  }
0x4e: {  	v24 =	vld [tilespmem:s23+$0x180]  }
0x4f: {  	v25 =	vld [tilespmem:s23+$0x190]  }
0x50: {  	v26 =	vld [tilespmem:s23+$0x1A0]  }
0x51: {  	v27 =	vld [tilespmem:s23+$0x1B0]  }
0x52: {  	v28 =	vld [tilespmem:s23+$0x1C0]  }
0x53: {  	v29 =	vld [tilespmem:s23+$0x1D0]  }
0x54: {  	v30 =	vld [tilespmem:s23+$0x1E0]  }
0x55: {  	v31 =	vld [tilespmem:s23+$0x1F0]  }
0x56: {  	v32 =	vld [tilespmem:s23+$0x200]  }
0x57: {  	v33 =	vld [tilespmem:s23+$0x210]  }
0x58: {  	v34 =	vld [tilespmem:s23+$0x220]  }
0x59: {  	v35 =	vld [tilespmem:s23+$0x230]  }
0x5a: {  	v36 =	vld [tilespmem:s23+$0x240]  }
0x5b: {  	v37 =	vld [tilespmem:s23+$0x250]  }
0x5c: {  	v38 =	vld [tilespmem:s23+$0x260]  }
0x5d: {  	v39 =	vld [tilespmem:s23+$0x270]  }
0x5e: {  	v40 =	vld [tilespmem:s23+$0x280]  }
0x5f: {  	v41 =	vld [tilespmem:s23+$0x290]  }
0x60: {  	v42 =	vld [tilespmem:s23+$0x2A0]  }
0x61: {  	v43 =	vld [tilespmem:s23+$0x2B0]  }
0x62: {  	v44 =	vld [tilespmem:s23+$0x2C0]  }
0x63: {  	v45 =	vld [tilespmem:s23+$0x2D0]  }
0x64: {  	v46 =	vld [tilespmem:s23+$0x2E0]  }
0x65: {  	v47 =	vld [tilespmem:s23+$0x2F0]  }
0x66: {  	v48 =	vld [tilespmem:s23+$0x300]  }
0x67: {  	v49 =	vld [tilespmem:s23+$0x310]  }
0x68: {  	v50 =	vld [tilespmem:s23+$0x320]  }
0x69: {  	v51 =	vld [tilespmem:s23+$0x330]  }
0x6a: {  	v52 =	vld [tilespmem:s23+$0x340]  }
0x6b: {  	v53 =	vld [tilespmem:s23+$0x350]  }
0x6c: {  	v54 =	vld [tilespmem:s23+$0x360]  }
0x6d: {  	v55 =	vld [tilespmem:s23+$0x370]  }
0x6e: {  	v56 =	vld [tilespmem:s23+$0x380]  }
0x6f: {  	v57 =	vld [tilespmem:s23+$0x390]  }
0x70: {  	v58 =	vld [tilespmem:s23+$0x3A0]  }
0x71: {  	v59 =	vld [tilespmem:s23+$0x3B0]  }
0x72: {  	v60 =	vld [tilespmem:s23+$0x3C0]  }
0x73: {  	v61 =	vld [tilespmem:s23+$0x3D0]  }
0x74: {  	v62 =	vld [tilespmem:s23+$0x3E0]  }
0x75: {  	[tilespmem:s23+$0x6400] =	vst.add.f32.msk $0xffff, v1  }
0x76: {  	[tilespmem:s23+$0x6410] =	vst.add.f32.msk $0xffff, v2  }
0x77: {  	[tilespmem:s23+$0x6420] =	vst.add.f32.msk $0xffff, v3  }
0x78: {  	[tilespmem:s23+$0x6430] =	vst.add.f32.msk $0xffff, v4  }
0x79: {  	[tilespmem:s23+$0x6440] =	vst.add.f32.msk $0xffff, v0  }
0x7a: {  	[tilespmem:s23+$0x6450] =	vst.add.f32.msk $0xffff, v5  }
0x7b: {  	[tilespmem:s23+$0x6460] =	vst.add.f32.msk $0xffff, v6  }
0x7c: {  	[tilespmem:s23+$0x6470] =	vst.add.f32.msk $0xffff, v7  }
0x7d: {  	[tilespmem:s23+$0x6480] =	vst.add.f32.msk $0xffff, v8  }
0x7e: {  	[tilespmem:s23+$0x6490] =	vst.add.f32.msk $0xffff, v9  }
0x7f: {  	[tilespmem:s23+$0x64A0] =	vst.add.f32.msk $0xffff, v10  }
0x80: {  	[tilespmem:s23+$0x64B0] =	vst.add.f32.msk $0xffff, v11  }
0x81: {  	[tilespmem:s23+$0x64C0] =	vst.add.f32.msk $0xffff, v12  }
0x82: {  	[tilespmem:s23+$0x64D0] =	vst.add.f32.msk $0xffff, v13  }
0x83: {  	[tilespmem:s23+$0x64E0] =	vst.add.f32.msk $0xffff, v14  }
0x84: {  	[tilespmem:s23+$0x64F0] =	vst.add.f32.msk $0xffff, v15  }
0x85: {  	[tilespmem:s23+$0x6500] =	vst.add.f32.msk $0xffff, v16  }
0x86: {  	[tilespmem:s23+$0x6510] =	vst.add.f32.msk $0xffff, v17  }
0x87: {  	[tilespmem:s23+$0x6520] =	vst.add.f32.msk $0xffff, v18  }
0x88: {  	[tilespmem:s23+$0x6530] =	vst.add.f32.msk $0xffff, v19  }
0x89: {  	[tilespmem:s23+$0x6540] =	vst.add.f32.msk $0xffff, v20  }
0x8a: {  	[tilespmem:s23+$0x6550] =	vst.add.f32.msk $0xffff, v21  }
0x8b: {  	[tilespmem:s23+$0x6560] =	vst.add.f32.msk $0xffff, v22  }
0x8c: {  	[tilespmem:s23+$0x6570] =	vst.add.f32.msk $0xffff, v23  }
0x8d: {  	[tilespmem:s23+$0x6580] =	vst.add.f32.msk $0xffff, v24  }
0x8e: {  	[tilespmem:s23+$0x6590] =	vst.add.f32.msk $0xffff, v25  }
0x8f: {  	[tilespmem:s23+$0x65A0] =	vst.add.f32.msk $0xffff, v26  }
0x90: {  	[tilespmem:s23+$0x65B0] =	vst.add.f32.msk $0xffff, v27  }
0x91: {  	[tilespmem:s23+$0x65C0] =	vst.add.f32.msk $0xffff, v28  }
0x92: {  	[tilespmem:s23+$0x65D0] =	vst.add.f32.msk $0xffff, v29  }
0x93: {  	[tilespmem:s23+$0x65E0] =	vst.add.f32.msk $0xffff, v30  }
0x94: {  	[tilespmem:s23+$0x65F0] =	vst.add.f32.msk $0xffff, v31  }
0x95: {  	[tilespmem:s23+$0x6600] =	vst.add.f32.msk $0xffff, v32  }
0x96: {  	[tilespmem:s23+$0x6610] =	vst.add.f32.msk $0xffff, v33  }
0x97: {  	[tilespmem:s23+$0x6620] =	vst.add.f32.msk $0xffff, v34  }
0x98: {  	[tilespmem:s23+$0x6630] =	vst.add.f32.msk $0xffff, v35  }
0x99: {  	[tilespmem:s23+$0x6640] =	vst.add.f32.msk $0xffff, v36  }
0x9a: {  	[tilespmem:s23+$0x6650] =	vst.add.f32.msk $0xffff, v37  }
0x9b: {  	[tilespmem:s23+$0x6660] =	vst.add.f32.msk $0xffff, v38  }
0x9c: {  	[tilespmem:s23+$0x6670] =	vst.add.f32.msk $0xffff, v39  }
0x9d: {  	[tilespmem:s23+$0x6680] =	vst.add.f32.msk $0xffff, v40  }
0x9e: {  	[tilespmem:s23+$0x6690] =	vst.add.f32.msk $0xffff, v41  }
0x9f: {  	[tilespmem:s23+$0x66A0] =	vst.add.f32.msk $0xffff, v42  }
0xa0: {  	[tilespmem:s23+$0x66B0] =	vst.add.f32.msk $0xffff, v43  }
0xa1: {  	[tilespmem:s23+$0x66C0] =	vst.add.f32.msk $0xffff, v44  }
0xa2: {  	[tilespmem:s23+$0x66D0] =	vst.add.f32.msk $0xffff, v45  }
0xa3: {  	[tilespmem:s23+$0x66E0] =	vst.add.f32.msk $0xffff, v46  }
0xa4: {  	[tilespmem:s23+$0x66F0] =	vst.add.f32.msk $0xffff, v47  }
0xa5: {  	[tilespmem:s23+$0x6700] =	vst.add.f32.msk $0xffff, v48  }
0xa6: {  	[tilespmem:s23+$0x6710] =	vst.add.f32.msk $0xffff, v49  }
0xa7: {  	[tilespmem:s23+$0x6720] =	vst.add.f32.msk $0xffff, v50  }
0xa8: {  	[tilespmem:s23+$0x6730] =	vst.add.f32.msk $0xffff, v51  }
0xa9: {  	[tilespmem:s23+$0x6740] =	vst.add.f32.msk $0xffff, v52  }
0xaa: {  	[tilespmem:s23+$0x6750] =	vst.add.f32.msk $0xffff, v53  }
0xab: {  	[tilespmem:s23+$0x6760] =	vst.add.f32.msk $0xffff, v54  }
0xac: {  	[tilespmem:s23+$0x6770] =	vst.add.f32.msk $0xffff, v55  }
0xad: {  	[tilespmem:s23+$0x6780] =	vst.add.f32.msk $0xffff, v56  }
0xae: {  	[tilespmem:s23+$0x6790] =	vst.add.f32.msk $0xffff, v57  }
.Ltmp0:
0xaf: {  	[tilespmem:s23+$0x67A0] =	vst.add.f32.msk $0xffff, v58;
	(pc) =	sbr.rel @p0 .LBB2_3-.Ltmp0, $4  }
0xb0: {  	[tilespmem:s23+$0x67B0] =	vst.add.f32.msk $0xffff, v59  }
0xb1: {  	[tilespmem:s23+$0x67C0] =	vst.add.f32.msk $0xffff, v60  }
0xb2: {  	[tilespmem:s23+$0x67D0] =	vst.add.f32.msk $0xffff, v61  }
0xb3: {  	[tilespmem:s23+$0x67E0] =	vst.add.f32.msk $0xffff, v62;
	s23 =	sshra.s32 s3, $0x2;
	s3 =	sadd.s32 $0x1000, s3  }
0xb4: {  	v0 =	vld [tilespmem:s23+$0x3F0]  }
0xb5: {  	v1 =	vld [tilespmem:s23+$0x0]  }
0xb6: {  	v2 =	vld [tilespmem:s23+$0x10]  }
0xb7: {  	v3 =	vld [tilespmem:s23+$0x20]  }
0xb8: {  	v4 =	vld [tilespmem:s23+$0x30]  }
0xb9: {  	v5 =	vld [tilespmem:s23+$0x50]  }
0xba: {  	v6 =	vld [tilespmem:s23+$0x60]  }
0xbb: {  	v7 =	vld [tilespmem:s23+$0x70]  }
0xbc: {  	v8 =	vld [tilespmem:s23+$0x80]  }
0xbd: {  	v9 =	vld [tilespmem:s23+$0x90]  }
0xbe: {  	v10 =	vld [tilespmem:s23+$0xA0]  }
0xbf: {  	v11 =	vld [tilespmem:s23+$0xB0]  }
0xc0: {  	v12 =	vld [tilespmem:s23+$0xC0]  }
0xc1: {  	v13 =	vld [tilespmem:s23+$0xD0]  }
0xc2: {  	v14 =	vld [tilespmem:s23+$0xE0]  }
0xc3: {  	v15 =	vld [tilespmem:s23+$0xF0]  }
0xc4: {  	v16 =	vld [tilespmem:s23+$0x100]  }
0xc5: {  	v17 =	vld [tilespmem:s23+$0x110]  }
0xc6: {  	v18 =	vld [tilespmem:s23+$0x120]  }
0xc7: {  	v19 =	vld [tilespmem:s23+$0x130]  }
0xc8: {  	v20 =	vld [tilespmem:s23+$0x140]  }
0xc9: {  	v21 =	vld [tilespmem:s23+$0x150]  }
0xca: {  	v22 =	vld [tilespmem:s23+$0x160]  }
0xcb: {  	v23 =	vld [tilespmem:s23+$0x170]  }
0xcc: {  	v24 =	vld [tilespmem:s23+$0x180]  }
0xcd: {  	v25 =	vld [tilespmem:s23+$0x190]  }
0xce: {  	v26 =	vld [tilespmem:s23+$0x1A0]  }
0xcf: {  	v27 =	vld [tilespmem:s23+$0x1B0]  }
0xd0: {  	v28 =	vld [tilespmem:s23+$0x1C0]  }
0xd1: {  	v29 =	vld [tilespmem:s23+$0x1D0]  }
0xd2: {  	v30 =	vld [tilespmem:s23+$0x1E0]  }
0xd3: {  	v31 =	vld [tilespmem:s23+$0x1F0]  }
0xd4: {  	v32 =	vld [tilespmem:s23+$0x200]  }
0xd5: {  	v33 =	vld [tilespmem:s23+$0x210]  }
0xd6: {  	v34 =	vld [tilespmem:s23+$0x220]  }
0xd7: {  	v35 =	vld [tilespmem:s23+$0x230]  }
0xd8: {  	v36 =	vld [tilespmem:s23+$0x240]  }
0xd9: {  	v37 =	vld [tilespmem:s23+$0x250]  }
0xda: {  	v38 =	vld [tilespmem:s23+$0x260]  }
0xdb: {  	v39 =	vld [tilespmem:s23+$0x270]  }
0xdc: {  	v40 =	vld [tilespmem:s23+$0x280]  }
0xdd: {  	v41 =	vld [tilespmem:s23+$0x290]  }
0xde: {  	v42 =	vld [tilespmem:s23+$0x2A0]  }
0xdf: {  	v43 =	vld [tilespmem:s23+$0x2B0]  }
0xe0: {  	v44 =	vld [tilespmem:s23+$0x2C0]  }
0xe1: {  	v45 =	vld [tilespmem:s23+$0x2D0]  }
0xe2: {  	v46 =	vld [tilespmem:s23+$0x2E0]  }
0xe3: {  	v47 =	vld [tilespmem:s23+$0x2F0]  }
0xe4: {  	v48 =	vld [tilespmem:s23+$0x300]  }
0xe5: {  	v49 =	vld [tilespmem:s23+$0x310]  }
0xe6: {  	v50 =	vld [tilespmem:s23+$0x320]  }
0xe7: {  	v51 =	vld [tilespmem:s23+$0x330]  }
0xe8: {  	v52 =	vld [tilespmem:s23+$0x340]  }
0xe9: {  	v53 =	vld [tilespmem:s23+$0x350]  }
0xea: {  	v54 =	vld [tilespmem:s23+$0x360]  }
0xeb: {  	v55 =	vld [tilespmem:s23+$0x370]  }
0xec: {  	v56 =	vld [tilespmem:s23+$0x380]  }
0xed: {  	v57 =	vld [tilespmem:s23+$0x390]  }
0xee: {  	v58 =	vld [tilespmem:s23+$0x3A0]  }
0xef: {  	v59 =	vld [tilespmem:s23+$0x3B0]  }
0xf0: {  	v60 =	vld [tilespmem:s23+$0x3C0]  }
0xf1: {  	v61 =	vld [tilespmem:s23+$0x3D0]  }
0xf2: {  	v62 =	vld [tilespmem:s23+$0x3E0]  }
0xf3: {  	[tilespmem:s23+$0x67F0] =	vst.add.f32.msk $0xffff, v0  }
0xf4: {  	v0 =	vld [tilespmem:s23+$0x40]  }
0xf5: {  	[tilespmem:s23+$0x6400] =	vst.add.f32.msk $0xffff, v1  }
0xf6: {  	[tilespmem:s23+$0x6410] =	vst.add.f32.msk $0xffff, v2  }
0xf7: {  	[tilespmem:s23+$0x6420] =	vst.add.f32.msk $0xffff, v3  }
0xf8: {  	[tilespmem:s23+$0x6430] =	vst.add.f32.msk $0xffff, v4  }
0xf9: {  	[tilespmem:s23+$0x6450] =	vst.add.f32.msk $0xffff, v5  }
0xfa: {  	[tilespmem:s23+$0x6460] =	vst.add.f32.msk $0xffff, v6  }
0xfb: {  	[tilespmem:s23+$0x6470] =	vst.add.f32.msk $0xffff, v7  }
0xfc: {  	[tilespmem:s23+$0x6480] =	vst.add.f32.msk $0xffff, v8  }
0xfd: {  	[tilespmem:s23+$0x6490] =	vst.add.f32.msk $0xffff, v9  }
0xfe: {  	[tilespmem:s23+$0x64A0] =	vst.add.f32.msk $0xffff, v10  }
0xff: {  	[tilespmem:s23+$0x64B0] =	vst.add.f32.msk $0xffff, v11  }
0x100: {  	[tilespmem:s23+$0x64C0] =	vst.add.f32.msk $0xffff, v12  }
0x101: {  	[tilespmem:s23+$0x64D0] =	vst.add.f32.msk $0xffff, v13  }
0x102: {  	[tilespmem:s23+$0x64E0] =	vst.add.f32.msk $0xffff, v14  }
0x103: {  	[tilespmem:s23+$0x64F0] =	vst.add.f32.msk $0xffff, v15  }
0x104: {  	[tilespmem:s23+$0x6500] =	vst.add.f32.msk $0xffff, v16  }
0x105: {  	[tilespmem:s23+$0x6510] =	vst.add.f32.msk $0xffff, v17  }
0x106: {  	[tilespmem:s23+$0x6520] =	vst.add.f32.msk $0xffff, v18  }
0x107: {  	[tilespmem:s23+$0x6530] =	vst.add.f32.msk $0xffff, v19  }
0x108: {  	[tilespmem:s23+$0x6540] =	vst.add.f32.msk $0xffff, v20  }
0x109: {  	[tilespmem:s23+$0x6550] =	vst.add.f32.msk $0xffff, v21  }
0x10a: {  	[tilespmem:s23+$0x6560] =	vst.add.f32.msk $0xffff, v22  }
0x10b: {  	[tilespmem:s23+$0x6570] =	vst.add.f32.msk $0xffff, v23  }
0x10c: {  	[tilespmem:s23+$0x6580] =	vst.add.f32.msk $0xffff, v24  }
0x10d: {  	[tilespmem:s23+$0x6590] =	vst.add.f32.msk $0xffff, v25  }
0x10e: {  	[tilespmem:s23+$0x65A0] =	vst.add.f32.msk $0xffff, v26  }
0x10f: {  	[tilespmem:s23+$0x65B0] =	vst.add.f32.msk $0xffff, v27  }
0x110: {  	[tilespmem:s23+$0x65C0] =	vst.add.f32.msk $0xffff, v28  }
0x111: {  	[tilespmem:s23+$0x65D0] =	vst.add.f32.msk $0xffff, v29  }
0x112: {  	[tilespmem:s23+$0x65E0] =	vst.add.f32.msk $0xffff, v30  }
0x113: {  	[tilespmem:s23+$0x65F0] =	vst.add.f32.msk $0xffff, v31  }
0x114: {  	[tilespmem:s23+$0x6600] =	vst.add.f32.msk $0xffff, v32  }
0x115: {  	[tilespmem:s23+$0x6610] =	vst.add.f32.msk $0xffff, v33  }
0x116: {  	[tilespmem:s23+$0x6620] =	vst.add.f32.msk $0xffff, v34  }
0x117: {  	[tilespmem:s23+$0x6630] =	vst.add.f32.msk $0xffff, v35  }
0x118: {  	[tilespmem:s23+$0x6640] =	vst.add.f32.msk $0xffff, v36  }
0x119: {  	[tilespmem:s23+$0x6650] =	vst.add.f32.msk $0xffff, v37  }
0x11a: {  	[tilespmem:s23+$0x6660] =	vst.add.f32.msk $0xffff, v38  }
0x11b: {  	[tilespmem:s23+$0x6670] =	vst.add.f32.msk $0xffff, v39  }
0x11c: {  	[tilespmem:s23+$0x6680] =	vst.add.f32.msk $0xffff, v40  }
0x11d: {  	[tilespmem:s23+$0x6690] =	vst.add.f32.msk $0xffff, v41  }
0x11e: {  	[tilespmem:s23+$0x66A0] =	vst.add.f32.msk $0xffff, v42  }
0x11f: {  	[tilespmem:s23+$0x66B0] =	vst.add.f32.msk $0xffff, v43  }
0x120: {  	[tilespmem:s23+$0x66C0] =	vst.add.f32.msk $0xffff, v44  }
0x121: {  	[tilespmem:s23+$0x66D0] =	vst.add.f32.msk $0xffff, v45  }
0x122: {  	[tilespmem:s23+$0x66E0] =	vst.add.f32.msk $0xffff, v46  }
0x123: {  	[tilespmem:s23+$0x66F0] =	vst.add.f32.msk $0xffff, v47  }
0x124: {  	[tilespmem:s23+$0x6700] =	vst.add.f32.msk $0xffff, v48  }
0x125: {  	[tilespmem:s23+$0x6710] =	vst.add.f32.msk $0xffff, v49  }
0x126: {  	[tilespmem:s23+$0x6720] =	vst.add.f32.msk $0xffff, v50  }
0x127: {  	[tilespmem:s23+$0x6730] =	vst.add.f32.msk $0xffff, v51  }
0x128: {  	[tilespmem:s23+$0x6740] =	vst.add.f32.msk $0xffff, v52  }
0x129: {  	[tilespmem:s23+$0x6750] =	vst.add.f32.msk $0xffff, v53  }
0x12a: {  	[tilespmem:s23+$0x6760] =	vst.add.f32.msk $0xffff, v54  }
0x12b: {  	[tilespmem:s23+$0x6770] =	vst.add.f32.msk $0xffff, v55  }
0x12c: {  	[tilespmem:s23+$0x6780] =	vst.add.f32.msk $0xffff, v56  }
0x12d: {  	[tilespmem:s23+$0x6790] =	vst.add.f32.msk $0xffff, v57  }
0x12e: {  	s3 =	smul.u32 $0x3, s18;
	[tilespmem:s23+$0x67A0] =	vst.add.f32.msk $0xffff, v58  }
0x12f: {  	[tilespmem:s23+$0x67B0] =	vst.add.f32.msk $0xffff, v59  }
0x130: {  	s24 =	sadd.s32 s11, s3;
	[tilespmem:s23+$0x67C0] =	vst.add.f32.msk $0xffff, v60  }
0x131: {  	s24 =	smul.u32 $0xC80, s24;
	[tilespmem:s23+$0x67D0] =	vst.add.f32.msk $0xffff, v61  }
0x132: {  	p0 =	seq.s32 s18, $0x0;
	[tilespmem:s23+$0x67E0] =	vst.add.f32.msk $0xffff, v62  }
0x133: {  	s24 =	sadd.s32 s4, s24;
	[tilespmem:s23+$0x6440] =	vst.add.f32.msk $0xffff, v0;
	s23 =	simm.s32 @!p0 $0x6  }
0x134: {  	[hbm4b:s24+s5] =	stream.linear.scatter [tilespmem:s22], [sflag:$0x4], $0x6400, $0x38;
	[tilespmem:$0x19300] =	vst v63  }
0x135: {  	_ =	swait.ge @!p0 [sflag:s23], $0x6400  }
0x136: {  	[sflag:s23] =	ssyncset.done @!p0 $0x0  }
0x137: {  	[sflag:s23] =	ssyncadd.s32 @!p0 $0xFFFF9C00  }
0x138: {  	_ =	swait.ge [sflag:s31], $0x100  }
0x139: {  	[sflag:s31] =	ssyncset.done $0x0  }
0x13a: {  	[sflag:s31] =	ssyncadd.s32 $0xFFFFFF00  }
0x13b: {  	[tilespmem:s0], [sflag:$0x3] =	stream.indirect.gather [hbm4b:s1+s21], $0x80, s29, s21, $0xb8;
	[tilespmem:$0x19300] =	vst v63  }
0x13c: {  	s24 =	simm.s32 $0x15E00;
	s23 =	simm.s32 $0x19280  }
0x13d: {  	[tilespmem:s24], [sflag:$0x3] =	stream.indirect.gather [hbm4b:s1+s21], $0x80, s23, s21, $0xb8;
	[tilespmem:$0x19300] =	vst v63  }
0x13e: {  	s23 =	sadd.s32 s2, s12;
	s24 =	smul.u32 $0x300, s18  }
0x13f: {  	s23 =	sshll.u32 s23, $0x7  }
0x140: {  	s23 =	sand.u32 $0x7FFFFC00, s23;
	s24 =	sand.u32 $0x300, s24  }
0x141: {  	_ =	swait.ge [sflag:s9], $0x6400;
	s23 =	sor.u32 s24, s23  }
0x142: {  	[sflag:s9] =	ssyncset.done $0x0;
	s23 =	sshrl.u32 s23, $0x3  }
0x143: {  	[sflag:s9] =	ssyncadd.s32 $0xFFFF9C00;
	s24 =	simm.s32 $0x0;
	s23 =	sadd.s32 s6, s23  }
0x144: {  	[tilespmem:s20], [sflag:$0x8] =	stream.linear.gather [hbm4b:s23+s24], $0x100, $0x38;
	[tilespmem:$0x19300] =	vst v63  }
0x145: {  	s23 =	simm.s32 $0x0;
	s24 =	simm.s32 $0x1000  }
.LBB2_5:
0x146: {  	p0 =	sne.s32 s24, $0x18000;
	v0 =	vld [tilespmem:s23+$0x3F0]  }
0x147: {  	v1 =	vld [tilespmem:s23+$0x0]  }
0x148: {  	v2 =	vld [tilespmem:s23+$0x10]  }
0x149: {  	v3 =	vld [tilespmem:s23+$0x20]  }
0x14a: {  	v4 =	vld [tilespmem:s23+$0x30]  }
0x14b: {  	[tilespmem:s23+$0xCBF0] =	vst.add.f32.msk $0xffff, v0  }
0x14c: {  	v0 =	vld [tilespmem:s23+$0x40]  }
0x14d: {  	v5 =	vld [tilespmem:s23+$0x50]  }
0x14e: {  	v6 =	vld [tilespmem:s23+$0x60]  }
0x14f: {  	v7 =	vld [tilespmem:s23+$0x70]  }
0x150: {  	v8 =	vld [tilespmem:s23+$0x80]  }
0x151: {  	v9 =	vld [tilespmem:s23+$0x90]  }
0x152: {  	v10 =	vld [tilespmem:s23+$0xA0]  }
0x153: {  	v11 =	vld [tilespmem:s23+$0xB0]  }
0x154: {  	v12 =	vld [tilespmem:s23+$0xC0]  }
0x155: {  	v13 =	vld [tilespmem:s23+$0xD0]  }
0x156: {  	v14 =	vld [tilespmem:s23+$0xE0]  }
0x157: {  	v15 =	vld [tilespmem:s23+$0xF0]  }
0x158: {  	v16 =	vld [tilespmem:s23+$0x100]  }
0x159: {  	v17 =	vld [tilespmem:s23+$0x110]  }
0x15a: {  	v18 =	vld [tilespmem:s23+$0x120]  }
0x15b: {  	v19 =	vld [tilespmem:s23+$0x130]  }
0x15c: {  	v20 =	vld [tilespmem:s23+$0x140]  }
0x15d: {  	v21 =	vld [tilespmem:s23+$0x150]  }
0x15e: {  	v22 =	vld [tilespmem:s23+$0x160]  }
0x15f: {  	v23 =	vld [tilespmem:s23+$0x170]  }
0x160: {  	v24 =	vld [tilespmem:s23+$0x180]  }
0x161: {  	v25 =	vld [tilespmem:s23+$0x190]  }
0x162: {  	v26 =	vld [tilespmem:s23+$0x1A0]  }
0x163: {  	v27 =	vld [tilespmem:s23+$0x1B0]  }
0x164: {  	v28 =	vld [tilespmem:s23+$0x1C0]  }
0x165: {  	v29 =	vld [tilespmem:s23+$0x1D0]  }
0x166: {  	v30 =	vld [tilespmem:s23+$0x1E0]  }
0x167: {  	v31 =	vld [tilespmem:s23+$0x1F0]  }
0x168: {  	v32 =	vld [tilespmem:s23+$0x200]  }
0x169: {  	v33 =	vld [tilespmem:s23+$0x210]  }
0x16a: {  	v34 =	vld [tilespmem:s23+$0x220]  }
0x16b: {  	v35 =	vld [tilespmem:s23+$0x230]  }
0x16c: {  	v36 =	vld [tilespmem:s23+$0x240]  }
0x16d: {  	v37 =	vld [tilespmem:s23+$0x250]  }
0x16e: {  	v38 =	vld [tilespmem:s23+$0x260]  }
0x16f: {  	v39 =	vld [tilespmem:s23+$0x270]  }
0x170: {  	v40 =	vld [tilespmem:s23+$0x280]  }
0x171: {  	v41 =	vld [tilespmem:s23+$0x290]  }
0x172: {  	v42 =	vld [tilespmem:s23+$0x2A0]  }
0x173: {  	v43 =	vld [tilespmem:s23+$0x2B0]  }
0x174: {  	v44 =	vld [tilespmem:s23+$0x2C0]  }
0x175: {  	v45 =	vld [tilespmem:s23+$0x2D0]  }
0x176: {  	v46 =	vld [tilespmem:s23+$0x2E0]  }
0x177: {  	v47 =	vld [tilespmem:s23+$0x2F0]  }
0x178: {  	v48 =	vld [tilespmem:s23+$0x300]  }
0x179: {  	v49 =	vld [tilespmem:s23+$0x310]  }
0x17a: {  	v50 =	vld [tilespmem:s23+$0x320]  }
0x17b: {  	v51 =	vld [tilespmem:s23+$0x330]  }
0x17c: {  	v52 =	vld [tilespmem:s23+$0x340]  }
0x17d: {  	v53 =	vld [tilespmem:s23+$0x350]  }
0x17e: {  	v54 =	vld [tilespmem:s23+$0x360]  }
0x17f: {  	v55 =	vld [tilespmem:s23+$0x370]  }
0x180: {  	v56 =	vld [tilespmem:s23+$0x380]  }
0x181: {  	v57 =	vld [tilespmem:s23+$0x390]  }
0x182: {  	v58 =	vld [tilespmem:s23+$0x3A0]  }
0x183: {  	v59 =	vld [tilespmem:s23+$0x3B0]  }
0x184: {  	v60 =	vld [tilespmem:s23+$0x3C0]  }
0x185: {  	v61 =	vld [tilespmem:s23+$0x3D0]  }
0x186: {  	v62 =	vld [tilespmem:s23+$0x3E0]  }
0x187: {  	[tilespmem:s23+$0xC800] =	vst.add.f32.msk $0xffff, v1  }
0x188: {  	[tilespmem:s23+$0xC810] =	vst.add.f32.msk $0xffff, v2  }
0x189: {  	[tilespmem:s23+$0xC820] =	vst.add.f32.msk $0xffff, v3  }
0x18a: {  	[tilespmem:s23+$0xC830] =	vst.add.f32.msk $0xffff, v4  }
0x18b: {  	[tilespmem:s23+$0xC840] =	vst.add.f32.msk $0xffff, v0  }
0x18c: {  	[tilespmem:s23+$0xC850] =	vst.add.f32.msk $0xffff, v5  }
0x18d: {  	[tilespmem:s23+$0xC860] =	vst.add.f32.msk $0xffff, v6  }
0x18e: {  	[tilespmem:s23+$0xC870] =	vst.add.f32.msk $0xffff, v7  }
0x18f: {  	[tilespmem:s23+$0xC880] =	vst.add.f32.msk $0xffff, v8  }
0x190: {  	[tilespmem:s23+$0xC890] =	vst.add.f32.msk $0xffff, v9  }
0x191: {  	[tilespmem:s23+$0xC8A0] =	vst.add.f32.msk $0xffff, v10  }
0x192: {  	[tilespmem:s23+$0xC8B0] =	vst.add.f32.msk $0xffff, v11  }
0x193: {  	[tilespmem:s23+$0xC8C0] =	vst.add.f32.msk $0xffff, v12  }
0x194: {  	[tilespmem:s23+$0xC8D0] =	vst.add.f32.msk $0xffff, v13  }
0x195: {  	[tilespmem:s23+$0xC8E0] =	vst.add.f32.msk $0xffff, v14  }
0x196: {  	[tilespmem:s23+$0xC8F0] =	vst.add.f32.msk $0xffff, v15  }
0x197: {  	[tilespmem:s23+$0xC900] =	vst.add.f32.msk $0xffff, v16  }
0x198: {  	[tilespmem:s23+$0xC910] =	vst.add.f32.msk $0xffff, v17  }
0x199: {  	[tilespmem:s23+$0xC920] =	vst.add.f32.msk $0xffff, v18  }
0x19a: {  	[tilespmem:s23+$0xC930] =	vst.add.f32.msk $0xffff, v19  }
0x19b: {  	[tilespmem:s23+$0xC940] =	vst.add.f32.msk $0xffff, v20  }
0x19c: {  	[tilespmem:s23+$0xC950] =	vst.add.f32.msk $0xffff, v21  }
0x19d: {  	[tilespmem:s23+$0xC960] =	vst.add.f32.msk $0xffff, v22  }
0x19e: {  	[tilespmem:s23+$0xC970] =	vst.add.f32.msk $0xffff, v23  }
0x19f: {  	[tilespmem:s23+$0xC980] =	vst.add.f32.msk $0xffff, v24  }
0x1a0: {  	[tilespmem:s23+$0xC990] =	vst.add.f32.msk $0xffff, v25  }
0x1a1: {  	[tilespmem:s23+$0xC9A0] =	vst.add.f32.msk $0xffff, v26  }
0x1a2: {  	[tilespmem:s23+$0xC9B0] =	vst.add.f32.msk $0xffff, v27  }
0x1a3: {  	[tilespmem:s23+$0xC9C0] =	vst.add.f32.msk $0xffff, v28  }
0x1a4: {  	[tilespmem:s23+$0xC9D0] =	vst.add.f32.msk $0xffff, v29  }
0x1a5: {  	[tilespmem:s23+$0xC9E0] =	vst.add.f32.msk $0xffff, v30  }
0x1a6: {  	[tilespmem:s23+$0xC9F0] =	vst.add.f32.msk $0xffff, v31  }
0x1a7: {  	[tilespmem:s23+$0xCA00] =	vst.add.f32.msk $0xffff, v32  }
0x1a8: {  	[tilespmem:s23+$0xCA10] =	vst.add.f32.msk $0xffff, v33  }
0x1a9: {  	[tilespmem:s23+$0xCA20] =	vst.add.f32.msk $0xffff, v34  }
0x1aa: {  	[tilespmem:s23+$0xCA30] =	vst.add.f32.msk $0xffff, v35  }
0x1ab: {  	[tilespmem:s23+$0xCA40] =	vst.add.f32.msk $0xffff, v36  }
0x1ac: {  	[tilespmem:s23+$0xCA50] =	vst.add.f32.msk $0xffff, v37  }
0x1ad: {  	[tilespmem:s23+$0xCA60] =	vst.add.f32.msk $0xffff, v38  }
0x1ae: {  	[tilespmem:s23+$0xCA70] =	vst.add.f32.msk $0xffff, v39  }
0x1af: {  	[tilespmem:s23+$0xCA80] =	vst.add.f32.msk $0xffff, v40  }
0x1b0: {  	[tilespmem:s23+$0xCA90] =	vst.add.f32.msk $0xffff, v41  }
0x1b1: {  	[tilespmem:s23+$0xCAA0] =	vst.add.f32.msk $0xffff, v42  }
0x1b2: {  	[tilespmem:s23+$0xCAB0] =	vst.add.f32.msk $0xffff, v43  }
0x1b3: {  	[tilespmem:s23+$0xCAC0] =	vst.add.f32.msk $0xffff, v44  }
0x1b4: {  	[tilespmem:s23+$0xCAD0] =	vst.add.f32.msk $0xffff, v45  }
0x1b5: {  	[tilespmem:s23+$0xCAE0] =	vst.add.f32.msk $0xffff, v46  }
0x1b6: {  	[tilespmem:s23+$0xCAF0] =	vst.add.f32.msk $0xffff, v47  }
0x1b7: {  	[tilespmem:s23+$0xCB00] =	vst.add.f32.msk $0xffff, v48  }
0x1b8: {  	[tilespmem:s23+$0xCB10] =	vst.add.f32.msk $0xffff, v49  }
0x1b9: {  	[tilespmem:s23+$0xCB20] =	vst.add.f32.msk $0xffff, v50  }
0x1ba: {  	[tilespmem:s23+$0xCB30] =	vst.add.f32.msk $0xffff, v51  }
0x1bb: {  	[tilespmem:s23+$0xCB40] =	vst.add.f32.msk $0xffff, v52  }
0x1bc: {  	[tilespmem:s23+$0xCB50] =	vst.add.f32.msk $0xffff, v53  }
0x1bd: {  	[tilespmem:s23+$0xCB60] =	vst.add.f32.msk $0xffff, v54  }
0x1be: {  	[tilespmem:s23+$0xCB70] =	vst.add.f32.msk $0xffff, v55  }
0x1bf: {  	[tilespmem:s23+$0xCB80] =	vst.add.f32.msk $0xffff, v56  }
0x1c0: {  	[tilespmem:s23+$0xCB90] =	vst.add.f32.msk $0xffff, v57  }
.Ltmp1:
0x1c1: {  	[tilespmem:s23+$0xCBA0] =	vst.add.f32.msk $0xffff, v58;
	(pc) =	sbr.rel @p0 .LBB2_5-.Ltmp1, $4  }
0x1c2: {  	[tilespmem:s23+$0xCBB0] =	vst.add.f32.msk $0xffff, v59  }
0x1c3: {  	[tilespmem:s23+$0xCBC0] =	vst.add.f32.msk $0xffff, v60  }
0x1c4: {  	[tilespmem:s23+$0xCBD0] =	vst.add.f32.msk $0xffff, v61  }
0x1c5: {  	[tilespmem:s23+$0xCBE0] =	vst.add.f32.msk $0xffff, v62;
	s23 =	sshra.s32 s24, $0x2;
	s24 =	sadd.s32 $0x1000, s24  }
0x1c6: {  	v0 =	vld [tilespmem:s23+$0x3F0]  }
0x1c7: {  	v1 =	vld [tilespmem:s23+$0x0]  }
0x1c8: {  	v2 =	vld [tilespmem:s23+$0x10]  }
0x1c9: {  	v3 =	vld [tilespmem:s23+$0x20]  }
0x1ca: {  	v4 =	vld [tilespmem:s23+$0x30]  }
0x1cb: {  	v5 =	vld [tilespmem:s23+$0x50]  }
0x1cc: {  	v6 =	vld [tilespmem:s23+$0x60]  }
0x1cd: {  	v7 =	vld [tilespmem:s23+$0x70]  }
0x1ce: {  	v8 =	vld [tilespmem:s23+$0x80]  }
0x1cf: {  	v9 =	vld [tilespmem:s23+$0x90]  }
0x1d0: {  	v10 =	vld [tilespmem:s23+$0xA0]  }
0x1d1: {  	v11 =	vld [tilespmem:s23+$0xB0]  }
0x1d2: {  	v12 =	vld [tilespmem:s23+$0xC0]  }
0x1d3: {  	v13 =	vld [tilespmem:s23+$0xD0]  }
0x1d4: {  	v14 =	vld [tilespmem:s23+$0xE0]  }
0x1d5: {  	v15 =	vld [tilespmem:s23+$0xF0]  }
0x1d6: {  	v16 =	vld [tilespmem:s23+$0x100]  }
0x1d7: {  	v17 =	vld [tilespmem:s23+$0x110]  }
0x1d8: {  	v18 =	vld [tilespmem:s23+$0x120]  }
0x1d9: {  	v19 =	vld [tilespmem:s23+$0x130]  }
0x1da: {  	v20 =	vld [tilespmem:s23+$0x140]  }
0x1db: {  	v21 =	vld [tilespmem:s23+$0x150]  }
0x1dc: {  	v22 =	vld [tilespmem:s23+$0x160]  }
0x1dd: {  	v23 =	vld [tilespmem:s23+$0x170]  }
0x1de: {  	v24 =	vld [tilespmem:s23+$0x180]  }
0x1df: {  	v25 =	vld [tilespmem:s23+$0x190]  }
0x1e0: {  	v26 =	vld [tilespmem:s23+$0x1A0]  }
0x1e1: {  	v27 =	vld [tilespmem:s23+$0x1B0]  }
0x1e2: {  	v28 =	vld [tilespmem:s23+$0x1C0]  }
0x1e3: {  	v29 =	vld [tilespmem:s23+$0x1D0]  }
0x1e4: {  	v30 =	vld [tilespmem:s23+$0x1E0]  }
0x1e5: {  	v31 =	vld [tilespmem:s23+$0x1F0]  }
0x1e6: {  	v32 =	vld [tilespmem:s23+$0x200]  }
0x1e7: {  	v33 =	vld [tilespmem:s23+$0x210]  }
0x1e8: {  	v34 =	vld [tilespmem:s23+$0x220]  }
0x1e9: {  	v35 =	vld [tilespmem:s23+$0x230]  }
0x1ea: {  	v36 =	vld [tilespmem:s23+$0x240]  }
0x1eb: {  	v37 =	vld [tilespmem:s23+$0x250]  }
0x1ec: {  	v38 =	vld [tilespmem:s23+$0x260]  }
0x1ed: {  	v39 =	vld [tilespmem:s23+$0x270]  }
0x1ee: {  	v40 =	vld [tilespmem:s23+$0x280]  }
0x1ef: {  	v41 =	vld [tilespmem:s23+$0x290]  }
0x1f0: {  	v42 =	vld [tilespmem:s23+$0x2A0]  }
0x1f1: {  	v43 =	vld [tilespmem:s23+$0x2B0]  }
0x1f2: {  	v44 =	vld [tilespmem:s23+$0x2C0]  }
0x1f3: {  	v45 =	vld [tilespmem:s23+$0x2D0]  }
0x1f4: {  	v46 =	vld [tilespmem:s23+$0x2E0]  }
0x1f5: {  	v47 =	vld [tilespmem:s23+$0x2F0]  }
0x1f6: {  	v48 =	vld [tilespmem:s23+$0x300]  }
0x1f7: {  	v49 =	vld [tilespmem:s23+$0x310]  }
0x1f8: {  	v50 =	vld [tilespmem:s23+$0x320]  }
0x1f9: {  	v51 =	vld [tilespmem:s23+$0x330]  }
0x1fa: {  	v52 =	vld [tilespmem:s23+$0x340]  }
0x1fb: {  	v53 =	vld [tilespmem:s23+$0x350]  }
0x1fc: {  	v54 =	vld [tilespmem:s23+$0x360]  }
0x1fd: {  	v55 =	vld [tilespmem:s23+$0x370]  }
0x1fe: {  	v56 =	vld [tilespmem:s23+$0x380]  }
0x1ff: {  	v57 =	vld [tilespmem:s23+$0x390]  }
0x200: {  	v58 =	vld [tilespmem:s23+$0x3A0]  }
0x201: {  	v59 =	vld [tilespmem:s23+$0x3B0]  }
0x202: {  	v60 =	vld [tilespmem:s23+$0x3C0]  }
0x203: {  	v61 =	vld [tilespmem:s23+$0x3D0]  }
0x204: {  	v62 =	vld [tilespmem:s23+$0x3E0]  }
0x205: {  	[tilespmem:s23+$0xCBF0] =	vst.add.f32.msk $0xffff, v0  }
0x206: {  	v0 =	vld [tilespmem:s23+$0x40]  }
0x207: {  	[tilespmem:s23+$0xC800] =	vst.add.f32.msk $0xffff, v1  }
0x208: {  	[tilespmem:s23+$0xC810] =	vst.add.f32.msk $0xffff, v2  }
0x209: {  	[tilespmem:s23+$0xC820] =	vst.add.f32.msk $0xffff, v3  }
0x20a: {  	[tilespmem:s23+$0xC830] =	vst.add.f32.msk $0xffff, v4  }
0x20b: {  	[tilespmem:s23+$0xC850] =	vst.add.f32.msk $0xffff, v5  }
0x20c: {  	[tilespmem:s23+$0xC860] =	vst.add.f32.msk $0xffff, v6  }
0x20d: {  	[tilespmem:s23+$0xC870] =	vst.add.f32.msk $0xffff, v7  }
0x20e: {  	[tilespmem:s23+$0xC880] =	vst.add.f32.msk $0xffff, v8  }
0x20f: {  	[tilespmem:s23+$0xC890] =	vst.add.f32.msk $0xffff, v9  }
0x210: {  	[tilespmem:s23+$0xC8A0] =	vst.add.f32.msk $0xffff, v10  }
0x211: {  	[tilespmem:s23+$0xC8B0] =	vst.add.f32.msk $0xffff, v11  }
0x212: {  	[tilespmem:s23+$0xC8C0] =	vst.add.f32.msk $0xffff, v12  }
0x213: {  	[tilespmem:s23+$0xC8D0] =	vst.add.f32.msk $0xffff, v13  }
0x214: {  	[tilespmem:s23+$0xC8E0] =	vst.add.f32.msk $0xffff, v14  }
0x215: {  	[tilespmem:s23+$0xC8F0] =	vst.add.f32.msk $0xffff, v15  }
0x216: {  	[tilespmem:s23+$0xC900] =	vst.add.f32.msk $0xffff, v16  }
0x217: {  	[tilespmem:s23+$0xC910] =	vst.add.f32.msk $0xffff, v17  }
0x218: {  	[tilespmem:s23+$0xC920] =	vst.add.f32.msk $0xffff, v18  }
0x219: {  	[tilespmem:s23+$0xC930] =	vst.add.f32.msk $0xffff, v19  }
0x21a: {  	[tilespmem:s23+$0xC940] =	vst.add.f32.msk $0xffff, v20  }
0x21b: {  	[tilespmem:s23+$0xC950] =	vst.add.f32.msk $0xffff, v21  }
0x21c: {  	[tilespmem:s23+$0xC960] =	vst.add.f32.msk $0xffff, v22  }
0x21d: {  	[tilespmem:s23+$0xC970] =	vst.add.f32.msk $0xffff, v23  }
0x21e: {  	[tilespmem:s23+$0xC980] =	vst.add.f32.msk $0xffff, v24  }
0x21f: {  	[tilespmem:s23+$0xC990] =	vst.add.f32.msk $0xffff, v25  }
0x220: {  	[tilespmem:s23+$0xC9A0] =	vst.add.f32.msk $0xffff, v26  }
0x221: {  	[tilespmem:s23+$0xC9B0] =	vst.add.f32.msk $0xffff, v27  }
0x222: {  	[tilespmem:s23+$0xC9C0] =	vst.add.f32.msk $0xffff, v28  }
0x223: {  	[tilespmem:s23+$0xC9D0] =	vst.add.f32.msk $0xffff, v29  }
0x224: {  	[tilespmem:s23+$0xC9E0] =	vst.add.f32.msk $0xffff, v30  }
0x225: {  	[tilespmem:s23+$0xC9F0] =	vst.add.f32.msk $0xffff, v31  }
0x226: {  	[tilespmem:s23+$0xCA00] =	vst.add.f32.msk $0xffff, v32  }
0x227: {  	[tilespmem:s23+$0xCA10] =	vst.add.f32.msk $0xffff, v33  }
0x228: {  	[tilespmem:s23+$0xCA20] =	vst.add.f32.msk $0xffff, v34  }
0x229: {  	[tilespmem:s23+$0xCA30] =	vst.add.f32.msk $0xffff, v35  }
0x22a: {  	[tilespmem:s23+$0xCA40] =	vst.add.f32.msk $0xffff, v36  }
0x22b: {  	[tilespmem:s23+$0xCA50] =	vst.add.f32.msk $0xffff, v37  }
0x22c: {  	[tilespmem:s23+$0xCA60] =	vst.add.f32.msk $0xffff, v38  }
0x22d: {  	[tilespmem:s23+$0xCA70] =	vst.add.f32.msk $0xffff, v39  }
0x22e: {  	[tilespmem:s23+$0xCA80] =	vst.add.f32.msk $0xffff, v40  }
0x22f: {  	[tilespmem:s23+$0xCA90] =	vst.add.f32.msk $0xffff, v41  }
0x230: {  	[tilespmem:s23+$0xCAA0] =	vst.add.f32.msk $0xffff, v42  }
0x231: {  	[tilespmem:s23+$0xCAB0] =	vst.add.f32.msk $0xffff, v43  }
0x232: {  	[tilespmem:s23+$0xCAC0] =	vst.add.f32.msk $0xffff, v44  }
0x233: {  	[tilespmem:s23+$0xCAD0] =	vst.add.f32.msk $0xffff, v45  }
0x234: {  	[tilespmem:s23+$0xCAE0] =	vst.add.f32.msk $0xffff, v46  }
0x235: {  	[tilespmem:s23+$0xCAF0] =	vst.add.f32.msk $0xffff, v47  }
0x236: {  	[tilespmem:s23+$0xCB00] =	vst.add.f32.msk $0xffff, v48  }
0x237: {  	[tilespmem:s23+$0xCB10] =	vst.add.f32.msk $0xffff, v49  }
0x238: {  	[tilespmem:s23+$0xCB20] =	vst.add.f32.msk $0xffff, v50  }
0x239: {  	[tilespmem:s23+$0xCB30] =	vst.add.f32.msk $0xffff, v51  }
0x23a: {  	[tilespmem:s23+$0xCB40] =	vst.add.f32.msk $0xffff, v52  }
0x23b: {  	[tilespmem:s23+$0xCB50] =	vst.add.f32.msk $0xffff, v53  }
0x23c: {  	[tilespmem:s23+$0xCB60] =	vst.add.f32.msk $0xffff, v54  }
0x23d: {  	[tilespmem:s23+$0xCB70] =	vst.add.f32.msk $0xffff, v55  }
0x23e: {  	[tilespmem:s23+$0xCB80] =	vst.add.f32.msk $0xffff, v56  }
0x23f: {  	[tilespmem:s23+$0xCB90] =	vst.add.f32.msk $0xffff, v57  }
0x240: {  	[tilespmem:s23+$0xCBA0] =	vst.add.f32.msk $0xffff, v58  }
0x241: {  	[tilespmem:s23+$0xCBB0] =	vst.add.f32.msk $0xffff, v59  }
0x242: {  	s24 =	sadd.s32 s3, s13;
	[tilespmem:s23+$0xCBC0] =	vst.add.f32.msk $0xffff, v60  }
0x243: {  	s24 =	smul.u32 $0xC80, s24;
	[tilespmem:s23+$0xCBD0] =	vst.add.f32.msk $0xffff, v61  }
0x244: {  	[tilespmem:s23+$0xCBE0] =	vst.add.f32.msk $0xffff, v62  }
0x245: {  	s24 =	sadd.s32 s4, s24;
	[tilespmem:s23+$0xC840] =	vst.add.f32.msk $0xffff, v0  }
0x246: {  	[hbm4b:s24+s5] =	stream.linear.scatter [tilespmem:s25], [sflag:$0x5], $0x6400, $0x38;
	[tilespmem:$0x19300] =	vst v63  }
0x247: {  	_ =	swait.ge [sflag:s10], $0x6400  }
0x248: {  	[sflag:s10] =	ssyncset.done $0x0  }
0x249: {  	[sflag:s10] =	ssyncadd.s32 $0xFFFF9C00  }
0x24a: {  	_ =	swait.ge [sflag:s15], $0x100  }
0x24b: {  	[sflag:s15] =	ssyncset.done $0x0  }
0x24c: {  	p0 =	seq.s32 s18, $0x29;
	[sflag:s15] =	ssyncadd.s32 $0xFFFFFF00  }
0x24d: {  	[tilespmem:s22], [sflag:$0x1] =	stream.indirect.gather [hbm4b:s1+s21], $0x80, s19, s21, $0xb8;
	[tilespmem:$0x19300] =	vst v63  }
0x24e: {  	s2 =	sadd.s32 @!p0 $0xA, s2;
	s23 =	simm.s32 $0x19080;
	s24 =	simm.s32 $0x9600  }
0x24f: {  	[tilespmem:s24], [sflag:$0x1] =	stream.indirect.gather [hbm4b:s1+s21], $0x80, s23, s21, $0xb8;
	[tilespmem:$0x19300] =	vst v63  }
0x250: {  	s23 =	sadd.s32 @!p0 s8, s2;
	s2 =	sshll.u32 @!p0 s2, $0x4;
	s24 =	simm.s32 @!p0 $0x19200  }
0x251: {  	_ =	swait.ge [sflag:s16], $0x6400;
	s23 =	sshll.u32 @!p0 s23, $0x4;
	s2 =	sand.u32 @!p0 $0x60, s2  }
0x252: {  	[sflag:s16] =	ssyncset.done $0x0;
	s23 =	sand.u32 @!p0 $0xFFFFF80, s23;
	s2 =	sadd.s32 @!p0 s6, s2  }
0x253: {  	[sflag:s16] =	ssyncadd.s32 $0xFFFF9C00;
	s2 =	sadd.s32 @!p0 s23, s2;
	s23 =	simm.s32 @!p0 $0x0  }
0x254: {  	[tilespmem:s24], [sflag:$0x9] =	stream.linear.gather @!p0 [hbm4b:s2+s23], $0x100, $0x38;
	[tilespmem:$0x19300] =	vst v63  }
0x255: {  	s2 =	simm.s32 $0x0;
	s23 =	simm.s32 $0x1000  }
.LBB2_7:
0x256: {  	p0 =	sne.s32 s23, $0x18000;
	v0 =	vld [tilespmem:s2+$0x3F0]  }
0x257: {  	v1 =	vld [tilespmem:s2+$0x0]  }
0x258: {  	v2 =	vld [tilespmem:s2+$0x10]  }
0x259: {  	v3 =	vld [tilespmem:s2+$0x20]  }
0x25a: {  	v4 =	vld [tilespmem:s2+$0x30]  }
0x25b: {  	[tilespmem:s2+$0x12FF0] =	vst.add.f32.msk $0xffff, v0  }
0x25c: {  	v0 =	vld [tilespmem:s2+$0x40]  }
0x25d: {  	v5 =	vld [tilespmem:s2+$0x50]  }
0x25e: {  	v6 =	vld [tilespmem:s2+$0x60]  }
0x25f: {  	v7 =	vld [tilespmem:s2+$0x70]  }
0x260: {  	v8 =	vld [tilespmem:s2+$0x80]  }
0x261: {  	v9 =	vld [tilespmem:s2+$0x90]  }
0x262: {  	v10 =	vld [tilespmem:s2+$0xA0]  }
0x263: {  	v11 =	vld [tilespmem:s2+$0xB0]  }
0x264: {  	v12 =	vld [tilespmem:s2+$0xC0]  }
0x265: {  	v13 =	vld [tilespmem:s2+$0xD0]  }
0x266: {  	v14 =	vld [tilespmem:s2+$0xE0]  }
0x267: {  	v15 =	vld [tilespmem:s2+$0xF0]  }
0x268: {  	v16 =	vld [tilespmem:s2+$0x100]  }
0x269: {  	v17 =	vld [tilespmem:s2+$0x110]  }
0x26a: {  	v18 =	vld [tilespmem:s2+$0x120]  }
0x26b: {  	v19 =	vld [tilespmem:s2+$0x130]  }
0x26c: {  	v20 =	vld [tilespmem:s2+$0x140]  }
0x26d: {  	v21 =	vld [tilespmem:s2+$0x150]  }
0x26e: {  	v22 =	vld [tilespmem:s2+$0x160]  }
0x26f: {  	v23 =	vld [tilespmem:s2+$0x170]  }
0x270: {  	v24 =	vld [tilespmem:s2+$0x180]  }
0x271: {  	v25 =	vld [tilespmem:s2+$0x190]  }
0x272: {  	v26 =	vld [tilespmem:s2+$0x1A0]  }
0x273: {  	v27 =	vld [tilespmem:s2+$0x1B0]  }
0x274: {  	v28 =	vld [tilespmem:s2+$0x1C0]  }
0x275: {  	v29 =	vld [tilespmem:s2+$0x1D0]  }
0x276: {  	v30 =	vld [tilespmem:s2+$0x1E0]  }
0x277: {  	v31 =	vld [tilespmem:s2+$0x1F0]  }
0x278: {  	v32 =	vld [tilespmem:s2+$0x200]  }
0x279: {  	v33 =	vld [tilespmem:s2+$0x210]  }
0x27a: {  	v34 =	vld [tilespmem:s2+$0x220]  }
0x27b: {  	v35 =	vld [tilespmem:s2+$0x230]  }
0x27c: {  	v36 =	vld [tilespmem:s2+$0x240]  }
0x27d: {  	v37 =	vld [tilespmem:s2+$0x250]  }
0x27e: {  	v38 =	vld [tilespmem:s2+$0x260]  }
0x27f: {  	v39 =	vld [tilespmem:s2+$0x270]  }
0x280: {  	v40 =	vld [tilespmem:s2+$0x280]  }
0x281: {  	v41 =	vld [tilespmem:s2+$0x290]  }
0x282: {  	v42 =	vld [tilespmem:s2+$0x2A0]  }
0x283: {  	v43 =	vld [tilespmem:s2+$0x2B0]  }
0x284: {  	v44 =	vld [tilespmem:s2+$0x2C0]  }
0x285: {  	v45 =	vld [tilespmem:s2+$0x2D0]  }
0x286: {  	v46 =	vld [tilespmem:s2+$0x2E0]  }
0x287: {  	v47 =	vld [tilespmem:s2+$0x2F0]  }
0x288: {  	v48 =	vld [tilespmem:s2+$0x300]  }
0x289: {  	v49 =	vld [tilespmem:s2+$0x310]  }
0x28a: {  	v50 =	vld [tilespmem:s2+$0x320]  }
0x28b: {  	v51 =	vld [tilespmem:s2+$0x330]  }
0x28c: {  	v52 =	vld [tilespmem:s2+$0x340]  }
0x28d: {  	v53 =	vld [tilespmem:s2+$0x350]  }
0x28e: {  	v54 =	vld [tilespmem:s2+$0x360]  }
0x28f: {  	v55 =	vld [tilespmem:s2+$0x370]  }
0x290: {  	v56 =	vld [tilespmem:s2+$0x380]  }
0x291: {  	v57 =	vld [tilespmem:s2+$0x390]  }
0x292: {  	v58 =	vld [tilespmem:s2+$0x3A0]  }
0x293: {  	v59 =	vld [tilespmem:s2+$0x3B0]  }
0x294: {  	v60 =	vld [tilespmem:s2+$0x3C0]  }
0x295: {  	v61 =	vld [tilespmem:s2+$0x3D0]  }
0x296: {  	v62 =	vld [tilespmem:s2+$0x3E0]  }
0x297: {  	[tilespmem:s2+$0x12C00] =	vst.add.f32.msk $0xffff, v1  }
0x298: {  	[tilespmem:s2+$0x12C10] =	vst.add.f32.msk $0xffff, v2  }
0x299: {  	[tilespmem:s2+$0x12C20] =	vst.add.f32.msk $0xffff, v3  }
0x29a: {  	[tilespmem:s2+$0x12C30] =	vst.add.f32.msk $0xffff, v4  }
0x29b: {  	[tilespmem:s2+$0x12C40] =	vst.add.f32.msk $0xffff, v0  }
0x29c: {  	[tilespmem:s2+$0x12C50] =	vst.add.f32.msk $0xffff, v5  }
0x29d: {  	[tilespmem:s2+$0x12C60] =	vst.add.f32.msk $0xffff, v6  }
0x29e: {  	[tilespmem:s2+$0x12C70] =	vst.add.f32.msk $0xffff, v7  }
0x29f: {  	[tilespmem:s2+$0x12C80] =	vst.add.f32.msk $0xffff, v8  }
0x2a0: {  	[tilespmem:s2+$0x12C90] =	vst.add.f32.msk $0xffff, v9  }
0x2a1: {  	[tilespmem:s2+$0x12CA0] =	vst.add.f32.msk $0xffff, v10  }
0x2a2: {  	[tilespmem:s2+$0x12CB0] =	vst.add.f32.msk $0xffff, v11  }
0x2a3: {  	[tilespmem:s2+$0x12CC0] =	vst.add.f32.msk $0xffff, v12  }
0x2a4: {  	[tilespmem:s2+$0x12CD0] =	vst.add.f32.msk $0xffff, v13  }
0x2a5: {  	[tilespmem:s2+$0x12CE0] =	vst.add.f32.msk $0xffff, v14  }
0x2a6: {  	[tilespmem:s2+$0x12CF0] =	vst.add.f32.msk $0xffff, v15  }
0x2a7: {  	[tilespmem:s2+$0x12D00] =	vst.add.f32.msk $0xffff, v16  }
0x2a8: {  	[tilespmem:s2+$0x12D10] =	vst.add.f32.msk $0xffff, v17  }
0x2a9: {  	[tilespmem:s2+$0x12D20] =	vst.add.f32.msk $0xffff, v18  }
0x2aa: {  	[tilespmem:s2+$0x12D30] =	vst.add.f32.msk $0xffff, v19  }
0x2ab: {  	[tilespmem:s2+$0x12D40] =	vst.add.f32.msk $0xffff, v20  }
0x2ac: {  	[tilespmem:s2+$0x12D50] =	vst.add.f32.msk $0xffff, v21  }
0x2ad: {  	[tilespmem:s2+$0x12D60] =	vst.add.f32.msk $0xffff, v22  }
0x2ae: {  	[tilespmem:s2+$0x12D70] =	vst.add.f32.msk $0xffff, v23  }
0x2af: {  	[tilespmem:s2+$0x12D80] =	vst.add.f32.msk $0xffff, v24  }
0x2b0: {  	[tilespmem:s2+$0x12D90] =	vst.add.f32.msk $0xffff, v25  }
0x2b1: {  	[tilespmem:s2+$0x12DA0] =	vst.add.f32.msk $0xffff, v26  }
0x2b2: {  	[tilespmem:s2+$0x12DB0] =	vst.add.f32.msk $0xffff, v27  }
0x2b3: {  	[tilespmem:s2+$0x12DC0] =	vst.add.f32.msk $0xffff, v28  }
0x2b4: {  	[tilespmem:s2+$0x12DD0] =	vst.add.f32.msk $0xffff, v29  }
0x2b5: {  	[tilespmem:s2+$0x12DE0] =	vst.add.f32.msk $0xffff, v30  }
0x2b6: {  	[tilespmem:s2+$0x12DF0] =	vst.add.f32.msk $0xffff, v31  }
0x2b7: {  	[tilespmem:s2+$0x12E00] =	vst.add.f32.msk $0xffff, v32  }
0x2b8: {  	[tilespmem:s2+$0x12E10] =	vst.add.f32.msk $0xffff, v33  }
0x2b9: {  	[tilespmem:s2+$0x12E20] =	vst.add.f32.msk $0xffff, v34  }
0x2ba: {  	[tilespmem:s2+$0x12E30] =	vst.add.f32.msk $0xffff, v35  }
0x2bb: {  	[tilespmem:s2+$0x12E40] =	vst.add.f32.msk $0xffff, v36  }
0x2bc: {  	[tilespmem:s2+$0x12E50] =	vst.add.f32.msk $0xffff, v37  }
0x2bd: {  	[tilespmem:s2+$0x12E60] =	vst.add.f32.msk $0xffff, v38  }
0x2be: {  	[tilespmem:s2+$0x12E70] =	vst.add.f32.msk $0xffff, v39  }
0x2bf: {  	[tilespmem:s2+$0x12E80] =	vst.add.f32.msk $0xffff, v40  }
0x2c0: {  	[tilespmem:s2+$0x12E90] =	vst.add.f32.msk $0xffff, v41  }
0x2c1: {  	[tilespmem:s2+$0x12EA0] =	vst.add.f32.msk $0xffff, v42  }
0x2c2: {  	[tilespmem:s2+$0x12EB0] =	vst.add.f32.msk $0xffff, v43  }
0x2c3: {  	[tilespmem:s2+$0x12EC0] =	vst.add.f32.msk $0xffff, v44  }
0x2c4: {  	[tilespmem:s2+$0x12ED0] =	vst.add.f32.msk $0xffff, v45  }
0x2c5: {  	[tilespmem:s2+$0x12EE0] =	vst.add.f32.msk $0xffff, v46  }
0x2c6: {  	[tilespmem:s2+$0x12EF0] =	vst.add.f32.msk $0xffff, v47  }
0x2c7: {  	[tilespmem:s2+$0x12F00] =	vst.add.f32.msk $0xffff, v48  }
0x2c8: {  	[tilespmem:s2+$0x12F10] =	vst.add.f32.msk $0xffff, v49  }
0x2c9: {  	[tilespmem:s2+$0x12F20] =	vst.add.f32.msk $0xffff, v50  }
0x2ca: {  	[tilespmem:s2+$0x12F30] =	vst.add.f32.msk $0xffff, v51  }
0x2cb: {  	[tilespmem:s2+$0x12F40] =	vst.add.f32.msk $0xffff, v52  }
0x2cc: {  	[tilespmem:s2+$0x12F50] =	vst.add.f32.msk $0xffff, v53  }
0x2cd: {  	[tilespmem:s2+$0x12F60] =	vst.add.f32.msk $0xffff, v54  }
0x2ce: {  	[tilespmem:s2+$0x12F70] =	vst.add.f32.msk $0xffff, v55  }
0x2cf: {  	[tilespmem:s2+$0x12F80] =	vst.add.f32.msk $0xffff, v56  }
0x2d0: {  	[tilespmem:s2+$0x12F90] =	vst.add.f32.msk $0xffff, v57  }
.Ltmp2:
0x2d1: {  	[tilespmem:s2+$0x12FA0] =	vst.add.f32.msk $0xffff, v58;
	(pc) =	sbr.rel @p0 .LBB2_7-.Ltmp2, $4  }
0x2d2: {  	[tilespmem:s2+$0x12FB0] =	vst.add.f32.msk $0xffff, v59  }
0x2d3: {  	[tilespmem:s2+$0x12FC0] =	vst.add.f32.msk $0xffff, v60  }
0x2d4: {  	[tilespmem:s2+$0x12FD0] =	vst.add.f32.msk $0xffff, v61  }
0x2d5: {  	[tilespmem:s2+$0x12FE0] =	vst.add.f32.msk $0xffff, v62;
	s2 =	sshra.s32 s23, $0x2;
	s23 =	sadd.s32 $0x1000, s23  }
0x2d6: {  	v0 =	vld [tilespmem:s2+$0x3F0]  }
0x2d7: {  	v1 =	vld [tilespmem:s2+$0x0]  }
0x2d8: {  	v2 =	vld [tilespmem:s2+$0x10]  }
0x2d9: {  	v3 =	vld [tilespmem:s2+$0x20]  }
0x2da: {  	v4 =	vld [tilespmem:s2+$0x30]  }
0x2db: {  	v5 =	vld [tilespmem:s2+$0x50]  }
0x2dc: {  	v6 =	vld [tilespmem:s2+$0x60]  }
0x2dd: {  	v7 =	vld [tilespmem:s2+$0x70]  }
0x2de: {  	v8 =	vld [tilespmem:s2+$0x80]  }
0x2df: {  	v9 =	vld [tilespmem:s2+$0x90]  }
0x2e0: {  	v10 =	vld [tilespmem:s2+$0xA0]  }
0x2e1: {  	v11 =	vld [tilespmem:s2+$0xB0]  }
0x2e2: {  	v12 =	vld [tilespmem:s2+$0xC0]  }
0x2e3: {  	v13 =	vld [tilespmem:s2+$0xD0]  }
0x2e4: {  	v14 =	vld [tilespmem:s2+$0xE0]  }
0x2e5: {  	v15 =	vld [tilespmem:s2+$0xF0]  }
0x2e6: {  	v16 =	vld [tilespmem:s2+$0x100]  }
0x2e7: {  	v17 =	vld [tilespmem:s2+$0x110]  }
0x2e8: {  	v18 =	vld [tilespmem:s2+$0x120]  }
0x2e9: {  	v19 =	vld [tilespmem:s2+$0x130]  }
0x2ea: {  	v20 =	vld [tilespmem:s2+$0x140]  }
0x2eb: {  	v21 =	vld [tilespmem:s2+$0x150]  }
0x2ec: {  	v22 =	vld [tilespmem:s2+$0x160]  }
0x2ed: {  	v23 =	vld [tilespmem:s2+$0x170]  }
0x2ee: {  	v24 =	vld [tilespmem:s2+$0x180]  }
0x2ef: {  	v25 =	vld [tilespmem:s2+$0x190]  }
0x2f0: {  	v26 =	vld [tilespmem:s2+$0x1A0]  }
0x2f1: {  	v27 =	vld [tilespmem:s2+$0x1B0]  }
0x2f2: {  	v28 =	vld [tilespmem:s2+$0x1C0]  }
0x2f3: {  	v29 =	vld [tilespmem:s2+$0x1D0]  }
0x2f4: {  	v30 =	vld [tilespmem:s2+$0x1E0]  }
0x2f5: {  	v31 =	vld [tilespmem:s2+$0x1F0]  }
0x2f6: {  	v32 =	vld [tilespmem:s2+$0x200]  }
0x2f7: {  	v33 =	vld [tilespmem:s2+$0x210]  }
0x2f8: {  	v34 =	vld [tilespmem:s2+$0x220]  }
0x2f9: {  	v35 =	vld [tilespmem:s2+$0x230]  }
0x2fa: {  	v36 =	vld [tilespmem:s2+$0x240]  }
0x2fb: {  	v37 =	vld [tilespmem:s2+$0x250]  }
0x2fc: {  	v38 =	vld [tilespmem:s2+$0x260]  }
0x2fd: {  	v39 =	vld [tilespmem:s2+$0x270]  }
0x2fe: {  	v40 =	vld [tilespmem:s2+$0x280]  }
0x2ff: {  	v41 =	vld [tilespmem:s2+$0x290]  }
0x300: {  	v42 =	vld [tilespmem:s2+$0x2A0]  }
0x301: {  	v43 =	vld [tilespmem:s2+$0x2B0]  }
0x302: {  	v44 =	vld [tilespmem:s2+$0x2C0]  }
0x303: {  	v45 =	vld [tilespmem:s2+$0x2D0]  }
0x304: {  	v46 =	vld [tilespmem:s2+$0x2E0]  }
0x305: {  	v47 =	vld [tilespmem:s2+$0x2F0]  }
0x306: {  	v48 =	vld [tilespmem:s2+$0x300]  }
0x307: {  	v49 =	vld [tilespmem:s2+$0x310]  }
0x308: {  	v50 =	vld [tilespmem:s2+$0x320]  }
0x309: {  	v51 =	vld [tilespmem:s2+$0x330]  }
0x30a: {  	v52 =	vld [tilespmem:s2+$0x340]  }
0x30b: {  	v53 =	vld [tilespmem:s2+$0x350]  }
0x30c: {  	v54 =	vld [tilespmem:s2+$0x360]  }
0x30d: {  	v55 =	vld [tilespmem:s2+$0x370]  }
0x30e: {  	v56 =	vld [tilespmem:s2+$0x380]  }
0x30f: {  	v57 =	vld [tilespmem:s2+$0x390]  }
0x310: {  	v58 =	vld [tilespmem:s2+$0x3A0]  }
0x311: {  	v59 =	vld [tilespmem:s2+$0x3B0]  }
0x312: {  	v60 =	vld [tilespmem:s2+$0x3C0]  }
0x313: {  	v61 =	vld [tilespmem:s2+$0x3D0]  }
0x314: {  	v62 =	vld [tilespmem:s2+$0x3E0]  }
0x315: {  	[tilespmem:s2+$0x12FF0] =	vst.add.f32.msk $0xffff, v0  }
0x316: {  	v0 =	vld [tilespmem:s2+$0x40]  }
0x317: {  	[tilespmem:s2+$0x12C00] =	vst.add.f32.msk $0xffff, v1  }
0x318: {  	[tilespmem:s2+$0x12C10] =	vst.add.f32.msk $0xffff, v2  }
0x319: {  	[tilespmem:s2+$0x12C20] =	vst.add.f32.msk $0xffff, v3  }
0x31a: {  	[tilespmem:s2+$0x12C30] =	vst.add.f32.msk $0xffff, v4  }
0x31b: {  	[tilespmem:s2+$0x12C50] =	vst.add.f32.msk $0xffff, v5  }
0x31c: {  	[tilespmem:s2+$0x12C60] =	vst.add.f32.msk $0xffff, v6  }
0x31d: {  	[tilespmem:s2+$0x12C70] =	vst.add.f32.msk $0xffff, v7  }
0x31e: {  	[tilespmem:s2+$0x12C80] =	vst.add.f32.msk $0xffff, v8  }
0x31f: {  	[tilespmem:s2+$0x12C90] =	vst.add.f32.msk $0xffff, v9  }
0x320: {  	[tilespmem:s2+$0x12CA0] =	vst.add.f32.msk $0xffff, v10  }
0x321: {  	[tilespmem:s2+$0x12CB0] =	vst.add.f32.msk $0xffff, v11  }
0x322: {  	[tilespmem:s2+$0x12CC0] =	vst.add.f32.msk $0xffff, v12  }
0x323: {  	[tilespmem:s2+$0x12CD0] =	vst.add.f32.msk $0xffff, v13  }
0x324: {  	[tilespmem:s2+$0x12CE0] =	vst.add.f32.msk $0xffff, v14  }
0x325: {  	[tilespmem:s2+$0x12CF0] =	vst.add.f32.msk $0xffff, v15  }
0x326: {  	[tilespmem:s2+$0x12D00] =	vst.add.f32.msk $0xffff, v16  }
0x327: {  	[tilespmem:s2+$0x12D10] =	vst.add.f32.msk $0xffff, v17  }
0x328: {  	[tilespmem:s2+$0x12D20] =	vst.add.f32.msk $0xffff, v18  }
0x329: {  	[tilespmem:s2+$0x12D30] =	vst.add.f32.msk $0xffff, v19  }
0x32a: {  	[tilespmem:s2+$0x12D40] =	vst.add.f32.msk $0xffff, v20  }
0x32b: {  	[tilespmem:s2+$0x12D50] =	vst.add.f32.msk $0xffff, v21  }
0x32c: {  	[tilespmem:s2+$0x12D60] =	vst.add.f32.msk $0xffff, v22  }
0x32d: {  	[tilespmem:s2+$0x12D70] =	vst.add.f32.msk $0xffff, v23  }
0x32e: {  	[tilespmem:s2+$0x12D80] =	vst.add.f32.msk $0xffff, v24  }
0x32f: {  	[tilespmem:s2+$0x12D90] =	vst.add.f32.msk $0xffff, v25  }
0x330: {  	[tilespmem:s2+$0x12DA0] =	vst.add.f32.msk $0xffff, v26  }
0x331: {  	[tilespmem:s2+$0x12DB0] =	vst.add.f32.msk $0xffff, v27  }
0x332: {  	[tilespmem:s2+$0x12DC0] =	vst.add.f32.msk $0xffff, v28  }
0x333: {  	[tilespmem:s2+$0x12DD0] =	vst.add.f32.msk $0xffff, v29  }
0x334: {  	[tilespmem:s2+$0x12DE0] =	vst.add.f32.msk $0xffff, v30  }
0x335: {  	[tilespmem:s2+$0x12DF0] =	vst.add.f32.msk $0xffff, v31  }
0x336: {  	[tilespmem:s2+$0x12E00] =	vst.add.f32.msk $0xffff, v32  }
0x337: {  	[tilespmem:s2+$0x12E10] =	vst.add.f32.msk $0xffff, v33  }
0x338: {  	[tilespmem:s2+$0x12E20] =	vst.add.f32.msk $0xffff, v34  }
0x339: {  	[tilespmem:s2+$0x12E30] =	vst.add.f32.msk $0xffff, v35  }
0x33a: {  	[tilespmem:s2+$0x12E40] =	vst.add.f32.msk $0xffff, v36  }
0x33b: {  	[tilespmem:s2+$0x12E50] =	vst.add.f32.msk $0xffff, v37  }
0x33c: {  	[tilespmem:s2+$0x12E60] =	vst.add.f32.msk $0xffff, v38  }
0x33d: {  	[tilespmem:s2+$0x12E70] =	vst.add.f32.msk $0xffff, v39  }
0x33e: {  	[tilespmem:s2+$0x12E80] =	vst.add.f32.msk $0xffff, v40  }
0x33f: {  	[tilespmem:s2+$0x12E90] =	vst.add.f32.msk $0xffff, v41  }
0x340: {  	[tilespmem:s2+$0x12EA0] =	vst.add.f32.msk $0xffff, v42  }
0x341: {  	[tilespmem:s2+$0x12EB0] =	vst.add.f32.msk $0xffff, v43  }
0x342: {  	[tilespmem:s2+$0x12EC0] =	vst.add.f32.msk $0xffff, v44  }
0x343: {  	[tilespmem:s2+$0x12ED0] =	vst.add.f32.msk $0xffff, v45  }
0x344: {  	[tilespmem:s2+$0x12EE0] =	vst.add.f32.msk $0xffff, v46  }
0x345: {  	[tilespmem:s2+$0x12EF0] =	vst.add.f32.msk $0xffff, v47  }
0x346: {  	[tilespmem:s2+$0x12F00] =	vst.add.f32.msk $0xffff, v48  }
0x347: {  	[tilespmem:s2+$0x12F10] =	vst.add.f32.msk $0xffff, v49  }
0x348: {  	[tilespmem:s2+$0x12F20] =	vst.add.f32.msk $0xffff, v50  }
0x349: {  	[tilespmem:s2+$0x12F30] =	vst.add.f32.msk $0xffff, v51  }
0x34a: {  	[tilespmem:s2+$0x12F40] =	vst.add.f32.msk $0xffff, v52  }
0x34b: {  	[tilespmem:s2+$0x12F50] =	vst.add.f32.msk $0xffff, v53  }
0x34c: {  	[tilespmem:s2+$0x12F60] =	vst.add.f32.msk $0xffff, v54  }
0x34d: {  	[tilespmem:s2+$0x12F70] =	vst.add.f32.msk $0xffff, v55  }
0x34e: {  	[tilespmem:s2+$0x12F80] =	vst.add.f32.msk $0xffff, v56  }
0x34f: {  	[tilespmem:s2+$0x12F90] =	vst.add.f32.msk $0xffff, v57  }
0x350: {  	[tilespmem:s2+$0x12FA0] =	vst.add.f32.msk $0xffff, v58  }
0x351: {  	[tilespmem:s2+$0x12FB0] =	vst.add.f32.msk $0xffff, v59  }
0x352: {  	s3 =	sadd.s32 s3, s14;
	[tilespmem:s2+$0x12FC0] =	vst.add.f32.msk $0xffff, v60  }
0x353: {  	s3 =	smul.u32 $0xC80, s3;
	[tilespmem:s2+$0x12FD0] =	vst.add.f32.msk $0xffff, v61  }
0x354: {  	[tilespmem:s2+$0x12FE0] =	vst.add.f32.msk $0xffff, v62  }
0x355: {  	s24 =	sadd.s32 s4, s3;
	[tilespmem:s2+$0x12C40] =	vst.add.f32.msk $0xffff, v0  }
0x356: {  	[hbm4b:s24+s5] =	stream.linear.scatter [tilespmem:s0], [sflag:$0x6], $0x6400, $0x38;
	[tilespmem:$0x19300] =	vst v63  }
0x357: {  	_ =	swait.ge [sflag:s17], $0x6400  }
0x358: {  	[sflag:s17] =	ssyncset.done $0x0  }
0x359: {  	s18 =	sadd.s32 $0x1, s18;
	[sflag:s17] =	ssyncadd.s32 $0xFFFF9C00  }
0x35a: {  	p0 =	sne.s32 s18, $0x2A;
	_ =	swait.ge [sflag:s7], $0x100  }
.Ltmp3:
0x35b: {  	[sflag:s7] =	ssyncset.done $0x0;
	(pc) =	sbr.rel @p0 .LBB2_2-.Ltmp3, $4  }
0x35c: {  	[sflag:s7] =	ssyncadd.s32 $0xFFFFFF00  }
0x35d: {  	[tilespmem:s25], [sflag:$0x2] =	stream.indirect.gather [hbm4b:s1+s21], $0x80, s20, s21, $0xb8;
	[tilespmem:$0x19300] =	vst v63  }
0x35e: {  	_ = 	snop  }
0x35f: {  	[tilespmem:s28], [sflag:$0x2] =	stream.indirect.gather [hbm4b:s1+s21], $0x80, s26, s21, $0xb8;
	[tilespmem:$0x19300] =	vst v63  }
0x360: {  	_ =	swait.ge [sflag:s30], $0x6400  }
0x361: {  	[sflag:s30] =	ssyncset.done $0x0  }
0x362: {  	s2 =	simm.s32 $0x0;
	s3 =	simm.s32 $0x1000;
	[sflag:s30] =	ssyncadd.s32 $0xFFFF9C00  }
.LBB2_10:
0x363: {  	p0 =	sne.s32 s3, $0x18000;
	v0 =	vld [tilespmem:s2+$0x3F0]  }
0x364: {  	v1 =	vld [tilespmem:s2+$0x0]  }
0x365: {  	v2 =	vld [tilespmem:s2+$0x10]  }
0x366: {  	v3 =	vld [tilespmem:s2+$0x20]  }
0x367: {  	v4 =	vld [tilespmem:s2+$0x30]  }
0x368: {  	[tilespmem:s2+$0x67F0] =	vst.add.f32.msk $0xffff, v0  }
0x369: {  	v0 =	vld [tilespmem:s2+$0x40]  }
0x36a: {  	v5 =	vld [tilespmem:s2+$0x50]  }
0x36b: {  	v6 =	vld [tilespmem:s2+$0x60]  }
0x36c: {  	v7 =	vld [tilespmem:s2+$0x70]  }
0x36d: {  	v8 =	vld [tilespmem:s2+$0x80]  }
0x36e: {  	v9 =	vld [tilespmem:s2+$0x90]  }
0x36f: {  	v10 =	vld [tilespmem:s2+$0xA0]  }
0x370: {  	v11 =	vld [tilespmem:s2+$0xB0]  }
0x371: {  	v12 =	vld [tilespmem:s2+$0xC0]  }
0x372: {  	v13 =	vld [tilespmem:s2+$0xD0]  }
0x373: {  	v14 =	vld [tilespmem:s2+$0xE0]  }
0x374: {  	v15 =	vld [tilespmem:s2+$0xF0]  }
0x375: {  	v16 =	vld [tilespmem:s2+$0x100]  }
0x376: {  	v17 =	vld [tilespmem:s2+$0x110]  }
0x377: {  	v18 =	vld [tilespmem:s2+$0x120]  }
0x378: {  	v19 =	vld [tilespmem:s2+$0x130]  }
0x379: {  	v20 =	vld [tilespmem:s2+$0x140]  }
0x37a: {  	v21 =	vld [tilespmem:s2+$0x150]  }
0x37b: {  	v22 =	vld [tilespmem:s2+$0x160]  }
0x37c: {  	v23 =	vld [tilespmem:s2+$0x170]  }
0x37d: {  	v24 =	vld [tilespmem:s2+$0x180]  }
0x37e: {  	v25 =	vld [tilespmem:s2+$0x190]  }
0x37f: {  	v26 =	vld [tilespmem:s2+$0x1A0]  }
0x380: {  	v27 =	vld [tilespmem:s2+$0x1B0]  }
0x381: {  	v28 =	vld [tilespmem:s2+$0x1C0]  }
0x382: {  	v29 =	vld [tilespmem:s2+$0x1D0]  }
0x383: {  	v30 =	vld [tilespmem:s2+$0x1E0]  }
0x384: {  	v31 =	vld [tilespmem:s2+$0x1F0]  }
0x385: {  	v32 =	vld [tilespmem:s2+$0x200]  }
0x386: {  	v33 =	vld [tilespmem:s2+$0x210]  }
0x387: {  	v34 =	vld [tilespmem:s2+$0x220]  }
0x388: {  	v35 =	vld [tilespmem:s2+$0x230]  }
0x389: {  	v36 =	vld [tilespmem:s2+$0x240]  }
0x38a: {  	v37 =	vld [tilespmem:s2+$0x250]  }
0x38b: {  	v38 =	vld [tilespmem:s2+$0x260]  }
0x38c: {  	v39 =	vld [tilespmem:s2+$0x270]  }
0x38d: {  	v40 =	vld [tilespmem:s2+$0x280]  }
0x38e: {  	v41 =	vld [tilespmem:s2+$0x290]  }
0x38f: {  	v42 =	vld [tilespmem:s2+$0x2A0]  }
0x390: {  	v43 =	vld [tilespmem:s2+$0x2B0]  }
0x391: {  	v44 =	vld [tilespmem:s2+$0x2C0]  }
0x392: {  	v45 =	vld [tilespmem:s2+$0x2D0]  }
0x393: {  	v46 =	vld [tilespmem:s2+$0x2E0]  }
0x394: {  	v47 =	vld [tilespmem:s2+$0x2F0]  }
0x395: {  	v48 =	vld [tilespmem:s2+$0x300]  }
0x396: {  	v49 =	vld [tilespmem:s2+$0x310]  }
0x397: {  	v50 =	vld [tilespmem:s2+$0x320]  }
0x398: {  	v51 =	vld [tilespmem:s2+$0x330]  }
0x399: {  	v52 =	vld [tilespmem:s2+$0x340]  }
0x39a: {  	v53 =	vld [tilespmem:s2+$0x350]  }
0x39b: {  	v54 =	vld [tilespmem:s2+$0x360]  }
0x39c: {  	v55 =	vld [tilespmem:s2+$0x370]  }
0x39d: {  	v56 =	vld [tilespmem:s2+$0x380]  }
0x39e: {  	v57 =	vld [tilespmem:s2+$0x390]  }
0x39f: {  	v58 =	vld [tilespmem:s2+$0x3A0]  }
0x3a0: {  	v59 =	vld [tilespmem:s2+$0x3B0]  }
0x3a1: {  	v60 =	vld [tilespmem:s2+$0x3C0]  }
0x3a2: {  	v61 =	vld [tilespmem:s2+$0x3D0]  }
0x3a3: {  	v62 =	vld [tilespmem:s2+$0x3E0]  }
0x3a4: {  	[tilespmem:s2+$0x6400] =	vst.add.f32.msk $0xffff, v1  }
0x3a5: {  	[tilespmem:s2+$0x6410] =	vst.add.f32.msk $0xffff, v2  }
0x3a6: {  	[tilespmem:s2+$0x6420] =	vst.add.f32.msk $0xffff, v3  }
0x3a7: {  	[tilespmem:s2+$0x6430] =	vst.add.f32.msk $0xffff, v4  }
0x3a8: {  	[tilespmem:s2+$0x6440] =	vst.add.f32.msk $0xffff, v0  }
0x3a9: {  	[tilespmem:s2+$0x6450] =	vst.add.f32.msk $0xffff, v5  }
0x3aa: {  	[tilespmem:s2+$0x6460] =	vst.add.f32.msk $0xffff, v6  }
0x3ab: {  	[tilespmem:s2+$0x6470] =	vst.add.f32.msk $0xffff, v7  }
0x3ac: {  	[tilespmem:s2+$0x6480] =	vst.add.f32.msk $0xffff, v8  }
0x3ad: {  	[tilespmem:s2+$0x6490] =	vst.add.f32.msk $0xffff, v9  }
0x3ae: {  	[tilespmem:s2+$0x64A0] =	vst.add.f32.msk $0xffff, v10  }
0x3af: {  	[tilespmem:s2+$0x64B0] =	vst.add.f32.msk $0xffff, v11  }
0x3b0: {  	[tilespmem:s2+$0x64C0] =	vst.add.f32.msk $0xffff, v12  }
0x3b1: {  	[tilespmem:s2+$0x64D0] =	vst.add.f32.msk $0xffff, v13  }
0x3b2: {  	[tilespmem:s2+$0x64E0] =	vst.add.f32.msk $0xffff, v14  }
0x3b3: {  	[tilespmem:s2+$0x64F0] =	vst.add.f32.msk $0xffff, v15  }
0x3b4: {  	[tilespmem:s2+$0x6500] =	vst.add.f32.msk $0xffff, v16  }
0x3b5: {  	[tilespmem:s2+$0x6510] =	vst.add.f32.msk $0xffff, v17  }
0x3b6: {  	[tilespmem:s2+$0x6520] =	vst.add.f32.msk $0xffff, v18  }
0x3b7: {  	[tilespmem:s2+$0x6530] =	vst.add.f32.msk $0xffff, v19  }
0x3b8: {  	[tilespmem:s2+$0x6540] =	vst.add.f32.msk $0xffff, v20  }
0x3b9: {  	[tilespmem:s2+$0x6550] =	vst.add.f32.msk $0xffff, v21  }
0x3ba: {  	[tilespmem:s2+$0x6560] =	vst.add.f32.msk $0xffff, v22  }
0x3bb: {  	[tilespmem:s2+$0x6570] =	vst.add.f32.msk $0xffff, v23  }
0x3bc: {  	[tilespmem:s2+$0x6580] =	vst.add.f32.msk $0xffff, v24  }
0x3bd: {  	[tilespmem:s2+$0x6590] =	vst.add.f32.msk $0xffff, v25  }
0x3be: {  	[tilespmem:s2+$0x65A0] =	vst.add.f32.msk $0xffff, v26  }
0x3bf: {  	[tilespmem:s2+$0x65B0] =	vst.add.f32.msk $0xffff, v27  }
0x3c0: {  	[tilespmem:s2+$0x65C0] =	vst.add.f32.msk $0xffff, v28  }
0x3c1: {  	[tilespmem:s2+$0x65D0] =	vst.add.f32.msk $0xffff, v29  }
0x3c2: {  	[tilespmem:s2+$0x65E0] =	vst.add.f32.msk $0xffff, v30  }
0x3c3: {  	[tilespmem:s2+$0x65F0] =	vst.add.f32.msk $0xffff, v31  }
0x3c4: {  	[tilespmem:s2+$0x6600] =	vst.add.f32.msk $0xffff, v32  }
0x3c5: {  	[tilespmem:s2+$0x6610] =	vst.add.f32.msk $0xffff, v33  }
0x3c6: {  	[tilespmem:s2+$0x6620] =	vst.add.f32.msk $0xffff, v34  }
0x3c7: {  	[tilespmem:s2+$0x6630] =	vst.add.f32.msk $0xffff, v35  }
0x3c8: {  	[tilespmem:s2+$0x6640] =	vst.add.f32.msk $0xffff, v36  }
0x3c9: {  	[tilespmem:s2+$0x6650] =	vst.add.f32.msk $0xffff, v37  }
0x3ca: {  	[tilespmem:s2+$0x6660] =	vst.add.f32.msk $0xffff, v38  }
0x3cb: {  	[tilespmem:s2+$0x6670] =	vst.add.f32.msk $0xffff, v39  }
0x3cc: {  	[tilespmem:s2+$0x6680] =	vst.add.f32.msk $0xffff, v40  }
0x3cd: {  	[tilespmem:s2+$0x6690] =	vst.add.f32.msk $0xffff, v41  }
0x3ce: {  	[tilespmem:s2+$0x66A0] =	vst.add.f32.msk $0xffff, v42  }
0x3cf: {  	[tilespmem:s2+$0x66B0] =	vst.add.f32.msk $0xffff, v43  }
0x3d0: {  	[tilespmem:s2+$0x66C0] =	vst.add.f32.msk $0xffff, v44  }
0x3d1: {  	[tilespmem:s2+$0x66D0] =	vst.add.f32.msk $0xffff, v45  }
0x3d2: {  	[tilespmem:s2+$0x66E0] =	vst.add.f32.msk $0xffff, v46  }
0x3d3: {  	[tilespmem:s2+$0x66F0] =	vst.add.f32.msk $0xffff, v47  }
0x3d4: {  	[tilespmem:s2+$0x6700] =	vst.add.f32.msk $0xffff, v48  }
0x3d5: {  	[tilespmem:s2+$0x6710] =	vst.add.f32.msk $0xffff, v49  }
0x3d6: {  	[tilespmem:s2+$0x6720] =	vst.add.f32.msk $0xffff, v50  }
0x3d7: {  	[tilespmem:s2+$0x6730] =	vst.add.f32.msk $0xffff, v51  }
0x3d8: {  	[tilespmem:s2+$0x6740] =	vst.add.f32.msk $0xffff, v52  }
0x3d9: {  	[tilespmem:s2+$0x6750] =	vst.add.f32.msk $0xffff, v53  }
0x3da: {  	[tilespmem:s2+$0x6760] =	vst.add.f32.msk $0xffff, v54  }
0x3db: {  	[tilespmem:s2+$0x6770] =	vst.add.f32.msk $0xffff, v55  }
0x3dc: {  	[tilespmem:s2+$0x6780] =	vst.add.f32.msk $0xffff, v56  }
0x3dd: {  	[tilespmem:s2+$0x6790] =	vst.add.f32.msk $0xffff, v57  }
.Ltmp4:
0x3de: {  	[tilespmem:s2+$0x67A0] =	vst.add.f32.msk $0xffff, v58;
	(pc) =	sbr.rel @p0 .LBB2_10-.Ltmp4, $4  }
0x3df: {  	[tilespmem:s2+$0x67B0] =	vst.add.f32.msk $0xffff, v59  }
0x3e0: {  	[tilespmem:s2+$0x67C0] =	vst.add.f32.msk $0xffff, v60  }
0x3e1: {  	[tilespmem:s2+$0x67D0] =	vst.add.f32.msk $0xffff, v61  }
0x3e2: {  	[tilespmem:s2+$0x67E0] =	vst.add.f32.msk $0xffff, v62;
	s2 =	sshra.s32 s3, $0x2;
	s3 =	sadd.s32 $0x1000, s3  }
0x3e3: {  	v0 =	vld [tilespmem:s2+$0x3F0]  }
0x3e4: {  	v1 =	vld [tilespmem:s2+$0x0]  }
0x3e5: {  	v2 =	vld [tilespmem:s2+$0x10]  }
0x3e6: {  	v3 =	vld [tilespmem:s2+$0x20]  }
0x3e7: {  	v4 =	vld [tilespmem:s2+$0x30]  }
0x3e8: {  	v5 =	vld [tilespmem:s2+$0x50]  }
0x3e9: {  	v6 =	vld [tilespmem:s2+$0x60]  }
0x3ea: {  	v7 =	vld [tilespmem:s2+$0x70]  }
0x3eb: {  	v8 =	vld [tilespmem:s2+$0x80]  }
0x3ec: {  	v9 =	vld [tilespmem:s2+$0x90]  }
0x3ed: {  	v10 =	vld [tilespmem:s2+$0xA0]  }
0x3ee: {  	v11 =	vld [tilespmem:s2+$0xB0]  }
0x3ef: {  	v12 =	vld [tilespmem:s2+$0xC0]  }
0x3f0: {  	v13 =	vld [tilespmem:s2+$0xD0]  }
0x3f1: {  	v14 =	vld [tilespmem:s2+$0xE0]  }
0x3f2: {  	v15 =	vld [tilespmem:s2+$0xF0]  }
0x3f3: {  	v16 =	vld [tilespmem:s2+$0x100]  }
0x3f4: {  	v17 =	vld [tilespmem:s2+$0x110]  }
0x3f5: {  	v18 =	vld [tilespmem:s2+$0x120]  }
0x3f6: {  	v19 =	vld [tilespmem:s2+$0x130]  }
0x3f7: {  	v20 =	vld [tilespmem:s2+$0x140]  }
0x3f8: {  	v21 =	vld [tilespmem:s2+$0x150]  }
0x3f9: {  	v22 =	vld [tilespmem:s2+$0x160]  }
0x3fa: {  	v23 =	vld [tilespmem:s2+$0x170]  }
0x3fb: {  	v24 =	vld [tilespmem:s2+$0x180]  }
0x3fc: {  	v25 =	vld [tilespmem:s2+$0x190]  }
0x3fd: {  	v26 =	vld [tilespmem:s2+$0x1A0]  }
0x3fe: {  	v27 =	vld [tilespmem:s2+$0x1B0]  }
0x3ff: {  	v28 =	vld [tilespmem:s2+$0x1C0]  }
0x400: {  	v29 =	vld [tilespmem:s2+$0x1D0]  }
0x401: {  	v30 =	vld [tilespmem:s2+$0x1E0]  }
0x402: {  	v31 =	vld [tilespmem:s2+$0x1F0]  }
0x403: {  	v32 =	vld [tilespmem:s2+$0x200]  }
0x404: {  	v33 =	vld [tilespmem:s2+$0x210]  }
0x405: {  	v34 =	vld [tilespmem:s2+$0x220]  }
0x406: {  	v35 =	vld [tilespmem:s2+$0x230]  }
0x407: {  	v36 =	vld [tilespmem:s2+$0x240]  }
0x408: {  	v37 =	vld [tilespmem:s2+$0x250]  }
0x409: {  	v38 =	vld [tilespmem:s2+$0x260]  }
0x40a: {  	v39 =	vld [tilespmem:s2+$0x270]  }
0x40b: {  	v40 =	vld [tilespmem:s2+$0x280]  }
0x40c: {  	v41 =	vld [tilespmem:s2+$0x290]  }
0x40d: {  	v42 =	vld [tilespmem:s2+$0x2A0]  }
0x40e: {  	v43 =	vld [tilespmem:s2+$0x2B0]  }
0x40f: {  	v44 =	vld [tilespmem:s2+$0x2C0]  }
0x410: {  	v45 =	vld [tilespmem:s2+$0x2D0]  }
0x411: {  	v46 =	vld [tilespmem:s2+$0x2E0]  }
0x412: {  	v47 =	vld [tilespmem:s2+$0x2F0]  }
0x413: {  	v48 =	vld [tilespmem:s2+$0x300]  }
0x414: {  	v49 =	vld [tilespmem:s2+$0x310]  }
0x415: {  	v50 =	vld [tilespmem:s2+$0x320]  }
0x416: {  	v51 =	vld [tilespmem:s2+$0x330]  }
0x417: {  	v52 =	vld [tilespmem:s2+$0x340]  }
0x418: {  	v53 =	vld [tilespmem:s2+$0x350]  }
0x419: {  	v54 =	vld [tilespmem:s2+$0x360]  }
0x41a: {  	v55 =	vld [tilespmem:s2+$0x370]  }
0x41b: {  	v56 =	vld [tilespmem:s2+$0x380]  }
0x41c: {  	v57 =	vld [tilespmem:s2+$0x390]  }
0x41d: {  	v58 =	vld [tilespmem:s2+$0x3A0]  }
0x41e: {  	v59 =	vld [tilespmem:s2+$0x3B0]  }
0x41f: {  	v60 =	vld [tilespmem:s2+$0x3C0]  }
0x420: {  	v61 =	vld [tilespmem:s2+$0x3D0]  }
0x421: {  	v62 =	vld [tilespmem:s2+$0x3E0]  }
0x422: {  	[tilespmem:s2+$0x67F0] =	vst.add.f32.msk $0xffff, v0  }
0x423: {  	v0 =	vld [tilespmem:s2+$0x40]  }
0x424: {  	[tilespmem:s2+$0x6400] =	vst.add.f32.msk $0xffff, v1  }
0x425: {  	[tilespmem:s2+$0x6410] =	vst.add.f32.msk $0xffff, v2  }
0x426: {  	[tilespmem:s2+$0x6420] =	vst.add.f32.msk $0xffff, v3  }
0x427: {  	[tilespmem:s2+$0x6430] =	vst.add.f32.msk $0xffff, v4  }
0x428: {  	[tilespmem:s2+$0x6450] =	vst.add.f32.msk $0xffff, v5  }
0x429: {  	[tilespmem:s2+$0x6460] =	vst.add.f32.msk $0xffff, v6  }
0x42a: {  	[tilespmem:s2+$0x6470] =	vst.add.f32.msk $0xffff, v7  }
0x42b: {  	[tilespmem:s2+$0x6480] =	vst.add.f32.msk $0xffff, v8  }
0x42c: {  	[tilespmem:s2+$0x6490] =	vst.add.f32.msk $0xffff, v9  }
0x42d: {  	[tilespmem:s2+$0x64A0] =	vst.add.f32.msk $0xffff, v10  }
0x42e: {  	[tilespmem:s2+$0x64B0] =	vst.add.f32.msk $0xffff, v11  }
0x42f: {  	[tilespmem:s2+$0x64C0] =	vst.add.f32.msk $0xffff, v12  }
0x430: {  	[tilespmem:s2+$0x64D0] =	vst.add.f32.msk $0xffff, v13  }
0x431: {  	[tilespmem:s2+$0x64E0] =	vst.add.f32.msk $0xffff, v14  }
0x432: {  	[tilespmem:s2+$0x64F0] =	vst.add.f32.msk $0xffff, v15  }
0x433: {  	[tilespmem:s2+$0x6500] =	vst.add.f32.msk $0xffff, v16  }
0x434: {  	[tilespmem:s2+$0x6510] =	vst.add.f32.msk $0xffff, v17  }
0x435: {  	[tilespmem:s2+$0x6520] =	vst.add.f32.msk $0xffff, v18  }
0x436: {  	[tilespmem:s2+$0x6530] =	vst.add.f32.msk $0xffff, v19  }
0x437: {  	[tilespmem:s2+$0x6540] =	vst.add.f32.msk $0xffff, v20  }
0x438: {  	[tilespmem:s2+$0x6550] =	vst.add.f32.msk $0xffff, v21  }
0x439: {  	[tilespmem:s2+$0x6560] =	vst.add.f32.msk $0xffff, v22  }
0x43a: {  	[tilespmem:s2+$0x6570] =	vst.add.f32.msk $0xffff, v23  }
0x43b: {  	[tilespmem:s2+$0x6580] =	vst.add.f32.msk $0xffff, v24  }
0x43c: {  	[tilespmem:s2+$0x6590] =	vst.add.f32.msk $0xffff, v25  }
0x43d: {  	[tilespmem:s2+$0x65A0] =	vst.add.f32.msk $0xffff, v26  }
0x43e: {  	[tilespmem:s2+$0x65B0] =	vst.add.f32.msk $0xffff, v27  }
0x43f: {  	[tilespmem:s2+$0x65C0] =	vst.add.f32.msk $0xffff, v28  }
0x440: {  	[tilespmem:s2+$0x65D0] =	vst.add.f32.msk $0xffff, v29  }
0x441: {  	[tilespmem:s2+$0x65E0] =	vst.add.f32.msk $0xffff, v30  }
0x442: {  	[tilespmem:s2+$0x65F0] =	vst.add.f32.msk $0xffff, v31  }
0x443: {  	[tilespmem:s2+$0x6600] =	vst.add.f32.msk $0xffff, v32  }
0x444: {  	[tilespmem:s2+$0x6610] =	vst.add.f32.msk $0xffff, v33  }
0x445: {  	[tilespmem:s2+$0x6620] =	vst.add.f32.msk $0xffff, v34  }
0x446: {  	[tilespmem:s2+$0x6630] =	vst.add.f32.msk $0xffff, v35  }
0x447: {  	[tilespmem:s2+$0x6640] =	vst.add.f32.msk $0xffff, v36  }
0x448: {  	[tilespmem:s2+$0x6650] =	vst.add.f32.msk $0xffff, v37  }
0x449: {  	[tilespmem:s2+$0x6660] =	vst.add.f32.msk $0xffff, v38  }
0x44a: {  	[tilespmem:s2+$0x6670] =	vst.add.f32.msk $0xffff, v39  }
0x44b: {  	[tilespmem:s2+$0x6680] =	vst.add.f32.msk $0xffff, v40  }
0x44c: {  	[tilespmem:s2+$0x6690] =	vst.add.f32.msk $0xffff, v41  }
0x44d: {  	[tilespmem:s2+$0x66A0] =	vst.add.f32.msk $0xffff, v42  }
0x44e: {  	[tilespmem:s2+$0x66B0] =	vst.add.f32.msk $0xffff, v43  }
0x44f: {  	[tilespmem:s2+$0x66C0] =	vst.add.f32.msk $0xffff, v44  }
0x450: {  	[tilespmem:s2+$0x66D0] =	vst.add.f32.msk $0xffff, v45  }
0x451: {  	[tilespmem:s2+$0x66E0] =	vst.add.f32.msk $0xffff, v46  }
0x452: {  	[tilespmem:s2+$0x66F0] =	vst.add.f32.msk $0xffff, v47  }
0x453: {  	[tilespmem:s2+$0x6700] =	vst.add.f32.msk $0xffff, v48  }
0x454: {  	[tilespmem:s2+$0x6710] =	vst.add.f32.msk $0xffff, v49  }
0x455: {  	[tilespmem:s2+$0x6720] =	vst.add.f32.msk $0xffff, v50  }
0x456: {  	[tilespmem:s2+$0x6730] =	vst.add.f32.msk $0xffff, v51  }
0x457: {  	[tilespmem:s2+$0x6740] =	vst.add.f32.msk $0xffff, v52  }
0x458: {  	[tilespmem:s2+$0x6750] =	vst.add.f32.msk $0xffff, v53  }
0x459: {  	[tilespmem:s2+$0x6760] =	vst.add.f32.msk $0xffff, v54  }
0x45a: {  	[tilespmem:s2+$0x6770] =	vst.add.f32.msk $0xffff, v55  }
0x45b: {  	[tilespmem:s2+$0x6780] =	vst.add.f32.msk $0xffff, v56  }
0x45c: {  	[tilespmem:s2+$0x6790] =	vst.add.f32.msk $0xffff, v57  }
0x45d: {  	[tilespmem:s2+$0x67A0] =	vst.add.f32.msk $0xffff, v58  }
0x45e: {  	[tilespmem:s2+$0x67B0] =	vst.add.f32.msk $0xffff, v59  }
0x45f: {  	[tilespmem:s2+$0x67C0] =	vst.add.f32.msk $0xffff, v60  }
0x460: {  	[tilespmem:s2+$0x67D0] =	vst.add.f32.msk $0xffff, v61  }
0x461: {  	[tilespmem:s2+$0x67E0] =	vst.add.f32.msk $0xffff, v62  }
0x462: {  	s24 =	simm.s32 $0x0;
	s3 =	rddreg [dreg:$0x8];
	[tilespmem:s2+$0x6440] =	vst.add.f32.msk $0xffff, v0  }
0x463: {  	[hbm4b:s3+s24] =	stream.linear.scatter [tilespmem:s22], [sflag:$0x4], $0x6400, $0x38;
	[tilespmem:$0x19300] =	vst v63  }
0x464: {  	_ =	swait.ge [sflag:s9], $0x6400  }
0x465: {  	[sflag:s9] =	ssyncset.done $0x0  }
0x466: {  	s2 =	simm.s32 $0x0;
	s3 =	simm.s32 $0x1000;
	[sflag:s9] =	ssyncadd.s32 $0xFFFF9C00  }
.LBB2_12:
0x467: {  	p0 =	sne.s32 s3, $0x18000;
	v0 =	vld [tilespmem:s2+$0x3F0]  }
0x468: {  	v1 =	vld [tilespmem:s2+$0x0]  }
0x469: {  	v2 =	vld [tilespmem:s2+$0x10]  }
0x46a: {  	v3 =	vld [tilespmem:s2+$0x20]  }
0x46b: {  	v4 =	vld [tilespmem:s2+$0x30]  }
0x46c: {  	[tilespmem:s2+$0xCBF0] =	vst.add.f32.msk $0xffff, v0  }
0x46d: {  	v0 =	vld [tilespmem:s2+$0x40]  }
0x46e: {  	v5 =	vld [tilespmem:s2+$0x50]  }
0x46f: {  	v6 =	vld [tilespmem:s2+$0x60]  }
0x470: {  	v7 =	vld [tilespmem:s2+$0x70]  }
0x471: {  	v8 =	vld [tilespmem:s2+$0x80]  }
0x472: {  	v9 =	vld [tilespmem:s2+$0x90]  }
0x473: {  	v10 =	vld [tilespmem:s2+$0xA0]  }
0x474: {  	v11 =	vld [tilespmem:s2+$0xB0]  }
0x475: {  	v12 =	vld [tilespmem:s2+$0xC0]  }
0x476: {  	v13 =	vld [tilespmem:s2+$0xD0]  }
0x477: {  	v14 =	vld [tilespmem:s2+$0xE0]  }
0x478: {  	v15 =	vld [tilespmem:s2+$0xF0]  }
0x479: {  	v16 =	vld [tilespmem:s2+$0x100]  }
0x47a: {  	v17 =	vld [tilespmem:s2+$0x110]  }
0x47b: {  	v18 =	vld [tilespmem:s2+$0x120]  }
0x47c: {  	v19 =	vld [tilespmem:s2+$0x130]  }
0x47d: {  	v20 =	vld [tilespmem:s2+$0x140]  }
0x47e: {  	v21 =	vld [tilespmem:s2+$0x150]  }
0x47f: {  	v22 =	vld [tilespmem:s2+$0x160]  }
0x480: {  	v23 =	vld [tilespmem:s2+$0x170]  }
0x481: {  	v24 =	vld [tilespmem:s2+$0x180]  }
0x482: {  	v25 =	vld [tilespmem:s2+$0x190]  }
0x483: {  	v26 =	vld [tilespmem:s2+$0x1A0]  }
0x484: {  	v27 =	vld [tilespmem:s2+$0x1B0]  }
0x485: {  	v28 =	vld [tilespmem:s2+$0x1C0]  }
0x486: {  	v29 =	vld [tilespmem:s2+$0x1D0]  }
0x487: {  	v30 =	vld [tilespmem:s2+$0x1E0]  }
0x488: {  	v31 =	vld [tilespmem:s2+$0x1F0]  }
0x489: {  	v32 =	vld [tilespmem:s2+$0x200]  }
0x48a: {  	v33 =	vld [tilespmem:s2+$0x210]  }
0x48b: {  	v34 =	vld [tilespmem:s2+$0x220]  }
0x48c: {  	v35 =	vld [tilespmem:s2+$0x230]  }
0x48d: {  	v36 =	vld [tilespmem:s2+$0x240]  }
0x48e: {  	v37 =	vld [tilespmem:s2+$0x250]  }
0x48f: {  	v38 =	vld [tilespmem:s2+$0x260]  }
0x490: {  	v39 =	vld [tilespmem:s2+$0x270]  }
0x491: {  	v40 =	vld [tilespmem:s2+$0x280]  }
0x492: {  	v41 =	vld [tilespmem:s2+$0x290]  }
0x493: {  	v42 =	vld [tilespmem:s2+$0x2A0]  }
0x494: {  	v43 =	vld [tilespmem:s2+$0x2B0]  }
0x495: {  	v44 =	vld [tilespmem:s2+$0x2C0]  }
0x496: {  	v45 =	vld [tilespmem:s2+$0x2D0]  }
0x497: {  	v46 =	vld [tilespmem:s2+$0x2E0]  }
0x498: {  	v47 =	vld [tilespmem:s2+$0x2F0]  }
0x499: {  	v48 =	vld [tilespmem:s2+$0x300]  }
0x49a: {  	v49 =	vld [tilespmem:s2+$0x310]  }
0x49b: {  	v50 =	vld [tilespmem:s2+$0x320]  }
0x49c: {  	v51 =	vld [tilespmem:s2+$0x330]  }
0x49d: {  	v52 =	vld [tilespmem:s2+$0x340]  }
0x49e: {  	v53 =	vld [tilespmem:s2+$0x350]  }
0x49f: {  	v54 =	vld [tilespmem:s2+$0x360]  }
0x4a0: {  	v55 =	vld [tilespmem:s2+$0x370]  }
0x4a1: {  	v56 =	vld [tilespmem:s2+$0x380]  }
0x4a2: {  	v57 =	vld [tilespmem:s2+$0x390]  }
0x4a3: {  	v58 =	vld [tilespmem:s2+$0x3A0]  }
0x4a4: {  	v59 =	vld [tilespmem:s2+$0x3B0]  }
0x4a5: {  	v60 =	vld [tilespmem:s2+$0x3C0]  }
0x4a6: {  	v61 =	vld [tilespmem:s2+$0x3D0]  }
0x4a7: {  	v62 =	vld [tilespmem:s2+$0x3E0]  }
0x4a8: {  	[tilespmem:s2+$0xC800] =	vst.add.f32.msk $0xffff, v1  }
0x4a9: {  	[tilespmem:s2+$0xC810] =	vst.add.f32.msk $0xffff, v2  }
0x4aa: {  	[tilespmem:s2+$0xC820] =	vst.add.f32.msk $0xffff, v3  }
0x4ab: {  	[tilespmem:s2+$0xC830] =	vst.add.f32.msk $0xffff, v4  }
0x4ac: {  	[tilespmem:s2+$0xC840] =	vst.add.f32.msk $0xffff, v0  }
0x4ad: {  	[tilespmem:s2+$0xC850] =	vst.add.f32.msk $0xffff, v5  }
0x4ae: {  	[tilespmem:s2+$0xC860] =	vst.add.f32.msk $0xffff, v6  }
0x4af: {  	[tilespmem:s2+$0xC870] =	vst.add.f32.msk $0xffff, v7  }
0x4b0: {  	[tilespmem:s2+$0xC880] =	vst.add.f32.msk $0xffff, v8  }
0x4b1: {  	[tilespmem:s2+$0xC890] =	vst.add.f32.msk $0xffff, v9  }
0x4b2: {  	[tilespmem:s2+$0xC8A0] =	vst.add.f32.msk $0xffff, v10  }
0x4b3: {  	[tilespmem:s2+$0xC8B0] =	vst.add.f32.msk $0xffff, v11  }
0x4b4: {  	[tilespmem:s2+$0xC8C0] =	vst.add.f32.msk $0xffff, v12  }
0x4b5: {  	[tilespmem:s2+$0xC8D0] =	vst.add.f32.msk $0xffff, v13  }
0x4b6: {  	[tilespmem:s2+$0xC8E0] =	vst.add.f32.msk $0xffff, v14  }
0x4b7: {  	[tilespmem:s2+$0xC8F0] =	vst.add.f32.msk $0xffff, v15  }
0x4b8: {  	[tilespmem:s2+$0xC900] =	vst.add.f32.msk $0xffff, v16  }
0x4b9: {  	[tilespmem:s2+$0xC910] =	vst.add.f32.msk $0xffff, v17  }
0x4ba: {  	[tilespmem:s2+$0xC920] =	vst.add.f32.msk $0xffff, v18  }
0x4bb: {  	[tilespmem:s2+$0xC930] =	vst.add.f32.msk $0xffff, v19  }
0x4bc: {  	[tilespmem:s2+$0xC940] =	vst.add.f32.msk $0xffff, v20  }
0x4bd: {  	[tilespmem:s2+$0xC950] =	vst.add.f32.msk $0xffff, v21  }
0x4be: {  	[tilespmem:s2+$0xC960] =	vst.add.f32.msk $0xffff, v22  }
0x4bf: {  	[tilespmem:s2+$0xC970] =	vst.add.f32.msk $0xffff, v23  }
0x4c0: {  	[tilespmem:s2+$0xC980] =	vst.add.f32.msk $0xffff, v24  }
0x4c1: {  	[tilespmem:s2+$0xC990] =	vst.add.f32.msk $0xffff, v25  }
0x4c2: {  	[tilespmem:s2+$0xC9A0] =	vst.add.f32.msk $0xffff, v26  }
0x4c3: {  	[tilespmem:s2+$0xC9B0] =	vst.add.f32.msk $0xffff, v27  }
0x4c4: {  	[tilespmem:s2+$0xC9C0] =	vst.add.f32.msk $0xffff, v28  }
0x4c5: {  	[tilespmem:s2+$0xC9D0] =	vst.add.f32.msk $0xffff, v29  }
0x4c6: {  	[tilespmem:s2+$0xC9E0] =	vst.add.f32.msk $0xffff, v30  }
0x4c7: {  	[tilespmem:s2+$0xC9F0] =	vst.add.f32.msk $0xffff, v31  }
0x4c8: {  	[tilespmem:s2+$0xCA00] =	vst.add.f32.msk $0xffff, v32  }
0x4c9: {  	[tilespmem:s2+$0xCA10] =	vst.add.f32.msk $0xffff, v33  }
0x4ca: {  	[tilespmem:s2+$0xCA20] =	vst.add.f32.msk $0xffff, v34  }
0x4cb: {  	[tilespmem:s2+$0xCA30] =	vst.add.f32.msk $0xffff, v35  }
0x4cc: {  	[tilespmem:s2+$0xCA40] =	vst.add.f32.msk $0xffff, v36  }
0x4cd: {  	[tilespmem:s2+$0xCA50] =	vst.add.f32.msk $0xffff, v37  }
0x4ce: {  	[tilespmem:s2+$0xCA60] =	vst.add.f32.msk $0xffff, v38  }
0x4cf: {  	[tilespmem:s2+$0xCA70] =	vst.add.f32.msk $0xffff, v39  }
0x4d0: {  	[tilespmem:s2+$0xCA80] =	vst.add.f32.msk $0xffff, v40  }
0x4d1: {  	[tilespmem:s2+$0xCA90] =	vst.add.f32.msk $0xffff, v41  }
0x4d2: {  	[tilespmem:s2+$0xCAA0] =	vst.add.f32.msk $0xffff, v42  }
0x4d3: {  	[tilespmem:s2+$0xCAB0] =	vst.add.f32.msk $0xffff, v43  }
0x4d4: {  	[tilespmem:s2+$0xCAC0] =	vst.add.f32.msk $0xffff, v44  }
0x4d5: {  	[tilespmem:s2+$0xCAD0] =	vst.add.f32.msk $0xffff, v45  }
0x4d6: {  	[tilespmem:s2+$0xCAE0] =	vst.add.f32.msk $0xffff, v46  }
0x4d7: {  	[tilespmem:s2+$0xCAF0] =	vst.add.f32.msk $0xffff, v47  }
0x4d8: {  	[tilespmem:s2+$0xCB00] =	vst.add.f32.msk $0xffff, v48  }
0x4d9: {  	[tilespmem:s2+$0xCB10] =	vst.add.f32.msk $0xffff, v49  }
0x4da: {  	[tilespmem:s2+$0xCB20] =	vst.add.f32.msk $0xffff, v50  }
0x4db: {  	[tilespmem:s2+$0xCB30] =	vst.add.f32.msk $0xffff, v51  }
0x4dc: {  	[tilespmem:s2+$0xCB40] =	vst.add.f32.msk $0xffff, v52  }
0x4dd: {  	[tilespmem:s2+$0xCB50] =	vst.add.f32.msk $0xffff, v53  }
0x4de: {  	[tilespmem:s2+$0xCB60] =	vst.add.f32.msk $0xffff, v54  }
0x4df: {  	[tilespmem:s2+$0xCB70] =	vst.add.f32.msk $0xffff, v55  }
0x4e0: {  	[tilespmem:s2+$0xCB80] =	vst.add.f32.msk $0xffff, v56  }
0x4e1: {  	[tilespmem:s2+$0xCB90] =	vst.add.f32.msk $0xffff, v57  }
.Ltmp5:
0x4e2: {  	[tilespmem:s2+$0xCBA0] =	vst.add.f32.msk $0xffff, v58;
	(pc) =	sbr.rel @p0 .LBB2_12-.Ltmp5, $4  }
0x4e3: {  	[tilespmem:s2+$0xCBB0] =	vst.add.f32.msk $0xffff, v59  }
0x4e4: {  	[tilespmem:s2+$0xCBC0] =	vst.add.f32.msk $0xffff, v60  }
0x4e5: {  	[tilespmem:s2+$0xCBD0] =	vst.add.f32.msk $0xffff, v61  }
0x4e6: {  	[tilespmem:s2+$0xCBE0] =	vst.add.f32.msk $0xffff, v62;
	s2 =	sshra.s32 s3, $0x2;
	s3 =	sadd.s32 $0x1000, s3  }
0x4e7: {  	v0 =	vld [tilespmem:s2+$0x3F0]  }
0x4e8: {  	v1 =	vld [tilespmem:s2+$0x0]  }
0x4e9: {  	v2 =	vld [tilespmem:s2+$0x10]  }
0x4ea: {  	v3 =	vld [tilespmem:s2+$0x20]  }
0x4eb: {  	v4 =	vld [tilespmem:s2+$0x30]  }
0x4ec: {  	v5 =	vld [tilespmem:s2+$0x50]  }
0x4ed: {  	v6 =	vld [tilespmem:s2+$0x60]  }
0x4ee: {  	v7 =	vld [tilespmem:s2+$0x70]  }
0x4ef: {  	v8 =	vld [tilespmem:s2+$0x80]  }
0x4f0: {  	v9 =	vld [tilespmem:s2+$0x90]  }
0x4f1: {  	v10 =	vld [tilespmem:s2+$0xA0]  }
0x4f2: {  	v11 =	vld [tilespmem:s2+$0xB0]  }
0x4f3: {  	v12 =	vld [tilespmem:s2+$0xC0]  }
0x4f4: {  	v13 =	vld [tilespmem:s2+$0xD0]  }
0x4f5: {  	v14 =	vld [tilespmem:s2+$0xE0]  }
0x4f6: {  	v15 =	vld [tilespmem:s2+$0xF0]  }
0x4f7: {  	v16 =	vld [tilespmem:s2+$0x100]  }
0x4f8: {  	v17 =	vld [tilespmem:s2+$0x110]  }
0x4f9: {  	v18 =	vld [tilespmem:s2+$0x120]  }
0x4fa: {  	v19 =	vld [tilespmem:s2+$0x130]  }
0x4fb: {  	v20 =	vld [tilespmem:s2+$0x140]  }
0x4fc: {  	v21 =	vld [tilespmem:s2+$0x150]  }
0x4fd: {  	v22 =	vld [tilespmem:s2+$0x160]  }
0x4fe: {  	v23 =	vld [tilespmem:s2+$0x170]  }
0x4ff: {  	v24 =	vld [tilespmem:s2+$0x180]  }
0x500: {  	v25 =	vld [tilespmem:s2+$0x190]  }
0x501: {  	v26 =	vld [tilespmem:s2+$0x1A0]  }
0x502: {  	v27 =	vld [tilespmem:s2+$0x1B0]  }
0x503: {  	v28 =	vld [tilespmem:s2+$0x1C0]  }
0x504: {  	v29 =	vld [tilespmem:s2+$0x1D0]  }
0x505: {  	v30 =	vld [tilespmem:s2+$0x1E0]  }
0x506: {  	v31 =	vld [tilespmem:s2+$0x1F0]  }
0x507: {  	v32 =	vld [tilespmem:s2+$0x200]  }
0x508: {  	v33 =	vld [tilespmem:s2+$0x210]  }
0x509: {  	v34 =	vld [tilespmem:s2+$0x220]  }
0x50a: {  	v35 =	vld [tilespmem:s2+$0x230]  }
0x50b: {  	v36 =	vld [tilespmem:s2+$0x240]  }
0x50c: {  	v37 =	vld [tilespmem:s2+$0x250]  }
0x50d: {  	v38 =	vld [tilespmem:s2+$0x260]  }
0x50e: {  	v39 =	vld [tilespmem:s2+$0x270]  }
0x50f: {  	v40 =	vld [tilespmem:s2+$0x280]  }
0x510: {  	v41 =	vld [tilespmem:s2+$0x290]  }
0x511: {  	v42 =	vld [tilespmem:s2+$0x2A0]  }
0x512: {  	v43 =	vld [tilespmem:s2+$0x2B0]  }
0x513: {  	v44 =	vld [tilespmem:s2+$0x2C0]  }
0x514: {  	v45 =	vld [tilespmem:s2+$0x2D0]  }
0x515: {  	v46 =	vld [tilespmem:s2+$0x2E0]  }
0x516: {  	v47 =	vld [tilespmem:s2+$0x2F0]  }
0x517: {  	v48 =	vld [tilespmem:s2+$0x300]  }
0x518: {  	v49 =	vld [tilespmem:s2+$0x310]  }
0x519: {  	v50 =	vld [tilespmem:s2+$0x320]  }
0x51a: {  	v51 =	vld [tilespmem:s2+$0x330]  }
0x51b: {  	v52 =	vld [tilespmem:s2+$0x340]  }
0x51c: {  	v53 =	vld [tilespmem:s2+$0x350]  }
0x51d: {  	v54 =	vld [tilespmem:s2+$0x360]  }
0x51e: {  	v55 =	vld [tilespmem:s2+$0x370]  }
0x51f: {  	v56 =	vld [tilespmem:s2+$0x380]  }
0x520: {  	v57 =	vld [tilespmem:s2+$0x390]  }
0x521: {  	v58 =	vld [tilespmem:s2+$0x3A0]  }
0x522: {  	v59 =	vld [tilespmem:s2+$0x3B0]  }
0x523: {  	v60 =	vld [tilespmem:s2+$0x3C0]  }
0x524: {  	v61 =	vld [tilespmem:s2+$0x3D0]  }
0x525: {  	v62 =	vld [tilespmem:s2+$0x3E0]  }
0x526: {  	[tilespmem:s2+$0xCBF0] =	vst.add.f32.msk $0xffff, v0  }
0x527: {  	v0 =	vld [tilespmem:s2+$0x40]  }
0x528: {  	[tilespmem:s2+$0xC800] =	vst.add.f32.msk $0xffff, v1  }
0x529: {  	[tilespmem:s2+$0xC810] =	vst.add.f32.msk $0xffff, v2  }
0x52a: {  	[tilespmem:s2+$0xC820] =	vst.add.f32.msk $0xffff, v3  }
0x52b: {  	[tilespmem:s2+$0xC830] =	vst.add.f32.msk $0xffff, v4  }
0x52c: {  	[tilespmem:s2+$0xC850] =	vst.add.f32.msk $0xffff, v5  }
0x52d: {  	[tilespmem:s2+$0xC860] =	vst.add.f32.msk $0xffff, v6  }
0x52e: {  	[tilespmem:s2+$0xC870] =	vst.add.f32.msk $0xffff, v7  }
0x52f: {  	[tilespmem:s2+$0xC880] =	vst.add.f32.msk $0xffff, v8  }
0x530: {  	[tilespmem:s2+$0xC890] =	vst.add.f32.msk $0xffff, v9  }
0x531: {  	[tilespmem:s2+$0xC8A0] =	vst.add.f32.msk $0xffff, v10  }
0x532: {  	[tilespmem:s2+$0xC8B0] =	vst.add.f32.msk $0xffff, v11  }
0x533: {  	[tilespmem:s2+$0xC8C0] =	vst.add.f32.msk $0xffff, v12  }
0x534: {  	[tilespmem:s2+$0xC8D0] =	vst.add.f32.msk $0xffff, v13  }
0x535: {  	[tilespmem:s2+$0xC8E0] =	vst.add.f32.msk $0xffff, v14  }
0x536: {  	[tilespmem:s2+$0xC8F0] =	vst.add.f32.msk $0xffff, v15  }
0x537: {  	[tilespmem:s2+$0xC900] =	vst.add.f32.msk $0xffff, v16  }
0x538: {  	[tilespmem:s2+$0xC910] =	vst.add.f32.msk $0xffff, v17  }
0x539: {  	[tilespmem:s2+$0xC920] =	vst.add.f32.msk $0xffff, v18  }
0x53a: {  	[tilespmem:s2+$0xC930] =	vst.add.f32.msk $0xffff, v19  }
0x53b: {  	[tilespmem:s2+$0xC940] =	vst.add.f32.msk $0xffff, v20  }
0x53c: {  	[tilespmem:s2+$0xC950] =	vst.add.f32.msk $0xffff, v21  }
0x53d: {  	[tilespmem:s2+$0xC960] =	vst.add.f32.msk $0xffff, v22  }
0x53e: {  	[tilespmem:s2+$0xC970] =	vst.add.f32.msk $0xffff, v23  }
0x53f: {  	[tilespmem:s2+$0xC980] =	vst.add.f32.msk $0xffff, v24  }
0x540: {  	[tilespmem:s2+$0xC990] =	vst.add.f32.msk $0xffff, v25  }
0x541: {  	[tilespmem:s2+$0xC9A0] =	vst.add.f32.msk $0xffff, v26  }
0x542: {  	[tilespmem:s2+$0xC9B0] =	vst.add.f32.msk $0xffff, v27  }
0x543: {  	[tilespmem:s2+$0xC9C0] =	vst.add.f32.msk $0xffff, v28  }
0x544: {  	[tilespmem:s2+$0xC9D0] =	vst.add.f32.msk $0xffff, v29  }
0x545: {  	[tilespmem:s2+$0xC9E0] =	vst.add.f32.msk $0xffff, v30  }
0x546: {  	[tilespmem:s2+$0xC9F0] =	vst.add.f32.msk $0xffff, v31  }
0x547: {  	[tilespmem:s2+$0xCA00] =	vst.add.f32.msk $0xffff, v32  }
0x548: {  	[tilespmem:s2+$0xCA10] =	vst.add.f32.msk $0xffff, v33  }
0x549: {  	[tilespmem:s2+$0xCA20] =	vst.add.f32.msk $0xffff, v34  }
0x54a: {  	[tilespmem:s2+$0xCA30] =	vst.add.f32.msk $0xffff, v35  }
0x54b: {  	[tilespmem:s2+$0xCA40] =	vst.add.f32.msk $0xffff, v36  }
0x54c: {  	[tilespmem:s2+$0xCA50] =	vst.add.f32.msk $0xffff, v37  }
0x54d: {  	[tilespmem:s2+$0xCA60] =	vst.add.f32.msk $0xffff, v38  }
0x54e: {  	[tilespmem:s2+$0xCA70] =	vst.add.f32.msk $0xffff, v39  }
0x54f: {  	[tilespmem:s2+$0xCA80] =	vst.add.f32.msk $0xffff, v40  }
0x550: {  	[tilespmem:s2+$0xCA90] =	vst.add.f32.msk $0xffff, v41  }
0x551: {  	[tilespmem:s2+$0xCAA0] =	vst.add.f32.msk $0xffff, v42  }
0x552: {  	[tilespmem:s2+$0xCAB0] =	vst.add.f32.msk $0xffff, v43  }
0x553: {  	[tilespmem:s2+$0xCAC0] =	vst.add.f32.msk $0xffff, v44  }
0x554: {  	[tilespmem:s2+$0xCAD0] =	vst.add.f32.msk $0xffff, v45  }
0x555: {  	[tilespmem:s2+$0xCAE0] =	vst.add.f32.msk $0xffff, v46  }
0x556: {  	[tilespmem:s2+$0xCAF0] =	vst.add.f32.msk $0xffff, v47  }
0x557: {  	[tilespmem:s2+$0xCB00] =	vst.add.f32.msk $0xffff, v48  }
0x558: {  	[tilespmem:s2+$0xCB10] =	vst.add.f32.msk $0xffff, v49  }
0x559: {  	[tilespmem:s2+$0xCB20] =	vst.add.f32.msk $0xffff, v50  }
0x55a: {  	[tilespmem:s2+$0xCB30] =	vst.add.f32.msk $0xffff, v51  }
0x55b: {  	[tilespmem:s2+$0xCB40] =	vst.add.f32.msk $0xffff, v52  }
0x55c: {  	[tilespmem:s2+$0xCB50] =	vst.add.f32.msk $0xffff, v53  }
0x55d: {  	[tilespmem:s2+$0xCB60] =	vst.add.f32.msk $0xffff, v54  }
0x55e: {  	[tilespmem:s2+$0xCB70] =	vst.add.f32.msk $0xffff, v55  }
0x55f: {  	[tilespmem:s2+$0xCB80] =	vst.add.f32.msk $0xffff, v56  }
0x560: {  	[tilespmem:s2+$0xCB90] =	vst.add.f32.msk $0xffff, v57  }
0x561: {  	[tilespmem:s2+$0xCBA0] =	vst.add.f32.msk $0xffff, v58  }
0x562: {  	[tilespmem:s2+$0xCBB0] =	vst.add.f32.msk $0xffff, v59  }
0x563: {  	[tilespmem:s2+$0xCBC0] =	vst.add.f32.msk $0xffff, v60  }
0x564: {  	[tilespmem:s2+$0xCBD0] =	vst.add.f32.msk $0xffff, v61  }
0x565: {  	[tilespmem:s2+$0xCBE0] =	vst.add.f32.msk $0xffff, v62  }
0x566: {  	s18 =	rddreg [dreg:$0x9];
	s23 =	simm.s32 $0x6;
	[tilespmem:s2+$0xC840] =	vst.add.f32.msk $0xffff, v0  }
0x567: {  	[hbm4b:s18+s5] =	stream.linear.scatter [tilespmem:s25], [sflag:$0x5], $0x6400, $0x38;
	[tilespmem:$0x19300] =	vst v63  }
0x568: {  	_ =	swait.ge [sflag:s23], $0x6400  }
0x569: {  	[sflag:s23] =	ssyncset.done $0x0  }
0x56a: {  	[sflag:s23] =	ssyncadd.s32 $0xFFFF9C00  }
0x56b: {  	_ =	swait.ge [sflag:s10], $0x6400  }
0x56c: {  	[sflag:s10] =	ssyncset.done $0x0  }
0x56d: {  	[sflag:s10] =	ssyncadd.s32 $0xFFFF9C00  }
0x56e: {  	_ =	swait.ge [sflag:s17], $0x6400  }
0x56f: {  	s3 =	rddreg [dreg:$0xb]  }
0x570: {  	s24 =	rddreg [dreg:$0xa];
	s3 =	sadd.s32 $0x1, s3  }
0x571: {  	p0 =	sne.s32 s3, s24  }
.Ltmp6:
0x572: {  	_ = 	snop;
	(pc) =	sbr.rel @p0 .LBB2_1-.Ltmp6, $3  }
0x573: {  	_ =	sdelay $0x1  }
0x574: {  	[sflag:s17] =	ssyncset.done $0x0  }
0x575: {  	[sflag:s17] =	ssyncadd.s32 $0xFFFF9C00  }
0x576: {  	_ =	sfence.sel $0x180000  }
0x577: {  	[bflag:$0x0] =	sbarrier.arrive $0xFFFF  }
0x578: {  	_ =	strace $0x90000047  }
0x579: {  	s0 =	stileid.u32;
	[bflag:$0x2] =	sbarrier.arrive $0xFFFF  }
0x57a: {  	p0 =	sne.s32 s0, $0x0;
	s0 =	rddreg [dreg:$0x4]  }
0x57b: {  	s0 =	sadd.s32 @!p0 $0x100000, s0  }
0x57c: {  	[sflag:s0] =	ssyncadd.tile.s32 @!p0 $0x1;
	_ =	shalt  }
.Lfunc_end2:
_tile_overlayer_lowered:
.L_overlay_start_2:
0x57d: {  	(tag) =	ssettag $0x2  }
0x57e: {  	s0 =	rddreg [dreg:$0x0];
	s2 =	stileid.u32  }
0x57f: {  	s1 =	rddreg [dreg:$0x1];
	p0 =	sne.s32 s2, $0x0  }
0x580: {  	s3 =	rddreg [dreg:$0x2];
	[bflag:$0x3] =	sbarrier.arrive $0xFFFF;
	s2 =	simm.s32 @!p0 $0x1C0A  }
0x581: {  	[timem:s3], [sflag:s2] =	dma.local @!p0 [hbm:s0], s1  }
0x582: {  	s0 =	simm.s32 @!p0 $0xA  }
0x583: {  	_ =	swait.ge @!p0 [sflag:s0], s1  }
0x584: {  	s1 =	ssub.s32 @!p0 $0x0, s1;
	[sflag:s0] =	ssyncset.done @!p0 $0x0  }
0x585: {  	[sflag:s0] =	ssyncadd.s32 @!p0 s1  }
0x586: {  	[bflag:$0x3] =	sbarrier.arrive $0xFFFF  }
0x587: {  	_ =	shalt  }

</sc_bundles>
